<compile_context>
chip_gen: v7x
topology: tpu7x:2x2x1
jax: 0.10.2.dev20260603
libtpu: 0.0.44.dev20260713+nightly
codegen_flags: <defaults>
</compile_context>

<pallas_src>
import functools

import jax
import jax.numpy as jnp
from jax import lax
from jax.experimental import pallas as pl
from jax.experimental.pallas import tpu as pltpu
from jax.experimental.pallas import tpu_sc as plsc

N_NODES = 10000
D = 128
E = 320000
NC = 2
NS = 16
NW = NC * NS
E_PER_W = E // NW
CHUNK = 80
N_CHUNKS = E_PER_W // CHUNK


def _dot_chunk(rows_u, rows_v, out_all, out_off, tbuf):
  lane = lax.iota(jnp.int32, 16)

  def group_body(g, _):
    gbase = g * 16
    for e in range(16):
      r = gbase + e
      p = rows_u[r, pl.ds(0, 16)] * rows_v[r, pl.ds(0, 16)]
      for j in range(1, D // 16):
        p = p + rows_u[r, pl.ds(j * 16, 16)] * rows_v[r, pl.ds(j * 16, 16)]
      tbuf[e, pl.ds(0, 16)] = p
    out_vec = plsc.load_gather(tbuf, [lane, jnp.zeros((16,), jnp.int32)])
    for c in range(1, 16):
      out_vec = out_vec + plsc.load_gather(
          tbuf, [lane, jnp.full((16,), c, jnp.int32)])
    out_all[pl.ds(out_off + gbase, 16)] = out_vec
    return 0

  lax.fori_loop(0, CHUNK // 16, group_body, 0)


def _slot_types():
  return [
      pltpu.VMEM((CHUNK, D), jnp.float32),
      pltpu.VMEM((CHUNK, D), jnp.float32),
      pltpu.SemaphoreType.DMA,
      pltpu.SemaphoreType.DMA,
  ]


@functools.partial(
    pl.kernel,
    out_type=jax.ShapeDtypeStruct((E,), jnp.float32),
    mesh=plsc.VectorSubcoreMesh(core_axis_name="c", subcore_axis_name="s"),
    compiler_params=pltpu.CompilerParams(needs_layout_passes=False),
    scratch_types=[
        pltpu.VMEM((E_PER_W,), jnp.int32),
        pltpu.VMEM((E_PER_W,), jnp.int32),
        pltpu.VMEM((E_PER_W,), jnp.float32),
        pltpu.VMEM((16, 17), jnp.float32),
    ] + _slot_types() * 2,
)
def _score_kernel(x_hbm, src_hbm, dst_hbm, out_hbm,
                  idx_all_u, idx_all_v, out_all, tbuf, *slot_refs):
  wid = lax.axis_index("s") * NC + lax.axis_index("c")
  base = wid * E_PER_W
  slots = (slot_refs[:4], slot_refs[4:])

  pltpu.sync_copy(src_hbm.at[pl.ds(base, E_PER_W)], idx_all_u)
  pltpu.sync_copy(dst_hbm.at[pl.ds(base, E_PER_W)], idx_all_v)

  def issue(i, s):
    rows_u, rows_v, sem_u, sem_v = s
    pltpu.async_copy(
        x_hbm.at[idx_all_u.at[pl.ds(i * CHUNK, CHUNK)]], rows_u, sem_u)
    pltpu.async_copy(
        x_hbm.at[idx_all_v.at[pl.ds(i * CHUNK, CHUNK)]], rows_v, sem_v)

  def finish(i, s):
    rows_u, rows_v, sem_u, sem_v = s
    pltpu.make_async_copy(
        x_hbm.at[idx_all_u.at[pl.ds(i * CHUNK, CHUNK)]], rows_u, sem_u).wait()
    pltpu.make_async_copy(
        x_hbm.at[idx_all_v.at[pl.ds(i * CHUNK, CHUNK)]], rows_v, sem_v).wait()
    _dot_chunk(rows_u, rows_v, out_all, i * CHUNK, tbuf)

  issue(0, slots[0])

  def pair_body(g, _):
    i = 2 * g
    issue(i + 1, slots[1])
    finish(i, slots[0])
    issue(i + 2, slots[0])
    finish(i + 1, slots[1])
    return 0

  lax.fori_loop(0, (N_CHUNKS - 1) // 2, pair_body, 0)
  finish(N_CHUNKS - 1, slots[0])

  pltpu.sync_copy(out_all, out_hbm.at[pl.ds(base, E_PER_W)])


def kernel(x, edge_index):
  src = edge_index[0].astype(jnp.int32)
  dst = edge_index[1].astype(jnp.int32)
  score = _score_kernel(x, src, dst)
  return score.reshape(E, 1)

# --- scband reference (transcript-rebuilt; emitter-appended) ---
"""Pipeline reference for scband-score-predictor-59107339927817 (READ-ONLY COPY).

The authoritative reference and input builder live on the scoring server;
editing this copy changes nothing except your own understanding.
"""

import jax, jax.numpy as jnp
import numpy as np


def setup_inputs(seed: int = 0) -> dict:
    key = jax.random.key(seed)
    k1, k2 = jax.random.split(key)
    x = jax.random.normal(k1, (10000, 128), dtype=jnp.float32)
    edge_index = jax.random.randint(k2, (2, 320000), 0, 10000, dtype=jnp.int64)
    return {"x": x, "edge_index": edge_index}


def reference(x, edge_index):
    # DGL u_dot_v: for each edge (u, v), score = dot(x[u], x[v]), shape [E, 1]
    src = edge_index[0]
    dst = edge_index[1]
    xu = jnp.take(x, src, axis=0)
    xv = jnp.take(x, dst, axis=0)
    score = jnp.sum(xu * xv, axis=-1, keepdims=True)
    return score

if __name__ == "__main__":
    import jax
    _d = setup_inputs()
    print(jax.jit(kernel)(*tuple(_d.values())))

</pallas_src>

<mosaic_0001>
#map = affine_map<(d0, d1) -> (0, 0)>
#map1 = affine_map<(d0, d1) -> (0)>
module attributes {stable_mosaic.version = 14 : i64} {
  func.func @_score_kernel(%arg0: i32, %arg1: i32, %arg2: memref<10000x128xf32, #tpu.memory_space<hbm>>, %arg3: memref<320000xi32, #tpu.memory_space<hbm>>, %arg4: memref<320000xi32, #tpu.memory_space<hbm>>, %arg5: memref<320000xf32, #tpu.memory_space<hbm>>, %arg6: memref<10000xi32, #tpu.memory_space<vmem>>, %arg7: memref<10000xi32, #tpu.memory_space<vmem>>, %arg8: memref<10000xf32, #tpu.memory_space<vmem>>, %arg9: memref<16x17xf32, #tpu.memory_space<vmem>>, %arg10: memref<80x128xf32, #tpu.memory_space<vmem>>, %arg11: memref<80x128xf32, #tpu.memory_space<vmem>>, %arg12: memref<!tpu.dma_semaphore, #tpu.memory_space<semaphore_mem>>, %arg13: memref<!tpu.dma_semaphore, #tpu.memory_space<semaphore_mem>>, %arg14: memref<80x128xf32, #tpu.memory_space<vmem>>, %arg15: memref<80x128xf32, #tpu.memory_space<vmem>>, %arg16: memref<!tpu.dma_semaphore, #tpu.memory_space<semaphore_mem>>, %arg17: memref<!tpu.dma_semaphore, #tpu.memory_space<semaphore_mem>>) attributes {dimension_semantics = [#tpu.dimension_semantics<core_parallel>, #tpu.dimension_semantics<subcore_parallel>], iteration_bounds = array<i64: 2, 16>, scalar_prefetch = 0 : i64, scratch_operands = 12 : i64, tpu.core_type = #tpu.core_type<sc_vector_subcore>, window_params = [{transform_indices = #map}, {transform_indices = #map1}, {transform_indices = #map1}, {transform_indices = #map1}]} {
    %mul3A = arith.constant 2 : i32
    %mul3A_0 = arith.muli %arg1, %mul3A : i32
    %add3A = arith.addi %mul3A_0, %arg0 : i32
    %mul3A_1 = arith.constant 10000 : i32
    %mul3A_2 = arith.muli %add3A, %mul3A_1 : i32
    "tpu.region"() ({
      %run_scoped3A = tpu.sem_alloc : memref<!tpu.dma_semaphore, #tpu.memory_space<semaphore_mem>>
      %dma_start3A_34 = tpu.memref_slice %arg3[%mul3A_2] : memref<320000xi32, #tpu.memory_space<hbm>> -> memref<10000xi32, #tpu.memory_space<hbm>>
      %dma_start3A_35 = tpu.memref_slice %arg3[%mul3A_2] : memref<320000xi32, #tpu.memory_space<hbm>> -> memref<10000xi32, #tpu.memory_space<hbm>>
      tpu.enqueue_dma source(%dma_start3A_35 : memref<10000xi32, #tpu.memory_space<hbm>>) target(%arg6 : memref<10000xi32, #tpu.memory_space<vmem>>) target_semaphore(%run_scoped3A : memref<!tpu.dma_semaphore, #tpu.memory_space<semaphore_mem>>)
      %dma_wait3A_36 = tpu.memref_slice %arg3[%mul3A_2] : memref<320000xi32, #tpu.memory_space<hbm>> -> memref<10000xi32, #tpu.memory_space<hbm>>
      %dma_wait3A_37 = tpu.memref_slice %arg3[%mul3A_2] : memref<320000xi32, #tpu.memory_space<hbm>> -> memref<10000xi32, #tpu.memory_space<hbm>>
      tpu.wait_dma2 semaphore(%run_scoped3A : memref<!tpu.dma_semaphore, #tpu.memory_space<semaphore_mem>>) src(%dma_wait3A_37 : memref<10000xi32, #tpu.memory_space<hbm>>) dst(%arg6 : memref<10000xi32, #tpu.memory_space<vmem>>)
      tpu.yield
    }) : () -> ()
    "tpu.region"() ({
      %run_scoped3A = tpu.sem_alloc : memref<!tpu.dma_semaphore, #tpu.memory_space<semaphore_mem>>
      %dma_start3A_34 = tpu.memref_slice %arg4[%mul3A_2] : memref<320000xi32, #tpu.memory_space<hbm>> -> memref<10000xi32, #tpu.memory_space<hbm>>
      %dma_start3A_35 = tpu.memref_slice %arg4[%mul3A_2] : memref<320000xi32, #tpu.memory_space<hbm>> -> memref<10000xi32, #tpu.memory_space<hbm>>
      tpu.enqueue_dma source(%dma_start3A_35 : memref<10000xi32, #tpu.memory_space<hbm>>) target(%arg7 : memref<10000xi32, #tpu.memory_space<vmem>>) target_semaphore(%run_scoped3A : memref<!tpu.dma_semaphore, #tpu.memory_space<semaphore_mem>>)
      %dma_wait3A_36 = tpu.memref_slice %arg4[%mul3A_2] : memref<320000xi32, #tpu.memory_space<hbm>> -> memref<10000xi32, #tpu.memory_space<hbm>>
      %dma_wait3A_37 = tpu.memref_slice %arg4[%mul3A_2] : memref<320000xi32, #tpu.memory_space<hbm>> -> memref<10000xi32, #tpu.memory_space<hbm>>
      tpu.wait_dma2 semaphore(%run_scoped3A : memref<!tpu.dma_semaphore, #tpu.memory_space<semaphore_mem>>) src(%dma_wait3A_37 : memref<10000xi32, #tpu.memory_space<hbm>>) dst(%arg7 : memref<10000xi32, #tpu.memory_space<vmem>>)
      tpu.yield
    }) : () -> ()
    %dma_start3A = arith.constant 0 : i32
    %dma_start3A_3 = tpu.memref_slice %arg6[%dma_start3A] : memref<10000xi32, #tpu.memory_space<vmem>> -> memref<80xi32, #tpu.memory_space<vmem>>
    %dma_start3A_4 = arith.constant 0 : i32
    %dma_start3A_5 = arith.constant 0 : i32
    %dma_start3A_6 = tpu.memref_slice %arg2[%dma_start3A_4, %dma_start3A_5] : memref<10000x128xf32, #tpu.memory_space<hbm>> -> memref<10000x128xf32, #tpu.memory_space<hbm>>
    tpu.enqueue_indirect_dma source(%dma_start3A_6 : memref<10000x128xf32, #tpu.memory_space<hbm>>) target(%arg10 : memref<80x128xf32, #tpu.memory_space<vmem>>) offsets(%dma_start3A_3 : memref<80xi32, #tpu.memory_space<vmem>>) semaphore(%arg12 : memref<!tpu.dma_semaphore, #tpu.memory_space<semaphore_mem>>)
    %dma_start3A_7 = arith.constant 0 : i32
    %dma_start3A_8 = tpu.memref_slice %arg7[%dma_start3A_7] : memref<10000xi32, #tpu.memory_space<vmem>> -> memref<80xi32, #tpu.memory_space<vmem>>
    %dma_start3A_9 = arith.constant 0 : i32
    %dma_start3A_10 = arith.constant 0 : i32
    %dma_start3A_11 = tpu.memref_slice %arg2[%dma_start3A_9, %dma_start3A_10] : memref<10000x128xf32, #tpu.memory_space<hbm>> -> memref<10000x128xf32, #tpu.memory_space<hbm>>
    tpu.enqueue_indirect_dma source(%dma_start3A_11 : memref<10000x128xf32, #tpu.memory_space<hbm>>) target(%arg11 : memref<80x128xf32, #tpu.memory_space<vmem>>) offsets(%dma_start3A_8 : memref<80xi32, #tpu.memory_space<vmem>>) semaphore(%arg13 : memref<!tpu.dma_semaphore, #tpu.memory_space<semaphore_mem>>)
    %scan3A = arith.constant 0 : i32
    %scan3A_12 = arith.constant 0 : i32
    %scan3A_13 = arith.constant 62 : i32
    %scan3A_14 = arith.addi %scan3A_12, %scan3A_13 : i32
    %scan3A_15 = arith.constant 1 : i32
    %scan3A_16 = scf.for %scan3A_34 = %scan3A_12 to %scan3A_14 step %scan3A_15 iter_args(%scan3A_35 = %scan3A) -> (i32)  : i32 {
      %mul3A_36 = arith.constant 2 : i32
      %mul3A_37 = arith.muli %mul3A_36, %scan3A_34 : i32
      %add3A_38 = arith.constant 1 : i32
      %add3A_39 = arith.addi %mul3A_37, %add3A_38 : i32
      %mul3A_40 = arith.constant 80 : i32
      %mul3A_41 = arith.muli %add3A_39, %mul3A_40 : i32
      %dma_start3A_42 = tpu.memref_slice %arg6[%mul3A_41] : memref<10000xi32, #tpu.memory_space<vmem>> -> memref<80xi32, #tpu.memory_space<vmem>>
      %dma_start3A_43 = arith.constant 0 : i32
      %dma_start3A_44 = arith.constant 0 : i32
      %dma_start3A_45 = tpu.memref_slice %arg2[%dma_start3A_43, %dma_start3A_44] : memref<10000x128xf32, #tpu.memory_space<hbm>> -> memref<10000x128xf32, #tpu.memory_space<hbm>>
      tpu.enqueue_indirect_dma source(%dma_start3A_45 : memref<10000x128xf32, #tpu.memory_space<hbm>>) target(%arg14 : memref<80x128xf32, #tpu.memory_space<vmem>>) offsets(%dma_start3A_42 : memref<80xi32, #tpu.memory_space<vmem>>) semaphore(%arg16 : memref<!tpu.dma_semaphore, #tpu.memory_space<semaphore_mem>>)
      %mul3A_46 = arith.constant 80 : i32
      %mul3A_47 = arith.muli %add3A_39, %mul3A_46 : i32
      %dma_start3A_48 = tpu.memref_slice %arg7[%mul3A_47] : memref<10000xi32, #tpu.memory_space<vmem>> -> memref<80xi32, #tpu.memory_space<vmem>>
      %dma_start3A_49 = arith.constant 0 : i32
      %dma_start3A_50 = arith.constant 0 : i32
      %dma_start3A_51 = tpu.memref_slice %arg2[%dma_start3A_49, %dma_start3A_50] : memref<10000x128xf32, #tpu.memory_space<hbm>> -> memref<10000x128xf32, #tpu.memory_space<hbm>>
      tpu.enqueue_indirect_dma source(%dma_start3A_51 : memref<10000x128xf32, #tpu.memory_space<hbm>>) target(%arg15 : memref<80x128xf32, #tpu.memory_space<vmem>>) offsets(%dma_start3A_48 : memref<80xi32, #tpu.memory_space<vmem>>) semaphore(%arg17 : memref<!tpu.dma_semaphore, #tpu.memory_space<semaphore_mem>>)
      %mul3A_52 = arith.constant 80 : i32
      %mul3A_53 = arith.muli %mul3A_37, %mul3A_52 : i32
      %dma_wait3A_54 = tpu.memref_slice %arg6[%mul3A_53] : memref<10000xi32, #tpu.memory_space<vmem>> -> memref<80xi32, #tpu.memory_space<vmem>>
      %dma_wait3A_55 = arith.constant 0 : i32
      %dma_wait3A_56 = arith.constant 0 : i32
      %dma_wait3A_57 = tpu.memref_slice %arg2[%dma_wait3A_55, %dma_wait3A_56] : memref<10000x128xf32, #tpu.memory_space<hbm>> -> memref<10000x128xf32, #tpu.memory_space<hbm>>
      tpu.wait_indirect_dma semaphore(%arg12 : memref<!tpu.dma_semaphore, #tpu.memory_space<semaphore_mem>>) src(%dma_wait3A_57 : memref<10000x128xf32, #tpu.memory_space<hbm>>) dst(%arg10 : memref<80x128xf32, #tpu.memory_space<vmem>>)
      %mul3A_58 = arith.constant 80 : i32
      %mul3A_59 = arith.muli %mul3A_37, %mul3A_58 : i32
      %dma_wait3A_60 = tpu.memref_slice %arg7[%mul3A_59] : memref<10000xi32, #tpu.memory_space<vmem>> -> memref<80xi32, #tpu.memory_space<vmem>>
      %dma_wait3A_61 = arith.constant 0 : i32
      %dma_wait3A_62 = arith.constant 0 : i32
      %dma_wait3A_63 = tpu.memref_slice %arg2[%dma_wait3A_61, %dma_wait3A_62] : memref<10000x128xf32, #tpu.memory_space<hbm>> -> memref<10000x128xf32, #tpu.memory_space<hbm>>
      tpu.wait_indirect_dma semaphore(%arg13 : memref<!tpu.dma_semaphore, #tpu.memory_space<semaphore_mem>>) src(%dma_wait3A_63 : memref<10000x128xf32, #tpu.memory_space<hbm>>) dst(%arg11 : memref<80x128xf32, #tpu.memory_space<vmem>>)
      %mul3A_64 = arith.constant 80 : i32
      %mul3A_65 = arith.muli %mul3A_37, %mul3A_64 : i32
      %iota3A_66 = tpu.iota {dimensions = array<i32: 0>} : vector<16xi32>
      %scan3A_67 = arith.constant 0 : i32
      %scan3A_68 = arith.constant 0 : i32
      %scan3A_69 = arith.constant 5 : i32
      %scan3A_70 = arith.addi %scan3A_68, %scan3A_69 : i32
      %scan3A_71 = arith.constant 1 : i32
      %scan3A_72 = scf.for %scan3A_113 = %scan3A_68 to %scan3A_70 step %scan3A_71 iter_args(%scan3A_114 = %scan3A_67) -> (i32)  : i32 {
        %mul3A_115 = arith.constant 16 : i32
        %mul3A_116 = arith.muli %scan3A_113, %mul3A_115 : i32
        %add3A_117 = arith.constant 0 : i32
        %add3A_118 = arith.addi %mul3A_116, %add3A_117 : i32
        %get3A = arith.index_cast %add3A_118 : i32 to index
        %get3A_119 = arith.constant 0 : index
        %get3A_120 = tpu.vector_load %arg10[%get3A, %get3A_119] {strides = array<i32>} : memref<80x128xf32, #tpu.memory_space<vmem>>, vector<16xf32>,
        %get3A_121 = arith.index_cast %add3A_118 : i32 to index
        %get3A_122 = arith.constant 0 : index
        %get3A_123 = tpu.vector_load %arg11[%get3A_121, %get3A_122] {strides = array<i32>} : memref<80x128xf32, #tpu.memory_space<vmem>>, vector<16xf32>,
        %mul3A_124 = arith.mulf %get3A_120, %get3A_123 : vector<16xf32>
        %get3A_125 = arith.index_cast %add3A_118 : i32 to index
        %get3A_126 = arith.constant 16 : index
        %get3A_127 = tpu.vector_load %arg10[%get3A_125, %get3A_126] {strides = array<i32>} : memref<80x128xf32, #tpu.memory_space<vmem>>, vector<16xf32>,
        %get3A_128 = arith.index_cast %add3A_118 : i32 to index
        %get3A_129 = arith.constant 16 : index
        %get3A_130 = tpu.vector_load %arg11[%get3A_128, %get3A_129] {strides = array<i32>} : memref<80x128xf32, #tpu.memory_space<vmem>>, vector<16xf32>,
        %mul3A_131 = arith.mulf %get3A_127, %get3A_130 : vector<16xf32>
        %add3A_132 = arith.addf %mul3A_124, %mul3A_131 : vector<16xf32>
        %get3A_133 = arith.index_cast %add3A_118 : i32 to index
        %get3A_134 = arith.constant 32 : index
        %get3A_135 = tpu.vector_load %arg10[%get3A_133, %get3A_134] {strides = array<i32>} : memref<80x128xf32, #tpu.memory_space<vmem>>, vector<16xf32>,
        %get3A_136 = arith.index_cast %add3A_118 : i32 to index
        %get3A_137 = arith.constant 32 : index
        %get3A_138 = tpu.vector_load %arg11[%get3A_136, %get3A_137] {strides = array<i32>} : memref<80x128xf32, #tpu.memory_space<vmem>>, vector<16xf32>,
        %mul3A_139 = arith.mulf %get3A_135, %get3A_138 : vector<16xf32>
        %add3A_140 = arith.addf %add3A_132, %mul3A_139 : vector<16xf32>
        %get3A_141 = arith.index_cast %add3A_118 : i32 to index
        %get3A_142 = arith.constant 48 : index
        %get3A_143 = tpu.vector_load %arg10[%get3A_141, %get3A_142] {strides = array<i32>} : memref<80x128xf32, #tpu.memory_space<vmem>>, vector<16xf32>,
        %get3A_144 = arith.index_cast %add3A_118 : i32 to index
        %get3A_145 = arith.constant 48 : index
        %get3A_146 = tpu.vector_load %arg11[%get3A_144, %get3A_145] {strides = array<i32>} : memref<80x128xf32, #tpu.memory_space<vmem>>, vector<16xf32>,
        %mul3A_147 = arith.mulf %get3A_143, %get3A_146 : vector<16xf32>
        %add3A_148 = arith.addf %add3A_140, %mul3A_147 : vector<16xf32>
        %get3A_149 = arith.index_cast %add3A_118 : i32 to index
        %get3A_150 = arith.constant 64 : index
        %get3A_151 = tpu.vector_load %arg10[%get3A_149, %get3A_150] {strides = array<i32>} : memref<80x128xf32, #tpu.memory_space<vmem>>, vector<16xf32>,
        %get3A_152 = arith.index_cast %add3A_118 : i32 to index
        %get3A_153 = arith.constant 64 : index
        %get3A_154 = tpu.vector_load %arg11[%get3A_152, %get3A_153] {strides = array<i32>} : memref<80x128xf32, #tpu.memory_space<vmem>>, vector<16xf32>,
        %mul3A_155 = arith.mulf %get3A_151, %get3A_154 : vector<16xf32>
        %add3A_156 = arith.addf %add3A_148, %mul3A_155 : vector<16xf32>
        %get3A_157 = arith.index_cast %add3A_118 : i32 to index
        %get3A_158 = arith.constant 80 : index
        %get3A_159 = tpu.vector_load %arg10[%get3A_157, %get3A_158] {strides = array<i32>} : memref<80x128xf32, #tpu.memory_space<vmem>>, vector<16xf32>,
        %get3A_160 = arith.index_cast %add3A_118 : i32 to index
        %get3A_161 = arith.constant 80 : index
        %get3A_162 = tpu.vector_load %arg11[%get3A_160, %get3A_161] {strides = array<i32>} : memref<80x128xf32, #tpu.memory_space<vmem>>, vector<16xf32>,
        %mul3A_163 = arith.mulf %get3A_159, %get3A_162 : vector<16xf32>
        %add3A_164 = arith.addf %add3A_156, %mul3A_163 : vector<16xf32>
        %get3A_165 = arith.index_cast %add3A_118 : i32 to index
        %get3A_166 = arith.constant 96 : index
        %get3A_167 = tpu.vector_load %arg10[%get3A_165, %get3A_166] {strides = array<i32>} : memref<80x128xf32, #tpu.memory_space<vmem>>, vector<16xf32>,
        %get3A_168 = arith.index_cast %add3A_118 : i32 to index
        %get3A_169 = arith.constant 96 : index
        %get3A_170 = tpu.vector_load %arg11[%get3A_168, %get3A_169] {strides = array<i32>} : memref<80x128xf32, #tpu.memory_space<vmem>>, vector<16xf32>,
        %mul3A_171 = arith.mulf %get3A_167, %get3A_170 : vector<16xf32>
        %add3A_172 = arith.addf %add3A_164, %mul3A_171 : vector<16xf32>
        %get3A_173 = arith.index_cast %add3A_118 : i32 to index
        %get3A_174 = arith.constant 112 : index
        %get3A_175 = tpu.vector_load %arg10[%get3A_173, %get3A_174] {strides = array<i32>} : memref<80x128xf32, #tpu.memory_space<vmem>>, vector<16xf32>,
        %get3A_176 = arith.index_cast %add3A_118 : i32 to index
        %get3A_177 = arith.constant 112 : index
        %get3A_178 = tpu.vector_load %arg11[%get3A_176, %get3A_177] {strides = array<i32>} : memref<80x128xf32, #tpu.memory_space<vmem>>, vector<16xf32>,
        %mul3A_179 = arith.mulf %get3A_175, %get3A_178 : vector<16xf32>
        %add3A_180 = arith.addf %add3A_172, %mul3A_179 : vector<16xf32>
        %swap3A = arith.constant 0 : i32
        %swap3A_181 = arith.index_cast %swap3A : i32 to index
        %swap3A_182 = arith.constant 0 : index
        %swap3A_183 = tpu.vector_load %arg9[%swap3A_181, %swap3A_182] {strides = array<i32>} : memref<16x17xf32, #tpu.memory_space<vmem>>, vector<16xf32>,
        tpu.vector_store %arg9[%swap3A_181, %swap3A_182], %add3A_180 {strides = array<i32>} : memref<16x17xf32, #tpu.memory_space<vmem>>, vector<16xf32>,
        %add3A_184 = arith.constant 1 : i32
        %add3A_185 = arith.addi %mul3A_116, %add3A_184 : i32
        %get3A_186 = arith.index_cast %add3A_185 : i32 to index
        %get3A_187 = arith.constant 0 : index
        %get3A_188 = tpu.vector_load %arg10[%get3A_186, %get3A_187] {strides = array<i32>} : memref<80x128xf32, #tpu.memory_space<vmem>>, vector<16xf32>,
        %get3A_189 = arith.index_cast %add3A_185 : i32 to index
        %get3A_190 = arith.constant 0 : index
        %get3A_191 = tpu.vector_load %arg11[%get3A_189, %get3A_190] {strides = array<i32>} : memref<80x128xf32, #tpu.memory_space<vmem>>, vector<16xf32>,
        %mul3A_192 = arith.mulf %get3A_188, %get3A_191 : vector<16xf32>
        %get3A_193 = arith.index_cast %add3A_185 : i32 to index
        %get3A_194 = arith.constant 16 : index
        %get3A_195 = tpu.vector_load %arg10[%get3A_193, %get3A_194] {strides = array<i32>} : memref<80x128xf32, #tpu.memory_space<vmem>>, vector<16xf32>,
        %get3A_196 = arith.index_cast %add3A_185 : i32 to index
        %get3A_197 = arith.constant 16 : index
        %get3A_198 = tpu.vector_load %arg11[%get3A_196, %get3A_197] {strides = array<i32>} : memref<80x128xf32, #tpu.memory_space<vmem>>, vector<16xf32>,
        %mul3A_199 = arith.mulf %get3A_195, %get3A_198 : vector<16xf32>
        %add3A_200 = arith.addf %mul3A_192, %mul3A_199 : vector<16xf32>
        %get3A_201 = arith.index_cast %add3A_185 : i32 to index
        %get3A_202 = arith.constant 32 : index
        %get3A_203 = tpu.vector_load %arg10[%get3A_201, %get3A_202] {strides = array<i32>} : memref<80x128xf32, #tpu.memory_space<vmem>>, vector<16xf32>,
        %get3A_204 = arith.index_cast %add3A_185 : i32 to index
        %get3A_205 = arith.constant 32 : index
        %get3A_206 = tpu.vector_load %arg11[%get3A_204, %get3A_205] {strides = array<i32>} : memref<80x128xf32, #tpu.memory_space<vmem>>, vector<16xf32>,
        %mul3A_207 = arith.mulf %get3A_203, %get3A_206 : vector<16xf32>
        %add3A_208 = arith.addf %add3A_200, %mul3A_207 : vector<16xf32>
        %get3A_209 = arith.index_cast %add3A_185 : i32 to index
        %get3A_210 = arith.constant 48 : index
        %get3A_211 = tpu.vector_load %arg10[%get3A_209, %get3A_210] {strides = array<i32>} : memref<80x128xf32, #tpu.memory_space<vmem>>, vector<16xf32>,
        %get3A_212 = arith.index_cast %add3A_185 : i32 to index
        %get3A_213 = arith.constant 48 : index
        %get3A_214 = tpu.vector_load %arg11[%get3A_212, %get3A_213] {strides = array<i32>} : memref<80x128xf32, #tpu.memory_space<vmem>>, vector<16xf32>,
        %mul3A_215 = arith.mulf %get3A_211, %get3A_214 : vector<16xf32>
        %add3A_216 = arith.addf %add3A_208, %mul3A_215 : vector<16xf32>
        %get3A_217 = arith.index_cast %add3A_185 : i32 to index
        %get3A_218 = arith.constant 64 : index
        %get3A_219 = tpu.vector_load %arg10[%get3A_217, %get3A_218] {strides = array<i32>} : memref<80x128xf32, #tpu.memory_space<vmem>>, vector<16xf32>,
        %get3A_220 = arith.index_cast %add3A_185 : i32 to index
        %get3A_221 = arith.constant 64 : index
        %get3A_222 = tpu.vector_load %arg11[%get3A_220, %get3A_221] {strides = array<i32>} : memref<80x128xf32, #tpu.memory_space<vmem>>, vector<16xf32>,
        %mul3A_223 = arith.mulf %get3A_219, %get3A_222 : vector<16xf32>
        %add3A_224 = arith.addf %add3A_216, %mul3A_223 : vector<16xf32>
        %get3A_225 = arith.index_cast %add3A_185 : i32 to index
        %get3A_226 = arith.constant 80 : index
        %get3A_227 = tpu.vector_load %arg10[%get3A_225, %get3A_226] {strides = array<i32>} : memref<80x128xf32, #tpu.memory_space<vmem>>, vector<16xf32>,
        %get3A_228 = arith.index_cast %add3A_185 : i32 to index
        %get3A_229 = arith.constant 80 : index
        %get3A_230 = tpu.vector_load %arg11[%get3A_228, %get3A_229] {strides = array<i32>} : memref<80x128xf32, #tpu.memory_space<vmem>>, vector<16xf32>,
        %mul3A_231 = arith.mulf %get3A_227, %get3A_230 : vector<16xf32>
        %add3A_232 = arith.addf %add3A_224, %mul3A_231 : vector<16xf32>
        %get3A_233 = arith.index_cast %add3A_185 : i32 to index
        %get3A_234 = arith.constant 96 : index
        %get3A_235 = tpu.vector_load %arg10[%get3A_233, %get3A_234] {strides = array<i32>} : memref<80x128xf32, #tpu.memory_space<vmem>>, vector<16xf32>,
        %get3A_236 = arith.index_cast %add3A_185 : i32 to index
        %get3A_237 = arith.constant 96 : index
        %get3A_238 = tpu.vector_load %arg11[%get3A_236, %get3A_237] {strides = array<i32>} : memref<80x128xf32, #tpu.memory_space<vmem>>, vector<16xf32>,
        %mul3A_239 = arith.mulf %get3A_235, %get3A_238 : vector<16xf32>
        %add3A_240 = arith.addf %add3A_232, %mul3A_239 : vector<16xf32>
        %get3A_241 = arith.index_cast %add3A_185 : i32 to index
        %get3A_242 = arith.constant 112 : index
        %get3A_243 = tpu.vector_load %arg10[%get3A_241, %get3A_242] {strides = array<i32>} : memref<80x128xf32, #tpu.memory_space<vmem>>, vector<16xf32>,
        %get3A_244 = arith.index_cast %add3A_185 : i32 to index
        %get3A_245 = arith.constant 112 : index
        %get3A_246 = tpu.vector_load %arg11[%get3A_244, %get3A_245] {strides = array<i32>} : memref<80x128xf32, #tpu.memory_space<vmem>>, vector<16xf32>,
        %mul3A_247 = arith.mulf %get3A_243, %get3A_246 : vector<16xf32>
        %add3A_248 = arith.addf %add3A_240, %mul3A_247 : vector<16xf32>
        %swap3A_249 = arith.constant 1 : i32
        %swap3A_250 = arith.index_cast %swap3A_249 : i32 to index
        %swap3A_251 = arith.constant 0 : index
        %swap3A_252 = tpu.vector_load %arg9[%swap3A_250, %swap3A_251] {strides = array<i32>} : memref<16x17xf32, #tpu.memory_space<vmem>>, vector<16xf32>,
        tpu.vector_store %arg9[%swap3A_250, %swap3A_251], %add3A_248 {strides = array<i32>} : memref<16x17xf32, #tpu.memory_space<vmem>>, vector<16xf32>,
        %add3A_253 = arith.constant 2 : i32
        %add3A_254 = arith.addi %mul3A_116, %add3A_253 : i32
        %get3A_255 = arith.index_cast %add3A_254 : i32 to index
        %get3A_256 = arith.constant 0 : index
        %get3A_257 = tpu.vector_load %arg10[%get3A_255, %get3A_256] {strides = array<i32>} : memref<80x128xf32, #tpu.memory_space<vmem>>, vector<16xf32>,
        %get3A_258 = arith.index_cast %add3A_254 : i32 to index
        %get3A_259 = arith.constant 0 : index
        %get3A_260 = tpu.vector_load %arg11[%get3A_258, %get3A_259] {strides = array<i32>} : memref<80x128xf32, #tpu.memory_space<vmem>>, vector<16xf32>,
        %mul3A_261 = arith.mulf %get3A_257, %get3A_260 : vector<16xf32>
        %get3A_262 = arith.index_cast %add3A_254 : i32 to index
        %get3A_263 = arith.constant 16 : index
        %get3A_264 = tpu.vector_load %arg10[%get3A_262, %get3A_263] {strides = array<i32>} : memref<80x128xf32, #tpu.memory_space<vmem>>, vector<16xf32>,
        %get3A_265 = arith.index_cast %add3A_254 : i32 to index
        %get3A_266 = arith.constant 16 : index
        %get3A_267 = tpu.vector_load %arg11[%get3A_265, %get3A_266] {strides = array<i32>} : memref<80x128xf32, #tpu.memory_space<vmem>>, vector<16xf32>,
        %mul3A_268 = arith.mulf %get3A_264, %get3A_267 : vector<16xf32>
        %add3A_269 = arith.addf %mul3A_261, %mul3A_268 : vector<16xf32>
        %get3A_270 = arith.index_cast %add3A_254 : i32 to index
        %get3A_271 = arith.constant 32 : index
        %get3A_272 = tpu.vector_load %arg10[%get3A_270, %get3A_271] {strides = array<i32>} : memref<80x128xf32, #tpu.memory_space<vmem>>, vector<16xf32>,
        %get3A_273 = arith.index_cast %add3A_254 : i32 to index
        %get3A_274 = arith.constant 32 : index
        %get3A_275 = tpu.vector_load %arg11[%get3A_273, %get3A_274] {strides = array<i32>} : memref<80x128xf32, #tpu.memory_space<vmem>>, vector<16xf32>,
        %mul3A_276 = arith.mulf %get3A_272, %get3A_275 : vector<16xf32>
        %add3A_277 = arith.addf %add3A_269, %mul3A_276 : vector<16xf32>
        %get3A_278 = arith.index_cast %add3A_254 : i32 to index
        %get3A_279 = arith.constant 48 : index
        %get3A_280 = tpu.vector_load %arg10[%get3A_278, %get3A_279] {strides = array<i32>} : memref<80x128xf32, #tpu.memory_space<vmem>>, vector<16xf32>,
        %get3A_281 = arith.index_cast %add3A_254 : i32 to index
        %get3A_282 = arith.constant 48 : index
        %get3A_283 = tpu.vector_load %arg11[%get3A_281, %get3A_282] {strides = array<i32>} : memref<80x128xf32, #tpu.memory_space<vmem>>, vector<16xf32>,
        %mul3A_284 = arith.mulf %get3A_280, %get3A_283 : vector<16xf32>
        %add3A_285 = arith.addf %add3A_277, %mul3A_284 : vector<16xf32>
        %get3A_286 = arith.index_cast %add3A_254 : i32 to index
        %get3A_287 = arith.constant 64 : index
        %get3A_288 = tpu.vector_load %arg10[%get3A_286, %get3A_287] {strides = array<i32>} : memref<80x128xf32, #tpu.memory_space<vmem>>, vector<16xf32>,
        %get3A_289 = arith.index_cast %add3A_254 : i32 to index
        %get3A_290 = arith.constant 64 : index
        %get3A_291 = tpu.vector_load %arg11[%get3A_289, %get3A_290] {strides = array<i32>} : memref<80x128xf32, #tpu.memory_space<vmem>>, vector<16xf32>,
        %mul3A_292 = arith.mulf %get3A_288, %get3A_291 : vector<16xf32>
        %add3A_293 = arith.addf %add3A_285, %mul3A_292 : vector<16xf32>
        %get3A_294 = arith.index_cast %add3A_254 : i32 to index
        %get3A_295 = arith.constant 80 : index
        %get3A_296 = tpu.vector_load %arg10[%get3A_294, %get3A_295] {strides = array<i32>} : memref<80x128xf32, #tpu.memory_space<vmem>>, vector<16xf32>,
        %get3A_297 = arith.index_cast %add3A_254 : i32 to index
        %get3A_298 = arith.constant 80 : index
        %get3A_299 = tpu.vector_load %arg11[%get3A_297, %get3A_298] {strides = array<i32>} : memref<80x128xf32, #tpu.memory_space<vmem>>, vector<16xf32>,
        %mul3A_300 = arith.mulf %get3A_296, %get3A_299 : vector<16xf32>
        %add3A_301 = arith.addf %add3A_293, %mul3A_300 : vector<16xf32>
        %get3A_302 = arith.index_cast %add3A_254 : i32 to index
        %get3A_303 = arith.constant 96 : index
        %get3A_304 = tpu.vector_load %arg10[%get3A_302, %get3A_303] {strides = array<i32>} : memref<80x128xf32, #tpu.memory_space<vmem>>, vector<16xf32>,
        %get3A_305 = arith.index_cast %add3A_254 : i32 to index
        %get3A_306 = arith.constant 96 : index
        %get3A_307 = tpu.vector_load %arg11[%get3A_305, %get3A_306] {strides = array<i32>} : memref<80x128xf32, #tpu.memory_space<vmem>>, vector<16xf32>,
        %mul3A_308 = arith.mulf %get3A_304, %get3A_307 : vector<16xf32>
        %add3A_309 = arith.addf %add3A_301, %mul3A_308 : vector<16xf32>
        %get3A_310 = arith.index_cast %add3A_254 : i32 to index
        %get3A_311 = arith.constant 112 : index
        %get3A_312 = tpu.vector_load %arg10[%get3A_310, %get3A_311] {strides = array<i32>} : memref<80x128xf32, #tpu.memory_space<vmem>>, vector<16xf32>,
        %get3A_313 = arith.index_cast %add3A_254 : i32 to index
        %get3A_314 = arith.constant 112 : index
        %get3A_315 = tpu.vector_load %arg11[%get3A_313, %get3A_314] {strides = array<i32>} : memref<80x128xf32, #tpu.memory_space<vmem>>, vector<16xf32>,
        %mul3A_316 = arith.mulf %get3A_312, %get3A_315 : vector<16xf32>
        %add3A_317 = arith.addf %add3A_309, %mul3A_316 : vector<16xf32>
        %swap3A_318 = arith.constant 2 : i32
        %swap3A_319 = arith.index_cast %swap3A_318 : i32 to index
        %swap3A_320 = arith.constant 0 : index
        %swap3A_321 = tpu.vector_load %arg9[%swap3A_319, %swap3A_320] {strides = array<i32>} : memref<16x17xf32, #tpu.memory_space<vmem>>, vector<16xf32>,
        tpu.vector_store %arg9[%swap3A_319, %swap3A_320], %add3A_317 {strides = array<i32>} : memref<16x17xf32, #tpu.memory_space<vmem>>, vector<16xf32>,
        %add3A_322 = arith.constant 3 : i32
        %add3A_323 = arith.addi %mul3A_116, %add3A_322 : i32
        %get3A_324 = arith.index_cast %add3A_323 : i32 to index
        %get3A_325 = arith.constant 0 : index
        %get3A_326 = tpu.vector_load %arg10[%get3A_324, %get3A_325] {strides = array<i32>} : memref<80x128xf32, #tpu.memory_space<vmem>>, vector<16xf32>,
        %get3A_327 = arith.index_cast %add3A_323 : i32 to index
        %get3A_328 = arith.constant 0 : index
        %get3A_329 = tpu.vector_load %arg11[%get3A_327, %get3A_328] {strides = array<i32>} : memref<80x128xf32, #tpu.memory_space<vmem>>, vector<16xf32>,
        %mul3A_330 = arith.mulf %get3A_326, %get3A_329 : vector<16xf32>
        %get3A_331 = arith.index_cast %add3A_323 : i32 to index
        %get3A_332 = arith.constant 16 : index
        %get3A_333 = tpu.vector_load %arg10[%get3A_331, %get3A_332] {strides = array<i32>} : memref<80x128xf32, #tpu.memory_space<vmem>>, vector<16xf32>,
        %get3A_334 = arith.index_cast %add3A_323 : i32 to index
        %get3A_335 = arith.constant 16 : index
        %get3A_336 = tpu.vector_load %arg11[%get3A_334, %get3A_335] {strides = array<i32>} : memref<80x128xf32, #tpu.memory_space<vmem>>, vector<16xf32>,
        %mul3A_337 = arith.mulf %get3A_333, %get3A_336 : vector<16xf32>
        %add3A_338 = arith.addf %mul3A_330, %mul3A_337 : vector<16xf32>
        %get3A_339 = arith.index_cast %add3A_323 : i32 to index
        %get3A_340 = arith.constant 32 : index
        %get3A_341 = tpu.vector_load %arg10[%get3A_339, %get3A_340] {strides = array<i32>} : memref<80x128xf32, #tpu.memory_space<vmem>>, vector<16xf32>,
        %get3A_342 = arith.index_cast %add3A_323 : i32 to index
        %get3A_343 = arith.constant 32 : index
        %get3A_344 = tpu.vector_load %arg11[%get3A_342, %get3A_343] {strides = array<i32>} : memref<80x128xf32, #tpu.memory_space<vmem>>, vector<16xf32>,
        %mul3A_345 = arith.mulf %get3A_341, %get3A_344 : vector<16xf32>
        %add3A_346 = arith.addf %add3A_338, %mul3A_345 : vector<16xf32>
        %get3A_347 = arith.index_cast %add3A_323 : i32 to index
        %get3A_348 = arith.constant 48 : index
        %get3A_349 = tpu.vector_load %arg10[%get3A_347, %get3A_348] {strides = array<i32>} : memref<80x128xf32, #tpu.memory_space<vmem>>, vector<16xf32>,
        %get3A_350 = arith.index_cast %add3A_323 : i32 to index
        %get3A_351 = arith.constant 48 : index
        %get3A_352 = tpu.vector_load %arg11[%get3A_350, %get3A_351] {strides = array<i32>} : memref<80x128xf32, #tpu.memory_space<vmem>>, vector<16xf32>,
        %mul3A_353 = arith.mulf %get3A_349, %get3A_352 : vector<16xf32>
        %add3A_354 = arith.addf %add3A_346, %mul3A_353 : vector<16xf32>
        %get3A_355 = arith.index_cast %add3A_323 : i32 to index
        %get3A_356 = arith.constant 64 : index
        %get3A_357 = tpu.vector_load %arg10[%get3A_355, %get3A_356] {strides = array<i32>} : memref<80x128xf32, #tpu.memory_space<vmem>>, vector<16xf32>,
        %get3A_358 = arith.index_cast %add3A_323 : i32 to index
        %get3A_359 = arith.constant 64 : index
        %get3A_360 = tpu.vector_load %arg11[%get3A_358, %get3A_359] {strides = array<i32>} : memref<80x128xf32, #tpu.memory_space<vmem>>, vector<16xf32>,
        %mul3A_361 = arith.mulf %get3A_357, %get3A_360 : vector<16xf32>
        %add3A_362 = arith.addf %add3A_354, %mul3A_361 : vector<16xf32>
        %get3A_363 = arith.index_cast %add3A_323 : i32 to index
        %get3A_364 = arith.constant 80 : index
        %get3A_365 = tpu.vector_load %arg10[%get3A_363, %get3A_364] {strides = array<i32>} : memref<80x128xf32, #tpu.memory_space<vmem>>, vector<16xf32>,
        %get3A_366 = arith.index_cast %add3A_323 : i32 to index
        %get3A_367 = arith.constant 80 : index
        %get3A_368 = tpu.vector_load %arg11[%get3A_366, %get3A_367] {strides = array<i32>} : memref<80x128xf32, #tpu.memory_space<vmem>>, vector<16xf32>,
        %mul3A_369 = arith.mulf %get3A_365, %get3A_368 : vector<16xf32>
        %add3A_370 = arith.addf %add3A_362, %mul3A_369 : vector<16xf32>
        %get3A_371 = arith.index_cast %add3A_323 : i32 to index
        %get3A_372 = arith.constant 96 : index
        %get3A_373 = tpu.vector_load %arg10[%get3A_371, %get3A_372] {strides = array<i32>} : memref<80x128xf32, #tpu.memory_space<vmem>>, vector<16xf32>,
        %get3A_374 = arith.index_cast %add3A_323 : i32 to index
        %get3A_375 = arith.constant 96 : index
        %get3A_376 = tpu.vector_load %arg11[%get3A_374, %get3A_375] {strides = array<i32>} : memref<80x128xf32, #tpu.memory_space<vmem>>, vector<16xf32>,
        %mul3A_377 = arith.mulf %get3A_373, %get3A_376 : vector<16xf32>
        %add3A_378 = arith.addf %add3A_370, %mul3A_377 : vector<16xf32>
        %get3A_379 = arith.index_cast %add3A_323 : i32 to index
        %get3A_380 = arith.constant 112 : index
        %get3A_381 = tpu.vector_load %arg10[%get3A_379, %get3A_380] {strides = array<i32>} : memref<80x128xf32, #tpu.memory_space<vmem>>, vector<16xf32>,
        %get3A_382 = arith.index_cast %add3A_323 : i32 to index
        %get3A_383 = arith.constant 112 : index
        %get3A_384 = tpu.vector_load %arg11[%get3A_382, %get3A_383] {strides = array<i32>} : memref<80x128xf32, #tpu.memory_space<vmem>>, vector<16xf32>,
        %mul3A_385 = arith.mulf %get3A_381, %get3A_384 : vector<16xf32>
        %add3A_386 = arith.addf %add3A_378, %mul3A_385 : vector<16xf32>
        %swap3A_387 = arith.constant 3 : i32
        %swap3A_388 = arith.index_cast %swap3A_387 : i32 to index
        %swap3A_389 = arith.constant 0 : index
        %swap3A_390 = tpu.vector_load %arg9[%swap3A_388, %swap3A_389] {strides = array<i32>} : memref<16x17xf32, #tpu.memory_space<vmem>>, vector<16xf32>,
        tpu.vector_store %arg9[%swap3A_388, %swap3A_389], %add3A_386 {strides = array<i32>} : memref<16x17xf32, #tpu.memory_space<vmem>>, vector<16xf32>,
        %add3A_391 = arith.constant 4 : i32
        %add3A_392 = arith.addi %mul3A_116, %add3A_391 : i32
        %get3A_393 = arith.index_cast %add3A_392 : i32 to index
        %get3A_394 = arith.constant 0 : index
        %get3A_395 = tpu.vector_load %arg10[%get3A_393, %get3A_394] {strides = array<i32>} : memref<80x128xf32, #tpu.memory_space<vmem>>, vector<16xf32>,
        %get3A_396 = arith.index_cast %add3A_392 : i32 to index
        %get3A_397 = arith.constant 0 : index
        %get3A_398 = tpu.vector_load %arg11[%get3A_396, %get3A_397] {strides = array<i32>} : memref<80x128xf32, #tpu.memory_space<vmem>>, vector<16xf32>,
        %mul3A_399 = arith.mulf %get3A_395, %get3A_398 : vector<16xf32>
        %get3A_400 = arith.index_cast %add3A_392 : i32 to index
        %get3A_401 = arith.constant 16 : index
        %get3A_402 = tpu.vector_load %arg10[%get3A_400, %get3A_401] {strides = array<i32>} : memref<80x128xf32, #tpu.memory_space<vmem>>, vector<16xf32>,
        %get3A_403 = arith.index_cast %add3A_392 : i32 to index
        %get3A_404 = arith.constant 16 : index
        %get3A_405 = tpu.vector_load %arg11[%get3A_403, %get3A_404] {strides = array<i32>} : memref<80x128xf32, #tpu.memory_space<vmem>>, vector<16xf32>,
        %mul3A_406 = arith.mulf %get3A_402, %get3A_405 : vector<16xf32>
        %add3A_407 = arith.addf %mul3A_399, %mul3A_406 : vector<16xf32>
        %get3A_408 = arith.index_cast %add3A_392 : i32 to index
        %get3A_409 = arith.constant 32 : index
        %get3A_410 = tpu.vector_load %arg10[%get3A_408, %get3A_409] {strides = array<i32>} : memref<80x128xf32, #tpu.memory_space<vmem>>, vector<16xf32>,
        %get3A_411 = arith.index_cast %add3A_392 : i32 to index
        %get3A_412 = arith.constant 32 : index
        %get3A_413 = tpu.vector_load %arg11[%get3A_411, %get3A_412] {strides = array<i32>} : memref<80x128xf32, #tpu.memory_space<vmem>>, vector<16xf32>,
        %mul3A_414 = arith.mulf %get3A_410, %get3A_413 : vector<16xf32>
        %add3A_415 = arith.addf %add3A_407, %mul3A_414 : vector<16xf32>
        %get3A_416 = arith.index_cast %add3A_392 : i32 to index
        %get3A_417 = arith.constant 48 : index
        %get3A_418 = tpu.vector_load %arg10[%get3A_416, %get3A_417] {strides = array<i32>} : memref<80x128xf32, #tpu.memory_space<vmem>>, vector<16xf32>,
        %get3A_419 = arith.index_cast %add3A_392 : i32 to index
        %get3A_420 = arith.constant 48 : index
        %get3A_421 = tpu.vector_load %arg11[%get3A_419, %get3A_420] {strides = array<i32>} : memref<80x128xf32, #tpu.memory_space<vmem>>, vector<16xf32>,
        %mul3A_422 = arith.mulf %get3A_418, %get3A_421 : vector<16xf32>
        %add3A_423 = arith.addf %add3A_415, %mul3A_422 : vector<16xf32>
        %get3A_424 = arith.index_cast %add3A_392 : i32 to index
        %get3A_425 = arith.constant 64 : index
        %get3A_426 = tpu.vector_load %arg10[%get3A_424, %get3A_425] {strides = array<i32>} : memref<80x128xf32, #tpu.memory_space<vmem>>, vector<16xf32>,
        %get3A_427 = arith.index_cast %add3A_392 : i32 to index
        %get3A_428 = arith.constant 64 : index
        %get3A_429 = tpu.vector_load %arg11[%get3A_427, %get3A_428] {strides = array<i32>} : memref<80x128xf32, #tpu.memory_space<vmem>>, vector<16xf32>,
        %mul3A_430 = arith.mulf %get3A_426, %get3A_429 : vector<16xf32>
        %add3A_431 = arith.addf %add3A_423, %mul3A_430 : vector<16xf32>
        %get3A_432 = arith.index_cast %add3A_392 : i32 to index
        %get3A_433 = arith.constant 80 : index
        %get3A_434 = tpu.vector_load %arg10[%get3A_432, %get3A_433] {strides = array<i32>} : memref<80x128xf32, #tpu.memory_space<vmem>>, vector<16xf32>,
        %get3A_435 = arith.index_cast %add3A_392 : i32 to index
        %get3A_436 = arith.constant 80 : index
        %get3A_437 = tpu.vector_load %arg11[%get3A_435, %get3A_436] {strides = array<i32>} : memref<80x128xf32, #tpu.memory_space<vmem>>, vector<16xf32>,
        %mul3A_438 = arith.mulf %get3A_434, %get3A_437 : vector<16xf32>
        %add3A_439 = arith.addf %add3A_431, %mul3A_438 : vector<16xf32>
        %get3A_440 = arith.index_cast %add3A_392 : i32 to index
        %get3A_441 = arith.constant 96 : index
        %get3A_442 = tpu.vector_load %arg10[%get3A_440, %get3A_441] {strides = array<i32>} : memref<80x128xf32, #tpu.memory_space<vmem>>, vector<16xf32>,
        %get3A_443 = arith.index_cast %add3A_392 : i32 to index
        %get3A_444 = arith.constant 96 : index
        %get3A_445 = tpu.vector_load %arg11[%get3A_443, %get3A_444] {strides = array<i32>} : memref<80x128xf32, #tpu.memory_space<vmem>>, vector<16xf32>,
        %mul3A_446 = arith.mulf %get3A_442, %get3A_445 : vector<16xf32>
        %add3A_447 = arith.addf %add3A_439, %mul3A_446 : vector<16xf32>
        %get3A_448 = arith.index_cast %add3A_392 : i32 to index
        %get3A_449 = arith.constant 112 : index
        %get3A_450 = tpu.vector_load %arg10[%get3A_448, %get3A_449] {strides = array<i32>} : memref<80x128xf32, #tpu.memory_space<vmem>>, vector<16xf32>,
        %get3A_451 = arith.index_cast %add3A_392 : i32 to index
        %get3A_452 = arith.constant 112 : index
        %get3A_453 = tpu.vector_load %arg11[%get3A_451, %get3A_452] {strides = array<i32>} : memref<80x128xf32, #tpu.memory_space<vmem>>, vector<16xf32>,
        %mul3A_454 = arith.mulf %get3A_450, %get3A_453 : vector<16xf32>
        %add3A_455 = arith.addf %add3A_447, %mul3A_454 : vector<16xf32>
        %swap3A_456 = arith.constant 4 : i32
        %swap3A_457 = arith.index_cast %swap3A_456 : i32 to index
        %swap3A_458 = arith.constant 0 : index
        %swap3A_459 = tpu.vector_load %arg9[%swap3A_457, %swap3A_458] {strides = array<i32>} : memref<16x17xf32, #tpu.memory_space<vmem>>, vector<16xf32>,
        tpu.vector_store %arg9[%swap3A_457, %swap3A_458], %add3A_455 {strides = array<i32>} : memref<16x17xf32, #tpu.memory_space<vmem>>, vector<16xf32>,
        %add3A_460 = arith.constant 5 : i32
        %add3A_461 = arith.addi %mul3A_116, %add3A_460 : i32
        %get3A_462 = arith.index_cast %add3A_461 : i32 to index
        %get3A_463 = arith.constant 0 : index
        %get3A_464 = tpu.vector_load %arg10[%get3A_462, %get3A_463] {strides = array<i32>} : memref<80x128xf32, #tpu.memory_space<vmem>>, vector<16xf32>,
        %get3A_465 = arith.index_cast %add3A_461 : i32 to index
        %get3A_466 = arith.constant 0 : index
        %get3A_467 = tpu.vector_load %arg11[%get3A_465, %get3A_466] {strides = array<i32>} : memref<80x128xf32, #tpu.memory_space<vmem>>, vector<16xf32>,
        %mul3A_468 = arith.mulf %get3A_464, %get3A_467 : vector<16xf32>
        %get3A_469 = arith.index_cast %add3A_461 : i32 to index
        %get3A_470 = arith.constant 16 : index
        %get3A_471 = tpu.vector_load %arg10[%get3A_469, %get3A_470] {strides = array<i32>} : memref<80x128xf32, #tpu.memory_space<vmem>>, vector<16xf32>,
        %get3A_472 = arith.index_cast %add3A_461 : i32 to index
        %get3A_473 = arith.constant 16 : index
        %get3A_474 = tpu.vector_load %arg11[%get3A_472, %get3A_473] {strides = array<i32>} : memref<80x128xf32, #tpu.memory_space<vmem>>, vector<16xf32>,
        %mul3A_475 = arith.mulf %get3A_471, %get3A_474 : vector<16xf32>
        %add3A_476 = arith.addf %mul3A_468, %mul3A_475 : vector<16xf32>
        %get3A_477 = arith.index_cast %add3A_461 : i32 to index
        %get3A_478 = arith.constant 32 : index
        %get3A_479 = tpu.vector_load %arg10[%get3A_477, %get3A_478] {strides = array<i32>} : memref<80x128xf32, #tpu.memory_space<vmem>>, vector<16xf32>,
        %get3A_480 = arith.index_cast %add3A_461 : i32 to index
        %get3A_481 = arith.constant 32 : index
        %get3A_482 = tpu.vector_load %arg11[%get3A_480, %get3A_481] {strides = array<i32>} : memref<80x128xf32, #tpu.memory_space<vmem>>, vector<16xf32>,
        %mul3A_483 = arith.mulf %get3A_479, %get3A_482 : vector<16xf32>
        %add3A_484 = arith.addf %add3A_476, %mul3A_483 : vector<16xf32>
        %get3A_485 = arith.index_cast %add3A_461 : i32 to index
        %get3A_486 = arith.constant 48 : index
        %get3A_487 = tpu.vector_load %arg10[%get3A_485, %get3A_486] {strides = array<i32>} : memref<80x128xf32, #tpu.memory_space<vmem>>, vector<16xf32>,
        %get3A_488 = arith.index_cast %add3A_461 : i32 to index
        %get3A_489 = arith.constant 48 : index
        %get3A_490 = tpu.vector_load %arg11[%get3A_488, %get3A_489] {strides = array<i32>} : memref<80x128xf32, #tpu.memory_space<vmem>>, vector<16xf32>,
        %mul3A_491 = arith.mulf %get3A_487, %get3A_490 : vector<16xf32>
        %add3A_492 = arith.addf %add3A_484, %mul3A_491 : vector<16xf32>
        %get3A_493 = arith.index_cast %add3A_461 : i32 to index
        %get3A_494 = arith.constant 64 : index
        %get3A_495 = tpu.vector_load %arg10[%get3A_493, %get3A_494] {strides = array<i32>} : memref<80x128xf32, #tpu.memory_space<vmem>>, vector<16xf32>,
        %get3A_496 = arith.index_cast %add3A_461 : i32 to index
        %get3A_497 = arith.constant 64 : index
        %get3A_498 = tpu.vector_load %arg11[%get3A_496, %get3A_497] {strides = array<i32>} : memref<80x128xf32, #tpu.memory_space<vmem>>, vector<16xf32>,
        %mul3A_499 = arith.mulf %get3A_495, %get3A_498 : vector<16xf32>
        %add3A_500 = arith.addf %add3A_492, %mul3A_499 : vector<16xf32>
        %get3A_501 = arith.index_cast %add3A_461 : i32 to index
        %get3A_502 = arith.constant 80 : index
        %get3A_503 = tpu.vector_load %arg10[%get3A_501, %get3A_502] {strides = array<i32>} : memref<80x128xf32, #tpu.memory_space<vmem>>, vector<16xf32>,
        %get3A_504 = arith.index_cast %add3A_461 : i32 to index
        %get3A_505 = arith.constant 80 : index
        %get3A_506 = tpu.vector_load %arg11[%get3A_504, %get3A_505] {strides = array<i32>} : memref<80x128xf32, #tpu.memory_space<vmem>>, vector<16xf32>,
        %mul3A_507 = arith.mulf %get3A_503, %get3A_506 : vector<16xf32>
        %add3A_508 = arith.addf %add3A_500, %mul3A_507 : vector<16xf32>
        %get3A_509 = arith.index_cast %add3A_461 : i32 to index
        %get3A_510 = arith.constant 96 : index
        %get3A_511 = tpu.vector_load %arg10[%get3A_509, %get3A_510] {strides = array<i32>} : memref<80x128xf32, #tpu.memory_space<vmem>>, vector<16xf32>,
        %get3A_512 = arith.index_cast %add3A_461 : i32 to index
        %get3A_513 = arith.constant 96 : index
        %get3A_514 = tpu.vector_load %arg11[%get3A_512, %get3A_513] {strides = array<i32>} : memref<80x128xf32, #tpu.memory_space<vmem>>, vector<16xf32>,
        %mul3A_515 = arith.mulf %get3A_511, %get3A_514 : vector<16xf32>
        %add3A_516 = arith.addf %add3A_508, %mul3A_515 : vector<16xf32>
        %get3A_517 = arith.index_cast %add3A_461 : i32 to index
        %get3A_518 = arith.constant 112 : index
        %get3A_519 = tpu.vector_load %arg10[%get3A_517, %get3A_518] {strides = array<i32>} : memref<80x128xf32, #tpu.memory_space<vmem>>, vector<16xf32>,
        %get3A_520 = arith.index_cast %add3A_461 : i32 to index
        %get3A_521 = arith.constant 112 : index
        %get3A_522 = tpu.vector_load %arg11[%get3A_520, %get3A_521] {strides = array<i32>} : memref<80x128xf32, #tpu.memory_space<vmem>>, vector<16xf32>,
        %mul3A_523 = arith.mulf %get3A_519, %get3A_522 : vector<16xf32>
        %add3A_524 = arith.addf %add3A_516, %mul3A_523 : vector<16xf32>
        %swap3A_525 = arith.constant 5 : i32
        %swap3A_526 = arith.index_cast %swap3A_525 : i32 to index
        %swap3A_527 = arith.constant 0 : index
        %swap3A_528 = tpu.vector_load %arg9[%swap3A_526, %swap3A_527] {strides = array<i32>} : memref<16x17xf32, #tpu.memory_space<vmem>>, vector<16xf32>,
        tpu.vector_store %arg9[%swap3A_526, %swap3A_527], %add3A_524 {strides = array<i32>} : memref<16x17xf32, #tpu.memory_space<vmem>>, vector<16xf32>,
        %add3A_529 = arith.constant 6 : i32
        %add3A_530 = arith.addi %mul3A_116, %add3A_529 : i32
        %get3A_531 = arith.index_cast %add3A_530 : i32 to index
        %get3A_532 = arith.constant 0 : index
        %get3A_533 = tpu.vector_load %arg10[%get3A_531, %get3A_532] {strides = array<i32>} : memref<80x128xf32, #tpu.memory_space<vmem>>, vector<16xf32>,
        %get3A_534 = arith.index_cast %add3A_530 : i32 to index
        %get3A_535 = arith.constant 0 : index
        %get3A_536 = tpu.vector_load %arg11[%get3A_534, %get3A_535] {strides = array<i32>} : memref<80x128xf32, #tpu.memory_space<vmem>>, vector<16xf32>,
        %mul3A_537 = arith.mulf %get3A_533, %get3A_536 : vector<16xf32>
        %get3A_538 = arith.index_cast %add3A_530 : i32 to index
        %get3A_539 = arith.constant 16 : index
        %get3A_540 = tpu.vector_load %arg10[%get3A_538, %get3A_539] {strides = array<i32>} : memref<80x128xf32, #tpu.memory_space<vmem>>, vector<16xf32>,
        %get3A_541 = arith.index_cast %add3A_530 : i32 to index
        %get3A_542 = arith.constant 16 : index
        %get3A_543 = tpu.vector_load %arg11[%get3A_541, %get3A_542] {strides = array<i32>} : memref<80x128xf32, #tpu.memory_space<vmem>>, vector<16xf32>,
        %mul3A_544 = arith.mulf %get3A_540, %get3A_543 : vector<16xf32>
        %add3A_545 = arith.addf %mul3A_537, %mul3A_544 : vector<16xf32>
        %get3A_546 = arith.index_cast %add3A_530 : i32 to index
        %get3A_547 = arith.constant 32 : index
        %get3A_548 = tpu.vector_load %arg10[%get3A_546, %get3A_547] {strides = array<i32>} : memref<80x128xf32, #tpu.memory_space<vmem>>, vector<16xf32>,
        %get3A_549 = arith.index_cast %add3A_530 : i32 to index
        %get3A_550 = arith.constant 32 : index
        %get3A_551 = tpu.vector_load %arg11[%get3A_549, %get3A_550] {strides = array<i32>} : memref<80x128xf32, #tpu.memory_space<vmem>>, vector<16xf32>,
        %mul3A_552 = arith.mulf %get3A_548, %get3A_551 : vector<16xf32>
        %add3A_553 = arith.addf %add3A_545, %mul3A_552 : vector<16xf32>
        %get3A_554 = arith.index_cast %add3A_530 : i32 to index
        %get3A_555 = arith.constant 48 : index
        %get3A_556 = tpu.vector_load %arg10[%get3A_554, %get3A_555] {strides = array<i32>} : memref<80x128xf32, #tpu.memory_space<vmem>>, vector<16xf32>,
        %get3A_557 = arith.index_cast %add3A_530 : i32 to index
        %get3A_558 = arith.constant 48 : index
        %get3A_559 = tpu.vector_load %arg11[%get3A_557, %get3A_558] {strides = array<i32>} : memref<80x128xf32, #tpu.memory_space<vmem>>, vector<16xf32>,
        %mul3A_560 = arith.mulf %get3A_556, %get3A_559 : vector<16xf32>
        %add3A_561 = arith.addf %add3A_553, %mul3A_560 : vector<16xf32>
        %get3A_562 = arith.index_cast %add3A_530 : i32 to index
        %get3A_563 = arith.constant 64 : index
        %get3A_564 = tpu.vector_load %arg10[%get3A_562, %get3A_563] {strides = array<i32>} : memref<80x128xf32, #tpu.memory_space<vmem>>, vector<16xf32>,
        %get3A_565 = arith.index_cast %add3A_530 : i32 to index
        %get3A_566 = arith.constant 64 : index
        %get3A_567 = tpu.vector_load %arg11[%get3A_565, %get3A_566] {strides = array<i32>} : memref<80x128xf32, #tpu.memory_space<vmem>>, vector<16xf32>,
        %mul3A_568 = arith.mulf %get3A_564, %get3A_567 : vector<16xf32>
        %add3A_569 = arith.addf %add3A_561, %mul3A_568 : vector<16xf32>
        %get3A_570 = arith.index_cast %add3A_530 : i32 to index
        %get3A_571 = arith.constant 80 : index
        %get3A_572 = tpu.vector_load %arg10[%get3A_570, %get3A_571] {strides = array<i32>} : memref<80x128xf32, #tpu.memory_space<vmem>>, vector<16xf32>,
        %get3A_573 = arith.index_cast %add3A_530 : i32 to index
        %get3A_574 = arith.constant 80 : index
        %get3A_575 = tpu.vector_load %arg11[%get3A_573, %get3A_574] {strides = array<i32>} : memref<80x128xf32, #tpu.memory_space<vmem>>, vector<16xf32>,
        %mul3A_576 = arith.mulf %get3A_572, %get3A_575 : vector<16xf32>
        %add3A_577 = arith.addf %add3A_569, %mul3A_576 : vector<16xf32>
        %get3A_578 = arith.index_cast %add3A_530 : i32 to index
        %get3A_579 = arith.constant 96 : index
        %get3A_580 = tpu.vector_load %arg10[%get3A_578, %get3A_579] {strides = array<i32>} : memref<80x128xf32, #tpu.memory_space<vmem>>, vector<16xf32>,
        %get3A_581 = arith.index_cast %add3A_530 : i32 to index
        %get3A_582 = arith.constant 96 : index
        %get3A_583 = tpu.vector_load %arg11[%get3A_581, %get3A_582] {strides = array<i32>} : memref<80x128xf32, #tpu.memory_space<vmem>>, vector<16xf32>,
        %mul3A_584 = arith.mulf %get3A_580, %get3A_583 : vector<16xf32>
        %add3A_585 = arith.addf %add3A_577, %mul3A_584 : vector<16xf32>
        %get3A_586 = arith.index_cast %add3A_530 : i32 to index
        %get3A_587 = arith.constant 112 : index
        %get3A_588 = tpu.vector_load %arg10[%get3A_586, %get3A_587] {strides = array<i32>} : memref<80x128xf32, #tpu.memory_space<vmem>>, vector<16xf32>,
        %get3A_589 = arith.index_cast %add3A_530 : i32 to index
        %get3A_590 = arith.constant 112 : index
        %get3A_591 = tpu.vector_load %arg11[%get3A_589, %get3A_590] {strides = array<i32>} : memref<80x128xf32, #tpu.memory_space<vmem>>, vector<16xf32>,
        %mul3A_592 = arith.mulf %get3A_588, %get3A_591 : vector<16xf32>
        %add3A_593 = arith.addf %add3A_585, %mul3A_592 : vector<16xf32>
        %swap3A_594 = arith.constant 6 : i32
        %swap3A_595 = arith.index_cast %swap3A_594 : i32 to index
        %swap3A_596 = arith.constant 0 : index
        %swap3A_597 = tpu.vector_load %arg9[%swap3A_595, %swap3A_596] {strides = array<i32>} : memref<16x17xf32, #tpu.memory_space<vmem>>, vector<16xf32>,
        tpu.vector_store %arg9[%swap3A_595, %swap3A_596], %add3A_593 {strides = array<i32>} : memref<16x17xf32, #tpu.memory_space<vmem>>, vector<16xf32>,
        %add3A_598 = arith.constant 7 : i32
        %add3A_599 = arith.addi %mul3A_116, %add3A_598 : i32
        %get3A_600 = arith.index_cast %add3A_599 : i32 to index
        %get3A_601 = arith.constant 0 : index
        %get3A_602 = tpu.vector_load %arg10[%get3A_600, %get3A_601] {strides = array<i32>} : memref<80x128xf32, #tpu.memory_space<vmem>>, vector<16xf32>,
        %get3A_603 = arith.index_cast %add3A_599 : i32 to index
        %get3A_604 = arith.constant 0 : index
        %get3A_605 = tpu.vector_load %arg11[%get3A_603, %get3A_604] {strides = array<i32>} : memref<80x128xf32, #tpu.memory_space<vmem>>, vector<16xf32>,
        %mul3A_606 = arith.mulf %get3A_602, %get3A_605 : vector<16xf32>
        %get3A_607 = arith.index_cast %add3A_599 : i32 to index
        %get3A_608 = arith.constant 16 : index
        %get3A_609 = tpu.vector_load %arg10[%get3A_607, %get3A_608] {strides = array<i32>} : memref<80x128xf32, #tpu.memory_space<vmem>>, vector<16xf32>,
        %get3A_610 = arith.index_cast %add3A_599 : i32 to index
        %get3A_611 = arith.constant 16 : index
        %get3A_612 = tpu.vector_load %arg11[%get3A_610, %get3A_611] {strides = array<i32>} : memref<80x128xf32, #tpu.memory_space<vmem>>, vector<16xf32>,
        %mul3A_613 = arith.mulf %get3A_609, %get3A_612 : vector<16xf32>
        %add3A_614 = arith.addf %mul3A_606, %mul3A_613 : vector<16xf32>
        %get3A_615 = arith.index_cast %add3A_599 : i32 to index
        %get3A_616 = arith.constant 32 : index
        %get3A_617 = tpu.vector_load %arg10[%get3A_615, %get3A_616] {strides = array<i32>} : memref<80x128xf32, #tpu.memory_space<vmem>>, vector<16xf32>,
        %get3A_618 = arith.index_cast %add3A_599 : i32 to index
        %get3A_619 = arith.constant 32 : index
        %get3A_620 = tpu.vector_load %arg11[%get3A_618, %get3A_619] {strides = array<i32>} : memref<80x128xf32, #tpu.memory_space<vmem>>, vector<16xf32>,
        %mul3A_621 = arith.mulf %get3A_617, %get3A_620 : vector<16xf32>
        %add3A_622 = arith.addf %add3A_614, %mul3A_621 : vector<16xf32>
        %get3A_623 = arith.index_cast %add3A_599 : i32 to index
        %get3A_624 = arith.constant 48 : index
        %get3A_625 = tpu.vector_load %arg10[%get3A_623, %get3A_624] {strides = array<i32>} : memref<80x128xf32, #tpu.memory_space<vmem>>, vector<16xf32>,
        %get3A_626 = arith.index_cast %add3A_599 : i32 to index
        %get3A_627 = arith.constant 48 : index
        %get3A_628 = tpu.vector_load %arg11[%get3A_626, %get3A_627] {strides = array<i32>} : memref<80x128xf32, #tpu.memory_space<vmem>>, vector<16xf32>,
        %mul3A_629 = arith.mulf %get3A_625, %get3A_628 : vector<16xf32>
        %add3A_630 = arith.addf %add3A_622, %mul3A_629 : vector<16xf32>
        %get3A_631 = arith.index_cast %add3A_599 : i32 to index
        %get3A_632 = arith.constant 64 : index
        %get3A_633 = tpu.vector_load %arg10[%get3A_631, %get3A_632] {strides = array<i32>} : memref<80x128xf32, #tpu.memory_space<vmem>>, vector<16xf32>,
        %get3A_634 = arith.index_cast %add3A_599 : i32 to index
        %get3A_635 = arith.constant 64 : index
        %get3A_636 = tpu.vector_load %arg11[%get3A_634, %get3A_635] {strides = array<i32>} : memref<80x128xf32, #tpu.memory_space<vmem>>, vector<16xf32>,
        %mul3A_637 = arith.mulf %get3A_633, %get3A_636 : vector<16xf32>
        %add3A_638 = arith.addf %add3A_630, %mul3A_637 : vector<16xf32>
        %get3A_639 = arith.index_cast %add3A_599 : i32 to index
        %get3A_640 = arith.constant 80 : index
        %get3A_641 = tpu.vector_load %arg10[%get3A_639, %get3A_640] {strides = array<i32>} : memref<80x128xf32, #tpu.memory_space<vmem>>, vector<16xf32>,
        %get3A_642 = arith.index_cast %add3A_599 : i32 to index
        %get3A_643 = arith.constant 80 : index
        %get3A_644 = tpu.vector_load %arg11[%get3A_642, %get3A_643] {strides = array<i32>} : memref<80x128xf32, #tpu.memory_space<vmem>>, vector<16xf32>,
        %mul3A_645 = arith.mulf %get3A_641, %get3A_644 : vector<16xf32>
        %add3A_646 = arith.addf %add3A_638, %mul3A_645 : vector<16xf32>
        %get3A_647 = arith.index_cast %add3A_599 : i32 to index
        %get3A_648 = arith.constant 96 : index
        %get3A_649 = tpu.vector_load %arg10[%get3A_647, %get3A_648] {strides = array<i32>} : memref<80x128xf32, #tpu.memory_space<vmem>>, vector<16xf32>,
        %get3A_650 = arith.index_cast %add3A_599 : i32 to index
        %get3A_651 = arith.constant 96 : index
        %get3A_652 = tpu.vector_load %arg11[%get3A_650, %get3A_651] {strides = array<i32>} : memref<80x128xf32, #tpu.memory_space<vmem>>, vector<16xf32>,
        %mul3A_653 = arith.mulf %get3A_649, %get3A_652 : vector<16xf32>
        %add3A_654 = arith.addf %add3A_646, %mul3A_653 : vector<16xf32>
        %get3A_655 = arith.index_cast %add3A_599 : i32 to index
        %get3A_656 = arith.constant 112 : index
        %get3A_657 = tpu.vector_load %arg10[%get3A_655, %get3A_656] {strides = array<i32>} : memref<80x128xf32, #tpu.memory_space<vmem>>, vector<16xf32>,
        %get3A_658 = arith.index_cast %add3A_599 : i32 to index
        %get3A_659 = arith.constant 112 : index
        %get3A_660 = tpu.vector_load %arg11[%get3A_658, %get3A_659] {strides = array<i32>} : memref<80x128xf32, #tpu.memory_space<vmem>>, vector<16xf32>,
        %mul3A_661 = arith.mulf %get3A_657, %get3A_660 : vector<16xf32>
        %add3A_662 = arith.addf %add3A_654, %mul3A_661 : vector<16xf32>
        %swap3A_663 = arith.constant 7 : i32
        %swap3A_664 = arith.index_cast %swap3A_663 : i32 to index
        %swap3A_665 = arith.constant 0 : index
        %swap3A_666 = tpu.vector_load %arg9[%swap3A_664, %swap3A_665] {strides = array<i32>} : memref<16x17xf32, #tpu.memory_space<vmem>>, vector<16xf32>,
        tpu.vector_store %arg9[%swap3A_664, %swap3A_665], %add3A_662 {strides = array<i32>} : memref<16x17xf32, #tpu.memory_space<vmem>>, vector<16xf32>,
        %add3A_667 = arith.constant 8 : i32
        %add3A_668 = arith.addi %mul3A_116, %add3A_667 : i32
        %get3A_669 = arith.index_cast %add3A_668 : i32 to index
        %get3A_670 = arith.constant 0 : index
        %get3A_671 = tpu.vector_load %arg10[%get3A_669, %get3A_670] {strides = array<i32>} : memref<80x128xf32, #tpu.memory_space<vmem>>, vector<16xf32>,
        %get3A_672 = arith.index_cast %add3A_668 : i32 to index
        %get3A_673 = arith.constant 0 : index
        %get3A_674 = tpu.vector_load %arg11[%get3A_672, %get3A_673] {strides = array<i32>} : memref<80x128xf32, #tpu.memory_space<vmem>>, vector<16xf32>,
        %mul3A_675 = arith.mulf %get3A_671, %get3A_674 : vector<16xf32>
        %get3A_676 = arith.index_cast %add3A_668 : i32 to index
        %get3A_677 = arith.constant 16 : index
        %get3A_678 = tpu.vector_load %arg10[%get3A_676, %get3A_677] {strides = array<i32>} : memref<80x128xf32, #tpu.memory_space<vmem>>, vector<16xf32>,
        %get3A_679 = arith.index_cast %add3A_668 : i32 to index
        %get3A_680 = arith.constant 16 : index
        %get3A_681 = tpu.vector_load %arg11[%get3A_679, %get3A_680] {strides = array<i32>} : memref<80x128xf32, #tpu.memory_space<vmem>>, vector<16xf32>,
        %mul3A_682 = arith.mulf %get3A_678, %get3A_681 : vector<16xf32>
        %add3A_683 = arith.addf %mul3A_675, %mul3A_682 : vector<16xf32>
        %get3A_684 = arith.index_cast %add3A_668 : i32 to index
        %get3A_685 = arith.constant 32 : index
        %get3A_686 = tpu.vector_load %arg10[%get3A_684, %get3A_685] {strides = array<i32>} : memref<80x128xf32, #tpu.memory_space<vmem>>, vector<16xf32>,
        %get3A_687 = arith.index_cast %add3A_668 : i32 to index
        %get3A_688 = arith.constant 32 : index
        %get3A_689 = tpu.vector_load %arg11[%get3A_687, %get3A_688] {strides = array<i32>} : memref<80x128xf32, #tpu.memory_space<vmem>>, vector<16xf32>,
        %mul3A_690 = arith.mulf %get3A_686, %get3A_689 : vector<16xf32>
        %add3A_691 = arith.addf %add3A_683, %mul3A_690 : vector<16xf32>
        %get3A_692 = arith.index_cast %add3A_668 : i32 to index
        %get3A_693 = arith.constant 48 : index
        %get3A_694 = tpu.vector_load %arg10[%get3A_692, %get3A_693] {strides = array<i32>} : memref<80x128xf32, #tpu.memory_space<vmem>>, vector<16xf32>,
        %get3A_695 = arith.index_cast %add3A_668 : i32 to index
        %get3A_696 = arith.constant 48 : index
        %get3A_697 = tpu.vector_load %arg11[%get3A_695, %get3A_696] {strides = array<i32>} : memref<80x128xf32, #tpu.memory_space<vmem>>, vector<16xf32>,
        %mul3A_698 = arith.mulf %get3A_694, %get3A_697 : vector<16xf32>
        %add3A_699 = arith.addf %add3A_691, %mul3A_698 : vector<16xf32>
        %get3A_700 = arith.index_cast %add3A_668 : i32 to index
        %get3A_701 = arith.constant 64 : index
        %get3A_702 = tpu.vector_load %arg10[%get3A_700, %get3A_701] {strides = array<i32>} : memref<80x128xf32, #tpu.memory_space<vmem>>, vector<16xf32>,
        %get3A_703 = arith.index_cast %add3A_668 : i32 to index
        %get3A_704 = arith.constant 64 : index
        %get3A_705 = tpu.vector_load %arg11[%get3A_703, %get3A_704] {strides = array<i32>} : memref<80x128xf32, #tpu.memory_space<vmem>>, vector<16xf32>,
        %mul3A_706 = arith.mulf %get3A_702, %get3A_705 : vector<16xf32>
        %add3A_707 = arith.addf %add3A_699, %mul3A_706 : vector<16xf32>
        %get3A_708 = arith.index_cast %add3A_668 : i32 to index
        %get3A_709 = arith.constant 80 : index
        %get3A_710 = tpu.vector_load %arg10[%get3A_708, %get3A_709] {strides = array<i32>} : memref<80x128xf32, #tpu.memory_space<vmem>>, vector<16xf32>,
        %get3A_711 = arith.index_cast %add3A_668 : i32 to index
        %get3A_712 = arith.constant 80 : index
        %get3A_713 = tpu.vector_load %arg11[%get3A_711, %get3A_712] {strides = array<i32>} : memref<80x128xf32, #tpu.memory_space<vmem>>, vector<16xf32>,
        %mul3A_714 = arith.mulf %get3A_710, %get3A_713 : vector<16xf32>
        %add3A_715 = arith.addf %add3A_707, %mul3A_714 : vector<16xf32>
        %get3A_716 = arith.index_cast %add3A_668 : i32 to index
        %get3A_717 = arith.constant 96 : index
        %get3A_718 = tpu.vector_load %arg10[%get3A_716, %get3A_717] {strides = array<i32>} : memref<80x128xf32, #tpu.memory_space<vmem>>, vector<16xf32>,
        %get3A_719 = arith.index_cast %add3A_668 : i32 to index
        %get3A_720 = arith.constant 96 : index
        %get3A_721 = tpu.vector_load %arg11[%get3A_719, %get3A_720] {strides = array<i32>} : memref<80x128xf32, #tpu.memory_space<vmem>>, vector<16xf32>,
        %mul3A_722 = arith.mulf %get3A_718, %get3A_721 : vector<16xf32>
        %add3A_723 = arith.addf %add3A_715, %mul3A_722 : vector<16xf32>
        %get3A_724 = arith.index_cast %add3A_668 : i32 to index
        %get3A_725 = arith.constant 112 : index
        %get3A_726 = tpu.vector_load %arg10[%get3A_724, %get3A_725] {strides = array<i32>} : memref<80x128xf32, #tpu.memory_space<vmem>>, vector<16xf32>,
        %get3A_727 = arith.index_cast %add3A_668 : i32 to index
        %get3A_728 = arith.constant 112 : index
        %get3A_729 = tpu.vector_load %arg11[%get3A_727, %get3A_728] {strides = array<i32>} : memref<80x128xf32, #tpu.memory_space<vmem>>, vector<16xf32>,
        %mul3A_730 = arith.mulf %get3A_726, %get3A_729 : vector<16xf32>
        %add3A_731 = arith.addf %add3A_723, %mul3A_730 : vector<16xf32>
        %swap3A_732 = arith.constant 8 : i32
        %swap3A_733 = arith.index_cast %swap3A_732 : i32 to index
        %swap3A_734 = arith.constant 0 : index
        %swap3A_735 = tpu.vector_load %arg9[%swap3A_733, %swap3A_734] {strides = array<i32>} : memref<16x17xf32, #tpu.memory_space<vmem>>, vector<16xf32>,
        tpu.vector_store %arg9[%swap3A_733, %swap3A_734], %add3A_731 {strides = array<i32>} : memref<16x17xf32, #tpu.memory_space<vmem>>, vector<16xf32>,
        %add3A_736 = arith.constant 9 : i32
        %add3A_737 = arith.addi %mul3A_116, %add3A_736 : i32
        %get3A_738 = arith.index_cast %add3A_737 : i32 to index
        %get3A_739 = arith.constant 0 : index
        %get3A_740 = tpu.vector_load %arg10[%get3A_738, %get3A_739] {strides = array<i32>} : memref<80x128xf32, #tpu.memory_space<vmem>>, vector<16xf32>,
        %get3A_741 = arith.index_cast %add3A_737 : i32 to index
        %get3A_742 = arith.constant 0 : index
        %get3A_743 = tpu.vector_load %arg11[%get3A_741, %get3A_742] {strides = array<i32>} : memref<80x128xf32, #tpu.memory_space<vmem>>, vector<16xf32>,
        %mul3A_744 = arith.mulf %get3A_740, %get3A_743 : vector<16xf32>
        %get3A_745 = arith.index_cast %add3A_737 : i32 to index
        %get3A_746 = arith.constant 16 : index
        %get3A_747 = tpu.vector_load %arg10[%get3A_745, %get3A_746] {strides = array<i32>} : memref<80x128xf32, #tpu.memory_space<vmem>>, vector<16xf32>,
        %get3A_748 = arith.index_cast %add3A_737 : i32 to index
        %get3A_749 = arith.constant 16 : index
        %get3A_750 = tpu.vector_load %arg11[%get3A_748, %get3A_749] {strides = array<i32>} : memref<80x128xf32, #tpu.memory_space<vmem>>, vector<16xf32>,
        %mul3A_751 = arith.mulf %get3A_747, %get3A_750 : vector<16xf32>
        %add3A_752 = arith.addf %mul3A_744, %mul3A_751 : vector<16xf32>
        %get3A_753 = arith.index_cast %add3A_737 : i32 to index
        %get3A_754 = arith.constant 32 : index
        %get3A_755 = tpu.vector_load %arg10[%get3A_753, %get3A_754] {strides = array<i32>} : memref<80x128xf32, #tpu.memory_space<vmem>>, vector<16xf32>,
        %get3A_756 = arith.index_cast %add3A_737 : i32 to index
        %get3A_757 = arith.constant 32 : index
        %get3A_758 = tpu.vector_load %arg11[%get3A_756, %get3A_757] {strides = array<i32>} : memref<80x128xf32, #tpu.memory_space<vmem>>, vector<16xf32>,
        %mul3A_759 = arith.mulf %get3A_755, %get3A_758 : vector<16xf32>
        %add3A_760 = arith.addf %add3A_752, %mul3A_759 : vector<16xf32>
        %get3A_761 = arith.index_cast %add3A_737 : i32 to index
        %get3A_762 = arith.constant 48 : index
        %get3A_763 = tpu.vector_load %arg10[%get3A_761, %get3A_762] {strides = array<i32>} : memref<80x128xf32, #tpu.memory_space<vmem>>, vector<16xf32>,
        %get3A_764 = arith.index_cast %add3A_737 : i32 to index
        %get3A_765 = arith.constant 48 : index
        %get3A_766 = tpu.vector_load %arg11[%get3A_764, %get3A_765] {strides = array<i32>} : memref<80x128xf32, #tpu.memory_space<vmem>>, vector<16xf32>,
        %mul3A_767 = arith.mulf %get3A_763, %get3A_766 : vector<16xf32>
        %add3A_768 = arith.addf %add3A_760, %mul3A_767 : vector<16xf32>
        %get3A_769 = arith.index_cast %add3A_737 : i32 to index
        %get3A_770 = arith.constant 64 : index
        %get3A_771 = tpu.vector_load %arg10[%get3A_769, %get3A_770] {strides = array<i32>} : memref<80x128xf32, #tpu.memory_space<vmem>>, vector<16xf32>,
        %get3A_772 = arith.index_cast %add3A_737 : i32 to index
        %get3A_773 = arith.constant 64 : index
        %get3A_774 = tpu.vector_load %arg11[%get3A_772, %get3A_773] {strides = array<i32>} : memref<80x128xf32, #tpu.memory_space<vmem>>, vector<16xf32>,
        %mul3A_775 = arith.mulf %get3A_771, %get3A_774 : vector<16xf32>
        %add3A_776 = arith.addf %add3A_768, %mul3A_775 : vector<16xf32>
        %get3A_777 = arith.index_cast %add3A_737 : i32 to index
        %get3A_778 = arith.constant 80 : index
        %get3A_779 = tpu.vector_load %arg10[%get3A_777, %get3A_778] {strides = array<i32>} : memref<80x128xf32, #tpu.memory_space<vmem>>, vector<16xf32>,
        %get3A_780 = arith.index_cast %add3A_737 : i32 to index
        %get3A_781 = arith.constant 80 : index
        %get3A_782 = tpu.vector_load %arg11[%get3A_780, %get3A_781] {strides = array<i32>} : memref<80x128xf32, #tpu.memory_space<vmem>>, vector<16xf32>,
        %mul3A_783 = arith.mulf %get3A_779, %get3A_782 : vector<16xf32>
        %add3A_784 = arith.addf %add3A_776, %mul3A_783 : vector<16xf32>
        %get3A_785 = arith.index_cast %add3A_737 : i32 to index
        %get3A_786 = arith.constant 96 : index
        %get3A_787 = tpu.vector_load %arg10[%get3A_785, %get3A_786] {strides = array<i32>} : memref<80x128xf32, #tpu.memory_space<vmem>>, vector<16xf32>,
        %get3A_788 = arith.index_cast %add3A_737 : i32 to index
        %get3A_789 = arith.constant 96 : index
        %get3A_790 = tpu.vector_load %arg11[%get3A_788, %get3A_789] {strides = array<i32>} : memref<80x128xf32, #tpu.memory_space<vmem>>, vector<16xf32>,
        %mul3A_791 = arith.mulf %get3A_787, %get3A_790 : vector<16xf32>
        %add3A_792 = arith.addf %add3A_784, %mul3A_791 : vector<16xf32>
        %get3A_793 = arith.index_cast %add3A_737 : i32 to index
        %get3A_794 = arith.constant 112 : index
        %get3A_795 = tpu.vector_load %arg10[%get3A_793, %get3A_794] {strides = array<i32>} : memref<80x128xf32, #tpu.memory_space<vmem>>, vector<16xf32>,
        %get3A_796 = arith.index_cast %add3A_737 : i32 to index
        %get3A_797 = arith.constant 112 : index
        %get3A_798 = tpu.vector_load %arg11[%get3A_796, %get3A_797] {strides = array<i32>} : memref<80x128xf32, #tpu.memory_space<vmem>>, vector<16xf32>,
        %mul3A_799 = arith.mulf %get3A_795, %get3A_798 : vector<16xf32>
        %add3A_800 = arith.addf %add3A_792, %mul3A_799 : vector<16xf32>
        %swap3A_801 = arith.constant 9 : i32
        %swap3A_802 = arith.index_cast %swap3A_801 : i32 to index
        %swap3A_803 = arith.constant 0 : index
        %swap3A_804 = tpu.vector_load %arg9[%swap3A_802, %swap3A_803] {strides = array<i32>} : memref<16x17xf32, #tpu.memory_space<vmem>>, vector<16xf32>,
        tpu.vector_store %arg9[%swap3A_802, %swap3A_803], %add3A_800 {strides = array<i32>} : memref<16x17xf32, #tpu.memory_space<vmem>>, vector<16xf32>,
        %add3A_805 = arith.constant 10 : i32
        %add3A_806 = arith.addi %mul3A_116, %add3A_805 : i32
        %get3A_807 = arith.index_cast %add3A_806 : i32 to index
        %get3A_808 = arith.constant 0 : index
        %get3A_809 = tpu.vector_load %arg10[%get3A_807, %get3A_808] {strides = array<i32>} : memref<80x128xf32, #tpu.memory_space<vmem>>, vector<16xf32>,
        %get3A_810 = arith.index_cast %add3A_806 : i32 to index
        %get3A_811 = arith.constant 0 : index
        %get3A_812 = tpu.vector_load %arg11[%get3A_810, %get3A_811] {strides = array<i32>} : memref<80x128xf32, #tpu.memory_space<vmem>>, vector<16xf32>,
        %mul3A_813 = arith.mulf %get3A_809, %get3A_812 : vector<16xf32>
        %get3A_814 = arith.index_cast %add3A_806 : i32 to index
        %get3A_815 = arith.constant 16 : index
        %get3A_816 = tpu.vector_load %arg10[%get3A_814, %get3A_815] {strides = array<i32>} : memref<80x128xf32, #tpu.memory_space<vmem>>, vector<16xf32>,
        %get3A_817 = arith.index_cast %add3A_806 : i32 to index
        %get3A_818 = arith.constant 16 : index
        %get3A_819 = tpu.vector_load %arg11[%get3A_817, %get3A_818] {strides = array<i32>} : memref<80x128xf32, #tpu.memory_space<vmem>>, vector<16xf32>,
        %mul3A_820 = arith.mulf %get3A_816, %get3A_819 : vector<16xf32>
        %add3A_821 = arith.addf %mul3A_813, %mul3A_820 : vector<16xf32>
        %get3A_822 = arith.index_cast %add3A_806 : i32 to index
        %get3A_823 = arith.constant 32 : index
        %get3A_824 = tpu.vector_load %arg10[%get3A_822, %get3A_823] {strides = array<i32>} : memref<80x128xf32, #tpu.memory_space<vmem>>, vector<16xf32>,
        %get3A_825 = arith.index_cast %add3A_806 : i32 to index
        %get3A_826 = arith.constant 32 : index
        %get3A_827 = tpu.vector_load %arg11[%get3A_825, %get3A_826] {strides = array<i32>} : memref<80x128xf32, #tpu.memory_space<vmem>>, vector<16xf32>,
        %mul3A_828 = arith.mulf %get3A_824, %get3A_827 : vector<16xf32>
        %add3A_829 = arith.addf %add3A_821, %mul3A_828 : vector<16xf32>
        %get3A_830 = arith.index_cast %add3A_806 : i32 to index
        %get3A_831 = arith.constant 48 : index
        %get3A_832 = tpu.vector_load %arg10[%get3A_830, %get3A_831] {strides = array<i32>} : memref<80x128xf32, #tpu.memory_space<vmem>>, vector<16xf32>,
        %get3A_833 = arith.index_cast %add3A_806 : i32 to index
        %get3A_834 = arith.constant 48 : index
        %get3A_835 = tpu.vector_load %arg11[%get3A_833, %get3A_834] {strides = array<i32>} : memref<80x128xf32, #tpu.memory_space<vmem>>, vector<16xf32>,
        %mul3A_836 = arith.mulf %get3A_832, %get3A_835 : vector<16xf32>
        %add3A_837 = arith.addf %add3A_829, %mul3A_836 : vector<16xf32>
        %get3A_838 = arith.index_cast %add3A_806 : i32 to index
        %get3A_839 = arith.constant 64 : index
        %get3A_840 = tpu.vector_load %arg10[%get3A_838, %get3A_839] {strides = array<i32>} : memref<80x128xf32, #tpu.memory_space<vmem>>, vector<16xf32>,
        %get3A_841 = arith.index_cast %add3A_806 : i32 to index
        %get3A_842 = arith.constant 64 : index
        %get3A_843 = tpu.vector_load %arg11[%get3A_841, %get3A_842] {strides = array<i32>} : memref<80x128xf32, #tpu.memory_space<vmem>>, vector<16xf32>,
        %mul3A_844 = arith.mulf %get3A_840, %get3A_843 : vector<16xf32>
        %add3A_845 = arith.addf %add3A_837, %mul3A_844 : vector<16xf32>
        %get3A_846 = arith.index_cast %add3A_806 : i32 to index
        %get3A_847 = arith.constant 80 : index
        %get3A_848 = tpu.vector_load %arg10[%get3A_846, %get3A_847] {strides = array<i32>} : memref<80x128xf32, #tpu.memory_space<vmem>>, vector<16xf32>,
        %get3A_849 = arith.index_cast %add3A_806 : i32 to index
        %get3A_850 = arith.constant 80 : index
        %get3A_851 = tpu.vector_load %arg11[%get3A_849, %get3A_850] {strides = array<i32>} : memref<80x128xf32, #tpu.memory_space<vmem>>, vector<16xf32>,
        %mul3A_852 = arith.mulf %get3A_848, %get3A_851 : vector<16xf32>
        %add3A_853 = arith.addf %add3A_845, %mul3A_852 : vector<16xf32>
        %get3A_854 = arith.index_cast %add3A_806 : i32 to index
        %get3A_855 = arith.constant 96 : index
        %get3A_856 = tpu.vector_load %arg10[%get3A_854, %get3A_855] {strides = array<i32>} : memref<80x128xf32, #tpu.memory_space<vmem>>, vector<16xf32>,
        %get3A_857 = arith.index_cast %add3A_806 : i32 to index
        %get3A_858 = arith.constant 96 : index
        %get3A_859 = tpu.vector_load %arg11[%get3A_857, %get3A_858] {strides = array<i32>} : memref<80x128xf32, #tpu.memory_space<vmem>>, vector<16xf32>,
        %mul3A_860 = arith.mulf %get3A_856, %get3A_859 : vector<16xf32>
        %add3A_861 = arith.addf %add3A_853, %mul3A_860 : vector<16xf32>
        %get3A_862 = arith.index_cast %add3A_806 : i32 to index
        %get3A_863 = arith.constant 112 : index
        %get3A_864 = tpu.vector_load %arg10[%get3A_862, %get3A_863] {strides = array<i32>} : memref<80x128xf32, #tpu.memory_space<vmem>>, vector<16xf32>,
        %get3A_865 = arith.index_cast %add3A_806 : i32 to index
        %get3A_866 = arith.constant 112 : index
        %get3A_867 = tpu.vector_load %arg11[%get3A_865, %get3A_866] {strides = array<i32>} : memref<80x128xf32, #tpu.memory_space<vmem>>, vector<16xf32>,
        %mul3A_868 = arith.mulf %get3A_864, %get3A_867 : vector<16xf32>
        %add3A_869 = arith.addf %add3A_861, %mul3A_868 : vector<16xf32>
        %swap3A_870 = arith.constant 10 : i32
        %swap3A_871 = arith.index_cast %swap3A_870 : i32 to index
        %swap3A_872 = arith.constant 0 : index
        %swap3A_873 = tpu.vector_load %arg9[%swap3A_871, %swap3A_872] {strides = array<i32>} : memref<16x17xf32, #tpu.memory_space<vmem>>, vector<16xf32>,
        tpu.vector_store %arg9[%swap3A_871, %swap3A_872], %add3A_869 {strides = array<i32>} : memref<16x17xf32, #tpu.memory_space<vmem>>, vector<16xf32>,
        %add3A_874 = arith.constant 11 : i32
        %add3A_875 = arith.addi %mul3A_116, %add3A_874 : i32
        %get3A_876 = arith.index_cast %add3A_875 : i32 to index
        %get3A_877 = arith.constant 0 : index
        %get3A_878 = tpu.vector_load %arg10[%get3A_876, %get3A_877] {strides = array<i32>} : memref<80x128xf32, #tpu.memory_space<vmem>>, vector<16xf32>,
        %get3A_879 = arith.index_cast %add3A_875 : i32 to index
        %get3A_880 = arith.constant 0 : index
        %get3A_881 = tpu.vector_load %arg11[%get3A_879, %get3A_880] {strides = array<i32>} : memref<80x128xf32, #tpu.memory_space<vmem>>, vector<16xf32>,
        %mul3A_882 = arith.mulf %get3A_878, %get3A_881 : vector<16xf32>
        %get3A_883 = arith.index_cast %add3A_875 : i32 to index
        %get3A_884 = arith.constant 16 : index
        %get3A_885 = tpu.vector_load %arg10[%get3A_883, %get3A_884] {strides = array<i32>} : memref<80x128xf32, #tpu.memory_space<vmem>>, vector<16xf32>,
        %get3A_886 = arith.index_cast %add3A_875 : i32 to index
        %get3A_887 = arith.constant 16 : index
        %get3A_888 = tpu.vector_load %arg11[%get3A_886, %get3A_887] {strides = array<i32>} : memref<80x128xf32, #tpu.memory_space<vmem>>, vector<16xf32>,
        %mul3A_889 = arith.mulf %get3A_885, %get3A_888 : vector<16xf32>
        %add3A_890 = arith.addf %mul3A_882, %mul3A_889 : vector<16xf32>
        %get3A_891 = arith.index_cast %add3A_875 : i32 to index
        %get3A_892 = arith.constant 32 : index
        %get3A_893 = tpu.vector_load %arg10[%get3A_891, %get3A_892] {strides = array<i32>} : memref<80x128xf32, #tpu.memory_space<vmem>>, vector<16xf32>,
        %get3A_894 = arith.index_cast %add3A_875 : i32 to index
        %get3A_895 = arith.constant 32 : index
        %get3A_896 = tpu.vector_load %arg11[%get3A_894, %get3A_895] {strides = array<i32>} : memref<80x128xf32, #tpu.memory_space<vmem>>, vector<16xf32>,
        %mul3A_897 = arith.mulf %get3A_893, %get3A_896 : vector<16xf32>
        %add3A_898 = arith.addf %add3A_890, %mul3A_897 : vector<16xf32>
        %get3A_899 = arith.index_cast %add3A_875 : i32 to index
        %get3A_900 = arith.constant 48 : index
        %get3A_901 = tpu.vector_load %arg10[%get3A_899, %get3A_900] {strides = array<i32>} : memref<80x128xf32, #tpu.memory_space<vmem>>, vector<16xf32>,
        %get3A_902 = arith.index_cast %add3A_875 : i32 to index
        %get3A_903 = arith.constant 48 : index
        %get3A_904 = tpu.vector_load %arg11[%get3A_902, %get3A_903] {strides = array<i32>} : memref<80x128xf32, #tpu.memory_space<vmem>>, vector<16xf32>,
        %mul3A_905 = arith.mulf %get3A_901, %get3A_904 : vector<16xf32>
        %add3A_906 = arith.addf %add3A_898, %mul3A_905 : vector<16xf32>
        %get3A_907 = arith.index_cast %add3A_875 : i32 to index
        %get3A_908 = arith.constant 64 : index
        %get3A_909 = tpu.vector_load %arg10[%get3A_907, %get3A_908] {strides = array<i32>} : memref<80x128xf32, #tpu.memory_space<vmem>>, vector<16xf32>,
        %get3A_910 = arith.index_cast %add3A_875 : i32 to index
        %get3A_911 = arith.constant 64 : index
        %get3A_912 = tpu.vector_load %arg11[%get3A_910, %get3A_911] {strides = array<i32>} : memref<80x128xf32, #tpu.memory_space<vmem>>, vector<16xf32>,
        %mul3A_913 = arith.mulf %get3A_909, %get3A_912 : vector<16xf32>
        %add3A_914 = arith.addf %add3A_906, %mul3A_913 : vector<16xf32>
        %get3A_915 = arith.index_cast %add3A_875 : i32 to index
        %get3A_916 = arith.constant 80 : index
        %get3A_917 = tpu.vector_load %arg10[%get3A_915, %get3A_916] {strides = array<i32>} : memref<80x128xf32, #tpu.memory_space<vmem>>, vector<16xf32>,
        %get3A_918 = arith.index_cast %add3A_875 : i32 to index
        %get3A_919 = arith.constant 80 : index
        %get3A_920 = tpu.vector_load %arg11[%get3A_918, %get3A_919] {strides = array<i32>} : memref<80x128xf32, #tpu.memory_space<vmem>>, vector<16xf32>,
        %mul3A_921 = arith.mulf %get3A_917, %get3A_920 : vector<16xf32>
        %add3A_922 = arith.addf %add3A_914, %mul3A_921 : vector<16xf32>
        %get3A_923 = arith.index_cast %add3A_875 : i32 to index
        %get3A_924 = arith.constant 96 : index
        %get3A_925 = tpu.vector_load %arg10[%get3A_923, %get3A_924] {strides = array<i32>} : memref<80x128xf32, #tpu.memory_space<vmem>>, vector<16xf32>,
        %get3A_926 = arith.index_cast %add3A_875 : i32 to index
        %get3A_927 = arith.constant 96 : index
        %get3A_928 = tpu.vector_load %arg11[%get3A_926, %get3A_927] {strides = array<i32>} : memref<80x128xf32, #tpu.memory_space<vmem>>, vector<16xf32>,
        %mul3A_929 = arith.mulf %get3A_925, %get3A_928 : vector<16xf32>
        %add3A_930 = arith.addf %add3A_922, %mul3A_929 : vector<16xf32>
        %get3A_931 = arith.index_cast %add3A_875 : i32 to index
        %get3A_932 = arith.constant 112 : index
        %get3A_933 = tpu.vector_load %arg10[%get3A_931, %get3A_932] {strides = array<i32>} : memref<80x128xf32, #tpu.memory_space<vmem>>, vector<16xf32>,
        %get3A_934 = arith.index_cast %add3A_875 : i32 to index
        %get3A_935 = arith.constant 112 : index
        %get3A_936 = tpu.vector_load %arg11[%get3A_934, %get3A_935] {strides = array<i32>} : memref<80x128xf32, #tpu.memory_space<vmem>>, vector<16xf32>,
        %mul3A_937 = arith.mulf %get3A_933, %get3A_936 : vector<16xf32>
        %add3A_938 = arith.addf %add3A_930, %mul3A_937 : vector<16xf32>
        %swap3A_939 = arith.constant 11 : i32
        %swap3A_940 = arith.index_cast %swap3A_939 : i32 to index
        %swap3A_941 = arith.constant 0 : index
        %swap3A_942 = tpu.vector_load %arg9[%swap3A_940, %swap3A_941] {strides = array<i32>} : memref<16x17xf32, #tpu.memory_space<vmem>>, vector<16xf32>,
        tpu.vector_store %arg9[%swap3A_940, %swap3A_941], %add3A_938 {strides = array<i32>} : memref<16x17xf32, #tpu.memory_space<vmem>>, vector<16xf32>,
        %add3A_943 = arith.constant 12 : i32
        %add3A_944 = arith.addi %mul3A_116, %add3A_943 : i32
        %get3A_945 = arith.index_cast %add3A_944 : i32 to index
        %get3A_946 = arith.constant 0 : index
        %get3A_947 = tpu.vector_load %arg10[%get3A_945, %get3A_946] {strides = array<i32>} : memref<80x128xf32, #tpu.memory_space<vmem>>, vector<16xf32>,
        %get3A_948 = arith.index_cast %add3A_944 : i32 to index
        %get3A_949 = arith.constant 0 : index
        %get3A_950 = tpu.vector_load %arg11[%get3A_948, %get3A_949] {strides = array<i32>} : memref<80x128xf32, #tpu.memory_space<vmem>>, vector<16xf32>,
        %mul3A_951 = arith.mulf %get3A_947, %get3A_950 : vector<16xf32>
        %get3A_952 = arith.index_cast %add3A_944 : i32 to index
        %get3A_953 = arith.constant 16 : index
        %get3A_954 = tpu.vector_load %arg10[%get3A_952, %get3A_953] {strides = array<i32>} : memref<80x128xf32, #tpu.memory_space<vmem>>, vector<16xf32>,
        %get3A_955 = arith.index_cast %add3A_944 : i32 to index
        %get3A_956 = arith.constant 16 : index
        %get3A_957 = tpu.vector_load %arg11[%get3A_955, %get3A_956] {strides = array<i32>} : memref<80x128xf32, #tpu.memory_space<vmem>>, vector<16xf32>,
        %mul3A_958 = arith.mulf %get3A_954, %get3A_957 : vector<16xf32>
        %add3A_959 = arith.addf %mul3A_951, %mul3A_958 : vector<16xf32>
        %get3A_960 = arith.index_cast %add3A_944 : i32 to index
        %get3A_961 = arith.constant 32 : index
        %get3A_962 = tpu.vector_load %arg10[%get3A_960, %get3A_961] {strides = array<i32>} : memref<80x128xf32, #tpu.memory_space<vmem>>, vector<16xf32>,
        %get3A_963 = arith.index_cast %add3A_944 : i32 to index
        %get3A_964 = arith.constant 32 : index
        %get3A_965 = tpu.vector_load %arg11[%get3A_963, %get3A_964] {strides = array<i32>} : memref<80x128xf32, #tpu.memory_space<vmem>>, vector<16xf32>,
        %mul3A_966 = arith.mulf %get3A_962, %get3A_965 : vector<16xf32>
        %add3A_967 = arith.addf %add3A_959, %mul3A_966 : vector<16xf32>
        %get3A_968 = arith.index_cast %add3A_944 : i32 to index
        %get3A_969 = arith.constant 48 : index
        %get3A_970 = tpu.vector_load %arg10[%get3A_968, %get3A_969] {strides = array<i32>} : memref<80x128xf32, #tpu.memory_space<vmem>>, vector<16xf32>,
        %get3A_971 = arith.index_cast %add3A_944 : i32 to index
        %get3A_972 = arith.constant 48 : index
        %get3A_973 = tpu.vector_load %arg11[%get3A_971, %get3A_972] {strides = array<i32>} : memref<80x128xf32, #tpu.memory_space<vmem>>, vector<16xf32>,
        %mul3A_974 = arith.mulf %get3A_970, %get3A_973 : vector<16xf32>
        %add3A_975 = arith.addf %add3A_967, %mul3A_974 : vector<16xf32>
        %get3A_976 = arith.index_cast %add3A_944 : i32 to index
        %get3A_977 = arith.constant 64 : index
        %get3A_978 = tpu.vector_load %arg10[%get3A_976, %get3A_977] {strides = array<i32>} : memref<80x128xf32, #tpu.memory_space<vmem>>, vector<16xf32>,
        %get3A_979 = arith.index_cast %add3A_944 : i32 to index
        %get3A_980 = arith.constant 64 : index
        %get3A_981 = tpu.vector_load %arg11[%get3A_979, %get3A_980] {strides = array<i32>} : memref<80x128xf32, #tpu.memory_space<vmem>>, vector<16xf32>,
        %mul3A_982 = arith.mulf %get3A_978, %get3A_981 : vector<16xf32>
        %add3A_983 = arith.addf %add3A_975, %mul3A_982 : vector<16xf32>
        %get3A_984 = arith.index_cast %add3A_944 : i32 to index
        %get3A_985 = arith.constant 80 : index
        %get3A_986 = tpu.vector_load %arg10[%get3A_984, %get3A_985] {strides = array<i32>} : memref<80x128xf32, #tpu.memory_space<vmem>>, vector<16xf32>,
        %get3A_987 = arith.index_cast %add3A_944 : i32 to index
        %get3A_988 = arith.constant 80 : index
        %get3A_989 = tpu.vector_load %arg11[%get3A_987, %get3A_988] {strides = array<i32>} : memref<80x128xf32, #tpu.memory_space<vmem>>, vector<16xf32>,
        %mul3A_990 = arith.mulf %get3A_986, %get3A_989 : vector<16xf32>
        %add3A_991 = arith.addf %add3A_983, %mul3A_990 : vector<16xf32>
        %get3A_992 = arith.index_cast %add3A_944 : i32 to index
        %get3A_993 = arith.constant 96 : index
        %get3A_994 = tpu.vector_load %arg10[%get3A_992, %get3A_993] {strides = array<i32>} : memref<80x128xf32, #tpu.memory_space<vmem>>, vector<16xf32>,
        %get3A_995 = arith.index_cast %add3A_944 : i32 to index
        %get3A_996 = arith.constant 96 : index
        %get3A_997 = tpu.vector_load %arg11[%get3A_995, %get3A_996] {strides = array<i32>} : memref<80x128xf32, #tpu.memory_space<vmem>>, vector<16xf32>,
        %mul3A_998 = arith.mulf %get3A_994, %get3A_997 : vector<16xf32>
        %add3A_999 = arith.addf %add3A_991, %mul3A_998 : vector<16xf32>
        %get3A_1000 = arith.index_cast %add3A_944 : i32 to index
        %get3A_1001 = arith.constant 112 : index
        %get3A_1002 = tpu.vector_load %arg10[%get3A_1000, %get3A_1001] {strides = array<i32>} : memref<80x128xf32, #tpu.memory_space<vmem>>, vector<16xf32>,
        %get3A_1003 = arith.index_cast %add3A_944 : i32 to index
        %get3A_1004 = arith.constant 112 : index
        %get3A_1005 = tpu.vector_load %arg11[%get3A_1003, %get3A_1004] {strides = array<i32>} : memref<80x128xf32, #tpu.memory_space<vmem>>, vector<16xf32>,
        %mul3A_1006 = arith.mulf %get3A_1002, %get3A_1005 : vector<16xf32>
        %add3A_1007 = arith.addf %add3A_999, %mul3A_1006 : vector<16xf32>
        %swap3A_1008 = arith.constant 12 : i32
        %swap3A_1009 = arith.index_cast %swap3A_1008 : i32 to index
        %swap3A_1010 = arith.constant 0 : index
        %swap3A_1011 = tpu.vector_load %arg9[%swap3A_1009, %swap3A_1010] {strides = array<i32>} : memref<16x17xf32, #tpu.memory_space<vmem>>, vector<16xf32>,
        tpu.vector_store %arg9[%swap3A_1009, %swap3A_1010], %add3A_1007 {strides = array<i32>} : memref<16x17xf32, #tpu.memory_space<vmem>>, vector<16xf32>,
        %add3A_1012 = arith.constant 13 : i32
        %add3A_1013 = arith.addi %mul3A_116, %add3A_1012 : i32
        %get3A_1014 = arith.index_cast %add3A_1013 : i32 to index
        %get3A_1015 = arith.constant 0 : index
        %get3A_1016 = tpu.vector_load %arg10[%get3A_1014, %get3A_1015] {strides = array<i32>} : memref<80x128xf32, #tpu.memory_space<vmem>>, vector<16xf32>,
        %get3A_1017 = arith.index_cast %add3A_1013 : i32 to index
        %get3A_1018 = arith.constant 0 : index
        %get3A_1019 = tpu.vector_load %arg11[%get3A_1017, %get3A_1018] {strides = array<i32>} : memref<80x128xf32, #tpu.memory_space<vmem>>, vector<16xf32>,
        %mul3A_1020 = arith.mulf %get3A_1016, %get3A_1019 : vector<16xf32>
        %get3A_1021 = arith.index_cast %add3A_1013 : i32 to index
        %get3A_1022 = arith.constant 16 : index
        %get3A_1023 = tpu.vector_load %arg10[%get3A_1021, %get3A_1022] {strides = array<i32>} : memref<80x128xf32, #tpu.memory_space<vmem>>, vector<16xf32>,
        %get3A_1024 = arith.index_cast %add3A_1013 : i32 to index
        %get3A_1025 = arith.constant 16 : index
        %get3A_1026 = tpu.vector_load %arg11[%get3A_1024, %get3A_1025] {strides = array<i32>} : memref<80x128xf32, #tpu.memory_space<vmem>>, vector<16xf32>,
        %mul3A_1027 = arith.mulf %get3A_1023, %get3A_1026 : vector<16xf32>
        %add3A_1028 = arith.addf %mul3A_1020, %mul3A_1027 : vector<16xf32>
        %get3A_1029 = arith.index_cast %add3A_1013 : i32 to index
        %get3A_1030 = arith.constant 32 : index
        %get3A_1031 = tpu.vector_load %arg10[%get3A_1029, %get3A_1030] {strides = array<i32>} : memref<80x128xf32, #tpu.memory_space<vmem>>, vector<16xf32>,
        %get3A_1032 = arith.index_cast %add3A_1013 : i32 to index
        %get3A_1033 = arith.constant 32 : index
        %get3A_1034 = tpu.vector_load %arg11[%get3A_1032, %get3A_1033] {strides = array<i32>} : memref<80x128xf32, #tpu.memory_space<vmem>>, vector<16xf32>,
        %mul3A_1035 = arith.mulf %get3A_1031, %get3A_1034 : vector<16xf32>
        %add3A_1036 = arith.addf %add3A_1028, %mul3A_1035 : vector<16xf32>
        %get3A_1037 = arith.index_cast %add3A_1013 : i32 to index
        %get3A_1038 = arith.constant 48 : index
        %get3A_1039 = tpu.vector_load %arg10[%get3A_1037, %get3A_1038] {strides = array<i32>} : memref<80x128xf32, #tpu.memory_space<vmem>>, vector<16xf32>,
        %get3A_1040 = arith.index_cast %add3A_1013 : i32 to index
        %get3A_1041 = arith.constant 48 : index
        %get3A_1042 = tpu.vector_load %arg11[%get3A_1040, %get3A_1041] {strides = array<i32>} : memref<80x128xf32, #tpu.memory_space<vmem>>, vector<16xf32>,
        %mul3A_1043 = arith.mulf %get3A_1039, %get3A_1042 : vector<16xf32>
        %add3A_1044 = arith.addf %add3A_1036, %mul3A_1043 : vector<16xf32>
        %get3A_1045 = arith.index_cast %add3A_1013 : i32 to index
        %get3A_1046 = arith.constant 64 : index
        %get3A_1047 = tpu.vector_load %arg10[%get3A_1045, %get3A_1046] {strides = array<i32>} : memref<80x128xf32, #tpu.memory_space<vmem>>, vector<16xf32>,
        %get3A_1048 = arith.index_cast %add3A_1013 : i32 to index
        %get3A_1049 = arith.constant 64 : index
        %get3A_1050 = tpu.vector_load %arg11[%get3A_1048, %get3A_1049] {strides = array<i32>} : memref<80x128xf32, #tpu.memory_space<vmem>>, vector<16xf32>,
        %mul3A_1051 = arith.mulf %get3A_1047, %get3A_1050 : vector<16xf32>
        %add3A_1052 = arith.addf %add3A_1044, %mul3A_1051 : vector<16xf32>
        %get3A_1053 = arith.index_cast %add3A_1013 : i32 to index
        %get3A_1054 = arith.constant 80 : index
        %get3A_1055 = tpu.vector_load %arg10[%get3A_1053, %get3A_1054] {strides = array<i32>} : memref<80x128xf32, #tpu.memory_space<vmem>>, vector<16xf32>,
        %get3A_1056 = arith.index_cast %add3A_1013 : i32 to index
        %get3A_1057 = arith.constant 80 : index
        %get3A_1058 = tpu.vector_load %arg11[%get3A_1056, %get3A_1057] {strides = array<i32>} : memref<80x128xf32, #tpu.memory_space<vmem>>, vector<16xf32>,
        %mul3A_1059 = arith.mulf %get3A_1055, %get3A_1058 : vector<16xf32>
        %add3A_1060 = arith.addf %add3A_1052, %mul3A_1059 : vector<16xf32>
        %get3A_1061 = arith.index_cast %add3A_1013 : i32 to index
        %get3A_1062 = arith.constant 96 : index
        %get3A_1063 = tpu.vector_load %arg10[%get3A_1061, %get3A_1062] {strides = array<i32>} : memref<80x128xf32, #tpu.memory_space<vmem>>, vector<16xf32>,
        %get3A_1064 = arith.index_cast %add3A_1013 : i32 to index
        %get3A_1065 = arith.constant 96 : index
        %get3A_1066 = tpu.vector_load %arg11[%get3A_1064, %get3A_1065] {strides = array<i32>} : memref<80x128xf32, #tpu.memory_space<vmem>>, vector<16xf32>,
        %mul3A_1067 = arith.mulf %get3A_1063, %get3A_1066 : vector<16xf32>
        %add3A_1068 = arith.addf %add3A_1060, %mul3A_1067 : vector<16xf32>
        %get3A_1069 = arith.index_cast %add3A_1013 : i32 to index
        %get3A_1070 = arith.constant 112 : index
        %get3A_1071 = tpu.vector_load %arg10[%get3A_1069, %get3A_1070] {strides = array<i32>} : memref<80x128xf32, #tpu.memory_space<vmem>>, vector<16xf32>,
        %get3A_1072 = arith.index_cast %add3A_1013 : i32 to index
        %get3A_1073 = arith.constant 112 : index
        %get3A_1074 = tpu.vector_load %arg11[%get3A_1072, %get3A_1073] {strides = array<i32>} : memref<80x128xf32, #tpu.memory_space<vmem>>, vector<16xf32>,
        %mul3A_1075 = arith.mulf %get3A_1071, %get3A_1074 : vector<16xf32>
        %add3A_1076 = arith.addf %add3A_1068, %mul3A_1075 : vector<16xf32>
        %swap3A_1077 = arith.constant 13 : i32
        %swap3A_1078 = arith.index_cast %swap3A_1077 : i32 to index
        %swap3A_1079 = arith.constant 0 : index
        %swap3A_1080 = tpu.vector_load %arg9[%swap3A_1078, %swap3A_1079] {strides = array<i32>} : memref<16x17xf32, #tpu.memory_space<vmem>>, vector<16xf32>,
        tpu.vector_store %arg9[%swap3A_1078, %swap3A_1079], %add3A_1076 {strides = array<i32>} : memref<16x17xf32, #tpu.memory_space<vmem>>, vector<16xf32>,
        %add3A_1081 = arith.constant 14 : i32
        %add3A_1082 = arith.addi %mul3A_116, %add3A_1081 : i32
        %get3A_1083 = arith.index_cast %add3A_1082 : i32 to index
        %get3A_1084 = arith.constant 0 : index
        %get3A_1085 = tpu.vector_load %arg10[%get3A_1083, %get3A_1084] {strides = array<i32>} : memref<80x128xf32, #tpu.memory_space<vmem>>, vector<16xf32>,
        %get3A_1086 = arith.index_cast %add3A_1082 : i32 to index
        %get3A_1087 = arith.constant 0 : index
        %get3A_1088 = tpu.vector_load %arg11[%get3A_1086, %get3A_1087] {strides = array<i32>} : memref<80x128xf32, #tpu.memory_space<vmem>>, vector<16xf32>,
        %mul3A_1089 = arith.mulf %get3A_1085, %get3A_1088 : vector<16xf32>
        %get3A_1090 = arith.index_cast %add3A_1082 : i32 to index
        %get3A_1091 = arith.constant 16 : index
        %get3A_1092 = tpu.vector_load %arg10[%get3A_1090, %get3A_1091] {strides = array<i32>} : memref<80x128xf32, #tpu.memory_space<vmem>>, vector<16xf32>,
        %get3A_1093 = arith.index_cast %add3A_1082 : i32 to index
        %get3A_1094 = arith.constant 16 : index
        %get3A_1095 = tpu.vector_load %arg11[%get3A_1093, %get3A_1094] {strides = array<i32>} : memref<80x128xf32, #tpu.memory_space<vmem>>, vector<16xf32>,
        %mul3A_1096 = arith.mulf %get3A_1092, %get3A_1095 : vector<16xf32>
        %add3A_1097 = arith.addf %mul3A_1089, %mul3A_1096 : vector<16xf32>
        %get3A_1098 = arith.index_cast %add3A_1082 : i32 to index
        %get3A_1099 = arith.constant 32 : index
        %get3A_1100 = tpu.vector_load %arg10[%get3A_1098, %get3A_1099] {strides = array<i32>} : memref<80x128xf32, #tpu.memory_space<vmem>>, vector<16xf32>,
        %get3A_1101 = arith.index_cast %add3A_1082 : i32 to index
        %get3A_1102 = arith.constant 32 : index
        %get3A_1103 = tpu.vector_load %arg11[%get3A_1101, %get3A_1102] {strides = array<i32>} : memref<80x128xf32, #tpu.memory_space<vmem>>, vector<16xf32>,
        %mul3A_1104 = arith.mulf %get3A_1100, %get3A_1103 : vector<16xf32>
        %add3A_1105 = arith.addf %add3A_1097, %mul3A_1104 : vector<16xf32>
        %get3A_1106 = arith.index_cast %add3A_1082 : i32 to index
        %get3A_1107 = arith.constant 48 : index
        %get3A_1108 = tpu.vector_load %arg10[%get3A_1106, %get3A_1107] {strides = array<i32>} : memref<80x128xf32, #tpu.memory_space<vmem>>, vector<16xf32>,
        %get3A_1109 = arith.index_cast %add3A_1082 : i32 to index
        %get3A_1110 = arith.constant 48 : index
        %get3A_1111 = tpu.vector_load %arg11[%get3A_1109, %get3A_1110] {strides = array<i32>} : memref<80x128xf32, #tpu.memory_space<vmem>>, vector<16xf32>,
        %mul3A_1112 = arith.mulf %get3A_1108, %get3A_1111 : vector<16xf32>
        %add3A_1113 = arith.addf %add3A_1105, %mul3A_1112 : vector<16xf32>
        %get3A_1114 = arith.index_cast %add3A_1082 : i32 to index
        %get3A_1115 = arith.constant 64 : index
        %get3A_1116 = tpu.vector_load %arg10[%get3A_1114, %get3A_1115] {strides = array<i32>} : memref<80x128xf32, #tpu.memory_space<vmem>>, vector<16xf32>,
        %get3A_1117 = arith.index_cast %add3A_1082 : i32 to index
        %get3A_1118 = arith.constant 64 : index
        %get3A_1119 = tpu.vector_load %arg11[%get3A_1117, %get3A_1118] {strides = array<i32>} : memref<80x128xf32, #tpu.memory_space<vmem>>, vector<16xf32>,
        %mul3A_1120 = arith.mulf %get3A_1116, %get3A_1119 : vector<16xf32>
        %add3A_1121 = arith.addf %add3A_1113, %mul3A_1120 : vector<16xf32>
        %get3A_1122 = arith.index_cast %add3A_1082 : i32 to index
        %get3A_1123 = arith.constant 80 : index
        %get3A_1124 = tpu.vector_load %arg10[%get3A_1122, %get3A_1123] {strides = array<i32>} : memref<80x128xf32, #tpu.memory_space<vmem>>, vector<16xf32>,
        %get3A_1125 = arith.index_cast %add3A_1082 : i32 to index
        %get3A_1126 = arith.constant 80 : index
        %get3A_1127 = tpu.vector_load %arg11[%get3A_1125, %get3A_1126] {strides = array<i32>} : memref<80x128xf32, #tpu.memory_space<vmem>>, vector<16xf32>,
        %mul3A_1128 = arith.mulf %get3A_1124, %get3A_1127 : vector<16xf32>
        %add3A_1129 = arith.addf %add3A_1121, %mul3A_1128 : vector<16xf32>
        %get3A_1130 = arith.index_cast %add3A_1082 : i32 to index
        %get3A_1131 = arith.constant 96 : index
        %get3A_1132 = tpu.vector_load %arg10[%get3A_1130, %get3A_1131] {strides = array<i32>} : memref<80x128xf32, #tpu.memory_space<vmem>>, vector<16xf32>,
        %get3A_1133 = arith.index_cast %add3A_1082 : i32 to index
        %get3A_1134 = arith.constant 96 : index
        %get3A_1135 = tpu.vector_load %arg11[%get3A_1133, %get3A_1134] {strides = array<i32>} : memref<80x128xf32, #tpu.memory_space<vmem>>, vector<16xf32>,
        %mul3A_1136 = arith.mulf %get3A_1132, %get3A_1135 : vector<16xf32>
        %add3A_1137 = arith.addf %add3A_1129, %mul3A_1136 : vector<16xf32>
        %get3A_1138 = arith.index_cast %add3A_1082 : i32 to index
        %get3A_1139 = arith.constant 112 : index
        %get3A_1140 = tpu.vector_load %arg10[%get3A_1138, %get3A_1139] {strides = array<i32>} : memref<80x128xf32, #tpu.memory_space<vmem>>, vector<16xf32>,
        %get3A_1141 = arith.index_cast %add3A_1082 : i32 to index
        %get3A_1142 = arith.constant 112 : index
        %get3A_1143 = tpu.vector_load %arg11[%get3A_1141, %get3A_1142] {strides = array<i32>} : memref<80x128xf32, #tpu.memory_space<vmem>>, vector<16xf32>,
        %mul3A_1144 = arith.mulf %get3A_1140, %get3A_1143 : vector<16xf32>
        %add3A_1145 = arith.addf %add3A_1137, %mul3A_1144 : vector<16xf32>
        %swap3A_1146 = arith.constant 14 : i32
        %swap3A_1147 = arith.index_cast %swap3A_1146 : i32 to index
        %swap3A_1148 = arith.constant 0 : index
        %swap3A_1149 = tpu.vector_load %arg9[%swap3A_1147, %swap3A_1148] {strides = array<i32>} : memref<16x17xf32, #tpu.memory_space<vmem>>, vector<16xf32>,
        tpu.vector_store %arg9[%swap3A_1147, %swap3A_1148], %add3A_1145 {strides = array<i32>} : memref<16x17xf32, #tpu.memory_space<vmem>>, vector<16xf32>,
        %add3A_1150 = arith.constant 15 : i32
        %add3A_1151 = arith.addi %mul3A_116, %add3A_1150 : i32
        %get3A_1152 = arith.index_cast %add3A_1151 : i32 to index
        %get3A_1153 = arith.constant 0 : index
        %get3A_1154 = tpu.vector_load %arg10[%get3A_1152, %get3A_1153] {strides = array<i32>} : memref<80x128xf32, #tpu.memory_space<vmem>>, vector<16xf32>,
        %get3A_1155 = arith.index_cast %add3A_1151 : i32 to index
        %get3A_1156 = arith.constant 0 : index
        %get3A_1157 = tpu.vector_load %arg11[%get3A_1155, %get3A_1156] {strides = array<i32>} : memref<80x128xf32, #tpu.memory_space<vmem>>, vector<16xf32>,
        %mul3A_1158 = arith.mulf %get3A_1154, %get3A_1157 : vector<16xf32>
        %get3A_1159 = arith.index_cast %add3A_1151 : i32 to index
        %get3A_1160 = arith.constant 16 : index
        %get3A_1161 = tpu.vector_load %arg10[%get3A_1159, %get3A_1160] {strides = array<i32>} : memref<80x128xf32, #tpu.memory_space<vmem>>, vector<16xf32>,
        %get3A_1162 = arith.index_cast %add3A_1151 : i32 to index
        %get3A_1163 = arith.constant 16 : index
        %get3A_1164 = tpu.vector_load %arg11[%get3A_1162, %get3A_1163] {strides = array<i32>} : memref<80x128xf32, #tpu.memory_space<vmem>>, vector<16xf32>,
        %mul3A_1165 = arith.mulf %get3A_1161, %get3A_1164 : vector<16xf32>
        %add3A_1166 = arith.addf %mul3A_1158, %mul3A_1165 : vector<16xf32>
        %get3A_1167 = arith.index_cast %add3A_1151 : i32 to index
        %get3A_1168 = arith.constant 32 : index
        %get3A_1169 = tpu.vector_load %arg10[%get3A_1167, %get3A_1168] {strides = array<i32>} : memref<80x128xf32, #tpu.memory_space<vmem>>, vector<16xf32>,
        %get3A_1170 = arith.index_cast %add3A_1151 : i32 to index
        %get3A_1171 = arith.constant 32 : index
        %get3A_1172 = tpu.vector_load %arg11[%get3A_1170, %get3A_1171] {strides = array<i32>} : memref<80x128xf32, #tpu.memory_space<vmem>>, vector<16xf32>,
        %mul3A_1173 = arith.mulf %get3A_1169, %get3A_1172 : vector<16xf32>
        %add3A_1174 = arith.addf %add3A_1166, %mul3A_1173 : vector<16xf32>
        %get3A_1175 = arith.index_cast %add3A_1151 : i32 to index
        %get3A_1176 = arith.constant 48 : index
        %get3A_1177 = tpu.vector_load %arg10[%get3A_1175, %get3A_1176] {strides = array<i32>} : memref<80x128xf32, #tpu.memory_space<vmem>>, vector<16xf32>,
        %get3A_1178 = arith.index_cast %add3A_1151 : i32 to index
        %get3A_1179 = arith.constant 48 : index
        %get3A_1180 = tpu.vector_load %arg11[%get3A_1178, %get3A_1179] {strides = array<i32>} : memref<80x128xf32, #tpu.memory_space<vmem>>, vector<16xf32>,
        %mul3A_1181 = arith.mulf %get3A_1177, %get3A_1180 : vector<16xf32>
        %add3A_1182 = arith.addf %add3A_1174, %mul3A_1181 : vector<16xf32>
        %get3A_1183 = arith.index_cast %add3A_1151 : i32 to index
        %get3A_1184 = arith.constant 64 : index
        %get3A_1185 = tpu.vector_load %arg10[%get3A_1183, %get3A_1184] {strides = array<i32>} : memref<80x128xf32, #tpu.memory_space<vmem>>, vector<16xf32>,
        %get3A_1186 = arith.index_cast %add3A_1151 : i32 to index
        %get3A_1187 = arith.constant 64 : index
        %get3A_1188 = tpu.vector_load %arg11[%get3A_1186, %get3A_1187] {strides = array<i32>} : memref<80x128xf32, #tpu.memory_space<vmem>>, vector<16xf32>,
        %mul3A_1189 = arith.mulf %get3A_1185, %get3A_1188 : vector<16xf32>
        %add3A_1190 = arith.addf %add3A_1182, %mul3A_1189 : vector<16xf32>
        %get3A_1191 = arith.index_cast %add3A_1151 : i32 to index
        %get3A_1192 = arith.constant 80 : index
        %get3A_1193 = tpu.vector_load %arg10[%get3A_1191, %get3A_1192] {strides = array<i32>} : memref<80x128xf32, #tpu.memory_space<vmem>>, vector<16xf32>,
        %get3A_1194 = arith.index_cast %add3A_1151 : i32 to index
        %get3A_1195 = arith.constant 80 : index
        %get3A_1196 = tpu.vector_load %arg11[%get3A_1194, %get3A_1195] {strides = array<i32>} : memref<80x128xf32, #tpu.memory_space<vmem>>, vector<16xf32>,
        %mul3A_1197 = arith.mulf %get3A_1193, %get3A_1196 : vector<16xf32>
        %add3A_1198 = arith.addf %add3A_1190, %mul3A_1197 : vector<16xf32>
        %get3A_1199 = arith.index_cast %add3A_1151 : i32 to index
        %get3A_1200 = arith.constant 96 : index
        %get3A_1201 = tpu.vector_load %arg10[%get3A_1199, %get3A_1200] {strides = array<i32>} : memref<80x128xf32, #tpu.memory_space<vmem>>, vector<16xf32>,
        %get3A_1202 = arith.index_cast %add3A_1151 : i32 to index
        %get3A_1203 = arith.constant 96 : index
        %get3A_1204 = tpu.vector_load %arg11[%get3A_1202, %get3A_1203] {strides = array<i32>} : memref<80x128xf32, #tpu.memory_space<vmem>>, vector<16xf32>,
        %mul3A_1205 = arith.mulf %get3A_1201, %get3A_1204 : vector<16xf32>
        %add3A_1206 = arith.addf %add3A_1198, %mul3A_1205 : vector<16xf32>
        %get3A_1207 = arith.index_cast %add3A_1151 : i32 to index
        %get3A_1208 = arith.constant 112 : index
        %get3A_1209 = tpu.vector_load %arg10[%get3A_1207, %get3A_1208] {strides = array<i32>} : memref<80x128xf32, #tpu.memory_space<vmem>>, vector<16xf32>,
        %get3A_1210 = arith.index_cast %add3A_1151 : i32 to index
        %get3A_1211 = arith.constant 112 : index
        %get3A_1212 = tpu.vector_load %arg11[%get3A_1210, %get3A_1211] {strides = array<i32>} : memref<80x128xf32, #tpu.memory_space<vmem>>, vector<16xf32>,
        %mul3A_1213 = arith.mulf %get3A_1209, %get3A_1212 : vector<16xf32>
        %add3A_1214 = arith.addf %add3A_1206, %mul3A_1213 : vector<16xf32>
        %swap3A_1215 = arith.constant 15 : i32
        %swap3A_1216 = arith.index_cast %swap3A_1215 : i32 to index
        %swap3A_1217 = arith.constant 0 : index
        %swap3A_1218 = tpu.vector_load %arg9[%swap3A_1216, %swap3A_1217] {strides = array<i32>} : memref<16x17xf32, #tpu.memory_space<vmem>>, vector<16xf32>,
        tpu.vector_store %arg9[%swap3A_1216, %swap3A_1217], %add3A_1214 {strides = array<i32>} : memref<16x17xf32, #tpu.memory_space<vmem>>, vector<16xf32>,
        %broadcast_in_dim3A = arith.constant 0 : i32
        %broadcast_in_dim3A_1219 = vector.broadcast %broadcast_in_dim3A : i32 to vector<16xi32>
        %gather3A = tpu.vector_load_idx %arg9[%iota3A_66, %broadcast_in_dim3A_1219] : memref<16x17xf32, #tpu.memory_space<vmem>>[vector<16xi32>, vector<16xi32>], vector<16xf32>,
        %broadcast_in_dim3A_1220 = arith.constant 1 : i32
        %broadcast_in_dim3A_1221 = vector.broadcast %broadcast_in_dim3A_1220 : i32 to vector<16xi32>
        %gather3A_1222 = tpu.vector_load_idx %arg9[%iota3A_66, %broadcast_in_dim3A_1221] : memref<16x17xf32, #tpu.memory_space<vmem>>[vector<16xi32>, vector<16xi32>], vector<16xf32>,
        %add3A_1223 = arith.addf %gather3A, %gather3A_1222 : vector<16xf32>
        %broadcast_in_dim3A_1224 = arith.constant 2 : i32
        %broadcast_in_dim3A_1225 = vector.broadcast %broadcast_in_dim3A_1224 : i32 to vector<16xi32>
        %gather3A_1226 = tpu.vector_load_idx %arg9[%iota3A_66, %broadcast_in_dim3A_1225] : memref<16x17xf32, #tpu.memory_space<vmem>>[vector<16xi32>, vector<16xi32>], vector<16xf32>,
        %add3A_1227 = arith.addf %add3A_1223, %gather3A_1226 : vector<16xf32>
        %broadcast_in_dim3A_1228 = arith.constant 3 : i32
        %broadcast_in_dim3A_1229 = vector.broadcast %broadcast_in_dim3A_1228 : i32 to vector<16xi32>
        %gather3A_1230 = tpu.vector_load_idx %arg9[%iota3A_66, %broadcast_in_dim3A_1229] : memref<16x17xf32, #tpu.memory_space<vmem>>[vector<16xi32>, vector<16xi32>], vector<16xf32>,
        %add3A_1231 = arith.addf %add3A_1227, %gather3A_1230 : vector<16xf32>
        %broadcast_in_dim3A_1232 = arith.constant 4 : i32
        %broadcast_in_dim3A_1233 = vector.broadcast %broadcast_in_dim3A_1232 : i32 to vector<16xi32>
        %gather3A_1234 = tpu.vector_load_idx %arg9[%iota3A_66, %broadcast_in_dim3A_1233] : memref<16x17xf32, #tpu.memory_space<vmem>>[vector<16xi32>, vector<16xi32>], vector<16xf32>,
        %add3A_1235 = arith.addf %add3A_1231, %gather3A_1234 : vector<16xf32>
        %broadcast_in_dim3A_1236 = arith.constant 5 : i32
        %broadcast_in_dim3A_1237 = vector.broadcast %broadcast_in_dim3A_1236 : i32 to vector<16xi32>
        %gather3A_1238 = tpu.vector_load_idx %arg9[%iota3A_66, %broadcast_in_dim3A_1237] : memref<16x17xf32, #tpu.memory_space<vmem>>[vector<16xi32>, vector<16xi32>], vector<16xf32>,
        %add3A_1239 = arith.addf %add3A_1235, %gather3A_1238 : vector<16xf32>
        %broadcast_in_dim3A_1240 = arith.constant 6 : i32
        %broadcast_in_dim3A_1241 = vector.broadcast %broadcast_in_dim3A_1240 : i32 to vector<16xi32>
        %gather3A_1242 = tpu.vector_load_idx %arg9[%iota3A_66, %broadcast_in_dim3A_1241] : memref<16x17xf32, #tpu.memory_space<vmem>>[vector<16xi32>, vector<16xi32>], vector<16xf32>,
        %add3A_1243 = arith.addf %add3A_1239, %gather3A_1242 : vector<16xf32>
        %broadcast_in_dim3A_1244 = arith.constant 7 : i32
        %broadcast_in_dim3A_1245 = vector.broadcast %broadcast_in_dim3A_1244 : i32 to vector<16xi32>
        %gather3A_1246 = tpu.vector_load_idx %arg9[%iota3A_66, %broadcast_in_dim3A_1245] : memref<16x17xf32, #tpu.memory_space<vmem>>[vector<16xi32>, vector<16xi32>], vector<16xf32>,
        %add3A_1247 = arith.addf %add3A_1243, %gather3A_1246 : vector<16xf32>
        %broadcast_in_dim3A_1248 = arith.constant 8 : i32
        %broadcast_in_dim3A_1249 = vector.broadcast %broadcast_in_dim3A_1248 : i32 to vector<16xi32>
        %gather3A_1250 = tpu.vector_load_idx %arg9[%iota3A_66, %broadcast_in_dim3A_1249] : memref<16x17xf32, #tpu.memory_space<vmem>>[vector<16xi32>, vector<16xi32>], vector<16xf32>,
        %add3A_1251 = arith.addf %add3A_1247, %gather3A_1250 : vector<16xf32>
        %broadcast_in_dim3A_1252 = arith.constant 9 : i32
        %broadcast_in_dim3A_1253 = vector.broadcast %broadcast_in_dim3A_1252 : i32 to vector<16xi32>
        %gather3A_1254 = tpu.vector_load_idx %arg9[%iota3A_66, %broadcast_in_dim3A_1253] : memref<16x17xf32, #tpu.memory_space<vmem>>[vector<16xi32>, vector<16xi32>], vector<16xf32>,
        %add3A_1255 = arith.addf %add3A_1251, %gather3A_1254 : vector<16xf32>
        %broadcast_in_dim3A_1256 = arith.constant 10 : i32
        %broadcast_in_dim3A_1257 = vector.broadcast %broadcast_in_dim3A_1256 : i32 to vector<16xi32>
        %gather3A_1258 = tpu.vector_load_idx %arg9[%iota3A_66, %broadcast_in_dim3A_1257] : memref<16x17xf32, #tpu.memory_space<vmem>>[vector<16xi32>, vector<16xi32>], vector<16xf32>,
        %add3A_1259 = arith.addf %add3A_1255, %gather3A_1258 : vector<16xf32>
        %broadcast_in_dim3A_1260 = arith.constant 11 : i32
        %broadcast_in_dim3A_1261 = vector.broadcast %broadcast_in_dim3A_1260 : i32 to vector<16xi32>
        %gather3A_1262 = tpu.vector_load_idx %arg9[%iota3A_66, %broadcast_in_dim3A_1261] : memref<16x17xf32, #tpu.memory_space<vmem>>[vector<16xi32>, vector<16xi32>], vector<16xf32>,
        %add3A_1263 = arith.addf %add3A_1259, %gather3A_1262 : vector<16xf32>
        %broadcast_in_dim3A_1264 = arith.constant 12 : i32
        %broadcast_in_dim3A_1265 = vector.broadcast %broadcast_in_dim3A_1264 : i32 to vector<16xi32>
        %gather3A_1266 = tpu.vector_load_idx %arg9[%iota3A_66, %broadcast_in_dim3A_1265] : memref<16x17xf32, #tpu.memory_space<vmem>>[vector<16xi32>, vector<16xi32>], vector<16xf32>,
        %add3A_1267 = arith.addf %add3A_1263, %gather3A_1266 : vector<16xf32>
        %broadcast_in_dim3A_1268 = arith.constant 13 : i32
        %broadcast_in_dim3A_1269 = vector.broadcast %broadcast_in_dim3A_1268 : i32 to vector<16xi32>
        %gather3A_1270 = tpu.vector_load_idx %arg9[%iota3A_66, %broadcast_in_dim3A_1269] : memref<16x17xf32, #tpu.memory_space<vmem>>[vector<16xi32>, vector<16xi32>], vector<16xf32>,
        %add3A_1271 = arith.addf %add3A_1267, %gather3A_1270 : vector<16xf32>
        %broadcast_in_dim3A_1272 = arith.constant 14 : i32
        %broadcast_in_dim3A_1273 = vector.broadcast %broadcast_in_dim3A_1272 : i32 to vector<16xi32>
        %gather3A_1274 = tpu.vector_load_idx %arg9[%iota3A_66, %broadcast_in_dim3A_1273] : memref<16x17xf32, #tpu.memory_space<vmem>>[vector<16xi32>, vector<16xi32>], vector<16xf32>,
        %add3A_1275 = arith.addf %add3A_1271, %gather3A_1274 : vector<16xf32>
        %broadcast_in_dim3A_1276 = arith.constant 15 : i32
        %broadcast_in_dim3A_1277 = vector.broadcast %broadcast_in_dim3A_1276 : i32 to vector<16xi32>
        %gather3A_1278 = tpu.vector_load_idx %arg9[%iota3A_66, %broadcast_in_dim3A_1277] : memref<16x17xf32, #tpu.memory_space<vmem>>[vector<16xi32>, vector<16xi32>], vector<16xf32>,
        %add3A_1279 = arith.addf %add3A_1275, %gather3A_1278 : vector<16xf32>
        %add3A_1280 = arith.addi %mul3A_65, %mul3A_116 : i32
        %swap3A_1281 = arith.index_cast %add3A_1280 : i32 to index
        %swap3A_1282 = tpu.vector_load %arg8[%swap3A_1281] {strides = array<i32>} : memref<10000xf32, #tpu.memory_space<vmem>>, vector<16xf32>,
        tpu.vector_store %arg8[%swap3A_1281], %add3A_1279 {strides = array<i32>} : memref<10000xf32, #tpu.memory_space<vmem>>, vector<16xf32>,
        %scan3A_1283 = arith.constant 0 : i32
        scf.yield %scan3A_1283 : i32
      }
      %scan3A_73 = arith.constant 5 : i32
      %add3A_74 = arith.constant 2 : i32
      %add3A_75 = arith.addi %mul3A_37, %add3A_74 : i32
      %mul3A_76 = arith.constant 80 : i32
      %mul3A_77 = arith.muli %add3A_75, %mul3A_76 : i32
      %dma_start3A_78 = tpu.memref_slice %arg6[%mul3A_77] : memref<10000xi32, #tpu.memory_space<vmem>> -> memref<80xi32, #tpu.memory_space<vmem>>
      %dma_start3A_79 = arith.constant 0 : i32
      %dma_start3A_80 = arith.constant 0 : i32
      %dma_start3A_81 = tpu.memref_slice %arg2[%dma_start3A_79, %dma_start3A_80] : memref<10000x128xf32, #tpu.memory_space<hbm>> -> memref<10000x128xf32, #tpu.memory_space<hbm>>
      tpu.enqueue_indirect_dma source(%dma_start3A_81 : memref<10000x128xf32, #tpu.memory_space<hbm>>) target(%arg10 : memref<80x128xf32, #tpu.memory_space<vmem>>) offsets(%dma_start3A_78 : memref<80xi32, #tpu.memory_space<vmem>>) semaphore(%arg12 : memref<!tpu.dma_semaphore, #tpu.memory_space<semaphore_mem>>)
      %mul3A_82 = arith.constant 80 : i32
      %mul3A_83 = arith.muli %add3A_75, %mul3A_82 : i32
      %dma_start3A_84 = tpu.memref_slice %arg7[%mul3A_83] : memref<10000xi32, #tpu.memory_space<vmem>> -> memref<80xi32, #tpu.memory_space<vmem>>
      %dma_start3A_85 = arith.constant 0 : i32
      %dma_start3A_86 = arith.constant 0 : i32
      %dma_start3A_87 = tpu.memref_slice %arg2[%dma_start3A_85, %dma_start3A_86] : memref<10000x128xf32, #tpu.memory_space<hbm>> -> memref<10000x128xf32, #tpu.memory_space<hbm>>
      tpu.enqueue_indirect_dma source(%dma_start3A_87 : memref<10000x128xf32, #tpu.memory_space<hbm>>) target(%arg11 : memref<80x128xf32, #tpu.memory_space<vmem>>) offsets(%dma_start3A_84 : memref<80xi32, #tpu.memory_space<vmem>>) semaphore(%arg13 : memref<!tpu.dma_semaphore, #tpu.memory_space<semaphore_mem>>)
      %add3A_88 = arith.constant 1 : i32
      %add3A_89 = arith.addi %mul3A_37, %add3A_88 : i32
      %mul3A_90 = arith.constant 80 : i32
      %mul3A_91 = arith.muli %add3A_89, %mul3A_90 : i32
      %dma_wait3A_92 = tpu.memref_slice %arg6[%mul3A_91] : memref<10000xi32, #tpu.memory_space<vmem>> -> memref<80xi32, #tpu.memory_space<vmem>>
      %dma_wait3A_93 = arith.constant 0 : i32
      %dma_wait3A_94 = arith.constant 0 : i32
      %dma_wait3A_95 = tpu.memref_slice %arg2[%dma_wait3A_93, %dma_wait3A_94] : memref<10000x128xf32, #tpu.memory_space<hbm>> -> memref<10000x128xf32, #tpu.memory_space<hbm>>
      tpu.wait_indirect_dma semaphore(%arg16 : memref<!tpu.dma_semaphore, #tpu.memory_space<semaphore_mem>>) src(%dma_wait3A_95 : memref<10000x128xf32, #tpu.memory_space<hbm>>) dst(%arg14 : memref<80x128xf32, #tpu.memory_space<vmem>>)
      %mul3A_96 = arith.constant 80 : i32
      %mul3A_97 = arith.muli %add3A_89, %mul3A_96 : i32
      %dma_wait3A_98 = tpu.memref_slice %arg7[%mul3A_97] : memref<10000xi32, #tpu.memory_space<vmem>> -> memref<80xi32, #tpu.memory_space<vmem>>
      %dma_wait3A_99 = arith.constant 0 : i32
      %dma_wait3A_100 = arith.constant 0 : i32
      %dma_wait3A_101 = tpu.memref_slice %arg2[%dma_wait3A_99, %dma_wait3A_100] : memref<10000x128xf32, #tpu.memory_space<hbm>> -> memref<10000x128xf32, #tpu.memory_space<hbm>>
      tpu.wait_indirect_dma semaphore(%arg17 : memref<!tpu.dma_semaphore, #tpu.memory_space<semaphore_mem>>) src(%dma_wait3A_101 : memref<10000x128xf32, #tpu.memory_space<hbm>>) dst(%arg15 : memref<80x128xf32, #tpu.memory_space<vmem>>)
      %mul3A_102 = arith.constant 80 : i32
      %mul3A_103 = arith.muli %add3A_89, %mul3A_102 : i32
      %iota3A_104 = tpu.iota {dimensions = array<i32: 0>} : vector<16xi32>
      %scan3A_105 = arith.constant 0 : i32
      %scan3A_106 = arith.constant 0 : i32
      %scan3A_107 = arith.constant 5 : i32
      %scan3A_108 = arith.addi %scan3A_106, %scan3A_107 : i32
      %scan3A_109 = arith.constant 1 : i32
      %scan3A_110 = scf.for %scan3A_113 = %scan3A_106 to %scan3A_108 step %scan3A_109 iter_args(%scan3A_114 = %scan3A_105) -> (i32)  : i32 {
        %mul3A_115 = arith.constant 16 : i32
        %mul3A_116 = arith.muli %scan3A_113, %mul3A_115 : i32
        %add3A_117 = arith.constant 0 : i32
        %add3A_118 = arith.addi %mul3A_116, %add3A_117 : i32
        %get3A = arith.index_cast %add3A_118 : i32 to index
        %get3A_119 = arith.constant 0 : index
        %get3A_120 = tpu.vector_load %arg14[%get3A, %get3A_119] {strides = array<i32>} : memref<80x128xf32, #tpu.memory_space<vmem>>, vector<16xf32>,
        %get3A_121 = arith.index_cast %add3A_118 : i32 to index
        %get3A_122 = arith.constant 0 : index
        %get3A_123 = tpu.vector_load %arg15[%get3A_121, %get3A_122] {strides = array<i32>} : memref<80x128xf32, #tpu.memory_space<vmem>>, vector<16xf32>,
        %mul3A_124 = arith.mulf %get3A_120, %get3A_123 : vector<16xf32>
        %get3A_125 = arith.index_cast %add3A_118 : i32 to index
        %get3A_126 = arith.constant 16 : index
        %get3A_127 = tpu.vector_load %arg14[%get3A_125, %get3A_126] {strides = array<i32>} : memref<80x128xf32, #tpu.memory_space<vmem>>, vector<16xf32>,
        %get3A_128 = arith.index_cast %add3A_118 : i32 to index
        %get3A_129 = arith.constant 16 : index
        %get3A_130 = tpu.vector_load %arg15[%get3A_128, %get3A_129] {strides = array<i32>} : memref<80x128xf32, #tpu.memory_space<vmem>>, vector<16xf32>,
        %mul3A_131 = arith.mulf %get3A_127, %get3A_130 : vector<16xf32>
        %add3A_132 = arith.addf %mul3A_124, %mul3A_131 : vector<16xf32>
        %get3A_133 = arith.index_cast %add3A_118 : i32 to index
        %get3A_134 = arith.constant 32 : index
        %get3A_135 = tpu.vector_load %arg14[%get3A_133, %get3A_134] {strides = array<i32>} : memref<80x128xf32, #tpu.memory_space<vmem>>, vector<16xf32>,
        %get3A_136 = arith.index_cast %add3A_118 : i32 to index
        %get3A_137 = arith.constant 32 : index
        %get3A_138 = tpu.vector_load %arg15[%get3A_136, %get3A_137] {strides = array<i32>} : memref<80x128xf32, #tpu.memory_space<vmem>>, vector<16xf32>,
        %mul3A_139 = arith.mulf %get3A_135, %get3A_138 : vector<16xf32>
        %add3A_140 = arith.addf %add3A_132, %mul3A_139 : vector<16xf32>
        %get3A_141 = arith.index_cast %add3A_118 : i32 to index
        %get3A_142 = arith.constant 48 : index
        %get3A_143 = tpu.vector_load %arg14[%get3A_141, %get3A_142] {strides = array<i32>} : memref<80x128xf32, #tpu.memory_space<vmem>>, vector<16xf32>,
        %get3A_144 = arith.index_cast %add3A_118 : i32 to index
        %get3A_145 = arith.constant 48 : index
        %get3A_146 = tpu.vector_load %arg15[%get3A_144, %get3A_145] {strides = array<i32>} : memref<80x128xf32, #tpu.memory_space<vmem>>, vector<16xf32>,
        %mul3A_147 = arith.mulf %get3A_143, %get3A_146 : vector<16xf32>
        %add3A_148 = arith.addf %add3A_140, %mul3A_147 : vector<16xf32>
        %get3A_149 = arith.index_cast %add3A_118 : i32 to index
        %get3A_150 = arith.constant 64 : index
        %get3A_151 = tpu.vector_load %arg14[%get3A_149, %get3A_150] {strides = array<i32>} : memref<80x128xf32, #tpu.memory_space<vmem>>, vector<16xf32>,
        %get3A_152 = arith.index_cast %add3A_118 : i32 to index
        %get3A_153 = arith.constant 64 : index
        %get3A_154 = tpu.vector_load %arg15[%get3A_152, %get3A_153] {strides = array<i32>} : memref<80x128xf32, #tpu.memory_space<vmem>>, vector<16xf32>,
        %mul3A_155 = arith.mulf %get3A_151, %get3A_154 : vector<16xf32>
        %add3A_156 = arith.addf %add3A_148, %mul3A_155 : vector<16xf32>
        %get3A_157 = arith.index_cast %add3A_118 : i32 to index
        %get3A_158 = arith.constant 80 : index
        %get3A_159 = tpu.vector_load %arg14[%get3A_157, %get3A_158] {strides = array<i32>} : memref<80x128xf32, #tpu.memory_space<vmem>>, vector<16xf32>,
        %get3A_160 = arith.index_cast %add3A_118 : i32 to index
        %get3A_161 = arith.constant 80 : index
        %get3A_162 = tpu.vector_load %arg15[%get3A_160, %get3A_161] {strides = array<i32>} : memref<80x128xf32, #tpu.memory_space<vmem>>, vector<16xf32>,
        %mul3A_163 = arith.mulf %get3A_159, %get3A_162 : vector<16xf32>
        %add3A_164 = arith.addf %add3A_156, %mul3A_163 : vector<16xf32>
        %get3A_165 = arith.index_cast %add3A_118 : i32 to index
        %get3A_166 = arith.constant 96 : index
        %get3A_167 = tpu.vector_load %arg14[%get3A_165, %get3A_166] {strides = array<i32>} : memref<80x128xf32, #tpu.memory_space<vmem>>, vector<16xf32>,
        %get3A_168 = arith.index_cast %add3A_118 : i32 to index
        %get3A_169 = arith.constant 96 : index
        %get3A_170 = tpu.vector_load %arg15[%get3A_168, %get3A_169] {strides = array<i32>} : memref<80x128xf32, #tpu.memory_space<vmem>>, vector<16xf32>,
        %mul3A_171 = arith.mulf %get3A_167, %get3A_170 : vector<16xf32>
        %add3A_172 = arith.addf %add3A_164, %mul3A_171 : vector<16xf32>
        %get3A_173 = arith.index_cast %add3A_118 : i32 to index
        %get3A_174 = arith.constant 112 : index
        %get3A_175 = tpu.vector_load %arg14[%get3A_173, %get3A_174] {strides = array<i32>} : memref<80x128xf32, #tpu.memory_space<vmem>>, vector<16xf32>,
        %get3A_176 = arith.index_cast %add3A_118 : i32 to index
        %get3A_177 = arith.constant 112 : index
        %get3A_178 = tpu.vector_load %arg15[%get3A_176, %get3A_177] {strides = array<i32>} : memref<80x128xf32, #tpu.memory_space<vmem>>, vector<16xf32>,
        %mul3A_179 = arith.mulf %get3A_175, %get3A_178 : vector<16xf32>
        %add3A_180 = arith.addf %add3A_172, %mul3A_179 : vector<16xf32>
        %swap3A = arith.constant 0 : i32
        %swap3A_181 = arith.index_cast %swap3A : i32 to index
        %swap3A_182 = arith.constant 0 : index
        %swap3A_183 = tpu.vector_load %arg9[%swap3A_181, %swap3A_182] {strides = array<i32>} : memref<16x17xf32, #tpu.memory_space<vmem>>, vector<16xf32>,
        tpu.vector_store %arg9[%swap3A_181, %swap3A_182], %add3A_180 {strides = array<i32>} : memref<16x17xf32, #tpu.memory_space<vmem>>, vector<16xf32>,
        %add3A_184 = arith.constant 1 : i32
        %add3A_185 = arith.addi %mul3A_116, %add3A_184 : i32
        %get3A_186 = arith.index_cast %add3A_185 : i32 to index
        %get3A_187 = arith.constant 0 : index
        %get3A_188 = tpu.vector_load %arg14[%get3A_186, %get3A_187] {strides = array<i32>} : memref<80x128xf32, #tpu.memory_space<vmem>>, vector<16xf32>,
        %get3A_189 = arith.index_cast %add3A_185 : i32 to index
        %get3A_190 = arith.constant 0 : index
        %get3A_191 = tpu.vector_load %arg15[%get3A_189, %get3A_190] {strides = array<i32>} : memref<80x128xf32, #tpu.memory_space<vmem>>, vector<16xf32>,
        %mul3A_192 = arith.mulf %get3A_188, %get3A_191 : vector<16xf32>
        %get3A_193 = arith.index_cast %add3A_185 : i32 to index
        %get3A_194 = arith.constant 16 : index
        %get3A_195 = tpu.vector_load %arg14[%get3A_193, %get3A_194] {strides = array<i32>} : memref<80x128xf32, #tpu.memory_space<vmem>>, vector<16xf32>,
        %get3A_196 = arith.index_cast %add3A_185 : i32 to index
        %get3A_197 = arith.constant 16 : index
        %get3A_198 = tpu.vector_load %arg15[%get3A_196, %get3A_197] {strides = array<i32>} : memref<80x128xf32, #tpu.memory_space<vmem>>, vector<16xf32>,
        %mul3A_199 = arith.mulf %get3A_195, %get3A_198 : vector<16xf32>
        %add3A_200 = arith.addf %mul3A_192, %mul3A_199 : vector<16xf32>
        %get3A_201 = arith.index_cast %add3A_185 : i32 to index
        %get3A_202 = arith.constant 32 : index
        %get3A_203 = tpu.vector_load %arg14[%get3A_201, %get3A_202] {strides = array<i32>} : memref<80x128xf32, #tpu.memory_space<vmem>>, vector<16xf32>,
        %get3A_204 = arith.index_cast %add3A_185 : i32 to index
        %get3A_205 = arith.constant 32 : index
        %get3A_206 = tpu.vector_load %arg15[%get3A_204, %get3A_205] {strides = array<i32>} : memref<80x128xf32, #tpu.memory_space<vmem>>, vector<16xf32>,
        %mul3A_207 = arith.mulf %get3A_203, %get3A_206 : vector<16xf32>
        %add3A_208 = arith.addf %add3A_200, %mul3A_207 : vector<16xf32>
        %get3A_209 = arith.index_cast %add3A_185 : i32 to index
        %get3A_210 = arith.constant 48 : index
        %get3A_211 = tpu.vector_load %arg14[%get3A_209, %get3A_210] {strides = array<i32>} : memref<80x128xf32, #tpu.memory_space<vmem>>, vector<16xf32>,
        %get3A_212 = arith.index_cast %add3A_185 : i32 to index
        %get3A_213 = arith.constant 48 : index
        %get3A_214 = tpu.vector_load %arg15[%get3A_212, %get3A_213] {strides = array<i32>} : memref<80x128xf32, #tpu.memory_space<vmem>>, vector<16xf32>,
        %mul3A_215 = arith.mulf %get3A_211, %get3A_214 : vector<16xf32>
        %add3A_216 = arith.addf %add3A_208, %mul3A_215 : vector<16xf32>
        %get3A_217 = arith.index_cast %add3A_185 : i32 to index
        %get3A_218 = arith.constant 64 : index
        %get3A_219 = tpu.vector_load %arg14[%get3A_217, %get3A_218] {strides = array<i32>} : memref<80x128xf32, #tpu.memory_space<vmem>>, vector<16xf32>,
        %get3A_220 = arith.index_cast %add3A_185 : i32 to index
        %get3A_221 = arith.constant 64 : index
        %get3A_222 = tpu.vector_load %arg15[%get3A_220, %get3A_221] {strides = array<i32>} : memref<80x128xf32, #tpu.memory_space<vmem>>, vector<16xf32>,
        %mul3A_223 = arith.mulf %get3A_219, %get3A_222 : vector<16xf32>
        %add3A_224 = arith.addf %add3A_216, %mul3A_223 : vector<16xf32>
        %get3A_225 = arith.index_cast %add3A_185 : i32 to index
        %get3A_226 = arith.constant 80 : index
        %get3A_227 = tpu.vector_load %arg14[%get3A_225, %get3A_226] {strides = array<i32>} : memref<80x128xf32, #tpu.memory_space<vmem>>, vector<16xf32>,
        %get3A_228 = arith.index_cast %add3A_185 : i32 to index
        %get3A_229 = arith.constant 80 : index
        %get3A_230 = tpu.vector_load %arg15[%get3A_228, %get3A_229] {strides = array<i32>} : memref<80x128xf32, #tpu.memory_space<vmem>>, vector<16xf32>,
        %mul3A_231 = arith.mulf %get3A_227, %get3A_230 : vector<16xf32>
        %add3A_232 = arith.addf %add3A_224, %mul3A_231 : vector<16xf32>
        %get3A_233 = arith.index_cast %add3A_185 : i32 to index
        %get3A_234 = arith.constant 96 : index
        %get3A_235 = tpu.vector_load %arg14[%get3A_233, %get3A_234] {strides = array<i32>} : memref<80x128xf32, #tpu.memory_space<vmem>>, vector<16xf32>,
        %get3A_236 = arith.index_cast %add3A_185 : i32 to index
        %get3A_237 = arith.constant 96 : index
        %get3A_238 = tpu.vector_load %arg15[%get3A_236, %get3A_237] {strides = array<i32>} : memref<80x128xf32, #tpu.memory_space<vmem>>, vector<16xf32>,
        %mul3A_239 = arith.mulf %get3A_235, %get3A_238 : vector<16xf32>
        %add3A_240 = arith.addf %add3A_232, %mul3A_239 : vector<16xf32>
        %get3A_241 = arith.index_cast %add3A_185 : i32 to index
        %get3A_242 = arith.constant 112 : index
        %get3A_243 = tpu.vector_load %arg14[%get3A_241, %get3A_242] {strides = array<i32>} : memref<80x128xf32, #tpu.memory_space<vmem>>, vector<16xf32>,
        %get3A_244 = arith.index_cast %add3A_185 : i32 to index
        %get3A_245 = arith.constant 112 : index
        %get3A_246 = tpu.vector_load %arg15[%get3A_244, %get3A_245] {strides = array<i32>} : memref<80x128xf32, #tpu.memory_space<vmem>>, vector<16xf32>,
        %mul3A_247 = arith.mulf %get3A_243, %get3A_246 : vector<16xf32>
        %add3A_248 = arith.addf %add3A_240, %mul3A_247 : vector<16xf32>
        %swap3A_249 = arith.constant 1 : i32
        %swap3A_250 = arith.index_cast %swap3A_249 : i32 to index
        %swap3A_251 = arith.constant 0 : index
        %swap3A_252 = tpu.vector_load %arg9[%swap3A_250, %swap3A_251] {strides = array<i32>} : memref<16x17xf32, #tpu.memory_space<vmem>>, vector<16xf32>,
        tpu.vector_store %arg9[%swap3A_250, %swap3A_251], %add3A_248 {strides = array<i32>} : memref<16x17xf32, #tpu.memory_space<vmem>>, vector<16xf32>,
        %add3A_253 = arith.constant 2 : i32
        %add3A_254 = arith.addi %mul3A_116, %add3A_253 : i32
        %get3A_255 = arith.index_cast %add3A_254 : i32 to index
        %get3A_256 = arith.constant 0 : index
        %get3A_257 = tpu.vector_load %arg14[%get3A_255, %get3A_256] {strides = array<i32>} : memref<80x128xf32, #tpu.memory_space<vmem>>, vector<16xf32>,
        %get3A_258 = arith.index_cast %add3A_254 : i32 to index
        %get3A_259 = arith.constant 0 : index
        %get3A_260 = tpu.vector_load %arg15[%get3A_258, %get3A_259] {strides = array<i32>} : memref<80x128xf32, #tpu.memory_space<vmem>>, vector<16xf32>,
        %mul3A_261 = arith.mulf %get3A_257, %get3A_260 : vector<16xf32>
        %get3A_262 = arith.index_cast %add3A_254 : i32 to index
        %get3A_263 = arith.constant 16 : index
        %get3A_264 = tpu.vector_load %arg14[%get3A_262, %get3A_263] {strides = array<i32>} : memref<80x128xf32, #tpu.memory_space<vmem>>, vector<16xf32>,
        %get3A_265 = arith.index_cast %add3A_254 : i32 to index
        %get3A_266 = arith.constant 16 : index
        %get3A_267 = tpu.vector_load %arg15[%get3A_265, %get3A_266] {strides = array<i32>} : memref<80x128xf32, #tpu.memory_space<vmem>>, vector<16xf32>,
        %mul3A_268 = arith.mulf %get3A_264, %get3A_267 : vector<16xf32>
        %add3A_269 = arith.addf %mul3A_261, %mul3A_268 : vector<16xf32>
        %get3A_270 = arith.index_cast %add3A_254 : i32 to index
        %get3A_271 = arith.constant 32 : index
        %get3A_272 = tpu.vector_load %arg14[%get3A_270, %get3A_271] {strides = array<i32>} : memref<80x128xf32, #tpu.memory_space<vmem>>, vector<16xf32>,
        %get3A_273 = arith.index_cast %add3A_254 : i32 to index
        %get3A_274 = arith.constant 32 : index
        %get3A_275 = tpu.vector_load %arg15[%get3A_273, %get3A_274] {strides = array<i32>} : memref<80x128xf32, #tpu.memory_space<vmem>>, vector<16xf32>,
        %mul3A_276 = arith.mulf %get3A_272, %get3A_275 : vector<16xf32>
        %add3A_277 = arith.addf %add3A_269, %mul3A_276 : vector<16xf32>
        %get3A_278 = arith.index_cast %add3A_254 : i32 to index
        %get3A_279 = arith.constant 48 : index
        %get3A_280 = tpu.vector_load %arg14[%get3A_278, %get3A_279] {strides = array<i32>} : memref<80x128xf32, #tpu.memory_space<vmem>>, vector<16xf32>,
        %get3A_281 = arith.index_cast %add3A_254 : i32 to index
        %get3A_282 = arith.constant 48 : index
        %get3A_283 = tpu.vector_load %arg15[%get3A_281, %get3A_282] {strides = array<i32>} : memref<80x128xf32, #tpu.memory_space<vmem>>, vector<16xf32>,
        %mul3A_284 = arith.mulf %get3A_280, %get3A_283 : vector<16xf32>
        %add3A_285 = arith.addf %add3A_277, %mul3A_284 : vector<16xf32>
        %get3A_286 = arith.index_cast %add3A_254 : i32 to index
        %get3A_287 = arith.constant 64 : index
        %get3A_288 = tpu.vector_load %arg14[%get3A_286, %get3A_287] {strides = array<i32>} : memref<80x128xf32, #tpu.memory_space<vmem>>, vector<16xf32>,
        %get3A_289 = arith.index_cast %add3A_254 : i32 to index
        %get3A_290 = arith.constant 64 : index
        %get3A_291 = tpu.vector_load %arg15[%get3A_289, %get3A_290] {strides = array<i32>} : memref<80x128xf32, #tpu.memory_space<vmem>>, vector<16xf32>,
        %mul3A_292 = arith.mulf %get3A_288, %get3A_291 : vector<16xf32>
        %add3A_293 = arith.addf %add3A_285, %mul3A_292 : vector<16xf32>
        %get3A_294 = arith.index_cast %add3A_254 : i32 to index
        %get3A_295 = arith.constant 80 : index
        %get3A_296 = tpu.vector_load %arg14[%get3A_294, %get3A_295] {strides = array<i32>} : memref<80x128xf32, #tpu.memory_space<vmem>>, vector<16xf32>,
        %get3A_297 = arith.index_cast %add3A_254 : i32 to index
        %get3A_298 = arith.constant 80 : index
        %get3A_299 = tpu.vector_load %arg15[%get3A_297, %get3A_298] {strides = array<i32>} : memref<80x128xf32, #tpu.memory_space<vmem>>, vector<16xf32>,
        %mul3A_300 = arith.mulf %get3A_296, %get3A_299 : vector<16xf32>
        %add3A_301 = arith.addf %add3A_293, %mul3A_300 : vector<16xf32>
        %get3A_302 = arith.index_cast %add3A_254 : i32 to index
        %get3A_303 = arith.constant 96 : index
        %get3A_304 = tpu.vector_load %arg14[%get3A_302, %get3A_303] {strides = array<i32>} : memref<80x128xf32, #tpu.memory_space<vmem>>, vector<16xf32>,
        %get3A_305 = arith.index_cast %add3A_254 : i32 to index
        %get3A_306 = arith.constant 96 : index
        %get3A_307 = tpu.vector_load %arg15[%get3A_305, %get3A_306] {strides = array<i32>} : memref<80x128xf32, #tpu.memory_space<vmem>>, vector<16xf32>,
        %mul3A_308 = arith.mulf %get3A_304, %get3A_307 : vector<16xf32>
        %add3A_309 = arith.addf %add3A_301, %mul3A_308 : vector<16xf32>
        %get3A_310 = arith.index_cast %add3A_254 : i32 to index
        %get3A_311 = arith.constant 112 : index
        %get3A_312 = tpu.vector_load %arg14[%get3A_310, %get3A_311] {strides = array<i32>} : memref<80x128xf32, #tpu.memory_space<vmem>>, vector<16xf32>,
        %get3A_313 = arith.index_cast %add3A_254 : i32 to index
        %get3A_314 = arith.constant 112 : index
        %get3A_315 = tpu.vector_load %arg15[%get3A_313, %get3A_314] {strides = array<i32>} : memref<80x128xf32, #tpu.memory_space<vmem>>, vector<16xf32>,
        %mul3A_316 = arith.mulf %get3A_312, %get3A_315 : vector<16xf32>
        %add3A_317 = arith.addf %add3A_309, %mul3A_316 : vector<16xf32>
        %swap3A_318 = arith.constant 2 : i32
        %swap3A_319 = arith.index_cast %swap3A_318 : i32 to index
        %swap3A_320 = arith.constant 0 : index
        %swap3A_321 = tpu.vector_load %arg9[%swap3A_319, %swap3A_320] {strides = array<i32>} : memref<16x17xf32, #tpu.memory_space<vmem>>, vector<16xf32>,
        tpu.vector_store %arg9[%swap3A_319, %swap3A_320], %add3A_317 {strides = array<i32>} : memref<16x17xf32, #tpu.memory_space<vmem>>, vector<16xf32>,
        %add3A_322 = arith.constant 3 : i32
        %add3A_323 = arith.addi %mul3A_116, %add3A_322 : i32
        %get3A_324 = arith.index_cast %add3A_323 : i32 to index
        %get3A_325 = arith.constant 0 : index
        %get3A_326 = tpu.vector_load %arg14[%get3A_324, %get3A_325] {strides = array<i32>} : memref<80x128xf32, #tpu.memory_space<vmem>>, vector<16xf32>,
        %get3A_327 = arith.index_cast %add3A_323 : i32 to index
        %get3A_328 = arith.constant 0 : index
        %get3A_329 = tpu.vector_load %arg15[%get3A_327, %get3A_328] {strides = array<i32>} : memref<80x128xf32, #tpu.memory_space<vmem>>, vector<16xf32>,
        %mul3A_330 = arith.mulf %get3A_326, %get3A_329 : vector<16xf32>
        %get3A_331 = arith.index_cast %add3A_323 : i32 to index
        %get3A_332 = arith.constant 16 : index
        %get3A_333 = tpu.vector_load %arg14[%get3A_331, %get3A_332] {strides = array<i32>} : memref<80x128xf32, #tpu.memory_space<vmem>>, vector<16xf32>,
        %get3A_334 = arith.index_cast %add3A_323 : i32 to index
        %get3A_335 = arith.constant 16 : index
        %get3A_336 = tpu.vector_load %arg15[%get3A_334, %get3A_335] {strides = array<i32>} : memref<80x128xf32, #tpu.memory_space<vmem>>, vector<16xf32>,
        %mul3A_337 = arith.mulf %get3A_333, %get3A_336 : vector<16xf32>
        %add3A_338 = arith.addf %mul3A_330, %mul3A_337 : vector<16xf32>
        %get3A_339 = arith.index_cast %add3A_323 : i32 to index
        %get3A_340 = arith.constant 32 : index
        %get3A_341 = tpu.vector_load %arg14[%get3A_339, %get3A_340] {strides = array<i32>} : memref<80x128xf32, #tpu.memory_space<vmem>>, vector<16xf32>,
        %get3A_342 = arith.index_cast %add3A_323 : i32 to index
        %get3A_343 = arith.constant 32 : index
        %get3A_344 = tpu.vector_load %arg15[%get3A_342, %get3A_343] {strides = array<i32>} : memref<80x128xf32, #tpu.memory_space<vmem>>, vector<16xf32>,
        %mul3A_345 = arith.mulf %get3A_341, %get3A_344 : vector<16xf32>
        %add3A_346 = arith.addf %add3A_338, %mul3A_345 : vector<16xf32>
        %get3A_347 = arith.index_cast %add3A_323 : i32 to index
        %get3A_348 = arith.constant 48 : index
        %get3A_349 = tpu.vector_load %arg14[%get3A_347, %get3A_348] {strides = array<i32>} : memref<80x128xf32, #tpu.memory_space<vmem>>, vector<16xf32>,
        %get3A_350 = arith.index_cast %add3A_323 : i32 to index
        %get3A_351 = arith.constant 48 : index
        %get3A_352 = tpu.vector_load %arg15[%get3A_350, %get3A_351] {strides = array<i32>} : memref<80x128xf32, #tpu.memory_space<vmem>>, vector<16xf32>,
        %mul3A_353 = arith.mulf %get3A_349, %get3A_352 : vector<16xf32>
        %add3A_354 = arith.addf %add3A_346, %mul3A_353 : vector<16xf32>
        %get3A_355 = arith.index_cast %add3A_323 : i32 to index
        %get3A_356 = arith.constant 64 : index
        %get3A_357 = tpu.vector_load %arg14[%get3A_355, %get3A_356] {strides = array<i32>} : memref<80x128xf32, #tpu.memory_space<vmem>>, vector<16xf32>,
        %get3A_358 = arith.index_cast %add3A_323 : i32 to index
        %get3A_359 = arith.constant 64 : index
        %get3A_360 = tpu.vector_load %arg15[%get3A_358, %get3A_359] {strides = array<i32>} : memref<80x128xf32, #tpu.memory_space<vmem>>, vector<16xf32>,
        %mul3A_361 = arith.mulf %get3A_357, %get3A_360 : vector<16xf32>
        %add3A_362 = arith.addf %add3A_354, %mul3A_361 : vector<16xf32>
        %get3A_363 = arith.index_cast %add3A_323 : i32 to index
        %get3A_364 = arith.constant 80 : index
        %get3A_365 = tpu.vector_load %arg14[%get3A_363, %get3A_364] {strides = array<i32>} : memref<80x128xf32, #tpu.memory_space<vmem>>, vector<16xf32>,
        %get3A_366 = arith.index_cast %add3A_323 : i32 to index
        %get3A_367 = arith.constant 80 : index
        %get3A_368 = tpu.vector_load %arg15[%get3A_366, %get3A_367] {strides = array<i32>} : memref<80x128xf32, #tpu.memory_space<vmem>>, vector<16xf32>,
        %mul3A_369 = arith.mulf %get3A_365, %get3A_368 : vector<16xf32>
        %add3A_370 = arith.addf %add3A_362, %mul3A_369 : vector<16xf32>
        %get3A_371 = arith.index_cast %add3A_323 : i32 to index
        %get3A_372 = arith.constant 96 : index
        %get3A_373 = tpu.vector_load %arg14[%get3A_371, %get3A_372] {strides = array<i32>} : memref<80x128xf32, #tpu.memory_space<vmem>>, vector<16xf32>,
        %get3A_374 = arith.index_cast %add3A_323 : i32 to index
        %get3A_375 = arith.constant 96 : index
        %get3A_376 = tpu.vector_load %arg15[%get3A_374, %get3A_375] {strides = array<i32>} : memref<80x128xf32, #tpu.memory_space<vmem>>, vector<16xf32>,
        %mul3A_377 = arith.mulf %get3A_373, %get3A_376 : vector<16xf32>
        %add3A_378 = arith.addf %add3A_370, %mul3A_377 : vector<16xf32>
        %get3A_379 = arith.index_cast %add3A_323 : i32 to index
        %get3A_380 = arith.constant 112 : index
        %get3A_381 = tpu.vector_load %arg14[%get3A_379, %get3A_380] {strides = array<i32>} : memref<80x128xf32, #tpu.memory_space<vmem>>, vector<16xf32>,
        %get3A_382 = arith.index_cast %add3A_323 : i32 to index
        %get3A_383 = arith.constant 112 : index
        %get3A_384 = tpu.vector_load %arg15[%get3A_382, %get3A_383] {strides = array<i32>} : memref<80x128xf32, #tpu.memory_space<vmem>>, vector<16xf32>,
        %mul3A_385 = arith.mulf %get3A_381, %get3A_384 : vector<16xf32>
        %add3A_386 = arith.addf %add3A_378, %mul3A_385 : vector<16xf32>
        %swap3A_387 = arith.constant 3 : i32
        %swap3A_388 = arith.index_cast %swap3A_387 : i32 to index
        %swap3A_389 = arith.constant 0 : index
        %swap3A_390 = tpu.vector_load %arg9[%swap3A_388, %swap3A_389] {strides = array<i32>} : memref<16x17xf32, #tpu.memory_space<vmem>>, vector<16xf32>,
        tpu.vector_store %arg9[%swap3A_388, %swap3A_389], %add3A_386 {strides = array<i32>} : memref<16x17xf32, #tpu.memory_space<vmem>>, vector<16xf32>,
        %add3A_391 = arith.constant 4 : i32
        %add3A_392 = arith.addi %mul3A_116, %add3A_391 : i32
        %get3A_393 = arith.index_cast %add3A_392 : i32 to index
        %get3A_394 = arith.constant 0 : index
        %get3A_395 = tpu.vector_load %arg14[%get3A_393, %get3A_394] {strides = array<i32>} : memref<80x128xf32, #tpu.memory_space<vmem>>, vector<16xf32>,
        %get3A_396 = arith.index_cast %add3A_392 : i32 to index
        %get3A_397 = arith.constant 0 : index
        %get3A_398 = tpu.vector_load %arg15[%get3A_396, %get3A_397] {strides = array<i32>} : memref<80x128xf32, #tpu.memory_space<vmem>>, vector<16xf32>,
        %mul3A_399 = arith.mulf %get3A_395, %get3A_398 : vector<16xf32>
        %get3A_400 = arith.index_cast %add3A_392 : i32 to index
        %get3A_401 = arith.constant 16 : index
        %get3A_402 = tpu.vector_load %arg14[%get3A_400, %get3A_401] {strides = array<i32>} : memref<80x128xf32, #tpu.memory_space<vmem>>, vector<16xf32>,
        %get3A_403 = arith.index_cast %add3A_392 : i32 to index
        %get3A_404 = arith.constant 16 : index
        %get3A_405 = tpu.vector_load %arg15[%get3A_403, %get3A_404] {strides = array<i32>} : memref<80x128xf32, #tpu.memory_space<vmem>>, vector<16xf32>,
        %mul3A_406 = arith.mulf %get3A_402, %get3A_405 : vector<16xf32>
        %add3A_407 = arith.addf %mul3A_399, %mul3A_406 : vector<16xf32>
        %get3A_408 = arith.index_cast %add3A_392 : i32 to index
        %get3A_409 = arith.constant 32 : index
        %get3A_410 = tpu.vector_load %arg14[%get3A_408, %get3A_409] {strides = array<i32>} : memref<80x128xf32, #tpu.memory_space<vmem>>, vector<16xf32>,
        %get3A_411 = arith.index_cast %add3A_392 : i32 to index
        %get3A_412 = arith.constant 32 : index
        %get3A_413 = tpu.vector_load %arg15[%get3A_411, %get3A_412] {strides = array<i32>} : memref<80x128xf32, #tpu.memory_space<vmem>>, vector<16xf32>,
        %mul3A_414 = arith.mulf %get3A_410, %get3A_413 : vector<16xf32>
        %add3A_415 = arith.addf %add3A_407, %mul3A_414 : vector<16xf32>
        %get3A_416 = arith.index_cast %add3A_392 : i32 to index
        %get3A_417 = arith.constant 48 : index
        %get3A_418 = tpu.vector_load %arg14[%get3A_416, %get3A_417] {strides = array<i32>} : memref<80x128xf32, #tpu.memory_space<vmem>>, vector<16xf32>,
        %get3A_419 = arith.index_cast %add3A_392 : i32 to index
        %get3A_420 = arith.constant 48 : index
        %get3A_421 = tpu.vector_load %arg15[%get3A_419, %get3A_420] {strides = array<i32>} : memref<80x128xf32, #tpu.memory_space<vmem>>, vector<16xf32>,
        %mul3A_422 = arith.mulf %get3A_418, %get3A_421 : vector<16xf32>
        %add3A_423 = arith.addf %add3A_415, %mul3A_422 : vector<16xf32>
        %get3A_424 = arith.index_cast %add3A_392 : i32 to index
        %get3A_425 = arith.constant 64 : index
        %get3A_426 = tpu.vector_load %arg14[%get3A_424, %get3A_425] {strides = array<i32>} : memref<80x128xf32, #tpu.memory_space<vmem>>, vector<16xf32>,
        %get3A_427 = arith.index_cast %add3A_392 : i32 to index
        %get3A_428 = arith.constant 64 : index
        %get3A_429 = tpu.vector_load %arg15[%get3A_427, %get3A_428] {strides = array<i32>} : memref<80x128xf32, #tpu.memory_space<vmem>>, vector<16xf32>,
        %mul3A_430 = arith.mulf %get3A_426, %get3A_429 : vector<16xf32>
        %add3A_431 = arith.addf %add3A_423, %mul3A_430 : vector<16xf32>
        %get3A_432 = arith.index_cast %add3A_392 : i32 to index
        %get3A_433 = arith.constant 80 : index
        %get3A_434 = tpu.vector_load %arg14[%get3A_432, %get3A_433] {strides = array<i32>} : memref<80x128xf32, #tpu.memory_space<vmem>>, vector<16xf32>,
        %get3A_435 = arith.index_cast %add3A_392 : i32 to index
        %get3A_436 = arith.constant 80 : index
        %get3A_437 = tpu.vector_load %arg15[%get3A_435, %get3A_436] {strides = array<i32>} : memref<80x128xf32, #tpu.memory_space<vmem>>, vector<16xf32>,
        %mul3A_438 = arith.mulf %get3A_434, %get3A_437 : vector<16xf32>
        %add3A_439 = arith.addf %add3A_431, %mul3A_438 : vector<16xf32>
        %get3A_440 = arith.index_cast %add3A_392 : i32 to index
        %get3A_441 = arith.constant 96 : index
        %get3A_442 = tpu.vector_load %arg14[%get3A_440, %get3A_441] {strides = array<i32>} : memref<80x128xf32, #tpu.memory_space<vmem>>, vector<16xf32>,
        %get3A_443 = arith.index_cast %add3A_392 : i32 to index
        %get3A_444 = arith.constant 96 : index
        %get3A_445 = tpu.vector_load %arg15[%get3A_443, %get3A_444] {strides = array<i32>} : memref<80x128xf32, #tpu.memory_space<vmem>>, vector<16xf32>,
        %mul3A_446 = arith.mulf %get3A_442, %get3A_445 : vector<16xf32>
        %add3A_447 = arith.addf %add3A_439, %mul3A_446 : vector<16xf32>
        %get3A_448 = arith.index_cast %add3A_392 : i32 to index
        %get3A_449 = arith.constant 112 : index
        %get3A_450 = tpu.vector_load %arg14[%get3A_448, %get3A_449] {strides = array<i32>} : memref<80x128xf32, #tpu.memory_space<vmem>>, vector<16xf32>,
        %get3A_451 = arith.index_cast %add3A_392 : i32 to index
        %get3A_452 = arith.constant 112 : index
        %get3A_453 = tpu.vector_load %arg15[%get3A_451, %get3A_452] {strides = array<i32>} : memref<80x128xf32, #tpu.memory_space<vmem>>, vector<16xf32>,
        %mul3A_454 = arith.mulf %get3A_450, %get3A_453 : vector<16xf32>
        %add3A_455 = arith.addf %add3A_447, %mul3A_454 : vector<16xf32>
        %swap3A_456 = arith.constant 4 : i32
        %swap3A_457 = arith.index_cast %swap3A_456 : i32 to index
        %swap3A_458 = arith.constant 0 : index
        %swap3A_459 = tpu.vector_load %arg9[%swap3A_457, %swap3A_458] {strides = array<i32>} : memref<16x17xf32, #tpu.memory_space<vmem>>, vector<16xf32>,
        tpu.vector_store %arg9[%swap3A_457, %swap3A_458], %add3A_455 {strides = array<i32>} : memref<16x17xf32, #tpu.memory_space<vmem>>, vector<16xf32>,
        %add3A_460 = arith.constant 5 : i32
        %add3A_461 = arith.addi %mul3A_116, %add3A_460 : i32
        %get3A_462 = arith.index_cast %add3A_461 : i32 to index
        %get3A_463 = arith.constant 0 : index
        %get3A_464 = tpu.vector_load %arg14[%get3A_462, %get3A_463] {strides = array<i32>} : memref<80x128xf32, #tpu.memory_space<vmem>>, vector<16xf32>,
        %get3A_465 = arith.index_cast %add3A_461 : i32 to index
        %get3A_466 = arith.constant 0 : index
        %get3A_467 = tpu.vector_load %arg15[%get3A_465, %get3A_466] {strides = array<i32>} : memref<80x128xf32, #tpu.memory_space<vmem>>, vector<16xf32>,
        %mul3A_468 = arith.mulf %get3A_464, %get3A_467 : vector<16xf32>
        %get3A_469 = arith.index_cast %add3A_461 : i32 to index
        %get3A_470 = arith.constant 16 : index
        %get3A_471 = tpu.vector_load %arg14[%get3A_469, %get3A_470] {strides = array<i32>} : memref<80x128xf32, #tpu.memory_space<vmem>>, vector<16xf32>,
        %get3A_472 = arith.index_cast %add3A_461 : i32 to index
        %get3A_473 = arith.constant 16 : index
        %get3A_474 = tpu.vector_load %arg15[%get3A_472, %get3A_473] {strides = array<i32>} : memref<80x128xf32, #tpu.memory_space<vmem>>, vector<16xf32>,
        %mul3A_475 = arith.mulf %get3A_471, %get3A_474 : vector<16xf32>
        %add3A_476 = arith.addf %mul3A_468, %mul3A_475 : vector<16xf32>
        %get3A_477 = arith.index_cast %add3A_461 : i32 to index
        %get3A_478 = arith.constant 32 : index
        %get3A_479 = tpu.vector_load %arg14[%get3A_477, %get3A_478] {strides = array<i32>} : memref<80x128xf32, #tpu.memory_space<vmem>>, vector<16xf32>,
        %get3A_480 = arith.index_cast %add3A_461 : i32 to index
        %get3A_481 = arith.constant 32 : index
        %get3A_482 = tpu.vector_load %arg15[%get3A_480, %get3A_481] {strides = array<i32>} : memref<80x128xf32, #tpu.memory_space<vmem>>, vector<16xf32>,
        %mul3A_483 = arith.mulf %get3A_479, %get3A_482 : vector<16xf32>
        %add3A_484 = arith.addf %add3A_476, %mul3A_483 : vector<16xf32>
        %get3A_485 = arith.index_cast %add3A_461 : i32 to index
        %get3A_486 = arith.constant 48 : index
        %get3A_487 = tpu.vector_load %arg14[%get3A_485, %get3A_486] {strides = array<i32>} : memref<80x128xf32, #tpu.memory_space<vmem>>, vector<16xf32>,
        %get3A_488 = arith.index_cast %add3A_461 : i32 to index
        %get3A_489 = arith.constant 48 : index
        %get3A_490 = tpu.vector_load %arg15[%get3A_488, %get3A_489] {strides = array<i32>} : memref<80x128xf32, #tpu.memory_space<vmem>>, vector<16xf32>,
        %mul3A_491 = arith.mulf %get3A_487, %get3A_490 : vector<16xf32>
        %add3A_492 = arith.addf %add3A_484, %mul3A_491 : vector<16xf32>
        %get3A_493 = arith.index_cast %add3A_461 : i32 to index
        %get3A_494 = arith.constant 64 : index
        %get3A_495 = tpu.vector_load %arg14[%get3A_493, %get3A_494] {strides = array<i32>} : memref<80x128xf32, #tpu.memory_space<vmem>>, vector<16xf32>,
        %get3A_496 = arith.index_cast %add3A_461 : i32 to index
        %get3A_497 = arith.constant 64 : index
        %get3A_498 = tpu.vector_load %arg15[%get3A_496, %get3A_497] {strides = array<i32>} : memref<80x128xf32, #tpu.memory_space<vmem>>, vector<16xf32>,
        %mul3A_499 = arith.mulf %get3A_495, %get3A_498 : vector<16xf32>
        %add3A_500 = arith.addf %add3A_492, %mul3A_499 : vector<16xf32>
        %get3A_501 = arith.index_cast %add3A_461 : i32 to index
        %get3A_502 = arith.constant 80 : index
        %get3A_503 = tpu.vector_load %arg14[%get3A_501, %get3A_502] {strides = array<i32>} : memref<80x128xf32, #tpu.memory_space<vmem>>, vector<16xf32>,
        %get3A_504 = arith.index_cast %add3A_461 : i32 to index
        %get3A_505 = arith.constant 80 : index
        %get3A_506 = tpu.vector_load %arg15[%get3A_504, %get3A_505] {strides = array<i32>} : memref<80x128xf32, #tpu.memory_space<vmem>>, vector<16xf32>,
        %mul3A_507 = arith.mulf %get3A_503, %get3A_506 : vector<16xf32>
        %add3A_508 = arith.addf %add3A_500, %mul3A_507 : vector<16xf32>
        %get3A_509 = arith.index_cast %add3A_461 : i32 to index
        %get3A_510 = arith.constant 96 : index
        %get3A_511 = tpu.vector_load %arg14[%get3A_509, %get3A_510] {strides = array<i32>} : memref<80x128xf32, #tpu.memory_space<vmem>>, vector<16xf32>,
        %get3A_512 = arith.index_cast %add3A_461 : i32 to index
        %get3A_513 = arith.constant 96 : index
        %get3A_514 = tpu.vector_load %arg15[%get3A_512, %get3A_513] {strides = array<i32>} : memref<80x128xf32, #tpu.memory_space<vmem>>, vector<16xf32>,
        %mul3A_515 = arith.mulf %get3A_511, %get3A_514 : vector<16xf32>
        %add3A_516 = arith.addf %add3A_508, %mul3A_515 : vector<16xf32>
        %get3A_517 = arith.index_cast %add3A_461 : i32 to index
        %get3A_518 = arith.constant 112 : index
        %get3A_519 = tpu.vector_load %arg14[%get3A_517, %get3A_518] {strides = array<i32>} : memref<80x128xf32, #tpu.memory_space<vmem>>, vector<16xf32>,
        %get3A_520 = arith.index_cast %add3A_461 : i32 to index
        %get3A_521 = arith.constant 112 : index
        %get3A_522 = tpu.vector_load %arg15[%get3A_520, %get3A_521] {strides = array<i32>} : memref<80x128xf32, #tpu.memory_space<vmem>>, vector<16xf32>,
        %mul3A_523 = arith.mulf %get3A_519, %get3A_522 : vector<16xf32>
        %add3A_524 = arith.addf %add3A_516, %mul3A_523 : vector<16xf32>
        %swap3A_525 = arith.constant 5 : i32
        %swap3A_526 = arith.index_cast %swap3A_525 : i32 to index
        %swap3A_527 = arith.constant 0 : index
        %swap3A_528 = tpu.vector_load %arg9[%swap3A_526, %swap3A_527] {strides = array<i32>} : memref<16x17xf32, #tpu.memory_space<vmem>>, vector<16xf32>,
        tpu.vector_store %arg9[%swap3A_526, %swap3A_527], %add3A_524 {strides = array<i32>} : memref<16x17xf32, #tpu.memory_space<vmem>>, vector<16xf32>,
        %add3A_529 = arith.constant 6 : i32
        %add3A_530 = arith.addi %mul3A_116, %add3A_529 : i32
        %get3A_531 = arith.index_cast %add3A_530 : i32 to index
        %get3A_532 = arith.constant 0 : index
        %get3A_533 = tpu.vector_load %arg14[%get3A_531, %get3A_532] {strides = array<i32>} : memref<80x128xf32, #tpu.memory_space<vmem>>, vector<16xf32>,
        %get3A_534 = arith.index_cast %add3A_530 : i32 to index
        %get3A_535 = arith.constant 0 : index
        %get3A_536 = tpu.vector_load %arg15[%get3A_534, %get3A_535] {strides = array<i32>} : memref<80x128xf32, #tpu.memory_space<vmem>>, vector<16xf32>,
        %mul3A_537 = arith.mulf %get3A_533, %get3A_536 : vector<16xf32>
        %get3A_538 = arith.index_cast %add3A_530 : i32 to index
        %get3A_539 = arith.constant 16 : index
        %get3A_540 = tpu.vector_load %arg14[%get3A_538, %get3A_539] {strides = array<i32>} : memref<80x128xf32, #tpu.memory_space<vmem>>, vector<16xf32>,
        %get3A_541 = arith.index_cast %add3A_530 : i32 to index
        %get3A_542 = arith.constant 16 : index
        %get3A_543 = tpu.vector_load %arg15[%get3A_541, %get3A_542] {strides = array<i32>} : memref<80x128xf32, #tpu.memory_space<vmem>>, vector<16xf32>,
        %mul3A_544 = arith.mulf %get3A_540, %get3A_543 : vector<16xf32>
        %add3A_545 = arith.addf %mul3A_537, %mul3A_544 : vector<16xf32>
        %get3A_546 = arith.index_cast %add3A_530 : i32 to index
        %get3A_547 = arith.constant 32 : index
        %get3A_548 = tpu.vector_load %arg14[%get3A_546, %get3A_547] {strides = array<i32>} : memref<80x128xf32, #tpu.memory_space<vmem>>, vector<16xf32>,
        %get3A_549 = arith.index_cast %add3A_530 : i32 to index
        %get3A_550 = arith.constant 32 : index
        %get3A_551 = tpu.vector_load %arg15[%get3A_549, %get3A_550] {strides = array<i32>} : memref<80x128xf32, #tpu.memory_space<vmem>>, vector<16xf32>,
        %mul3A_552 = arith.mulf %get3A_548, %get3A_551 : vector<16xf32>
        %add3A_553 = arith.addf %add3A_545, %mul3A_552 : vector<16xf32>
        %get3A_554 = arith.index_cast %add3A_530 : i32 to index
        %get3A_555 = arith.constant 48 : index
        %get3A_556 = tpu.vector_load %arg14[%get3A_554, %get3A_555] {strides = array<i32>} : memref<80x128xf32, #tpu.memory_space<vmem>>, vector<16xf32>,
        %get3A_557 = arith.index_cast %add3A_530 : i32 to index
        %get3A_558 = arith.constant 48 : index
        %get3A_559 = tpu.vector_load %arg15[%get3A_557, %get3A_558] {strides = array<i32>} : memref<80x128xf32, #tpu.memory_space<vmem>>, vector<16xf32>,
        %mul3A_560 = arith.mulf %get3A_556, %get3A_559 : vector<16xf32>
        %add3A_561 = arith.addf %add3A_553, %mul3A_560 : vector<16xf32>
        %get3A_562 = arith.index_cast %add3A_530 : i32 to index
        %get3A_563 = arith.constant 64 : index
        %get3A_564 = tpu.vector_load %arg14[%get3A_562, %get3A_563] {strides = array<i32>} : memref<80x128xf32, #tpu.memory_space<vmem>>, vector<16xf32>,
        %get3A_565 = arith.index_cast %add3A_530 : i32 to index
        %get3A_566 = arith.constant 64 : index
        %get3A_567 = tpu.vector_load %arg15[%get3A_565, %get3A_566] {strides = array<i32>} : memref<80x128xf32, #tpu.memory_space<vmem>>, vector<16xf32>,
        %mul3A_568 = arith.mulf %get3A_564, %get3A_567 : vector<16xf32>
        %add3A_569 = arith.addf %add3A_561, %mul3A_568 : vector<16xf32>
        %get3A_570 = arith.index_cast %add3A_530 : i32 to index
        %get3A_571 = arith.constant 80 : index
        %get3A_572 = tpu.vector_load %arg14[%get3A_570, %get3A_571] {strides = array<i32>} : memref<80x128xf32, #tpu.memory_space<vmem>>, vector<16xf32>,
        %get3A_573 = arith.index_cast %add3A_530 : i32 to index
        %get3A_574 = arith.constant 80 : index
        %get3A_575 = tpu.vector_load %arg15[%get3A_573, %get3A_574] {strides = array<i32>} : memref<80x128xf32, #tpu.memory_space<vmem>>, vector<16xf32>,
        %mul3A_576 = arith.mulf %get3A_572, %get3A_575 : vector<16xf32>
        %add3A_577 = arith.addf %add3A_569, %mul3A_576 : vector<16xf32>
        %get3A_578 = arith.index_cast %add3A_530 : i32 to index
        %get3A_579 = arith.constant 96 : index
        %get3A_580 = tpu.vector_load %arg14[%get3A_578, %get3A_579] {strides = array<i32>} : memref<80x128xf32, #tpu.memory_space<vmem>>, vector<16xf32>,
        %get3A_581 = arith.index_cast %add3A_530 : i32 to index
        %get3A_582 = arith.constant 96 : index
        %get3A_583 = tpu.vector_load %arg15[%get3A_581, %get3A_582] {strides = array<i32>} : memref<80x128xf32, #tpu.memory_space<vmem>>, vector<16xf32>,
        %mul3A_584 = arith.mulf %get3A_580, %get3A_583 : vector<16xf32>
        %add3A_585 = arith.addf %add3A_577, %mul3A_584 : vector<16xf32>
        %get3A_586 = arith.index_cast %add3A_530 : i32 to index
        %get3A_587 = arith.constant 112 : index
        %get3A_588 = tpu.vector_load %arg14[%get3A_586, %get3A_587] {strides = array<i32>} : memref<80x128xf32, #tpu.memory_space<vmem>>, vector<16xf32>,
        %get3A_589 = arith.index_cast %add3A_530 : i32 to index
        %get3A_590 = arith.constant 112 : index
        %get3A_591 = tpu.vector_load %arg15[%get3A_589, %get3A_590] {strides = array<i32>} : memref<80x128xf32, #tpu.memory_space<vmem>>, vector<16xf32>,
        %mul3A_592 = arith.mulf %get3A_588, %get3A_591 : vector<16xf32>
        %add3A_593 = arith.addf %add3A_585, %mul3A_592 : vector<16xf32>
        %swap3A_594 = arith.constant 6 : i32
        %swap3A_595 = arith.index_cast %swap3A_594 : i32 to index
        %swap3A_596 = arith.constant 0 : index
        %swap3A_597 = tpu.vector_load %arg9[%swap3A_595, %swap3A_596] {strides = array<i32>} : memref<16x17xf32, #tpu.memory_space<vmem>>, vector<16xf32>,
        tpu.vector_store %arg9[%swap3A_595, %swap3A_596], %add3A_593 {strides = array<i32>} : memref<16x17xf32, #tpu.memory_space<vmem>>, vector<16xf32>,
        %add3A_598 = arith.constant 7 : i32
        %add3A_599 = arith.addi %mul3A_116, %add3A_598 : i32
        %get3A_600 = arith.index_cast %add3A_599 : i32 to index
        %get3A_601 = arith.constant 0 : index
        %get3A_602 = tpu.vector_load %arg14[%get3A_600, %get3A_601] {strides = array<i32>} : memref<80x128xf32, #tpu.memory_space<vmem>>, vector<16xf32>,
        %get3A_603 = arith.index_cast %add3A_599 : i32 to index
        %get3A_604 = arith.constant 0 : index
        %get3A_605 = tpu.vector_load %arg15[%get3A_603, %get3A_604] {strides = array<i32>} : memref<80x128xf32, #tpu.memory_space<vmem>>, vector<16xf32>,
        %mul3A_606 = arith.mulf %get3A_602, %get3A_605 : vector<16xf32>
        %get3A_607 = arith.index_cast %add3A_599 : i32 to index
        %get3A_608 = arith.constant 16 : index
        %get3A_609 = tpu.vector_load %arg14[%get3A_607, %get3A_608] {strides = array<i32>} : memref<80x128xf32, #tpu.memory_space<vmem>>, vector<16xf32>,
        %get3A_610 = arith.index_cast %add3A_599 : i32 to index
        %get3A_611 = arith.constant 16 : index
        %get3A_612 = tpu.vector_load %arg15[%get3A_610, %get3A_611] {strides = array<i32>} : memref<80x128xf32, #tpu.memory_space<vmem>>, vector<16xf32>,
        %mul3A_613 = arith.mulf %get3A_609, %get3A_612 : vector<16xf32>
        %add3A_614 = arith.addf %mul3A_606, %mul3A_613 : vector<16xf32>
        %get3A_615 = arith.index_cast %add3A_599 : i32 to index
        %get3A_616 = arith.constant 32 : index
        %get3A_617 = tpu.vector_load %arg14[%get3A_615, %get3A_616] {strides = array<i32>} : memref<80x128xf32, #tpu.memory_space<vmem>>, vector<16xf32>,
        %get3A_618 = arith.index_cast %add3A_599 : i32 to index
        %get3A_619 = arith.constant 32 : index
        %get3A_620 = tpu.vector_load %arg15[%get3A_618, %get3A_619] {strides = array<i32>} : memref<80x128xf32, #tpu.memory_space<vmem>>, vector<16xf32>,
        %mul3A_621 = arith.mulf %get3A_617, %get3A_620 : vector<16xf32>
        %add3A_622 = arith.addf %add3A_614, %mul3A_621 : vector<16xf32>
        %get3A_623 = arith.index_cast %add3A_599 : i32 to index
        %get3A_624 = arith.constant 48 : index
        %get3A_625 = tpu.vector_load %arg14[%get3A_623, %get3A_624] {strides = array<i32>} : memref<80x128xf32, #tpu.memory_space<vmem>>, vector<16xf32>,
        %get3A_626 = arith.index_cast %add3A_599 : i32 to index
        %get3A_627 = arith.constant 48 : index
        %get3A_628 = tpu.vector_load %arg15[%get3A_626, %get3A_627] {strides = array<i32>} : memref<80x128xf32, #tpu.memory_space<vmem>>, vector<16xf32>,
        %mul3A_629 = arith.mulf %get3A_625, %get3A_628 : vector<16xf32>
        %add3A_630 = arith.addf %add3A_622, %mul3A_629 : vector<16xf32>
        %get3A_631 = arith.index_cast %add3A_599 : i32 to index
        %get3A_632 = arith.constant 64 : index
        %get3A_633 = tpu.vector_load %arg14[%get3A_631, %get3A_632] {strides = array<i32>} : memref<80x128xf32, #tpu.memory_space<vmem>>, vector<16xf32>,
        %get3A_634 = arith.index_cast %add3A_599 : i32 to index
        %get3A_635 = arith.constant 64 : index
        %get3A_636 = tpu.vector_load %arg15[%get3A_634, %get3A_635] {strides = array<i32>} : memref<80x128xf32, #tpu.memory_space<vmem>>, vector<16xf32>,
        %mul3A_637 = arith.mulf %get3A_633, %get3A_636 : vector<16xf32>
        %add3A_638 = arith.addf %add3A_630, %mul3A_637 : vector<16xf32>
        %get3A_639 = arith.index_cast %add3A_599 : i32 to index
        %get3A_640 = arith.constant 80 : index
        %get3A_641 = tpu.vector_load %arg14[%get3A_639, %get3A_640] {strides = array<i32>} : memref<80x128xf32, #tpu.memory_space<vmem>>, vector<16xf32>,
        %get3A_642 = arith.index_cast %add3A_599 : i32 to index
        %get3A_643 = arith.constant 80 : index
        %get3A_644 = tpu.vector_load %arg15[%get3A_642, %get3A_643] {strides = array<i32>} : memref<80x128xf32, #tpu.memory_space<vmem>>, vector<16xf32>,
        %mul3A_645 = arith.mulf %get3A_641, %get3A_644 : vector<16xf32>
        %add3A_646 = arith.addf %add3A_638, %mul3A_645 : vector<16xf32>
        %get3A_647 = arith.index_cast %add3A_599 : i32 to index
        %get3A_648 = arith.constant 96 : index
        %get3A_649 = tpu.vector_load %arg14[%get3A_647, %get3A_648] {strides = array<i32>} : memref<80x128xf32, #tpu.memory_space<vmem>>, vector<16xf32>,
        %get3A_650 = arith.index_cast %add3A_599 : i32 to index
        %get3A_651 = arith.constant 96 : index
        %get3A_652 = tpu.vector_load %arg15[%get3A_650, %get3A_651] {strides = array<i32>} : memref<80x128xf32, #tpu.memory_space<vmem>>, vector<16xf32>,
        %mul3A_653 = arith.mulf %get3A_649, %get3A_652 : vector<16xf32>
        %add3A_654 = arith.addf %add3A_646, %mul3A_653 : vector<16xf32>
        %get3A_655 = arith.index_cast %add3A_599 : i32 to index
        %get3A_656 = arith.constant 112 : index
        %get3A_657 = tpu.vector_load %arg14[%get3A_655, %get3A_656] {strides = array<i32>} : memref<80x128xf32, #tpu.memory_space<vmem>>, vector<16xf32>,
        %get3A_658 = arith.index_cast %add3A_599 : i32 to index
        %get3A_659 = arith.constant 112 : index
        %get3A_660 = tpu.vector_load %arg15[%get3A_658, %get3A_659] {strides = array<i32>} : memref<80x128xf32, #tpu.memory_space<vmem>>, vector<16xf32>,
        %mul3A_661 = arith.mulf %get3A_657, %get3A_660 : vector<16xf32>
        %add3A_662 = arith.addf %add3A_654, %mul3A_661 : vector<16xf32>
        %swap3A_663 = arith.constant 7 : i32
        %swap3A_664 = arith.index_cast %swap3A_663 : i32 to index
        %swap3A_665 = arith.constant 0 : index
        %swap3A_666 = tpu.vector_load %arg9[%swap3A_664, %swap3A_665] {strides = array<i32>} : memref<16x17xf32, #tpu.memory_space<vmem>>, vector<16xf32>,
        tpu.vector_store %arg9[%swap3A_664, %swap3A_665], %add3A_662 {strides = array<i32>} : memref<16x17xf32, #tpu.memory_space<vmem>>, vector<16xf32>,
        %add3A_667 = arith.constant 8 : i32
        %add3A_668 = arith.addi %mul3A_116, %add3A_667 : i32
        %get3A_669 = arith.index_cast %add3A_668 : i32 to index
        %get3A_670 = arith.constant 0 : index
        %get3A_671 = tpu.vector_load %arg14[%get3A_669, %get3A_670] {strides = array<i32>} : memref<80x128xf32, #tpu.memory_space<vmem>>, vector<16xf32>,
        %get3A_672 = arith.index_cast %add3A_668 : i32 to index
        %get3A_673 = arith.constant 0 : index
        %get3A_674 = tpu.vector_load %arg15[%get3A_672, %get3A_673] {strides = array<i32>} : memref<80x128xf32, #tpu.memory_space<vmem>>, vector<16xf32>,
        %mul3A_675 = arith.mulf %get3A_671, %get3A_674 : vector<16xf32>
        %get3A_676 = arith.index_cast %add3A_668 : i32 to index
        %get3A_677 = arith.constant 16 : index
        %get3A_678 = tpu.vector_load %arg14[%get3A_676, %get3A_677] {strides = array<i32>} : memref<80x128xf32, #tpu.memory_space<vmem>>, vector<16xf32>,
        %get3A_679 = arith.index_cast %add3A_668 : i32 to index
        %get3A_680 = arith.constant 16 : index
        %get3A_681 = tpu.vector_load %arg15[%get3A_679, %get3A_680] {strides = array<i32>} : memref<80x128xf32, #tpu.memory_space<vmem>>, vector<16xf32>,
        %mul3A_682 = arith.mulf %get3A_678, %get3A_681 : vector<16xf32>
        %add3A_683 = arith.addf %mul3A_675, %mul3A_682 : vector<16xf32>
        %get3A_684 = arith.index_cast %add3A_668 : i32 to index
        %get3A_685 = arith.constant 32 : index
        %get3A_686 = tpu.vector_load %arg14[%get3A_684, %get3A_685] {strides = array<i32>} : memref<80x128xf32, #tpu.memory_space<vmem>>, vector<16xf32>,
        %get3A_687 = arith.index_cast %add3A_668 : i32 to index
        %get3A_688 = arith.constant 32 : index
        %get3A_689 = tpu.vector_load %arg15[%get3A_687, %get3A_688] {strides = array<i32>} : memref<80x128xf32, #tpu.memory_space<vmem>>, vector<16xf32>,
        %mul3A_690 = arith.mulf %get3A_686, %get3A_689 : vector<16xf32>
        %add3A_691 = arith.addf %add3A_683, %mul3A_690 : vector<16xf32>
        %get3A_692 = arith.index_cast %add3A_668 : i32 to index
        %get3A_693 = arith.constant 48 : index
        %get3A_694 = tpu.vector_load %arg14[%get3A_692, %get3A_693] {strides = array<i32>} : memref<80x128xf32, #tpu.memory_space<vmem>>, vector<16xf32>,
        %get3A_695 = arith.index_cast %add3A_668 : i32 to index
        %get3A_696 = arith.constant 48 : index
        %get3A_697 = tpu.vector_load %arg15[%get3A_695, %get3A_696] {strides = array<i32>} : memref<80x128xf32, #tpu.memory_space<vmem>>, vector<16xf32>,
        %mul3A_698 = arith.mulf %get3A_694, %get3A_697 : vector<16xf32>
        %add3A_699 = arith.addf %add3A_691, %mul3A_698 : vector<16xf32>
        %get3A_700 = arith.index_cast %add3A_668 : i32 to index
        %get3A_701 = arith.constant 64 : index
        %get3A_702 = tpu.vector_load %arg14[%get3A_700, %get3A_701] {strides = array<i32>} : memref<80x128xf32, #tpu.memory_space<vmem>>, vector<16xf32>,
        %get3A_703 = arith.index_cast %add3A_668 : i32 to index
        %get3A_704 = arith.constant 64 : index
        %get3A_705 = tpu.vector_load %arg15[%get3A_703, %get3A_704] {strides = array<i32>} : memref<80x128xf32, #tpu.memory_space<vmem>>, vector<16xf32>,
        %mul3A_706 = arith.mulf %get3A_702, %get3A_705 : vector<16xf32>
        %add3A_707 = arith.addf %add3A_699, %mul3A_706 : vector<16xf32>
        %get3A_708 = arith.index_cast %add3A_668 : i32 to index
        %get3A_709 = arith.constant 80 : index
        %get3A_710 = tpu.vector_load %arg14[%get3A_708, %get3A_709] {strides = array<i32>} : memref<80x128xf32, #tpu.memory_space<vmem>>, vector<16xf32>,
        %get3A_711 = arith.index_cast %add3A_668 : i32 to index
        %get3A_712 = arith.constant 80 : index
        %get3A_713 = tpu.vector_load %arg15[%get3A_711, %get3A_712] {strides = array<i32>} : memref<80x128xf32, #tpu.memory_space<vmem>>, vector<16xf32>,
        %mul3A_714 = arith.mulf %get3A_710, %get3A_713 : vector<16xf32>
        %add3A_715 = arith.addf %add3A_707, %mul3A_714 : vector<16xf32>
        %get3A_716 = arith.index_cast %add3A_668 : i32 to index
        %get3A_717 = arith.constant 96 : index
        %get3A_718 = tpu.vector_load %arg14[%get3A_716, %get3A_717] {strides = array<i32>} : memref<80x128xf32, #tpu.memory_space<vmem>>, vector<16xf32>,
        %get3A_719 = arith.index_cast %add3A_668 : i32 to index
        %get3A_720 = arith.constant 96 : index
        %get3A_721 = tpu.vector_load %arg15[%get3A_719, %get3A_720] {strides = array<i32>} : memref<80x128xf32, #tpu.memory_space<vmem>>, vector<16xf32>,
        %mul3A_722 = arith.mulf %get3A_718, %get3A_721 : vector<16xf32>
        %add3A_723 = arith.addf %add3A_715, %mul3A_722 : vector<16xf32>
        %get3A_724 = arith.index_cast %add3A_668 : i32 to index
        %get3A_725 = arith.constant 112 : index
        %get3A_726 = tpu.vector_load %arg14[%get3A_724, %get3A_725] {strides = array<i32>} : memref<80x128xf32, #tpu.memory_space<vmem>>, vector<16xf32>,
        %get3A_727 = arith.index_cast %add3A_668 : i32 to index
        %get3A_728 = arith.constant 112 : index
        %get3A_729 = tpu.vector_load %arg15[%get3A_727, %get3A_728] {strides = array<i32>} : memref<80x128xf32, #tpu.memory_space<vmem>>, vector<16xf32>,
        %mul3A_730 = arith.mulf %get3A_726, %get3A_729 : vector<16xf32>
        %add3A_731 = arith.addf %add3A_723, %mul3A_730 : vector<16xf32>
        %swap3A_732 = arith.constant 8 : i32
        %swap3A_733 = arith.index_cast %swap3A_732 : i32 to index
        %swap3A_734 = arith.constant 0 : index
        %swap3A_735 = tpu.vector_load %arg9[%swap3A_733, %swap3A_734] {strides = array<i32>} : memref<16x17xf32, #tpu.memory_space<vmem>>, vector<16xf32>,
        tpu.vector_store %arg9[%swap3A_733, %swap3A_734], %add3A_731 {strides = array<i32>} : memref<16x17xf32, #tpu.memory_space<vmem>>, vector<16xf32>,
        %add3A_736 = arith.constant 9 : i32
        %add3A_737 = arith.addi %mul3A_116, %add3A_736 : i32
        %get3A_738 = arith.index_cast %add3A_737 : i32 to index
        %get3A_739 = arith.constant 0 : index
        %get3A_740 = tpu.vector_load %arg14[%get3A_738, %get3A_739] {strides = array<i32>} : memref<80x128xf32, #tpu.memory_space<vmem>>, vector<16xf32>,
        %get3A_741 = arith.index_cast %add3A_737 : i32 to index
        %get3A_742 = arith.constant 0 : index
        %get3A_743 = tpu.vector_load %arg15[%get3A_741, %get3A_742] {strides = array<i32>} : memref<80x128xf32, #tpu.memory_space<vmem>>, vector<16xf32>,
        %mul3A_744 = arith.mulf %get3A_740, %get3A_743 : vector<16xf32>
        %get3A_745 = arith.index_cast %add3A_737 : i32 to index
        %get3A_746 = arith.constant 16 : index
        %get3A_747 = tpu.vector_load %arg14[%get3A_745, %get3A_746] {strides = array<i32>} : memref<80x128xf32, #tpu.memory_space<vmem>>, vector<16xf32>,
        %get3A_748 = arith.index_cast %add3A_737 : i32 to index
        %get3A_749 = arith.constant 16 : index
        %get3A_750 = tpu.vector_load %arg15[%get3A_748, %get3A_749] {strides = array<i32>} : memref<80x128xf32, #tpu.memory_space<vmem>>, vector<16xf32>,
        %mul3A_751 = arith.mulf %get3A_747, %get3A_750 : vector<16xf32>
        %add3A_752 = arith.addf %mul3A_744, %mul3A_751 : vector<16xf32>
        %get3A_753 = arith.index_cast %add3A_737 : i32 to index
        %get3A_754 = arith.constant 32 : index
        %get3A_755 = tpu.vector_load %arg14[%get3A_753, %get3A_754] {strides = array<i32>} : memref<80x128xf32, #tpu.memory_space<vmem>>, vector<16xf32>,
        %get3A_756 = arith.index_cast %add3A_737 : i32 to index
        %get3A_757 = arith.constant 32 : index
        %get3A_758 = tpu.vector_load %arg15[%get3A_756, %get3A_757] {strides = array<i32>} : memref<80x128xf32, #tpu.memory_space<vmem>>, vector<16xf32>,
        %mul3A_759 = arith.mulf %get3A_755, %get3A_758 : vector<16xf32>
        %add3A_760 = arith.addf %add3A_752, %mul3A_759 : vector<16xf32>
        %get3A_761 = arith.index_cast %add3A_737 : i32 to index
        %get3A_762 = arith.constant 48 : index
        %get3A_763 = tpu.vector_load %arg14[%get3A_761, %get3A_762] {strides = array<i32>} : memref<80x128xf32, #tpu.memory_space<vmem>>, vector<16xf32>,
        %get3A_764 = arith.index_cast %add3A_737 : i32 to index
        %get3A_765 = arith.constant 48 : index
        %get3A_766 = tpu.vector_load %arg15[%get3A_764, %get3A_765] {strides = array<i32>} : memref<80x128xf32, #tpu.memory_space<vmem>>, vector<16xf32>,
        %mul3A_767 = arith.mulf %get3A_763, %get3A_766 : vector<16xf32>
        %add3A_768 = arith.addf %add3A_760, %mul3A_767 : vector<16xf32>
        %get3A_769 = arith.index_cast %add3A_737 : i32 to index
        %get3A_770 = arith.constant 64 : index
        %get3A_771 = tpu.vector_load %arg14[%get3A_769, %get3A_770] {strides = array<i32>} : memref<80x128xf32, #tpu.memory_space<vmem>>, vector<16xf32>,
        %get3A_772 = arith.index_cast %add3A_737 : i32 to index
        %get3A_773 = arith.constant 64 : index
        %get3A_774 = tpu.vector_load %arg15[%get3A_772, %get3A_773] {strides = array<i32>} : memref<80x128xf32, #tpu.memory_space<vmem>>, vector<16xf32>,
        %mul3A_775 = arith.mulf %get3A_771, %get3A_774 : vector<16xf32>
        %add3A_776 = arith.addf %add3A_768, %mul3A_775 : vector<16xf32>
        %get3A_777 = arith.index_cast %add3A_737 : i32 to index
        %get3A_778 = arith.constant 80 : index
        %get3A_779 = tpu.vector_load %arg14[%get3A_777, %get3A_778] {strides = array<i32>} : memref<80x128xf32, #tpu.memory_space<vmem>>, vector<16xf32>,
        %get3A_780 = arith.index_cast %add3A_737 : i32 to index
        %get3A_781 = arith.constant 80 : index
        %get3A_782 = tpu.vector_load %arg15[%get3A_780, %get3A_781] {strides = array<i32>} : memref<80x128xf32, #tpu.memory_space<vmem>>, vector<16xf32>,
        %mul3A_783 = arith.mulf %get3A_779, %get3A_782 : vector<16xf32>
        %add3A_784 = arith.addf %add3A_776, %mul3A_783 : vector<16xf32>
        %get3A_785 = arith.index_cast %add3A_737 : i32 to index
        %get3A_786 = arith.constant 96 : index
        %get3A_787 = tpu.vector_load %arg14[%get3A_785, %get3A_786] {strides = array<i32>} : memref<80x128xf32, #tpu.memory_space<vmem>>, vector<16xf32>,
        %get3A_788 = arith.index_cast %add3A_737 : i32 to index
        %get3A_789 = arith.constant 96 : index
        %get3A_790 = tpu.vector_load %arg15[%get3A_788, %get3A_789] {strides = array<i32>} : memref<80x128xf32, #tpu.memory_space<vmem>>, vector<16xf32>,
        %mul3A_791 = arith.mulf %get3A_787, %get3A_790 : vector<16xf32>
        %add3A_792 = arith.addf %add3A_784, %mul3A_791 : vector<16xf32>
        %get3A_793 = arith.index_cast %add3A_737 : i32 to index
        %get3A_794 = arith.constant 112 : index
        %get3A_795 = tpu.vector_load %arg14[%get3A_793, %get3A_794] {strides = array<i32>} : memref<80x128xf32, #tpu.memory_space<vmem>>, vector<16xf32>,
        %get3A_796 = arith.index_cast %add3A_737 : i32 to index
        %get3A_797 = arith.constant 112 : index
        %get3A_798 = tpu.vector_load %arg15[%get3A_796, %get3A_797] {strides = array<i32>} : memref<80x128xf32, #tpu.memory_space<vmem>>, vector<16xf32>,
        %mul3A_799 = arith.mulf %get3A_795, %get3A_798 : vector<16xf32>
        %add3A_800 = arith.addf %add3A_792, %mul3A_799 : vector<16xf32>
        %swap3A_801 = arith.constant 9 : i32
        %swap3A_802 = arith.index_cast %swap3A_801 : i32 to index
        %swap3A_803 = arith.constant 0 : index
        %swap3A_804 = tpu.vector_load %arg9[%swap3A_802, %swap3A_803] {strides = array<i32>} : memref<16x17xf32, #tpu.memory_space<vmem>>, vector<16xf32>,
        tpu.vector_store %arg9[%swap3A_802, %swap3A_803], %add3A_800 {strides = array<i32>} : memref<16x17xf32, #tpu.memory_space<vmem>>, vector<16xf32>,
        %add3A_805 = arith.constant 10 : i32
        %add3A_806 = arith.addi %mul3A_116, %add3A_805 : i32
        %get3A_807 = arith.index_cast %add3A_806 : i32 to index
        %get3A_808 = arith.constant 0 : index
        %get3A_809 = tpu.vector_load %arg14[%get3A_807, %get3A_808] {strides = array<i32>} : memref<80x128xf32, #tpu.memory_space<vmem>>, vector<16xf32>,
        %get3A_810 = arith.index_cast %add3A_806 : i32 to index
        %get3A_811 = arith.constant 0 : index
        %get3A_812 = tpu.vector_load %arg15[%get3A_810, %get3A_811] {strides = array<i32>} : memref<80x128xf32, #tpu.memory_space<vmem>>, vector<16xf32>,
        %mul3A_813 = arith.mulf %get3A_809, %get3A_812 : vector<16xf32>
        %get3A_814 = arith.index_cast %add3A_806 : i32 to index
        %get3A_815 = arith.constant 16 : index
        %get3A_816 = tpu.vector_load %arg14[%get3A_814, %get3A_815] {strides = array<i32>} : memref<80x128xf32, #tpu.memory_space<vmem>>, vector<16xf32>,
        %get3A_817 = arith.index_cast %add3A_806 : i32 to index
        %get3A_818 = arith.constant 16 : index
        %get3A_819 = tpu.vector_load %arg15[%get3A_817, %get3A_818] {strides = array<i32>} : memref<80x128xf32, #tpu.memory_space<vmem>>, vector<16xf32>,
        %mul3A_820 = arith.mulf %get3A_816, %get3A_819 : vector<16xf32>
        %add3A_821 = arith.addf %mul3A_813, %mul3A_820 : vector<16xf32>
        %get3A_822 = arith.index_cast %add3A_806 : i32 to index
        %get3A_823 = arith.constant 32 : index
        %get3A_824 = tpu.vector_load %arg14[%get3A_822, %get3A_823] {strides = array<i32>} : memref<80x128xf32, #tpu.memory_space<vmem>>, vector<16xf32>,
        %get3A_825 = arith.index_cast %add3A_806 : i32 to index
        %get3A_826 = arith.constant 32 : index
        %get3A_827 = tpu.vector_load %arg15[%get3A_825, %get3A_826] {strides = array<i32>} : memref<80x128xf32, #tpu.memory_space<vmem>>, vector<16xf32>,
        %mul3A_828 = arith.mulf %get3A_824, %get3A_827 : vector<16xf32>
        %add3A_829 = arith.addf %add3A_821, %mul3A_828 : vector<16xf32>
        %get3A_830 = arith.index_cast %add3A_806 : i32 to index
        %get3A_831 = arith.constant 48 : index
        %get3A_832 = tpu.vector_load %arg14[%get3A_830, %get3A_831] {strides = array<i32>} : memref<80x128xf32, #tpu.memory_space<vmem>>, vector<16xf32>,
        %get3A_833 = arith.index_cast %add3A_806 : i32 to index
        %get3A_834 = arith.constant 48 : index
        %get3A_835 = tpu.vector_load %arg15[%get3A_833, %get3A_834] {strides = array<i32>} : memref<80x128xf32, #tpu.memory_space<vmem>>, vector<16xf32>,
        %mul3A_836 = arith.mulf %get3A_832, %get3A_835 : vector<16xf32>
        %add3A_837 = arith.addf %add3A_829, %mul3A_836 : vector<16xf32>
        %get3A_838 = arith.index_cast %add3A_806 : i32 to index
        %get3A_839 = arith.constant 64 : index
        %get3A_840 = tpu.vector_load %arg14[%get3A_838, %get3A_839] {strides = array<i32>} : memref<80x128xf32, #tpu.memory_space<vmem>>, vector<16xf32>,
        %get3A_841 = arith.index_cast %add3A_806 : i32 to index
        %get3A_842 = arith.constant 64 : index
        %get3A_843 = tpu.vector_load %arg15[%get3A_841, %get3A_842] {strides = array<i32>} : memref<80x128xf32, #tpu.memory_space<vmem>>, vector<16xf32>,
        %mul3A_844 = arith.mulf %get3A_840, %get3A_843 : vector<16xf32>
        %add3A_845 = arith.addf %add3A_837, %mul3A_844 : vector<16xf32>
        %get3A_846 = arith.index_cast %add3A_806 : i32 to index
        %get3A_847 = arith.constant 80 : index
        %get3A_848 = tpu.vector_load %arg14[%get3A_846, %get3A_847] {strides = array<i32>} : memref<80x128xf32, #tpu.memory_space<vmem>>, vector<16xf32>,
        %get3A_849 = arith.index_cast %add3A_806 : i32 to index
        %get3A_850 = arith.constant 80 : index
        %get3A_851 = tpu.vector_load %arg15[%get3A_849, %get3A_850] {strides = array<i32>} : memref<80x128xf32, #tpu.memory_space<vmem>>, vector<16xf32>,
        %mul3A_852 = arith.mulf %get3A_848, %get3A_851 : vector<16xf32>
        %add3A_853 = arith.addf %add3A_845, %mul3A_852 : vector<16xf32>
        %get3A_854 = arith.index_cast %add3A_806 : i32 to index
        %get3A_855 = arith.constant 96 : index
        %get3A_856 = tpu.vector_load %arg14[%get3A_854, %get3A_855] {strides = array<i32>} : memref<80x128xf32, #tpu.memory_space<vmem>>, vector<16xf32>,
        %get3A_857 = arith.index_cast %add3A_806 : i32 to index
        %get3A_858 = arith.constant 96 : index
        %get3A_859 = tpu.vector_load %arg15[%get3A_857, %get3A_858] {strides = array<i32>} : memref<80x128xf32, #tpu.memory_space<vmem>>, vector<16xf32>,
        %mul3A_860 = arith.mulf %get3A_856, %get3A_859 : vector<16xf32>
        %add3A_861 = arith.addf %add3A_853, %mul3A_860 : vector<16xf32>
        %get3A_862 = arith.index_cast %add3A_806 : i32 to index
        %get3A_863 = arith.constant 112 : index
        %get3A_864 = tpu.vector_load %arg14[%get3A_862, %get3A_863] {strides = array<i32>} : memref<80x128xf32, #tpu.memory_space<vmem>>, vector<16xf32>,
        %get3A_865 = arith.index_cast %add3A_806 : i32 to index
        %get3A_866 = arith.constant 112 : index
        %get3A_867 = tpu.vector_load %arg15[%get3A_865, %get3A_866] {strides = array<i32>} : memref<80x128xf32, #tpu.memory_space<vmem>>, vector<16xf32>,
        %mul3A_868 = arith.mulf %get3A_864, %get3A_867 : vector<16xf32>
        %add3A_869 = arith.addf %add3A_861, %mul3A_868 : vector<16xf32>
        %swap3A_870 = arith.constant 10 : i32
        %swap3A_871 = arith.index_cast %swap3A_870 : i32 to index
        %swap3A_872 = arith.constant 0 : index
        %swap3A_873 = tpu.vector_load %arg9[%swap3A_871, %swap3A_872] {strides = array<i32>} : memref<16x17xf32, #tpu.memory_space<vmem>>, vector<16xf32>,
        tpu.vector_store %arg9[%swap3A_871, %swap3A_872], %add3A_869 {strides = array<i32>} : memref<16x17xf32, #tpu.memory_space<vmem>>, vector<16xf32>,
        %add3A_874 = arith.constant 11 : i32
        %add3A_875 = arith.addi %mul3A_116, %add3A_874 : i32
        %get3A_876 = arith.index_cast %add3A_875 : i32 to index
        %get3A_877 = arith.constant 0 : index
        %get3A_878 = tpu.vector_load %arg14[%get3A_876, %get3A_877] {strides = array<i32>} : memref<80x128xf32, #tpu.memory_space<vmem>>, vector<16xf32>,
        %get3A_879 = arith.index_cast %add3A_875 : i32 to index
        %get3A_880 = arith.constant 0 : index
        %get3A_881 = tpu.vector_load %arg15[%get3A_879, %get3A_880] {strides = array<i32>} : memref<80x128xf32, #tpu.memory_space<vmem>>, vector<16xf32>,
        %mul3A_882 = arith.mulf %get3A_878, %get3A_881 : vector<16xf32>
        %get3A_883 = arith.index_cast %add3A_875 : i32 to index
        %get3A_884 = arith.constant 16 : index
        %get3A_885 = tpu.vector_load %arg14[%get3A_883, %get3A_884] {strides = array<i32>} : memref<80x128xf32, #tpu.memory_space<vmem>>, vector<16xf32>,
        %get3A_886 = arith.index_cast %add3A_875 : i32 to index
        %get3A_887 = arith.constant 16 : index
        %get3A_888 = tpu.vector_load %arg15[%get3A_886, %get3A_887] {strides = array<i32>} : memref<80x128xf32, #tpu.memory_space<vmem>>, vector<16xf32>,
        %mul3A_889 = arith.mulf %get3A_885, %get3A_888 : vector<16xf32>
        %add3A_890 = arith.addf %mul3A_882, %mul3A_889 : vector<16xf32>
        %get3A_891 = arith.index_cast %add3A_875 : i32 to index
        %get3A_892 = arith.constant 32 : index
        %get3A_893 = tpu.vector_load %arg14[%get3A_891, %get3A_892] {strides = array<i32>} : memref<80x128xf32, #tpu.memory_space<vmem>>, vector<16xf32>,
        %get3A_894 = arith.index_cast %add3A_875 : i32 to index
        %get3A_895 = arith.constant 32 : index
        %get3A_896 = tpu.vector_load %arg15[%get3A_894, %get3A_895] {strides = array<i32>} : memref<80x128xf32, #tpu.memory_space<vmem>>, vector<16xf32>,
        %mul3A_897 = arith.mulf %get3A_893, %get3A_896 : vector<16xf32>
        %add3A_898 = arith.addf %add3A_890, %mul3A_897 : vector<16xf32>
        %get3A_899 = arith.index_cast %add3A_875 : i32 to index
        %get3A_900 = arith.constant 48 : index
        %get3A_901 = tpu.vector_load %arg14[%get3A_899, %get3A_900] {strides = array<i32>} : memref<80x128xf32, #tpu.memory_space<vmem>>, vector<16xf32>,
        %get3A_902 = arith.index_cast %add3A_875 : i32 to index
        %get3A_903 = arith.constant 48 : index
        %get3A_904 = tpu.vector_load %arg15[%get3A_902, %get3A_903] {strides = array<i32>} : memref<80x128xf32, #tpu.memory_space<vmem>>, vector<16xf32>,
        %mul3A_905 = arith.mulf %get3A_901, %get3A_904 : vector<16xf32>
        %add3A_906 = arith.addf %add3A_898, %mul3A_905 : vector<16xf32>
        %get3A_907 = arith.index_cast %add3A_875 : i32 to index
        %get3A_908 = arith.constant 64 : index
        %get3A_909 = tpu.vector_load %arg14[%get3A_907, %get3A_908] {strides = array<i32>} : memref<80x128xf32, #tpu.memory_space<vmem>>, vector<16xf32>,
        %get3A_910 = arith.index_cast %add3A_875 : i32 to index
        %get3A_911 = arith.constant 64 : index
        %get3A_912 = tpu.vector_load %arg15[%get3A_910, %get3A_911] {strides = array<i32>} : memref<80x128xf32, #tpu.memory_space<vmem>>, vector<16xf32>,
        %mul3A_913 = arith.mulf %get3A_909, %get3A_912 : vector<16xf32>
        %add3A_914 = arith.addf %add3A_906, %mul3A_913 : vector<16xf32>
        %get3A_915 = arith.index_cast %add3A_875 : i32 to index
        %get3A_916 = arith.constant 80 : index
        %get3A_917 = tpu.vector_load %arg14[%get3A_915, %get3A_916] {strides = array<i32>} : memref<80x128xf32, #tpu.memory_space<vmem>>, vector<16xf32>,
        %get3A_918 = arith.index_cast %add3A_875 : i32 to index
        %get3A_919 = arith.constant 80 : index
        %get3A_920 = tpu.vector_load %arg15[%get3A_918, %get3A_919] {strides = array<i32>} : memref<80x128xf32, #tpu.memory_space<vmem>>, vector<16xf32>,
        %mul3A_921 = arith.mulf %get3A_917, %get3A_920 : vector<16xf32>
        %add3A_922 = arith.addf %add3A_914, %mul3A_921 : vector<16xf32>
        %get3A_923 = arith.index_cast %add3A_875 : i32 to index
        %get3A_924 = arith.constant 96 : index
        %get3A_925 = tpu.vector_load %arg14[%get3A_923, %get3A_924] {strides = array<i32>} : memref<80x128xf32, #tpu.memory_space<vmem>>, vector<16xf32>,
        %get3A_926 = arith.index_cast %add3A_875 : i32 to index
        %get3A_927 = arith.constant 96 : index
        %get3A_928 = tpu.vector_load %arg15[%get3A_926, %get3A_927] {strides = array<i32>} : memref<80x128xf32, #tpu.memory_space<vmem>>, vector<16xf32>,
        %mul3A_929 = arith.mulf %get3A_925, %get3A_928 : vector<16xf32>
        %add3A_930 = arith.addf %add3A_922, %mul3A_929 : vector<16xf32>
        %get3A_931 = arith.index_cast %add3A_875 : i32 to index
        %get3A_932 = arith.constant 112 : index
        %get3A_933 = tpu.vector_load %arg14[%get3A_931, %get3A_932] {strides = array<i32>} : memref<80x128xf32, #tpu.memory_space<vmem>>, vector<16xf32>,
        %get3A_934 = arith.index_cast %add3A_875 : i32 to index
        %get3A_935 = arith.constant 112 : index
        %get3A_936 = tpu.vector_load %arg15[%get3A_934, %get3A_935] {strides = array<i32>} : memref<80x128xf32, #tpu.memory_space<vmem>>, vector<16xf32>,
        %mul3A_937 = arith.mulf %get3A_933, %get3A_936 : vector<16xf32>
        %add3A_938 = arith.addf %add3A_930, %mul3A_937 : vector<16xf32>
        %swap3A_939 = arith.constant 11 : i32
        %swap3A_940 = arith.index_cast %swap3A_939 : i32 to index
        %swap3A_941 = arith.constant 0 : index
        %swap3A_942 = tpu.vector_load %arg9[%swap3A_940, %swap3A_941] {strides = array<i32>} : memref<16x17xf32, #tpu.memory_space<vmem>>, vector<16xf32>,
        tpu.vector_store %arg9[%swap3A_940, %swap3A_941], %add3A_938 {strides = array<i32>} : memref<16x17xf32, #tpu.memory_space<vmem>>, vector<16xf32>,
        %add3A_943 = arith.constant 12 : i32
        %add3A_944 = arith.addi %mul3A_116, %add3A_943 : i32
        %get3A_945 = arith.index_cast %add3A_944 : i32 to index
        %get3A_946 = arith.constant 0 : index
        %get3A_947 = tpu.vector_load %arg14[%get3A_945, %get3A_946] {strides = array<i32>} : memref<80x128xf32, #tpu.memory_space<vmem>>, vector<16xf32>,
        %get3A_948 = arith.index_cast %add3A_944 : i32 to index
        %get3A_949 = arith.constant 0 : index
        %get3A_950 = tpu.vector_load %arg15[%get3A_948, %get3A_949] {strides = array<i32>} : memref<80x128xf32, #tpu.memory_space<vmem>>, vector<16xf32>,
        %mul3A_951 = arith.mulf %get3A_947, %get3A_950 : vector<16xf32>
        %get3A_952 = arith.index_cast %add3A_944 : i32 to index
        %get3A_953 = arith.constant 16 : index
        %get3A_954 = tpu.vector_load %arg14[%get3A_952, %get3A_953] {strides = array<i32>} : memref<80x128xf32, #tpu.memory_space<vmem>>, vector<16xf32>,
        %get3A_955 = arith.index_cast %add3A_944 : i32 to index
        %get3A_956 = arith.constant 16 : index
        %get3A_957 = tpu.vector_load %arg15[%get3A_955, %get3A_956] {strides = array<i32>} : memref<80x128xf32, #tpu.memory_space<vmem>>, vector<16xf32>,
        %mul3A_958 = arith.mulf %get3A_954, %get3A_957 : vector<16xf32>
        %add3A_959 = arith.addf %mul3A_951, %mul3A_958 : vector<16xf32>
        %get3A_960 = arith.index_cast %add3A_944 : i32 to index
        %get3A_961 = arith.constant 32 : index
        %get3A_962 = tpu.vector_load %arg14[%get3A_960, %get3A_961] {strides = array<i32>} : memref<80x128xf32, #tpu.memory_space<vmem>>, vector<16xf32>,
        %get3A_963 = arith.index_cast %add3A_944 : i32 to index
        %get3A_964 = arith.constant 32 : index
        %get3A_965 = tpu.vector_load %arg15[%get3A_963, %get3A_964] {strides = array<i32>} : memref<80x128xf32, #tpu.memory_space<vmem>>, vector<16xf32>,
        %mul3A_966 = arith.mulf %get3A_962, %get3A_965 : vector<16xf32>
        %add3A_967 = arith.addf %add3A_959, %mul3A_966 : vector<16xf32>
        %get3A_968 = arith.index_cast %add3A_944 : i32 to index
        %get3A_969 = arith.constant 48 : index
        %get3A_970 = tpu.vector_load %arg14[%get3A_968, %get3A_969] {strides = array<i32>} : memref<80x128xf32, #tpu.memory_space<vmem>>, vector<16xf32>,
        %get3A_971 = arith.index_cast %add3A_944 : i32 to index
        %get3A_972 = arith.constant 48 : index
        %get3A_973 = tpu.vector_load %arg15[%get3A_971, %get3A_972] {strides = array<i32>} : memref<80x128xf32, #tpu.memory_space<vmem>>, vector<16xf32>,
        %mul3A_974 = arith.mulf %get3A_970, %get3A_973 : vector<16xf32>
        %add3A_975 = arith.addf %add3A_967, %mul3A_974 : vector<16xf32>
        %get3A_976 = arith.index_cast %add3A_944 : i32 to index
        %get3A_977 = arith.constant 64 : index
        %get3A_978 = tpu.vector_load %arg14[%get3A_976, %get3A_977] {strides = array<i32>} : memref<80x128xf32, #tpu.memory_space<vmem>>, vector<16xf32>,
        %get3A_979 = arith.index_cast %add3A_944 : i32 to index
        %get3A_980 = arith.constant 64 : index
        %get3A_981 = tpu.vector_load %arg15[%get3A_979, %get3A_980] {strides = array<i32>} : memref<80x128xf32, #tpu.memory_space<vmem>>, vector<16xf32>,
        %mul3A_982 = arith.mulf %get3A_978, %get3A_981 : vector<16xf32>
        %add3A_983 = arith.addf %add3A_975, %mul3A_982 : vector<16xf32>
        %get3A_984 = arith.index_cast %add3A_944 : i32 to index
        %get3A_985 = arith.constant 80 : index
        %get3A_986 = tpu.vector_load %arg14[%get3A_984, %get3A_985] {strides = array<i32>} : memref<80x128xf32, #tpu.memory_space<vmem>>, vector<16xf32>,
        %get3A_987 = arith.index_cast %add3A_944 : i32 to index
        %get3A_988 = arith.constant 80 : index
        %get3A_989 = tpu.vector_load %arg15[%get3A_987, %get3A_988] {strides = array<i32>} : memref<80x128xf32, #tpu.memory_space<vmem>>, vector<16xf32>,
        %mul3A_990 = arith.mulf %get3A_986, %get3A_989 : vector<16xf32>
        %add3A_991 = arith.addf %add3A_983, %mul3A_990 : vector<16xf32>
        %get3A_992 = arith.index_cast %add3A_944 : i32 to index
        %get3A_993 = arith.constant 96 : index
        %get3A_994 = tpu.vector_load %arg14[%get3A_992, %get3A_993] {strides = array<i32>} : memref<80x128xf32, #tpu.memory_space<vmem>>, vector<16xf32>,
        %get3A_995 = arith.index_cast %add3A_944 : i32 to index
        %get3A_996 = arith.constant 96 : index
        %get3A_997 = tpu.vector_load %arg15[%get3A_995, %get3A_996] {strides = array<i32>} : memref<80x128xf32, #tpu.memory_space<vmem>>, vector<16xf32>,
        %mul3A_998 = arith.mulf %get3A_994, %get3A_997 : vector<16xf32>
        %add3A_999 = arith.addf %add3A_991, %mul3A_998 : vector<16xf32>
        %get3A_1000 = arith.index_cast %add3A_944 : i32 to index
        %get3A_1001 = arith.constant 112 : index
        %get3A_1002 = tpu.vector_load %arg14[%get3A_1000, %get3A_1001] {strides = array<i32>} : memref<80x128xf32, #tpu.memory_space<vmem>>, vector<16xf32>,
        %get3A_1003 = arith.index_cast %add3A_944 : i32 to index
        %get3A_1004 = arith.constant 112 : index
        %get3A_1005 = tpu.vector_load %arg15[%get3A_1003, %get3A_1004] {strides = array<i32>} : memref<80x128xf32, #tpu.memory_space<vmem>>, vector<16xf32>,
        %mul3A_1006 = arith.mulf %get3A_1002, %get3A_1005 : vector<16xf32>
        %add3A_1007 = arith.addf %add3A_999, %mul3A_1006 : vector<16xf32>
        %swap3A_1008 = arith.constant 12 : i32
        %swap3A_1009 = arith.index_cast %swap3A_1008 : i32 to index
        %swap3A_1010 = arith.constant 0 : index
        %swap3A_1011 = tpu.vector_load %arg9[%swap3A_1009, %swap3A_1010] {strides = array<i32>} : memref<16x17xf32, #tpu.memory_space<vmem>>, vector<16xf32>,
        tpu.vector_store %arg9[%swap3A_1009, %swap3A_1010], %add3A_1007 {strides = array<i32>} : memref<16x17xf32, #tpu.memory_space<vmem>>, vector<16xf32>,
        %add3A_1012 = arith.constant 13 : i32
        %add3A_1013 = arith.addi %mul3A_116, %add3A_1012 : i32
        %get3A_1014 = arith.index_cast %add3A_1013 : i32 to index
        %get3A_1015 = arith.constant 0 : index
        %get3A_1016 = tpu.vector_load %arg14[%get3A_1014, %get3A_1015] {strides = array<i32>} : memref<80x128xf32, #tpu.memory_space<vmem>>, vector<16xf32>,
        %get3A_1017 = arith.index_cast %add3A_1013 : i32 to index
        %get3A_1018 = arith.constant 0 : index
        %get3A_1019 = tpu.vector_load %arg15[%get3A_1017, %get3A_1018] {strides = array<i32>} : memref<80x128xf32, #tpu.memory_space<vmem>>, vector<16xf32>,
        %mul3A_1020 = arith.mulf %get3A_1016, %get3A_1019 : vector<16xf32>
        %get3A_1021 = arith.index_cast %add3A_1013 : i32 to index
        %get3A_1022 = arith.constant 16 : index
        %get3A_1023 = tpu.vector_load %arg14[%get3A_1021, %get3A_1022] {strides = array<i32>} : memref<80x128xf32, #tpu.memory_space<vmem>>, vector<16xf32>,
        %get3A_1024 = arith.index_cast %add3A_1013 : i32 to index
        %get3A_1025 = arith.constant 16 : index
        %get3A_1026 = tpu.vector_load %arg15[%get3A_1024, %get3A_1025] {strides = array<i32>} : memref<80x128xf32, #tpu.memory_space<vmem>>, vector<16xf32>,
        %mul3A_1027 = arith.mulf %get3A_1023, %get3A_1026 : vector<16xf32>
        %add3A_1028 = arith.addf %mul3A_1020, %mul3A_1027 : vector<16xf32>
        %get3A_1029 = arith.index_cast %add3A_1013 : i32 to index
        %get3A_1030 = arith.constant 32 : index
        %get3A_1031 = tpu.vector_load %arg14[%get3A_1029, %get3A_1030] {strides = array<i32>} : memref<80x128xf32, #tpu.memory_space<vmem>>, vector<16xf32>,
        %get3A_1032 = arith.index_cast %add3A_1013 : i32 to index
        %get3A_1033 = arith.constant 32 : index
        %get3A_1034 = tpu.vector_load %arg15[%get3A_1032, %get3A_1033] {strides = array<i32>} : memref<80x128xf32, #tpu.memory_space<vmem>>, vector<16xf32>,
        %mul3A_1035 = arith.mulf %get3A_1031, %get3A_1034 : vector<16xf32>
        %add3A_1036 = arith.addf %add3A_1028, %mul3A_1035 : vector<16xf32>
        %get3A_1037 = arith.index_cast %add3A_1013 : i32 to index
        %get3A_1038 = arith.constant 48 : index
        %get3A_1039 = tpu.vector_load %arg14[%get3A_1037, %get3A_1038] {strides = array<i32>} : memref<80x128xf32, #tpu.memory_space<vmem>>, vector<16xf32>,
        %get3A_1040 = arith.index_cast %add3A_1013 : i32 to index
        %get3A_1041 = arith.constant 48 : index
        %get3A_1042 = tpu.vector_load %arg15[%get3A_1040, %get3A_1041] {strides = array<i32>} : memref<80x128xf32, #tpu.memory_space<vmem>>, vector<16xf32>,
        %mul3A_1043 = arith.mulf %get3A_1039, %get3A_1042 : vector<16xf32>
        %add3A_1044 = arith.addf %add3A_1036, %mul3A_1043 : vector<16xf32>
        %get3A_1045 = arith.index_cast %add3A_1013 : i32 to index
        %get3A_1046 = arith.constant 64 : index
        %get3A_1047 = tpu.vector_load %arg14[%get3A_1045, %get3A_1046] {strides = array<i32>} : memref<80x128xf32, #tpu.memory_space<vmem>>, vector<16xf32>,
        %get3A_1048 = arith.index_cast %add3A_1013 : i32 to index
        %get3A_1049 = arith.constant 64 : index
        %get3A_1050 = tpu.vector_load %arg15[%get3A_1048, %get3A_1049] {strides = array<i32>} : memref<80x128xf32, #tpu.memory_space<vmem>>, vector<16xf32>,
        %mul3A_1051 = arith.mulf %get3A_1047, %get3A_1050 : vector<16xf32>
        %add3A_1052 = arith.addf %add3A_1044, %mul3A_1051 : vector<16xf32>
        %get3A_1053 = arith.index_cast %add3A_1013 : i32 to index
        %get3A_1054 = arith.constant 80 : index
        %get3A_1055 = tpu.vector_load %arg14[%get3A_1053, %get3A_1054] {strides = array<i32>} : memref<80x128xf32, #tpu.memory_space<vmem>>, vector<16xf32>,
        %get3A_1056 = arith.index_cast %add3A_1013 : i32 to index
        %get3A_1057 = arith.constant 80 : index
        %get3A_1058 = tpu.vector_load %arg15[%get3A_1056, %get3A_1057] {strides = array<i32>} : memref<80x128xf32, #tpu.memory_space<vmem>>, vector<16xf32>,
        %mul3A_1059 = arith.mulf %get3A_1055, %get3A_1058 : vector<16xf32>
        %add3A_1060 = arith.addf %add3A_1052, %mul3A_1059 : vector<16xf32>
        %get3A_1061 = arith.index_cast %add3A_1013 : i32 to index
        %get3A_1062 = arith.constant 96 : index
        %get3A_1063 = tpu.vector_load %arg14[%get3A_1061, %get3A_1062] {strides = array<i32>} : memref<80x128xf32, #tpu.memory_space<vmem>>, vector<16xf32>,
        %get3A_1064 = arith.index_cast %add3A_1013 : i32 to index
        %get3A_1065 = arith.constant 96 : index
        %get3A_1066 = tpu.vector_load %arg15[%get3A_1064, %get3A_1065] {strides = array<i32>} : memref<80x128xf32, #tpu.memory_space<vmem>>, vector<16xf32>,
        %mul3A_1067 = arith.mulf %get3A_1063, %get3A_1066 : vector<16xf32>
        %add3A_1068 = arith.addf %add3A_1060, %mul3A_1067 : vector<16xf32>
        %get3A_1069 = arith.index_cast %add3A_1013 : i32 to index
        %get3A_1070 = arith.constant 112 : index
        %get3A_1071 = tpu.vector_load %arg14[%get3A_1069, %get3A_1070] {strides = array<i32>} : memref<80x128xf32, #tpu.memory_space<vmem>>, vector<16xf32>,
        %get3A_1072 = arith.index_cast %add3A_1013 : i32 to index
        %get3A_1073 = arith.constant 112 : index
        %get3A_1074 = tpu.vector_load %arg15[%get3A_1072, %get3A_1073] {strides = array<i32>} : memref<80x128xf32, #tpu.memory_space<vmem>>, vector<16xf32>,
        %mul3A_1075 = arith.mulf %get3A_1071, %get3A_1074 : vector<16xf32>
        %add3A_1076 = arith.addf %add3A_1068, %mul3A_1075 : vector<16xf32>
        %swap3A_1077 = arith.constant 13 : i32
        %swap3A_1078 = arith.index_cast %swap3A_1077 : i32 to index
        %swap3A_1079 = arith.constant 0 : index
        %swap3A_1080 = tpu.vector_load %arg9[%swap3A_1078, %swap3A_1079] {strides = array<i32>} : memref<16x17xf32, #tpu.memory_space<vmem>>, vector<16xf32>,
        tpu.vector_store %arg9[%swap3A_1078, %swap3A_1079], %add3A_1076 {strides = array<i32>} : memref<16x17xf32, #tpu.memory_space<vmem>>, vector<16xf32>,
        %add3A_1081 = arith.constant 14 : i32
        %add3A_1082 = arith.addi %mul3A_116, %add3A_1081 : i32
        %get3A_1083 = arith.index_cast %add3A_1082 : i32 to index
        %get3A_1084 = arith.constant 0 : index
        %get3A_1085 = tpu.vector_load %arg14[%get3A_1083, %get3A_1084] {strides = array<i32>} : memref<80x128xf32, #tpu.memory_space<vmem>>, vector<16xf32>,
        %get3A_1086 = arith.index_cast %add3A_1082 : i32 to index
        %get3A_1087 = arith.constant 0 : index
        %get3A_1088 = tpu.vector_load %arg15[%get3A_1086, %get3A_1087] {strides = array<i32>} : memref<80x128xf32, #tpu.memory_space<vmem>>, vector<16xf32>,
        %mul3A_1089 = arith.mulf %get3A_1085, %get3A_1088 : vector<16xf32>
        %get3A_1090 = arith.index_cast %add3A_1082 : i32 to index
        %get3A_1091 = arith.constant 16 : index
        %get3A_1092 = tpu.vector_load %arg14[%get3A_1090, %get3A_1091] {strides = array<i32>} : memref<80x128xf32, #tpu.memory_space<vmem>>, vector<16xf32>,
        %get3A_1093 = arith.index_cast %add3A_1082 : i32 to index
        %get3A_1094 = arith.constant 16 : index
        %get3A_1095 = tpu.vector_load %arg15[%get3A_1093, %get3A_1094] {strides = array<i32>} : memref<80x128xf32, #tpu.memory_space<vmem>>, vector<16xf32>,
        %mul3A_1096 = arith.mulf %get3A_1092, %get3A_1095 : vector<16xf32>
        %add3A_1097 = arith.addf %mul3A_1089, %mul3A_1096 : vector<16xf32>
        %get3A_1098 = arith.index_cast %add3A_1082 : i32 to index
        %get3A_1099 = arith.constant 32 : index
        %get3A_1100 = tpu.vector_load %arg14[%get3A_1098, %get3A_1099] {strides = array<i32>} : memref<80x128xf32, #tpu.memory_space<vmem>>, vector<16xf32>,
        %get3A_1101 = arith.index_cast %add3A_1082 : i32 to index
        %get3A_1102 = arith.constant 32 : index
        %get3A_1103 = tpu.vector_load %arg15[%get3A_1101, %get3A_1102] {strides = array<i32>} : memref<80x128xf32, #tpu.memory_space<vmem>>, vector<16xf32>,
        %mul3A_1104 = arith.mulf %get3A_1100, %get3A_1103 : vector<16xf32>
        %add3A_1105 = arith.addf %add3A_1097, %mul3A_1104 : vector<16xf32>
        %get3A_1106 = arith.index_cast %add3A_1082 : i32 to index
        %get3A_1107 = arith.constant 48 : index
        %get3A_1108 = tpu.vector_load %arg14[%get3A_1106, %get3A_1107] {strides = array<i32>} : memref<80x128xf32, #tpu.memory_space<vmem>>, vector<16xf32>,
        %get3A_1109 = arith.index_cast %add3A_1082 : i32 to index
        %get3A_1110 = arith.constant 48 : index
        %get3A_1111 = tpu.vector_load %arg15[%get3A_1109, %get3A_1110] {strides = array<i32>} : memref<80x128xf32, #tpu.memory_space<vmem>>, vector<16xf32>,
        %mul3A_1112 = arith.mulf %get3A_1108, %get3A_1111 : vector<16xf32>
        %add3A_1113 = arith.addf %add3A_1105, %mul3A_1112 : vector<16xf32>
        %get3A_1114 = arith.index_cast %add3A_1082 : i32 to index
        %get3A_1115 = arith.constant 64 : index
        %get3A_1116 = tpu.vector_load %arg14[%get3A_1114, %get3A_1115] {strides = array<i32>} : memref<80x128xf32, #tpu.memory_space<vmem>>, vector<16xf32>,
        %get3A_1117 = arith.index_cast %add3A_1082 : i32 to index
        %get3A_1118 = arith.constant 64 : index
        %get3A_1119 = tpu.vector_load %arg15[%get3A_1117, %get3A_1118] {strides = array<i32>} : memref<80x128xf32, #tpu.memory_space<vmem>>, vector<16xf32>,
        %mul3A_1120 = arith.mulf %get3A_1116, %get3A_1119 : vector<16xf32>
        %add3A_1121 = arith.addf %add3A_1113, %mul3A_1120 : vector<16xf32>
        %get3A_1122 = arith.index_cast %add3A_1082 : i32 to index
        %get3A_1123 = arith.constant 80 : index
        %get3A_1124 = tpu.vector_load %arg14[%get3A_1122, %get3A_1123] {strides = array<i32>} : memref<80x128xf32, #tpu.memory_space<vmem>>, vector<16xf32>,
        %get3A_1125 = arith.index_cast %add3A_1082 : i32 to index
        %get3A_1126 = arith.constant 80 : index
        %get3A_1127 = tpu.vector_load %arg15[%get3A_1125, %get3A_1126] {strides = array<i32>} : memref<80x128xf32, #tpu.memory_space<vmem>>, vector<16xf32>,
        %mul3A_1128 = arith.mulf %get3A_1124, %get3A_1127 : vector<16xf32>
        %add3A_1129 = arith.addf %add3A_1121, %mul3A_1128 : vector<16xf32>
        %get3A_1130 = arith.index_cast %add3A_1082 : i32 to index
        %get3A_1131 = arith.constant 96 : index
        %get3A_1132 = tpu.vector_load %arg14[%get3A_1130, %get3A_1131] {strides = array<i32>} : memref<80x128xf32, #tpu.memory_space<vmem>>, vector<16xf32>,
        %get3A_1133 = arith.index_cast %add3A_1082 : i32 to index
        %get3A_1134 = arith.constant 96 : index
        %get3A_1135 = tpu.vector_load %arg15[%get3A_1133, %get3A_1134] {strides = array<i32>} : memref<80x128xf32, #tpu.memory_space<vmem>>, vector<16xf32>,
        %mul3A_1136 = arith.mulf %get3A_1132, %get3A_1135 : vector<16xf32>
        %add3A_1137 = arith.addf %add3A_1129, %mul3A_1136 : vector<16xf32>
        %get3A_1138 = arith.index_cast %add3A_1082 : i32 to index
        %get3A_1139 = arith.constant 112 : index
        %get3A_1140 = tpu.vector_load %arg14[%get3A_1138, %get3A_1139] {strides = array<i32>} : memref<80x128xf32, #tpu.memory_space<vmem>>, vector<16xf32>,
        %get3A_1141 = arith.index_cast %add3A_1082 : i32 to index
        %get3A_1142 = arith.constant 112 : index
        %get3A_1143 = tpu.vector_load %arg15[%get3A_1141, %get3A_1142] {strides = array<i32>} : memref<80x128xf32, #tpu.memory_space<vmem>>, vector<16xf32>,
        %mul3A_1144 = arith.mulf %get3A_1140, %get3A_1143 : vector<16xf32>
        %add3A_1145 = arith.addf %add3A_1137, %mul3A_1144 : vector<16xf32>
        %swap3A_1146 = arith.constant 14 : i32
        %swap3A_1147 = arith.index_cast %swap3A_1146 : i32 to index
        %swap3A_1148 = arith.constant 0 : index
        %swap3A_1149 = tpu.vector_load %arg9[%swap3A_1147, %swap3A_1148] {strides = array<i32>} : memref<16x17xf32, #tpu.memory_space<vmem>>, vector<16xf32>,
        tpu.vector_store %arg9[%swap3A_1147, %swap3A_1148], %add3A_1145 {strides = array<i32>} : memref<16x17xf32, #tpu.memory_space<vmem>>, vector<16xf32>,
        %add3A_1150 = arith.constant 15 : i32
        %add3A_1151 = arith.addi %mul3A_116, %add3A_1150 : i32
        %get3A_1152 = arith.index_cast %add3A_1151 : i32 to index
        %get3A_1153 = arith.constant 0 : index
        %get3A_1154 = tpu.vector_load %arg14[%get3A_1152, %get3A_1153] {strides = array<i32>} : memref<80x128xf32, #tpu.memory_space<vmem>>, vector<16xf32>,
        %get3A_1155 = arith.index_cast %add3A_1151 : i32 to index
        %get3A_1156 = arith.constant 0 : index
        %get3A_1157 = tpu.vector_load %arg15[%get3A_1155, %get3A_1156] {strides = array<i32>} : memref<80x128xf32, #tpu.memory_space<vmem>>, vector<16xf32>,
        %mul3A_1158 = arith.mulf %get3A_1154, %get3A_1157 : vector<16xf32>
        %get3A_1159 = arith.index_cast %add3A_1151 : i32 to index
        %get3A_1160 = arith.constant 16 : index
        %get3A_1161 = tpu.vector_load %arg14[%get3A_1159, %get3A_1160] {strides = array<i32>} : memref<80x128xf32, #tpu.memory_space<vmem>>, vector<16xf32>,
        %get3A_1162 = arith.index_cast %add3A_1151 : i32 to index
        %get3A_1163 = arith.constant 16 : index
        %get3A_1164 = tpu.vector_load %arg15[%get3A_1162, %get3A_1163] {strides = array<i32>} : memref<80x128xf32, #tpu.memory_space<vmem>>, vector<16xf32>,
        %mul3A_1165 = arith.mulf %get3A_1161, %get3A_1164 : vector<16xf32>
        %add3A_1166 = arith.addf %mul3A_1158, %mul3A_1165 : vector<16xf32>
        %get3A_1167 = arith.index_cast %add3A_1151 : i32 to index
        %get3A_1168 = arith.constant 32 : index
        %get3A_1169 = tpu.vector_load %arg14[%get3A_1167, %get3A_1168] {strides = array<i32>} : memref<80x128xf32, #tpu.memory_space<vmem>>, vector<16xf32>,
        %get3A_1170 = arith.index_cast %add3A_1151 : i32 to index
        %get3A_1171 = arith.constant 32 : index
        %get3A_1172 = tpu.vector_load %arg15[%get3A_1170, %get3A_1171] {strides = array<i32>} : memref<80x128xf32, #tpu.memory_space<vmem>>, vector<16xf32>,
        %mul3A_1173 = arith.mulf %get3A_1169, %get3A_1172 : vector<16xf32>
        %add3A_1174 = arith.addf %add3A_1166, %mul3A_1173 : vector<16xf32>
        %get3A_1175 = arith.index_cast %add3A_1151 : i32 to index
        %get3A_1176 = arith.constant 48 : index
        %get3A_1177 = tpu.vector_load %arg14[%get3A_1175, %get3A_1176] {strides = array<i32>} : memref<80x128xf32, #tpu.memory_space<vmem>>, vector<16xf32>,
        %get3A_1178 = arith.index_cast %add3A_1151 : i32 to index
        %get3A_1179 = arith.constant 48 : index
        %get3A_1180 = tpu.vector_load %arg15[%get3A_1178, %get3A_1179] {strides = array<i32>} : memref<80x128xf32, #tpu.memory_space<vmem>>, vector<16xf32>,
        %mul3A_1181 = arith.mulf %get3A_1177, %get3A_1180 : vector<16xf32>
        %add3A_1182 = arith.addf %add3A_1174, %mul3A_1181 : vector<16xf32>
        %get3A_1183 = arith.index_cast %add3A_1151 : i32 to index
        %get3A_1184 = arith.constant 64 : index
        %get3A_1185 = tpu.vector_load %arg14[%get3A_1183, %get3A_1184] {strides = array<i32>} : memref<80x128xf32, #tpu.memory_space<vmem>>, vector<16xf32>,
        %get3A_1186 = arith.index_cast %add3A_1151 : i32 to index
        %get3A_1187 = arith.constant 64 : index
        %get3A_1188 = tpu.vector_load %arg15[%get3A_1186, %get3A_1187] {strides = array<i32>} : memref<80x128xf32, #tpu.memory_space<vmem>>, vector<16xf32>,
        %mul3A_1189 = arith.mulf %get3A_1185, %get3A_1188 : vector<16xf32>
        %add3A_1190 = arith.addf %add3A_1182, %mul3A_1189 : vector<16xf32>
        %get3A_1191 = arith.index_cast %add3A_1151 : i32 to index
        %get3A_1192 = arith.constant 80 : index
        %get3A_1193 = tpu.vector_load %arg14[%get3A_1191, %get3A_1192] {strides = array<i32>} : memref<80x128xf32, #tpu.memory_space<vmem>>, vector<16xf32>,
        %get3A_1194 = arith.index_cast %add3A_1151 : i32 to index
        %get3A_1195 = arith.constant 80 : index
        %get3A_1196 = tpu.vector_load %arg15[%get3A_1194, %get3A_1195] {strides = array<i32>} : memref<80x128xf32, #tpu.memory_space<vmem>>, vector<16xf32>,
        %mul3A_1197 = arith.mulf %get3A_1193, %get3A_1196 : vector<16xf32>
        %add3A_1198 = arith.addf %add3A_1190, %mul3A_1197 : vector<16xf32>
        %get3A_1199 = arith.index_cast %add3A_1151 : i32 to index
        %get3A_1200 = arith.constant 96 : index
        %get3A_1201 = tpu.vector_load %arg14[%get3A_1199, %get3A_1200] {strides = array<i32>} : memref<80x128xf32, #tpu.memory_space<vmem>>, vector<16xf32>,
        %get3A_1202 = arith.index_cast %add3A_1151 : i32 to index
        %get3A_1203 = arith.constant 96 : index
        %get3A_1204 = tpu.vector_load %arg15[%get3A_1202, %get3A_1203] {strides = array<i32>} : memref<80x128xf32, #tpu.memory_space<vmem>>, vector<16xf32>,
        %mul3A_1205 = arith.mulf %get3A_1201, %get3A_1204 : vector<16xf32>
        %add3A_1206 = arith.addf %add3A_1198, %mul3A_1205 : vector<16xf32>
        %get3A_1207 = arith.index_cast %add3A_1151 : i32 to index
        %get3A_1208 = arith.constant 112 : index
        %get3A_1209 = tpu.vector_load %arg14[%get3A_1207, %get3A_1208] {strides = array<i32>} : memref<80x128xf32, #tpu.memory_space<vmem>>, vector<16xf32>,
        %get3A_1210 = arith.index_cast %add3A_1151 : i32 to index
        %get3A_1211 = arith.constant 112 : index
        %get3A_1212 = tpu.vector_load %arg15[%get3A_1210, %get3A_1211] {strides = array<i32>} : memref<80x128xf32, #tpu.memory_space<vmem>>, vector<16xf32>,
        %mul3A_1213 = arith.mulf %get3A_1209, %get3A_1212 : vector<16xf32>
        %add3A_1214 = arith.addf %add3A_1206, %mul3A_1213 : vector<16xf32>
        %swap3A_1215 = arith.constant 15 : i32
        %swap3A_1216 = arith.index_cast %swap3A_1215 : i32 to index
        %swap3A_1217 = arith.constant 0 : index
        %swap3A_1218 = tpu.vector_load %arg9[%swap3A_1216, %swap3A_1217] {strides = array<i32>} : memref<16x17xf32, #tpu.memory_space<vmem>>, vector<16xf32>,
        tpu.vector_store %arg9[%swap3A_1216, %swap3A_1217], %add3A_1214 {strides = array<i32>} : memref<16x17xf32, #tpu.memory_space<vmem>>, vector<16xf32>,
        %broadcast_in_dim3A = arith.constant 0 : i32
        %broadcast_in_dim3A_1219 = vector.broadcast %broadcast_in_dim3A : i32 to vector<16xi32>
        %gather3A = tpu.vector_load_idx %arg9[%iota3A_104, %broadcast_in_dim3A_1219] : memref<16x17xf32, #tpu.memory_space<vmem>>[vector<16xi32>, vector<16xi32>], vector<16xf32>,
        %broadcast_in_dim3A_1220 = arith.constant 1 : i32
        %broadcast_in_dim3A_1221 = vector.broadcast %broadcast_in_dim3A_1220 : i32 to vector<16xi32>
        %gather3A_1222 = tpu.vector_load_idx %arg9[%iota3A_104, %broadcast_in_dim3A_1221] : memref<16x17xf32, #tpu.memory_space<vmem>>[vector<16xi32>, vector<16xi32>], vector<16xf32>,
        %add3A_1223 = arith.addf %gather3A, %gather3A_1222 : vector<16xf32>
        %broadcast_in_dim3A_1224 = arith.constant 2 : i32
        %broadcast_in_dim3A_1225 = vector.broadcast %broadcast_in_dim3A_1224 : i32 to vector<16xi32>
        %gather3A_1226 = tpu.vector_load_idx %arg9[%iota3A_104, %broadcast_in_dim3A_1225] : memref<16x17xf32, #tpu.memory_space<vmem>>[vector<16xi32>, vector<16xi32>], vector<16xf32>,
        %add3A_1227 = arith.addf %add3A_1223, %gather3A_1226 : vector<16xf32>
        %broadcast_in_dim3A_1228 = arith.constant 3 : i32
        %broadcast_in_dim3A_1229 = vector.broadcast %broadcast_in_dim3A_1228 : i32 to vector<16xi32>
        %gather3A_1230 = tpu.vector_load_idx %arg9[%iota3A_104, %broadcast_in_dim3A_1229] : memref<16x17xf32, #tpu.memory_space<vmem>>[vector<16xi32>, vector<16xi32>], vector<16xf32>,
        %add3A_1231 = arith.addf %add3A_1227, %gather3A_1230 : vector<16xf32>
        %broadcast_in_dim3A_1232 = arith.constant 4 : i32
        %broadcast_in_dim3A_1233 = vector.broadcast %broadcast_in_dim3A_1232 : i32 to vector<16xi32>
        %gather3A_1234 = tpu.vector_load_idx %arg9[%iota3A_104, %broadcast_in_dim3A_1233] : memref<16x17xf32, #tpu.memory_space<vmem>>[vector<16xi32>, vector<16xi32>], vector<16xf32>,
        %add3A_1235 = arith.addf %add3A_1231, %gather3A_1234 : vector<16xf32>
        %broadcast_in_dim3A_1236 = arith.constant 5 : i32
        %broadcast_in_dim3A_1237 = vector.broadcast %broadcast_in_dim3A_1236 : i32 to vector<16xi32>
        %gather3A_1238 = tpu.vector_load_idx %arg9[%iota3A_104, %broadcast_in_dim3A_1237] : memref<16x17xf32, #tpu.memory_space<vmem>>[vector<16xi32>, vector<16xi32>], vector<16xf32>,
        %add3A_1239 = arith.addf %add3A_1235, %gather3A_1238 : vector<16xf32>
        %broadcast_in_dim3A_1240 = arith.constant 6 : i32
        %broadcast_in_dim3A_1241 = vector.broadcast %broadcast_in_dim3A_1240 : i32 to vector<16xi32>
        %gather3A_1242 = tpu.vector_load_idx %arg9[%iota3A_104, %broadcast_in_dim3A_1241] : memref<16x17xf32, #tpu.memory_space<vmem>>[vector<16xi32>, vector<16xi32>], vector<16xf32>,
        %add3A_1243 = arith.addf %add3A_1239, %gather3A_1242 : vector<16xf32>
        %broadcast_in_dim3A_1244 = arith.constant 7 : i32
        %broadcast_in_dim3A_1245 = vector.broadcast %broadcast_in_dim3A_1244 : i32 to vector<16xi32>
        %gather3A_1246 = tpu.vector_load_idx %arg9[%iota3A_104, %broadcast_in_dim3A_1245] : memref<16x17xf32, #tpu.memory_space<vmem>>[vector<16xi32>, vector<16xi32>], vector<16xf32>,
        %add3A_1247 = arith.addf %add3A_1243, %gather3A_1246 : vector<16xf32>
        %broadcast_in_dim3A_1248 = arith.constant 8 : i32
        %broadcast_in_dim3A_1249 = vector.broadcast %broadcast_in_dim3A_1248 : i32 to vector<16xi32>
        %gather3A_1250 = tpu.vector_load_idx %arg9[%iota3A_104, %broadcast_in_dim3A_1249] : memref<16x17xf32, #tpu.memory_space<vmem>>[vector<16xi32>, vector<16xi32>], vector<16xf32>,
        %add3A_1251 = arith.addf %add3A_1247, %gather3A_1250 : vector<16xf32>
        %broadcast_in_dim3A_1252 = arith.constant 9 : i32
        %broadcast_in_dim3A_1253 = vector.broadcast %broadcast_in_dim3A_1252 : i32 to vector<16xi32>
        %gather3A_1254 = tpu.vector_load_idx %arg9[%iota3A_104, %broadcast_in_dim3A_1253] : memref<16x17xf32, #tpu.memory_space<vmem>>[vector<16xi32>, vector<16xi32>], vector<16xf32>,
        %add3A_1255 = arith.addf %add3A_1251, %gather3A_1254 : vector<16xf32>
        %broadcast_in_dim3A_1256 = arith.constant 10 : i32
        %broadcast_in_dim3A_1257 = vector.broadcast %broadcast_in_dim3A_1256 : i32 to vector<16xi32>
        %gather3A_1258 = tpu.vector_load_idx %arg9[%iota3A_104, %broadcast_in_dim3A_1257] : memref<16x17xf32, #tpu.memory_space<vmem>>[vector<16xi32>, vector<16xi32>], vector<16xf32>,
        %add3A_1259 = arith.addf %add3A_1255, %gather3A_1258 : vector<16xf32>
        %broadcast_in_dim3A_1260 = arith.constant 11 : i32
        %broadcast_in_dim3A_1261 = vector.broadcast %broadcast_in_dim3A_1260 : i32 to vector<16xi32>
        %gather3A_1262 = tpu.vector_load_idx %arg9[%iota3A_104, %broadcast_in_dim3A_1261] : memref<16x17xf32, #tpu.memory_space<vmem>>[vector<16xi32>, vector<16xi32>], vector<16xf32>,
        %add3A_1263 = arith.addf %add3A_1259, %gather3A_1262 : vector<16xf32>
        %broadcast_in_dim3A_1264 = arith.constant 12 : i32
        %broadcast_in_dim3A_1265 = vector.broadcast %broadcast_in_dim3A_1264 : i32 to vector<16xi32>
        %gather3A_1266 = tpu.vector_load_idx %arg9[%iota3A_104, %broadcast_in_dim3A_1265] : memref<16x17xf32, #tpu.memory_space<vmem>>[vector<16xi32>, vector<16xi32>], vector<16xf32>,
        %add3A_1267 = arith.addf %add3A_1263, %gather3A_1266 : vector<16xf32>
        %broadcast_in_dim3A_1268 = arith.constant 13 : i32
        %broadcast_in_dim3A_1269 = vector.broadcast %broadcast_in_dim3A_1268 : i32 to vector<16xi32>
        %gather3A_1270 = tpu.vector_load_idx %arg9[%iota3A_104, %broadcast_in_dim3A_1269] : memref<16x17xf32, #tpu.memory_space<vmem>>[vector<16xi32>, vector<16xi32>], vector<16xf32>,
        %add3A_1271 = arith.addf %add3A_1267, %gather3A_1270 : vector<16xf32>
        %broadcast_in_dim3A_1272 = arith.constant 14 : i32
        %broadcast_in_dim3A_1273 = vector.broadcast %broadcast_in_dim3A_1272 : i32 to vector<16xi32>
        %gather3A_1274 = tpu.vector_load_idx %arg9[%iota3A_104, %broadcast_in_dim3A_1273] : memref<16x17xf32, #tpu.memory_space<vmem>>[vector<16xi32>, vector<16xi32>], vector<16xf32>,
        %add3A_1275 = arith.addf %add3A_1271, %gather3A_1274 : vector<16xf32>
        %broadcast_in_dim3A_1276 = arith.constant 15 : i32
        %broadcast_in_dim3A_1277 = vector.broadcast %broadcast_in_dim3A_1276 : i32 to vector<16xi32>
        %gather3A_1278 = tpu.vector_load_idx %arg9[%iota3A_104, %broadcast_in_dim3A_1277] : memref<16x17xf32, #tpu.memory_space<vmem>>[vector<16xi32>, vector<16xi32>], vector<16xf32>,
        %add3A_1279 = arith.addf %add3A_1275, %gather3A_1278 : vector<16xf32>
        %add3A_1280 = arith.addi %mul3A_103, %mul3A_116 : i32
        %swap3A_1281 = arith.index_cast %add3A_1280 : i32 to index
        %swap3A_1282 = tpu.vector_load %arg8[%swap3A_1281] {strides = array<i32>} : memref<10000xf32, #tpu.memory_space<vmem>>, vector<16xf32>,
        tpu.vector_store %arg8[%swap3A_1281], %add3A_1279 {strides = array<i32>} : memref<10000xf32, #tpu.memory_space<vmem>>, vector<16xf32>,
        %scan3A_1283 = arith.constant 0 : i32
        scf.yield %scan3A_1283 : i32
      }
      %scan3A_111 = arith.constant 5 : i32
      %scan3A_112 = arith.constant 0 : i32
      scf.yield %scan3A_112 : i32
    }
    %scan3A_17 = arith.constant 62 : i32
    %dma_wait3A = arith.constant 9920 : i32
    %dma_wait3A_18 = tpu.memref_slice %arg6[%dma_wait3A] : memref<10000xi32, #tpu.memory_space<vmem>> -> memref<80xi32, #tpu.memory_space<vmem>>
    %dma_wait3A_19 = arith.constant 0 : i32
    %dma_wait3A_20 = arith.constant 0 : i32
    %dma_wait3A_21 = tpu.memref_slice %arg2[%dma_wait3A_19, %dma_wait3A_20] : memref<10000x128xf32, #tpu.memory_space<hbm>> -> memref<10000x128xf32, #tpu.memory_space<hbm>>
    tpu.wait_indirect_dma semaphore(%arg12 : memref<!tpu.dma_semaphore, #tpu.memory_space<semaphore_mem>>) src(%dma_wait3A_21 : memref<10000x128xf32, #tpu.memory_space<hbm>>) dst(%arg10 : memref<80x128xf32, #tpu.memory_space<vmem>>)
    %dma_wait3A_22 = arith.constant 9920 : i32
    %dma_wait3A_23 = tpu.memref_slice %arg7[%dma_wait3A_22] : memref<10000xi32, #tpu.memory_space<vmem>> -> memref<80xi32, #tpu.memory_space<vmem>>
    %dma_wait3A_24 = arith.constant 0 : i32
    %dma_wait3A_25 = arith.constant 0 : i32
    %dma_wait3A_26 = tpu.memref_slice %arg2[%dma_wait3A_24, %dma_wait3A_25] : memref<10000x128xf32, #tpu.memory_space<hbm>> -> memref<10000x128xf32, #tpu.memory_space<hbm>>
    tpu.wait_indirect_dma semaphore(%arg13 : memref<!tpu.dma_semaphore, #tpu.memory_space<semaphore_mem>>) src(%dma_wait3A_26 : memref<10000x128xf32, #tpu.memory_space<hbm>>) dst(%arg11 : memref<80x128xf32, #tpu.memory_space<vmem>>)
    %iota3A = tpu.iota {dimensions = array<i32: 0>} : vector<16xi32>
    %scan3A_27 = arith.constant 0 : i32
    %scan3A_28 = arith.constant 0 : i32
    %scan3A_29 = arith.constant 5 : i32
    %scan3A_30 = arith.addi %scan3A_28, %scan3A_29 : i32
    %scan3A_31 = arith.constant 1 : i32
    %scan3A_32 = scf.for %scan3A_34 = %scan3A_28 to %scan3A_30 step %scan3A_31 iter_args(%scan3A_35 = %scan3A_27) -> (i32)  : i32 {
      %mul3A_36 = arith.constant 16 : i32
      %mul3A_37 = arith.muli %scan3A_34, %mul3A_36 : i32
      %add3A_38 = arith.constant 0 : i32
      %add3A_39 = arith.addi %mul3A_37, %add3A_38 : i32
      %get3A = arith.index_cast %add3A_39 : i32 to index
      %get3A_40 = arith.constant 0 : index
      %get3A_41 = tpu.vector_load %arg10[%get3A, %get3A_40] {strides = array<i32>} : memref<80x128xf32, #tpu.memory_space<vmem>>, vector<16xf32>,
      %get3A_42 = arith.index_cast %add3A_39 : i32 to index
      %get3A_43 = arith.constant 0 : index
      %get3A_44 = tpu.vector_load %arg11[%get3A_42, %get3A_43] {strides = array<i32>} : memref<80x128xf32, #tpu.memory_space<vmem>>, vector<16xf32>,
      %mul3A_45 = arith.mulf %get3A_41, %get3A_44 : vector<16xf32>
      %get3A_46 = arith.index_cast %add3A_39 : i32 to index
      %get3A_47 = arith.constant 16 : index
      %get3A_48 = tpu.vector_load %arg10[%get3A_46, %get3A_47] {strides = array<i32>} : memref<80x128xf32, #tpu.memory_space<vmem>>, vector<16xf32>,
      %get3A_49 = arith.index_cast %add3A_39 : i32 to index
      %get3A_50 = arith.constant 16 : index
      %get3A_51 = tpu.vector_load %arg11[%get3A_49, %get3A_50] {strides = array<i32>} : memref<80x128xf32, #tpu.memory_space<vmem>>, vector<16xf32>,
      %mul3A_52 = arith.mulf %get3A_48, %get3A_51 : vector<16xf32>
      %add3A_53 = arith.addf %mul3A_45, %mul3A_52 : vector<16xf32>
      %get3A_54 = arith.index_cast %add3A_39 : i32 to index
      %get3A_55 = arith.constant 32 : index
      %get3A_56 = tpu.vector_load %arg10[%get3A_54, %get3A_55] {strides = array<i32>} : memref<80x128xf32, #tpu.memory_space<vmem>>, vector<16xf32>,
      %get3A_57 = arith.index_cast %add3A_39 : i32 to index
      %get3A_58 = arith.constant 32 : index
      %get3A_59 = tpu.vector_load %arg11[%get3A_57, %get3A_58] {strides = array<i32>} : memref<80x128xf32, #tpu.memory_space<vmem>>, vector<16xf32>,
      %mul3A_60 = arith.mulf %get3A_56, %get3A_59 : vector<16xf32>
      %add3A_61 = arith.addf %add3A_53, %mul3A_60 : vector<16xf32>
      %get3A_62 = arith.index_cast %add3A_39 : i32 to index
      %get3A_63 = arith.constant 48 : index
      %get3A_64 = tpu.vector_load %arg10[%get3A_62, %get3A_63] {strides = array<i32>} : memref<80x128xf32, #tpu.memory_space<vmem>>, vector<16xf32>,
      %get3A_65 = arith.index_cast %add3A_39 : i32 to index
      %get3A_66 = arith.constant 48 : index
      %get3A_67 = tpu.vector_load %arg11[%get3A_65, %get3A_66] {strides = array<i32>} : memref<80x128xf32, #tpu.memory_space<vmem>>, vector<16xf32>,
      %mul3A_68 = arith.mulf %get3A_64, %get3A_67 : vector<16xf32>
      %add3A_69 = arith.addf %add3A_61, %mul3A_68 : vector<16xf32>
      %get3A_70 = arith.index_cast %add3A_39 : i32 to index
      %get3A_71 = arith.constant 64 : index
      %get3A_72 = tpu.vector_load %arg10[%get3A_70, %get3A_71] {strides = array<i32>} : memref<80x128xf32, #tpu.memory_space<vmem>>, vector<16xf32>,
      %get3A_73 = arith.index_cast %add3A_39 : i32 to index
      %get3A_74 = arith.constant 64 : index
      %get3A_75 = tpu.vector_load %arg11[%get3A_73, %get3A_74] {strides = array<i32>} : memref<80x128xf32, #tpu.memory_space<vmem>>, vector<16xf32>,
      %mul3A_76 = arith.mulf %get3A_72, %get3A_75 : vector<16xf32>
      %add3A_77 = arith.addf %add3A_69, %mul3A_76 : vector<16xf32>
      %get3A_78 = arith.index_cast %add3A_39 : i32 to index
      %get3A_79 = arith.constant 80 : index
      %get3A_80 = tpu.vector_load %arg10[%get3A_78, %get3A_79] {strides = array<i32>} : memref<80x128xf32, #tpu.memory_space<vmem>>, vector<16xf32>,
      %get3A_81 = arith.index_cast %add3A_39 : i32 to index
      %get3A_82 = arith.constant 80 : index
      %get3A_83 = tpu.vector_load %arg11[%get3A_81, %get3A_82] {strides = array<i32>} : memref<80x128xf32, #tpu.memory_space<vmem>>, vector<16xf32>,
      %mul3A_84 = arith.mulf %get3A_80, %get3A_83 : vector<16xf32>
      %add3A_85 = arith.addf %add3A_77, %mul3A_84 : vector<16xf32>
      %get3A_86 = arith.index_cast %add3A_39 : i32 to index
      %get3A_87 = arith.constant 96 : index
      %get3A_88 = tpu.vector_load %arg10[%get3A_86, %get3A_87] {strides = array<i32>} : memref<80x128xf32, #tpu.memory_space<vmem>>, vector<16xf32>,
      %get3A_89 = arith.index_cast %add3A_39 : i32 to index
      %get3A_90 = arith.constant 96 : index
      %get3A_91 = tpu.vector_load %arg11[%get3A_89, %get3A_90] {strides = array<i32>} : memref<80x128xf32, #tpu.memory_space<vmem>>, vector<16xf32>,
      %mul3A_92 = arith.mulf %get3A_88, %get3A_91 : vector<16xf32>
      %add3A_93 = arith.addf %add3A_85, %mul3A_92 : vector<16xf32>
      %get3A_94 = arith.index_cast %add3A_39 : i32 to index
      %get3A_95 = arith.constant 112 : index
      %get3A_96 = tpu.vector_load %arg10[%get3A_94, %get3A_95] {strides = array<i32>} : memref<80x128xf32, #tpu.memory_space<vmem>>, vector<16xf32>,
      %get3A_97 = arith.index_cast %add3A_39 : i32 to index
      %get3A_98 = arith.constant 112 : index
      %get3A_99 = tpu.vector_load %arg11[%get3A_97, %get3A_98] {strides = array<i32>} : memref<80x128xf32, #tpu.memory_space<vmem>>, vector<16xf32>,
      %mul3A_100 = arith.mulf %get3A_96, %get3A_99 : vector<16xf32>
      %add3A_101 = arith.addf %add3A_93, %mul3A_100 : vector<16xf32>
      %swap3A = arith.constant 0 : i32
      %swap3A_102 = arith.index_cast %swap3A : i32 to index
      %swap3A_103 = arith.constant 0 : index
      %swap3A_104 = tpu.vector_load %arg9[%swap3A_102, %swap3A_103] {strides = array<i32>} : memref<16x17xf32, #tpu.memory_space<vmem>>, vector<16xf32>,
      tpu.vector_store %arg9[%swap3A_102, %swap3A_103], %add3A_101 {strides = array<i32>} : memref<16x17xf32, #tpu.memory_space<vmem>>, vector<16xf32>,
      %add3A_105 = arith.constant 1 : i32
      %add3A_106 = arith.addi %mul3A_37, %add3A_105 : i32
      %get3A_107 = arith.index_cast %add3A_106 : i32 to index
      %get3A_108 = arith.constant 0 : index
      %get3A_109 = tpu.vector_load %arg10[%get3A_107, %get3A_108] {strides = array<i32>} : memref<80x128xf32, #tpu.memory_space<vmem>>, vector<16xf32>,
      %get3A_110 = arith.index_cast %add3A_106 : i32 to index
      %get3A_111 = arith.constant 0 : index
      %get3A_112 = tpu.vector_load %arg11[%get3A_110, %get3A_111] {strides = array<i32>} : memref<80x128xf32, #tpu.memory_space<vmem>>, vector<16xf32>,
      %mul3A_113 = arith.mulf %get3A_109, %get3A_112 : vector<16xf32>
      %get3A_114 = arith.index_cast %add3A_106 : i32 to index
      %get3A_115 = arith.constant 16 : index
      %get3A_116 = tpu.vector_load %arg10[%get3A_114, %get3A_115] {strides = array<i32>} : memref<80x128xf32, #tpu.memory_space<vmem>>, vector<16xf32>,
      %get3A_117 = arith.index_cast %add3A_106 : i32 to index
      %get3A_118 = arith.constant 16 : index
      %get3A_119 = tpu.vector_load %arg11[%get3A_117, %get3A_118] {strides = array<i32>} : memref<80x128xf32, #tpu.memory_space<vmem>>, vector<16xf32>,
      %mul3A_120 = arith.mulf %get3A_116, %get3A_119 : vector<16xf32>
      %add3A_121 = arith.addf %mul3A_113, %mul3A_120 : vector<16xf32>
      %get3A_122 = arith.index_cast %add3A_106 : i32 to index
      %get3A_123 = arith.constant 32 : index
      %get3A_124 = tpu.vector_load %arg10[%get3A_122, %get3A_123] {strides = array<i32>} : memref<80x128xf32, #tpu.memory_space<vmem>>, vector<16xf32>,
      %get3A_125 = arith.index_cast %add3A_106 : i32 to index
      %get3A_126 = arith.constant 32 : index
      %get3A_127 = tpu.vector_load %arg11[%get3A_125, %get3A_126] {strides = array<i32>} : memref<80x128xf32, #tpu.memory_space<vmem>>, vector<16xf32>,
      %mul3A_128 = arith.mulf %get3A_124, %get3A_127 : vector<16xf32>
      %add3A_129 = arith.addf %add3A_121, %mul3A_128 : vector<16xf32>
      %get3A_130 = arith.index_cast %add3A_106 : i32 to index
      %get3A_131 = arith.constant 48 : index
      %get3A_132 = tpu.vector_load %arg10[%get3A_130, %get3A_131] {strides = array<i32>} : memref<80x128xf32, #tpu.memory_space<vmem>>, vector<16xf32>,
      %get3A_133 = arith.index_cast %add3A_106 : i32 to index
      %get3A_134 = arith.constant 48 : index
      %get3A_135 = tpu.vector_load %arg11[%get3A_133, %get3A_134] {strides = array<i32>} : memref<80x128xf32, #tpu.memory_space<vmem>>, vector<16xf32>,
      %mul3A_136 = arith.mulf %get3A_132, %get3A_135 : vector<16xf32>
      %add3A_137 = arith.addf %add3A_129, %mul3A_136 : vector<16xf32>
      %get3A_138 = arith.index_cast %add3A_106 : i32 to index
      %get3A_139 = arith.constant 64 : index
      %get3A_140 = tpu.vector_load %arg10[%get3A_138, %get3A_139] {strides = array<i32>} : memref<80x128xf32, #tpu.memory_space<vmem>>, vector<16xf32>,
      %get3A_141 = arith.index_cast %add3A_106 : i32 to index
      %get3A_142 = arith.constant 64 : index
      %get3A_143 = tpu.vector_load %arg11[%get3A_141, %get3A_142] {strides = array<i32>} : memref<80x128xf32, #tpu.memory_space<vmem>>, vector<16xf32>,
      %mul3A_144 = arith.mulf %get3A_140, %get3A_143 : vector<16xf32>
      %add3A_145 = arith.addf %add3A_137, %mul3A_144 : vector<16xf32>
      %get3A_146 = arith.index_cast %add3A_106 : i32 to index
      %get3A_147 = arith.constant 80 : index
      %get3A_148 = tpu.vector_load %arg10[%get3A_146, %get3A_147] {strides = array<i32>} : memref<80x128xf32, #tpu.memory_space<vmem>>, vector<16xf32>,
      %get3A_149 = arith.index_cast %add3A_106 : i32 to index
      %get3A_150 = arith.constant 80 : index
      %get3A_151 = tpu.vector_load %arg11[%get3A_149, %get3A_150] {strides = array<i32>} : memref<80x128xf32, #tpu.memory_space<vmem>>, vector<16xf32>,
      %mul3A_152 = arith.mulf %get3A_148, %get3A_151 : vector<16xf32>
      %add3A_153 = arith.addf %add3A_145, %mul3A_152 : vector<16xf32>
      %get3A_154 = arith.index_cast %add3A_106 : i32 to index
      %get3A_155 = arith.constant 96 : index
      %get3A_156 = tpu.vector_load %arg10[%get3A_154, %get3A_155] {strides = array<i32>} : memref<80x128xf32, #tpu.memory_space<vmem>>, vector<16xf32>,
      %get3A_157 = arith.index_cast %add3A_106 : i32 to index
      %get3A_158 = arith.constant 96 : index
      %get3A_159 = tpu.vector_load %arg11[%get3A_157, %get3A_158] {strides = array<i32>} : memref<80x128xf32, #tpu.memory_space<vmem>>, vector<16xf32>,
      %mul3A_160 = arith.mulf %get3A_156, %get3A_159 : vector<16xf32>
      %add3A_161 = arith.addf %add3A_153, %mul3A_160 : vector<16xf32>
      %get3A_162 = arith.index_cast %add3A_106 : i32 to index
      %get3A_163 = arith.constant 112 : index
      %get3A_164 = tpu.vector_load %arg10[%get3A_162, %get3A_163] {strides = array<i32>} : memref<80x128xf32, #tpu.memory_space<vmem>>, vector<16xf32>,
      %get3A_165 = arith.index_cast %add3A_106 : i32 to index
      %get3A_166 = arith.constant 112 : index
      %get3A_167 = tpu.vector_load %arg11[%get3A_165, %get3A_166] {strides = array<i32>} : memref<80x128xf32, #tpu.memory_space<vmem>>, vector<16xf32>,
      %mul3A_168 = arith.mulf %get3A_164, %get3A_167 : vector<16xf32>
      %add3A_169 = arith.addf %add3A_161, %mul3A_168 : vector<16xf32>
      %swap3A_170 = arith.constant 1 : i32
      %swap3A_171 = arith.index_cast %swap3A_170 : i32 to index
      %swap3A_172 = arith.constant 0 : index
      %swap3A_173 = tpu.vector_load %arg9[%swap3A_171, %swap3A_172] {strides = array<i32>} : memref<16x17xf32, #tpu.memory_space<vmem>>, vector<16xf32>,
      tpu.vector_store %arg9[%swap3A_171, %swap3A_172], %add3A_169 {strides = array<i32>} : memref<16x17xf32, #tpu.memory_space<vmem>>, vector<16xf32>,
      %add3A_174 = arith.constant 2 : i32
      %add3A_175 = arith.addi %mul3A_37, %add3A_174 : i32
      %get3A_176 = arith.index_cast %add3A_175 : i32 to index
      %get3A_177 = arith.constant 0 : index
      %get3A_178 = tpu.vector_load %arg10[%get3A_176, %get3A_177] {strides = array<i32>} : memref<80x128xf32, #tpu.memory_space<vmem>>, vector<16xf32>,
      %get3A_179 = arith.index_cast %add3A_175 : i32 to index
      %get3A_180 = arith.constant 0 : index
      %get3A_181 = tpu.vector_load %arg11[%get3A_179, %get3A_180] {strides = array<i32>} : memref<80x128xf32, #tpu.memory_space<vmem>>, vector<16xf32>,
      %mul3A_182 = arith.mulf %get3A_178, %get3A_181 : vector<16xf32>
      %get3A_183 = arith.index_cast %add3A_175 : i32 to index
      %get3A_184 = arith.constant 16 : index
      %get3A_185 = tpu.vector_load %arg10[%get3A_183, %get3A_184] {strides = array<i32>} : memref<80x128xf32, #tpu.memory_space<vmem>>, vector<16xf32>,
      %get3A_186 = arith.index_cast %add3A_175 : i32 to index
      %get3A_187 = arith.constant 16 : index
      %get3A_188 = tpu.vector_load %arg11[%get3A_186, %get3A_187] {strides = array<i32>} : memref<80x128xf32, #tpu.memory_space<vmem>>, vector<16xf32>,
      %mul3A_189 = arith.mulf %get3A_185, %get3A_188 : vector<16xf32>
      %add3A_190 = arith.addf %mul3A_182, %mul3A_189 : vector<16xf32>
      %get3A_191 = arith.index_cast %add3A_175 : i32 to index
      %get3A_192 = arith.constant 32 : index
      %get3A_193 = tpu.vector_load %arg10[%get3A_191, %get3A_192] {strides = array<i32>} : memref<80x128xf32, #tpu.memory_space<vmem>>, vector<16xf32>,
      %get3A_194 = arith.index_cast %add3A_175 : i32 to index
      %get3A_195 = arith.constant 32 : index
      %get3A_196 = tpu.vector_load %arg11[%get3A_194, %get3A_195] {strides = array<i32>} : memref<80x128xf32, #tpu.memory_space<vmem>>, vector<16xf32>,
      %mul3A_197 = arith.mulf %get3A_193, %get3A_196 : vector<16xf32>
      %add3A_198 = arith.addf %add3A_190, %mul3A_197 : vector<16xf32>
      %get3A_199 = arith.index_cast %add3A_175 : i32 to index
      %get3A_200 = arith.constant 48 : index
      %get3A_201 = tpu.vector_load %arg10[%get3A_199, %get3A_200] {strides = array<i32>} : memref<80x128xf32, #tpu.memory_space<vmem>>, vector<16xf32>,
      %get3A_202 = arith.index_cast %add3A_175 : i32 to index
      %get3A_203 = arith.constant 48 : index
      %get3A_204 = tpu.vector_load %arg11[%get3A_202, %get3A_203] {strides = array<i32>} : memref<80x128xf32, #tpu.memory_space<vmem>>, vector<16xf32>,
      %mul3A_205 = arith.mulf %get3A_201, %get3A_204 : vector<16xf32>
      %add3A_206 = arith.addf %add3A_198, %mul3A_205 : vector<16xf32>
      %get3A_207 = arith.index_cast %add3A_175 : i32 to index
      %get3A_208 = arith.constant 64 : index
      %get3A_209 = tpu.vector_load %arg10[%get3A_207, %get3A_208] {strides = array<i32>} : memref<80x128xf32, #tpu.memory_space<vmem>>, vector<16xf32>,
      %get3A_210 = arith.index_cast %add3A_175 : i32 to index
      %get3A_211 = arith.constant 64 : index
      %get3A_212 = tpu.vector_load %arg11[%get3A_210, %get3A_211] {strides = array<i32>} : memref<80x128xf32, #tpu.memory_space<vmem>>, vector<16xf32>,
      %mul3A_213 = arith.mulf %get3A_209, %get3A_212 : vector<16xf32>
      %add3A_214 = arith.addf %add3A_206, %mul3A_213 : vector<16xf32>
      %get3A_215 = arith.index_cast %add3A_175 : i32 to index
      %get3A_216 = arith.constant 80 : index
      %get3A_217 = tpu.vector_load %arg10[%get3A_215, %get3A_216] {strides = array<i32>} : memref<80x128xf32, #tpu.memory_space<vmem>>, vector<16xf32>,
      %get3A_218 = arith.index_cast %add3A_175 : i32 to index
      %get3A_219 = arith.constant 80 : index
      %get3A_220 = tpu.vector_load %arg11[%get3A_218, %get3A_219] {strides = array<i32>} : memref<80x128xf32, #tpu.memory_space<vmem>>, vector<16xf32>,
      %mul3A_221 = arith.mulf %get3A_217, %get3A_220 : vector<16xf32>
      %add3A_222 = arith.addf %add3A_214, %mul3A_221 : vector<16xf32>
      %get3A_223 = arith.index_cast %add3A_175 : i32 to index
      %get3A_224 = arith.constant 96 : index
      %get3A_225 = tpu.vector_load %arg10[%get3A_223, %get3A_224] {strides = array<i32>} : memref<80x128xf32, #tpu.memory_space<vmem>>, vector<16xf32>,
      %get3A_226 = arith.index_cast %add3A_175 : i32 to index
      %get3A_227 = arith.constant 96 : index
      %get3A_228 = tpu.vector_load %arg11[%get3A_226, %get3A_227] {strides = array<i32>} : memref<80x128xf32, #tpu.memory_space<vmem>>, vector<16xf32>,
      %mul3A_229 = arith.mulf %get3A_225, %get3A_228 : vector<16xf32>
      %add3A_230 = arith.addf %add3A_222, %mul3A_229 : vector<16xf32>
      %get3A_231 = arith.index_cast %add3A_175 : i32 to index
      %get3A_232 = arith.constant 112 : index
      %get3A_233 = tpu.vector_load %arg10[%get3A_231, %get3A_232] {strides = array<i32>} : memref<80x128xf32, #tpu.memory_space<vmem>>, vector<16xf32>,
      %get3A_234 = arith.index_cast %add3A_175 : i32 to index
      %get3A_235 = arith.constant 112 : index
      %get3A_236 = tpu.vector_load %arg11[%get3A_234, %get3A_235] {strides = array<i32>} : memref<80x128xf32, #tpu.memory_space<vmem>>, vector<16xf32>,
      %mul3A_237 = arith.mulf %get3A_233, %get3A_236 : vector<16xf32>
      %add3A_238 = arith.addf %add3A_230, %mul3A_237 : vector<16xf32>
      %swap3A_239 = arith.constant 2 : i32
      %swap3A_240 = arith.index_cast %swap3A_239 : i32 to index
      %swap3A_241 = arith.constant 0 : index
      %swap3A_242 = tpu.vector_load %arg9[%swap3A_240, %swap3A_241] {strides = array<i32>} : memref<16x17xf32, #tpu.memory_space<vmem>>, vector<16xf32>,
      tpu.vector_store %arg9[%swap3A_240, %swap3A_241], %add3A_238 {strides = array<i32>} : memref<16x17xf32, #tpu.memory_space<vmem>>, vector<16xf32>,
      %add3A_243 = arith.constant 3 : i32
      %add3A_244 = arith.addi %mul3A_37, %add3A_243 : i32
      %get3A_245 = arith.index_cast %add3A_244 : i32 to index
      %get3A_246 = arith.constant 0 : index
      %get3A_247 = tpu.vector_load %arg10[%get3A_245, %get3A_246] {strides = array<i32>} : memref<80x128xf32, #tpu.memory_space<vmem>>, vector<16xf32>,
      %get3A_248 = arith.index_cast %add3A_244 : i32 to index
      %get3A_249 = arith.constant 0 : index
      %get3A_250 = tpu.vector_load %arg11[%get3A_248, %get3A_249] {strides = array<i32>} : memref<80x128xf32, #tpu.memory_space<vmem>>, vector<16xf32>,
      %mul3A_251 = arith.mulf %get3A_247, %get3A_250 : vector<16xf32>
      %get3A_252 = arith.index_cast %add3A_244 : i32 to index
      %get3A_253 = arith.constant 16 : index
      %get3A_254 = tpu.vector_load %arg10[%get3A_252, %get3A_253] {strides = array<i32>} : memref<80x128xf32, #tpu.memory_space<vmem>>, vector<16xf32>,
      %get3A_255 = arith.index_cast %add3A_244 : i32 to index
      %get3A_256 = arith.constant 16 : index
      %get3A_257 = tpu.vector_load %arg11[%get3A_255, %get3A_256] {strides = array<i32>} : memref<80x128xf32, #tpu.memory_space<vmem>>, vector<16xf32>,
      %mul3A_258 = arith.mulf %get3A_254, %get3A_257 : vector<16xf32>
      %add3A_259 = arith.addf %mul3A_251, %mul3A_258 : vector<16xf32>
      %get3A_260 = arith.index_cast %add3A_244 : i32 to index
      %get3A_261 = arith.constant 32 : index
      %get3A_262 = tpu.vector_load %arg10[%get3A_260, %get3A_261] {strides = array<i32>} : memref<80x128xf32, #tpu.memory_space<vmem>>, vector<16xf32>,
      %get3A_263 = arith.index_cast %add3A_244 : i32 to index
      %get3A_264 = arith.constant 32 : index
      %get3A_265 = tpu.vector_load %arg11[%get3A_263, %get3A_264] {strides = array<i32>} : memref<80x128xf32, #tpu.memory_space<vmem>>, vector<16xf32>,
      %mul3A_266 = arith.mulf %get3A_262, %get3A_265 : vector<16xf32>
      %add3A_267 = arith.addf %add3A_259, %mul3A_266 : vector<16xf32>
      %get3A_268 = arith.index_cast %add3A_244 : i32 to index
      %get3A_269 = arith.constant 48 : index
      %get3A_270 = tpu.vector_load %arg10[%get3A_268, %get3A_269] {strides = array<i32>} : memref<80x128xf32, #tpu.memory_space<vmem>>, vector<16xf32>,
      %get3A_271 = arith.index_cast %add3A_244 : i32 to index
      %get3A_272 = arith.constant 48 : index
      %get3A_273 = tpu.vector_load %arg11[%get3A_271, %get3A_272] {strides = array<i32>} : memref<80x128xf32, #tpu.memory_space<vmem>>, vector<16xf32>,
      %mul3A_274 = arith.mulf %get3A_270, %get3A_273 : vector<16xf32>
      %add3A_275 = arith.addf %add3A_267, %mul3A_274 : vector<16xf32>
      %get3A_276 = arith.index_cast %add3A_244 : i32 to index
      %get3A_277 = arith.constant 64 : index
      %get3A_278 = tpu.vector_load %arg10[%get3A_276, %get3A_277] {strides = array<i32>} : memref<80x128xf32, #tpu.memory_space<vmem>>, vector<16xf32>,
      %get3A_279 = arith.index_cast %add3A_244 : i32 to index
      %get3A_280 = arith.constant 64 : index
      %get3A_281 = tpu.vector_load %arg11[%get3A_279, %get3A_280] {strides = array<i32>} : memref<80x128xf32, #tpu.memory_space<vmem>>, vector<16xf32>,
      %mul3A_282 = arith.mulf %get3A_278, %get3A_281 : vector<16xf32>
      %add3A_283 = arith.addf %add3A_275, %mul3A_282 : vector<16xf32>
      %get3A_284 = arith.index_cast %add3A_244 : i32 to index
      %get3A_285 = arith.constant 80 : index
      %get3A_286 = tpu.vector_load %arg10[%get3A_284, %get3A_285] {strides = array<i32>} : memref<80x128xf32, #tpu.memory_space<vmem>>, vector<16xf32>,
      %get3A_287 = arith.index_cast %add3A_244 : i32 to index
      %get3A_288 = arith.constant 80 : index
      %get3A_289 = tpu.vector_load %arg11[%get3A_287, %get3A_288] {strides = array<i32>} : memref<80x128xf32, #tpu.memory_space<vmem>>, vector<16xf32>,
      %mul3A_290 = arith.mulf %get3A_286, %get3A_289 : vector<16xf32>
      %add3A_291 = arith.addf %add3A_283, %mul3A_290 : vector<16xf32>
      %get3A_292 = arith.index_cast %add3A_244 : i32 to index
      %get3A_293 = arith.constant 96 : index
      %get3A_294 = tpu.vector_load %arg10[%get3A_292, %get3A_293] {strides = array<i32>} : memref<80x128xf32, #tpu.memory_space<vmem>>, vector<16xf32>,
      %get3A_295 = arith.index_cast %add3A_244 : i32 to index
      %get3A_296 = arith.constant 96 : index
      %get3A_297 = tpu.vector_load %arg11[%get3A_295, %get3A_296] {strides = array<i32>} : memref<80x128xf32, #tpu.memory_space<vmem>>, vector<16xf32>,
      %mul3A_298 = arith.mulf %get3A_294, %get3A_297 : vector<16xf32>
      %add3A_299 = arith.addf %add3A_291, %mul3A_298 : vector<16xf32>
      %get3A_300 = arith.index_cast %add3A_244 : i32 to index
      %get3A_301 = arith.constant 112 : index
      %get3A_302 = tpu.vector_load %arg10[%get3A_300, %get3A_301] {strides = array<i32>} : memref<80x128xf32, #tpu.memory_space<vmem>>, vector<16xf32>,
      %get3A_303 = arith.index_cast %add3A_244 : i32 to index
      %get3A_304 = arith.constant 112 : index
      %get3A_305 = tpu.vector_load %arg11[%get3A_303, %get3A_304] {strides = array<i32>} : memref<80x128xf32, #tpu.memory_space<vmem>>, vector<16xf32>,
      %mul3A_306 = arith.mulf %get3A_302, %get3A_305 : vector<16xf32>
      %add3A_307 = arith.addf %add3A_299, %mul3A_306 : vector<16xf32>
      %swap3A_308 = arith.constant 3 : i32
      %swap3A_309 = arith.index_cast %swap3A_308 : i32 to index
      %swap3A_310 = arith.constant 0 : index
      %swap3A_311 = tpu.vector_load %arg9[%swap3A_309, %swap3A_310] {strides = array<i32>} : memref<16x17xf32, #tpu.memory_space<vmem>>, vector<16xf32>,
      tpu.vector_store %arg9[%swap3A_309, %swap3A_310], %add3A_307 {strides = array<i32>} : memref<16x17xf32, #tpu.memory_space<vmem>>, vector<16xf32>,
      %add3A_312 = arith.constant 4 : i32
      %add3A_313 = arith.addi %mul3A_37, %add3A_312 : i32
      %get3A_314 = arith.index_cast %add3A_313 : i32 to index
      %get3A_315 = arith.constant 0 : index
      %get3A_316 = tpu.vector_load %arg10[%get3A_314, %get3A_315] {strides = array<i32>} : memref<80x128xf32, #tpu.memory_space<vmem>>, vector<16xf32>,
      %get3A_317 = arith.index_cast %add3A_313 : i32 to index
      %get3A_318 = arith.constant 0 : index
      %get3A_319 = tpu.vector_load %arg11[%get3A_317, %get3A_318] {strides = array<i32>} : memref<80x128xf32, #tpu.memory_space<vmem>>, vector<16xf32>,
      %mul3A_320 = arith.mulf %get3A_316, %get3A_319 : vector<16xf32>
      %get3A_321 = arith.index_cast %add3A_313 : i32 to index
      %get3A_322 = arith.constant 16 : index
      %get3A_323 = tpu.vector_load %arg10[%get3A_321, %get3A_322] {strides = array<i32>} : memref<80x128xf32, #tpu.memory_space<vmem>>, vector<16xf32>,
      %get3A_324 = arith.index_cast %add3A_313 : i32 to index
      %get3A_325 = arith.constant 16 : index
      %get3A_326 = tpu.vector_load %arg11[%get3A_324, %get3A_325] {strides = array<i32>} : memref<80x128xf32, #tpu.memory_space<vmem>>, vector<16xf32>,
      %mul3A_327 = arith.mulf %get3A_323, %get3A_326 : vector<16xf32>
      %add3A_328 = arith.addf %mul3A_320, %mul3A_327 : vector<16xf32>
      %get3A_329 = arith.index_cast %add3A_313 : i32 to index
      %get3A_330 = arith.constant 32 : index
      %get3A_331 = tpu.vector_load %arg10[%get3A_329, %get3A_330] {strides = array<i32>} : memref<80x128xf32, #tpu.memory_space<vmem>>, vector<16xf32>,
      %get3A_332 = arith.index_cast %add3A_313 : i32 to index
      %get3A_333 = arith.constant 32 : index
      %get3A_334 = tpu.vector_load %arg11[%get3A_332, %get3A_333] {strides = array<i32>} : memref<80x128xf32, #tpu.memory_space<vmem>>, vector<16xf32>,
      %mul3A_335 = arith.mulf %get3A_331, %get3A_334 : vector<16xf32>
      %add3A_336 = arith.addf %add3A_328, %mul3A_335 : vector<16xf32>
      %get3A_337 = arith.index_cast %add3A_313 : i32 to index
      %get3A_338 = arith.constant 48 : index
      %get3A_339 = tpu.vector_load %arg10[%get3A_337, %get3A_338] {strides = array<i32>} : memref<80x128xf32, #tpu.memory_space<vmem>>, vector<16xf32>,
      %get3A_340 = arith.index_cast %add3A_313 : i32 to index
      %get3A_341 = arith.constant 48 : index
      %get3A_342 = tpu.vector_load %arg11[%get3A_340, %get3A_341] {strides = array<i32>} : memref<80x128xf32, #tpu.memory_space<vmem>>, vector<16xf32>,
      %mul3A_343 = arith.mulf %get3A_339, %get3A_342 : vector<16xf32>
      %add3A_344 = arith.addf %add3A_336, %mul3A_343 : vector<16xf32>
      %get3A_345 = arith.index_cast %add3A_313 : i32 to index
      %get3A_346 = arith.constant 64 : index
      %get3A_347 = tpu.vector_load %arg10[%get3A_345, %get3A_346] {strides = array<i32>} : memref<80x128xf32, #tpu.memory_space<vmem>>, vector<16xf32>,
      %get3A_348 = arith.index_cast %add3A_313 : i32 to index
      %get3A_349 = arith.constant 64 : index
      %get3A_350 = tpu.vector_load %arg11[%get3A_348, %get3A_349] {strides = array<i32>} : memref<80x128xf32, #tpu.memory_space<vmem>>, vector<16xf32>,
      %mul3A_351 = arith.mulf %get3A_347, %get3A_350 : vector<16xf32>
      %add3A_352 = arith.addf %add3A_344, %mul3A_351 : vector<16xf32>
      %get3A_353 = arith.index_cast %add3A_313 : i32 to index
      %get3A_354 = arith.constant 80 : index
      %get3A_355 = tpu.vector_load %arg10[%get3A_353, %get3A_354] {strides = array<i32>} : memref<80x128xf32, #tpu.memory_space<vmem>>, vector<16xf32>,
      %get3A_356 = arith.index_cast %add3A_313 : i32 to index
      %get3A_357 = arith.constant 80 : index
      %get3A_358 = tpu.vector_load %arg11[%get3A_356, %get3A_357] {strides = array<i32>} : memref<80x128xf32, #tpu.memory_space<vmem>>, vector<16xf32>,
      %mul3A_359 = arith.mulf %get3A_355, %get3A_358 : vector<16xf32>
      %add3A_360 = arith.addf %add3A_352, %mul3A_359 : vector<16xf32>
      %get3A_361 = arith.index_cast %add3A_313 : i32 to index
      %get3A_362 = arith.constant 96 : index
      %get3A_363 = tpu.vector_load %arg10[%get3A_361, %get3A_362] {strides = array<i32>} : memref<80x128xf32, #tpu.memory_space<vmem>>, vector<16xf32>,
      %get3A_364 = arith.index_cast %add3A_313 : i32 to index
      %get3A_365 = arith.constant 96 : index
      %get3A_366 = tpu.vector_load %arg11[%get3A_364, %get3A_365] {strides = array<i32>} : memref<80x128xf32, #tpu.memory_space<vmem>>, vector<16xf32>,
      %mul3A_367 = arith.mulf %get3A_363, %get3A_366 : vector<16xf32>
      %add3A_368 = arith.addf %add3A_360, %mul3A_367 : vector<16xf32>
      %get3A_369 = arith.index_cast %add3A_313 : i32 to index
      %get3A_370 = arith.constant 112 : index
      %get3A_371 = tpu.vector_load %arg10[%get3A_369, %get3A_370] {strides = array<i32>} : memref<80x128xf32, #tpu.memory_space<vmem>>, vector<16xf32>,
      %get3A_372 = arith.index_cast %add3A_313 : i32 to index
      %get3A_373 = arith.constant 112 : index
      %get3A_374 = tpu.vector_load %arg11[%get3A_372, %get3A_373] {strides = array<i32>} : memref<80x128xf32, #tpu.memory_space<vmem>>, vector<16xf32>,
      %mul3A_375 = arith.mulf %get3A_371, %get3A_374 : vector<16xf32>
      %add3A_376 = arith.addf %add3A_368, %mul3A_375 : vector<16xf32>
      %swap3A_377 = arith.constant 4 : i32
      %swap3A_378 = arith.index_cast %swap3A_377 : i32 to index
      %swap3A_379 = arith.constant 0 : index
      %swap3A_380 = tpu.vector_load %arg9[%swap3A_378, %swap3A_379] {strides = array<i32>} : memref<16x17xf32, #tpu.memory_space<vmem>>, vector<16xf32>,
      tpu.vector_store %arg9[%swap3A_378, %swap3A_379], %add3A_376 {strides = array<i32>} : memref<16x17xf32, #tpu.memory_space<vmem>>, vector<16xf32>,
      %add3A_381 = arith.constant 5 : i32
      %add3A_382 = arith.addi %mul3A_37, %add3A_381 : i32
      %get3A_383 = arith.index_cast %add3A_382 : i32 to index
      %get3A_384 = arith.constant 0 : index
      %get3A_385 = tpu.vector_load %arg10[%get3A_383, %get3A_384] {strides = array<i32>} : memref<80x128xf32, #tpu.memory_space<vmem>>, vector<16xf32>,
      %get3A_386 = arith.index_cast %add3A_382 : i32 to index
      %get3A_387 = arith.constant 0 : index
      %get3A_388 = tpu.vector_load %arg11[%get3A_386, %get3A_387] {strides = array<i32>} : memref<80x128xf32, #tpu.memory_space<vmem>>, vector<16xf32>,
      %mul3A_389 = arith.mulf %get3A_385, %get3A_388 : vector<16xf32>
      %get3A_390 = arith.index_cast %add3A_382 : i32 to index
      %get3A_391 = arith.constant 16 : index
      %get3A_392 = tpu.vector_load %arg10[%get3A_390, %get3A_391] {strides = array<i32>} : memref<80x128xf32, #tpu.memory_space<vmem>>, vector<16xf32>,
      %get3A_393 = arith.index_cast %add3A_382 : i32 to index
      %get3A_394 = arith.constant 16 : index
      %get3A_395 = tpu.vector_load %arg11[%get3A_393, %get3A_394] {strides = array<i32>} : memref<80x128xf32, #tpu.memory_space<vmem>>, vector<16xf32>,
      %mul3A_396 = arith.mulf %get3A_392, %get3A_395 : vector<16xf32>
      %add3A_397 = arith.addf %mul3A_389, %mul3A_396 : vector<16xf32>
      %get3A_398 = arith.index_cast %add3A_382 : i32 to index
      %get3A_399 = arith.constant 32 : index
      %get3A_400 = tpu.vector_load %arg10[%get3A_398, %get3A_399] {strides = array<i32>} : memref<80x128xf32, #tpu.memory_space<vmem>>, vector<16xf32>,
      %get3A_401 = arith.index_cast %add3A_382 : i32 to index
      %get3A_402 = arith.constant 32 : index
      %get3A_403 = tpu.vector_load %arg11[%get3A_401, %get3A_402] {strides = array<i32>} : memref<80x128xf32, #tpu.memory_space<vmem>>, vector<16xf32>,
      %mul3A_404 = arith.mulf %get3A_400, %get3A_403 : vector<16xf32>
      %add3A_405 = arith.addf %add3A_397, %mul3A_404 : vector<16xf32>
      %get3A_406 = arith.index_cast %add3A_382 : i32 to index
      %get3A_407 = arith.constant 48 : index
      %get3A_408 = tpu.vector_load %arg10[%get3A_406, %get3A_407] {strides = array<i32>} : memref<80x128xf32, #tpu.memory_space<vmem>>, vector<16xf32>,
      %get3A_409 = arith.index_cast %add3A_382 : i32 to index
      %get3A_410 = arith.constant 48 : index
      %get3A_411 = tpu.vector_load %arg11[%get3A_409, %get3A_410] {strides = array<i32>} : memref<80x128xf32, #tpu.memory_space<vmem>>, vector<16xf32>,
      %mul3A_412 = arith.mulf %get3A_408, %get3A_411 : vector<16xf32>
      %add3A_413 = arith.addf %add3A_405, %mul3A_412 : vector<16xf32>
      %get3A_414 = arith.index_cast %add3A_382 : i32 to index
      %get3A_415 = arith.constant 64 : index
      %get3A_416 = tpu.vector_load %arg10[%get3A_414, %get3A_415] {strides = array<i32>} : memref<80x128xf32, #tpu.memory_space<vmem>>, vector<16xf32>,
      %get3A_417 = arith.index_cast %add3A_382 : i32 to index
      %get3A_418 = arith.constant 64 : index
      %get3A_419 = tpu.vector_load %arg11[%get3A_417, %get3A_418] {strides = array<i32>} : memref<80x128xf32, #tpu.memory_space<vmem>>, vector<16xf32>,
      %mul3A_420 = arith.mulf %get3A_416, %get3A_419 : vector<16xf32>
      %add3A_421 = arith.addf %add3A_413, %mul3A_420 : vector<16xf32>
      %get3A_422 = arith.index_cast %add3A_382 : i32 to index
      %get3A_423 = arith.constant 80 : index
      %get3A_424 = tpu.vector_load %arg10[%get3A_422, %get3A_423] {strides = array<i32>} : memref<80x128xf32, #tpu.memory_space<vmem>>, vector<16xf32>,
      %get3A_425 = arith.index_cast %add3A_382 : i32 to index
      %get3A_426 = arith.constant 80 : index
      %get3A_427 = tpu.vector_load %arg11[%get3A_425, %get3A_426] {strides = array<i32>} : memref<80x128xf32, #tpu.memory_space<vmem>>, vector<16xf32>,
      %mul3A_428 = arith.mulf %get3A_424, %get3A_427 : vector<16xf32>
      %add3A_429 = arith.addf %add3A_421, %mul3A_428 : vector<16xf32>
      %get3A_430 = arith.index_cast %add3A_382 : i32 to index
      %get3A_431 = arith.constant 96 : index
      %get3A_432 = tpu.vector_load %arg10[%get3A_430, %get3A_431] {strides = array<i32>} : memref<80x128xf32, #tpu.memory_space<vmem>>, vector<16xf32>,
      %get3A_433 = arith.index_cast %add3A_382 : i32 to index
      %get3A_434 = arith.constant 96 : index
      %get3A_435 = tpu.vector_load %arg11[%get3A_433, %get3A_434] {strides = array<i32>} : memref<80x128xf32, #tpu.memory_space<vmem>>, vector<16xf32>,
      %mul3A_436 = arith.mulf %get3A_432, %get3A_435 : vector<16xf32>
      %add3A_437 = arith.addf %add3A_429, %mul3A_436 : vector<16xf32>
      %get3A_438 = arith.index_cast %add3A_382 : i32 to index
      %get3A_439 = arith.constant 112 : index
      %get3A_440 = tpu.vector_load %arg10[%get3A_438, %get3A_439] {strides = array<i32>} : memref<80x128xf32, #tpu.memory_space<vmem>>, vector<16xf32>,
      %get3A_441 = arith.index_cast %add3A_382 : i32 to index
      %get3A_442 = arith.constant 112 : index
      %get3A_443 = tpu.vector_load %arg11[%get3A_441, %get3A_442] {strides = array<i32>} : memref<80x128xf32, #tpu.memory_space<vmem>>, vector<16xf32>,
      %mul3A_444 = arith.mulf %get3A_440, %get3A_443 : vector<16xf32>
      %add3A_445 = arith.addf %add3A_437, %mul3A_444 : vector<16xf32>
      %swap3A_446 = arith.constant 5 : i32
      %swap3A_447 = arith.index_cast %swap3A_446 : i32 to index
      %swap3A_448 = arith.constant 0 : index
      %swap3A_449 = tpu.vector_load %arg9[%swap3A_447, %swap3A_448] {strides = array<i32>} : memref<16x17xf32, #tpu.memory_space<vmem>>, vector<16xf32>,
      tpu.vector_store %arg9[%swap3A_447, %swap3A_448], %add3A_445 {strides = array<i32>} : memref<16x17xf32, #tpu.memory_space<vmem>>, vector<16xf32>,
      %add3A_450 = arith.constant 6 : i32
      %add3A_451 = arith.addi %mul3A_37, %add3A_450 : i32
      %get3A_452 = arith.index_cast %add3A_451 : i32 to index
      %get3A_453 = arith.constant 0 : index
      %get3A_454 = tpu.vector_load %arg10[%get3A_452, %get3A_453] {strides = array<i32>} : memref<80x128xf32, #tpu.memory_space<vmem>>, vector<16xf32>,
      %get3A_455 = arith.index_cast %add3A_451 : i32 to index
      %get3A_456 = arith.constant 0 : index
      %get3A_457 = tpu.vector_load %arg11[%get3A_455, %get3A_456] {strides = array<i32>} : memref<80x128xf32, #tpu.memory_space<vmem>>, vector<16xf32>,
      %mul3A_458 = arith.mulf %get3A_454, %get3A_457 : vector<16xf32>
      %get3A_459 = arith.index_cast %add3A_451 : i32 to index
      %get3A_460 = arith.constant 16 : index
      %get3A_461 = tpu.vector_load %arg10[%get3A_459, %get3A_460] {strides = array<i32>} : memref<80x128xf32, #tpu.memory_space<vmem>>, vector<16xf32>,
      %get3A_462 = arith.index_cast %add3A_451 : i32 to index
      %get3A_463 = arith.constant 16 : index
      %get3A_464 = tpu.vector_load %arg11[%get3A_462, %get3A_463] {strides = array<i32>} : memref<80x128xf32, #tpu.memory_space<vmem>>, vector<16xf32>,
      %mul3A_465 = arith.mulf %get3A_461, %get3A_464 : vector<16xf32>
      %add3A_466 = arith.addf %mul3A_458, %mul3A_465 : vector<16xf32>
      %get3A_467 = arith.index_cast %add3A_451 : i32 to index
      %get3A_468 = arith.constant 32 : index
      %get3A_469 = tpu.vector_load %arg10[%get3A_467, %get3A_468] {strides = array<i32>} : memref<80x128xf32, #tpu.memory_space<vmem>>, vector<16xf32>,
      %get3A_470 = arith.index_cast %add3A_451 : i32 to index
      %get3A_471 = arith.constant 32 : index
      %get3A_472 = tpu.vector_load %arg11[%get3A_470, %get3A_471] {strides = array<i32>} : memref<80x128xf32, #tpu.memory_space<vmem>>, vector<16xf32>,
      %mul3A_473 = arith.mulf %get3A_469, %get3A_472 : vector<16xf32>
      %add3A_474 = arith.addf %add3A_466, %mul3A_473 : vector<16xf32>
      %get3A_475 = arith.index_cast %add3A_451 : i32 to index
      %get3A_476 = arith.constant 48 : index
      %get3A_477 = tpu.vector_load %arg10[%get3A_475, %get3A_476] {strides = array<i32>} : memref<80x128xf32, #tpu.memory_space<vmem>>, vector<16xf32>,
      %get3A_478 = arith.index_cast %add3A_451 : i32 to index
      %get3A_479 = arith.constant 48 : index
      %get3A_480 = tpu.vector_load %arg11[%get3A_478, %get3A_479] {strides = array<i32>} : memref<80x128xf32, #tpu.memory_space<vmem>>, vector<16xf32>,
      %mul3A_481 = arith.mulf %get3A_477, %get3A_480 : vector<16xf32>
      %add3A_482 = arith.addf %add3A_474, %mul3A_481 : vector<16xf32>
      %get3A_483 = arith.index_cast %add3A_451 : i32 to index
      %get3A_484 = arith.constant 64 : index
      %get3A_485 = tpu.vector_load %arg10[%get3A_483, %get3A_484] {strides = array<i32>} : memref<80x128xf32, #tpu.memory_space<vmem>>, vector<16xf32>,
      %get3A_486 = arith.index_cast %add3A_451 : i32 to index
      %get3A_487 = arith.constant 64 : index
      %get3A_488 = tpu.vector_load %arg11[%get3A_486, %get3A_487] {strides = array<i32>} : memref<80x128xf32, #tpu.memory_space<vmem>>, vector<16xf32>,
      %mul3A_489 = arith.mulf %get3A_485, %get3A_488 : vector<16xf32>
      %add3A_490 = arith.addf %add3A_482, %mul3A_489 : vector<16xf32>
      %get3A_491 = arith.index_cast %add3A_451 : i32 to index
      %get3A_492 = arith.constant 80 : index
      %get3A_493 = tpu.vector_load %arg10[%get3A_491, %get3A_492] {strides = array<i32>} : memref<80x128xf32, #tpu.memory_space<vmem>>, vector<16xf32>,
      %get3A_494 = arith.index_cast %add3A_451 : i32 to index
      %get3A_495 = arith.constant 80 : index
      %get3A_496 = tpu.vector_load %arg11[%get3A_494, %get3A_495] {strides = array<i32>} : memref<80x128xf32, #tpu.memory_space<vmem>>, vector<16xf32>,
      %mul3A_497 = arith.mulf %get3A_493, %get3A_496 : vector<16xf32>
      %add3A_498 = arith.addf %add3A_490, %mul3A_497 : vector<16xf32>
      %get3A_499 = arith.index_cast %add3A_451 : i32 to index
      %get3A_500 = arith.constant 96 : index
      %get3A_501 = tpu.vector_load %arg10[%get3A_499, %get3A_500] {strides = array<i32>} : memref<80x128xf32, #tpu.memory_space<vmem>>, vector<16xf32>,
      %get3A_502 = arith.index_cast %add3A_451 : i32 to index
      %get3A_503 = arith.constant 96 : index
      %get3A_504 = tpu.vector_load %arg11[%get3A_502, %get3A_503] {strides = array<i32>} : memref<80x128xf32, #tpu.memory_space<vmem>>, vector<16xf32>,
      %mul3A_505 = arith.mulf %get3A_501, %get3A_504 : vector<16xf32>
      %add3A_506 = arith.addf %add3A_498, %mul3A_505 : vector<16xf32>
      %get3A_507 = arith.index_cast %add3A_451 : i32 to index
      %get3A_508 = arith.constant 112 : index
      %get3A_509 = tpu.vector_load %arg10[%get3A_507, %get3A_508] {strides = array<i32>} : memref<80x128xf32, #tpu.memory_space<vmem>>, vector<16xf32>,
      %get3A_510 = arith.index_cast %add3A_451 : i32 to index
      %get3A_511 = arith.constant 112 : index
      %get3A_512 = tpu.vector_load %arg11[%get3A_510, %get3A_511] {strides = array<i32>} : memref<80x128xf32, #tpu.memory_space<vmem>>, vector<16xf32>,
      %mul3A_513 = arith.mulf %get3A_509, %get3A_512 : vector<16xf32>
      %add3A_514 = arith.addf %add3A_506, %mul3A_513 : vector<16xf32>
      %swap3A_515 = arith.constant 6 : i32
      %swap3A_516 = arith.index_cast %swap3A_515 : i32 to index
      %swap3A_517 = arith.constant 0 : index
      %swap3A_518 = tpu.vector_load %arg9[%swap3A_516, %swap3A_517] {strides = array<i32>} : memref<16x17xf32, #tpu.memory_space<vmem>>, vector<16xf32>,
      tpu.vector_store %arg9[%swap3A_516, %swap3A_517], %add3A_514 {strides = array<i32>} : memref<16x17xf32, #tpu.memory_space<vmem>>, vector<16xf32>,
      %add3A_519 = arith.constant 7 : i32
      %add3A_520 = arith.addi %mul3A_37, %add3A_519 : i32
      %get3A_521 = arith.index_cast %add3A_520 : i32 to index
      %get3A_522 = arith.constant 0 : index
      %get3A_523 = tpu.vector_load %arg10[%get3A_521, %get3A_522] {strides = array<i32>} : memref<80x128xf32, #tpu.memory_space<vmem>>, vector<16xf32>,
      %get3A_524 = arith.index_cast %add3A_520 : i32 to index
      %get3A_525 = arith.constant 0 : index
      %get3A_526 = tpu.vector_load %arg11[%get3A_524, %get3A_525] {strides = array<i32>} : memref<80x128xf32, #tpu.memory_space<vmem>>, vector<16xf32>,
      %mul3A_527 = arith.mulf %get3A_523, %get3A_526 : vector<16xf32>
      %get3A_528 = arith.index_cast %add3A_520 : i32 to index
      %get3A_529 = arith.constant 16 : index
      %get3A_530 = tpu.vector_load %arg10[%get3A_528, %get3A_529] {strides = array<i32>} : memref<80x128xf32, #tpu.memory_space<vmem>>, vector<16xf32>,
      %get3A_531 = arith.index_cast %add3A_520 : i32 to index
      %get3A_532 = arith.constant 16 : index
      %get3A_533 = tpu.vector_load %arg11[%get3A_531, %get3A_532] {strides = array<i32>} : memref<80x128xf32, #tpu.memory_space<vmem>>, vector<16xf32>,
      %mul3A_534 = arith.mulf %get3A_530, %get3A_533 : vector<16xf32>
      %add3A_535 = arith.addf %mul3A_527, %mul3A_534 : vector<16xf32>
      %get3A_536 = arith.index_cast %add3A_520 : i32 to index
      %get3A_537 = arith.constant 32 : index
      %get3A_538 = tpu.vector_load %arg10[%get3A_536, %get3A_537] {strides = array<i32>} : memref<80x128xf32, #tpu.memory_space<vmem>>, vector<16xf32>,
      %get3A_539 = arith.index_cast %add3A_520 : i32 to index
      %get3A_540 = arith.constant 32 : index
      %get3A_541 = tpu.vector_load %arg11[%get3A_539, %get3A_540] {strides = array<i32>} : memref<80x128xf32, #tpu.memory_space<vmem>>, vector<16xf32>,
      %mul3A_542 = arith.mulf %get3A_538, %get3A_541 : vector<16xf32>
      %add3A_543 = arith.addf %add3A_535, %mul3A_542 : vector<16xf32>
      %get3A_544 = arith.index_cast %add3A_520 : i32 to index
      %get3A_545 = arith.constant 48 : index
      %get3A_546 = tpu.vector_load %arg10[%get3A_544, %get3A_545] {strides = array<i32>} : memref<80x128xf32, #tpu.memory_space<vmem>>, vector<16xf32>,
      %get3A_547 = arith.index_cast %add3A_520 : i32 to index
      %get3A_548 = arith.constant 48 : index
      %get3A_549 = tpu.vector_load %arg11[%get3A_547, %get3A_548] {strides = array<i32>} : memref<80x128xf32, #tpu.memory_space<vmem>>, vector<16xf32>,
      %mul3A_550 = arith.mulf %get3A_546, %get3A_549 : vector<16xf32>
      %add3A_551 = arith.addf %add3A_543, %mul3A_550 : vector<16xf32>
      %get3A_552 = arith.index_cast %add3A_520 : i32 to index
      %get3A_553 = arith.constant 64 : index
      %get3A_554 = tpu.vector_load %arg10[%get3A_552, %get3A_553] {strides = array<i32>} : memref<80x128xf32, #tpu.memory_space<vmem>>, vector<16xf32>,
      %get3A_555 = arith.index_cast %add3A_520 : i32 to index
      %get3A_556 = arith.constant 64 : index
      %get3A_557 = tpu.vector_load %arg11[%get3A_555, %get3A_556] {strides = array<i32>} : memref<80x128xf32, #tpu.memory_space<vmem>>, vector<16xf32>,
      %mul3A_558 = arith.mulf %get3A_554, %get3A_557 : vector<16xf32>
      %add3A_559 = arith.addf %add3A_551, %mul3A_558 : vector<16xf32>
      %get3A_560 = arith.index_cast %add3A_520 : i32 to index
      %get3A_561 = arith.constant 80 : index
      %get3A_562 = tpu.vector_load %arg10[%get3A_560, %get3A_561] {strides = array<i32>} : memref<80x128xf32, #tpu.memory_space<vmem>>, vector<16xf32>,
      %get3A_563 = arith.index_cast %add3A_520 : i32 to index
      %get3A_564 = arith.constant 80 : index
      %get3A_565 = tpu.vector_load %arg11[%get3A_563, %get3A_564] {strides = array<i32>} : memref<80x128xf32, #tpu.memory_space<vmem>>, vector<16xf32>,
      %mul3A_566 = arith.mulf %get3A_562, %get3A_565 : vector<16xf32>
      %add3A_567 = arith.addf %add3A_559, %mul3A_566 : vector<16xf32>
      %get3A_568 = arith.index_cast %add3A_520 : i32 to index
      %get3A_569 = arith.constant 96 : index
      %get3A_570 = tpu.vector_load %arg10[%get3A_568, %get3A_569] {strides = array<i32>} : memref<80x128xf32, #tpu.memory_space<vmem>>, vector<16xf32>,
      %get3A_571 = arith.index_cast %add3A_520 : i32 to index
      %get3A_572 = arith.constant 96 : index
      %get3A_573 = tpu.vector_load %arg11[%get3A_571, %get3A_572] {strides = array<i32>} : memref<80x128xf32, #tpu.memory_space<vmem>>, vector<16xf32>,
      %mul3A_574 = arith.mulf %get3A_570, %get3A_573 : vector<16xf32>
      %add3A_575 = arith.addf %add3A_567, %mul3A_574 : vector<16xf32>
      %get3A_576 = arith.index_cast %add3A_520 : i32 to index
      %get3A_577 = arith.constant 112 : index
      %get3A_578 = tpu.vector_load %arg10[%get3A_576, %get3A_577] {strides = array<i32>} : memref<80x128xf32, #tpu.memory_space<vmem>>, vector<16xf32>,
      %get3A_579 = arith.index_cast %add3A_520 : i32 to index
      %get3A_580 = arith.constant 112 : index
      %get3A_581 = tpu.vector_load %arg11[%get3A_579, %get3A_580] {strides = array<i32>} : memref<80x128xf32, #tpu.memory_space<vmem>>, vector<16xf32>,
      %mul3A_582 = arith.mulf %get3A_578, %get3A_581 : vector<16xf32>
      %add3A_583 = arith.addf %add3A_575, %mul3A_582 : vector<16xf32>
      %swap3A_584 = arith.constant 7 : i32
      %swap3A_585 = arith.index_cast %swap3A_584 : i32 to index
      %swap3A_586 = arith.constant 0 : index
      %swap3A_587 = tpu.vector_load %arg9[%swap3A_585, %swap3A_586] {strides = array<i32>} : memref<16x17xf32, #tpu.memory_space<vmem>>, vector<16xf32>,
      tpu.vector_store %arg9[%swap3A_585, %swap3A_586], %add3A_583 {strides = array<i32>} : memref<16x17xf32, #tpu.memory_space<vmem>>, vector<16xf32>,
      %add3A_588 = arith.constant 8 : i32
      %add3A_589 = arith.addi %mul3A_37, %add3A_588 : i32
      %get3A_590 = arith.index_cast %add3A_589 : i32 to index
      %get3A_591 = arith.constant 0 : index
      %get3A_592 = tpu.vector_load %arg10[%get3A_590, %get3A_591] {strides = array<i32>} : memref<80x128xf32, #tpu.memory_space<vmem>>, vector<16xf32>,
      %get3A_593 = arith.index_cast %add3A_589 : i32 to index
      %get3A_594 = arith.constant 0 : index
      %get3A_595 = tpu.vector_load %arg11[%get3A_593, %get3A_594] {strides = array<i32>} : memref<80x128xf32, #tpu.memory_space<vmem>>, vector<16xf32>,
      %mul3A_596 = arith.mulf %get3A_592, %get3A_595 : vector<16xf32>
      %get3A_597 = arith.index_cast %add3A_589 : i32 to index
      %get3A_598 = arith.constant 16 : index
      %get3A_599 = tpu.vector_load %arg10[%get3A_597, %get3A_598] {strides = array<i32>} : memref<80x128xf32, #tpu.memory_space<vmem>>, vector<16xf32>,
      %get3A_600 = arith.index_cast %add3A_589 : i32 to index
      %get3A_601 = arith.constant 16 : index
      %get3A_602 = tpu.vector_load %arg11[%get3A_600, %get3A_601] {strides = array<i32>} : memref<80x128xf32, #tpu.memory_space<vmem>>, vector<16xf32>,
      %mul3A_603 = arith.mulf %get3A_599, %get3A_602 : vector<16xf32>
      %add3A_604 = arith.addf %mul3A_596, %mul3A_603 : vector<16xf32>
      %get3A_605 = arith.index_cast %add3A_589 : i32 to index
      %get3A_606 = arith.constant 32 : index
      %get3A_607 = tpu.vector_load %arg10[%get3A_605, %get3A_606] {strides = array<i32>} : memref<80x128xf32, #tpu.memory_space<vmem>>, vector<16xf32>,
      %get3A_608 = arith.index_cast %add3A_589 : i32 to index
      %get3A_609 = arith.constant 32 : index
      %get3A_610 = tpu.vector_load %arg11[%get3A_608, %get3A_609] {strides = array<i32>} : memref<80x128xf32, #tpu.memory_space<vmem>>, vector<16xf32>,
      %mul3A_611 = arith.mulf %get3A_607, %get3A_610 : vector<16xf32>
      %add3A_612 = arith.addf %add3A_604, %mul3A_611 : vector<16xf32>
      %get3A_613 = arith.index_cast %add3A_589 : i32 to index
      %get3A_614 = arith.constant 48 : index
      %get3A_615 = tpu.vector_load %arg10[%get3A_613, %get3A_614] {strides = array<i32>} : memref<80x128xf32, #tpu.memory_space<vmem>>, vector<16xf32>,
      %get3A_616 = arith.index_cast %add3A_589 : i32 to index
      %get3A_617 = arith.constant 48 : index
      %get3A_618 = tpu.vector_load %arg11[%get3A_616, %get3A_617] {strides = array<i32>} : memref<80x128xf32, #tpu.memory_space<vmem>>, vector<16xf32>,
      %mul3A_619 = arith.mulf %get3A_615, %get3A_618 : vector<16xf32>
      %add3A_620 = arith.addf %add3A_612, %mul3A_619 : vector<16xf32>
      %get3A_621 = arith.index_cast %add3A_589 : i32 to index
      %get3A_622 = arith.constant 64 : index
      %get3A_623 = tpu.vector_load %arg10[%get3A_621, %get3A_622] {strides = array<i32>} : memref<80x128xf32, #tpu.memory_space<vmem>>, vector<16xf32>,
      %get3A_624 = arith.index_cast %add3A_589 : i32 to index
      %get3A_625 = arith.constant 64 : index
      %get3A_626 = tpu.vector_load %arg11[%get3A_624, %get3A_625] {strides = array<i32>} : memref<80x128xf32, #tpu.memory_space<vmem>>, vector<16xf32>,
      %mul3A_627 = arith.mulf %get3A_623, %get3A_626 : vector<16xf32>
      %add3A_628 = arith.addf %add3A_620, %mul3A_627 : vector<16xf32>
      %get3A_629 = arith.index_cast %add3A_589 : i32 to index
      %get3A_630 = arith.constant 80 : index
      %get3A_631 = tpu.vector_load %arg10[%get3A_629, %get3A_630] {strides = array<i32>} : memref<80x128xf32, #tpu.memory_space<vmem>>, vector<16xf32>,
      %get3A_632 = arith.index_cast %add3A_589 : i32 to index
      %get3A_633 = arith.constant 80 : index
      %get3A_634 = tpu.vector_load %arg11[%get3A_632, %get3A_633] {strides = array<i32>} : memref<80x128xf32, #tpu.memory_space<vmem>>, vector<16xf32>,
      %mul3A_635 = arith.mulf %get3A_631, %get3A_634 : vector<16xf32>
      %add3A_636 = arith.addf %add3A_628, %mul3A_635 : vector<16xf32>
      %get3A_637 = arith.index_cast %add3A_589 : i32 to index
      %get3A_638 = arith.constant 96 : index
      %get3A_639 = tpu.vector_load %arg10[%get3A_637, %get3A_638] {strides = array<i32>} : memref<80x128xf32, #tpu.memory_space<vmem>>, vector<16xf32>,
      %get3A_640 = arith.index_cast %add3A_589 : i32 to index
      %get3A_641 = arith.constant 96 : index
      %get3A_642 = tpu.vector_load %arg11[%get3A_640, %get3A_641] {strides = array<i32>} : memref<80x128xf32, #tpu.memory_space<vmem>>, vector<16xf32>,
      %mul3A_643 = arith.mulf %get3A_639, %get3A_642 : vector<16xf32>
      %add3A_644 = arith.addf %add3A_636, %mul3A_643 : vector<16xf32>
      %get3A_645 = arith.index_cast %add3A_589 : i32 to index
      %get3A_646 = arith.constant 112 : index
      %get3A_647 = tpu.vector_load %arg10[%get3A_645, %get3A_646] {strides = array<i32>} : memref<80x128xf32, #tpu.memory_space<vmem>>, vector<16xf32>,
      %get3A_648 = arith.index_cast %add3A_589 : i32 to index
      %get3A_649 = arith.constant 112 : index
      %get3A_650 = tpu.vector_load %arg11[%get3A_648, %get3A_649] {strides = array<i32>} : memref<80x128xf32, #tpu.memory_space<vmem>>, vector<16xf32>,
      %mul3A_651 = arith.mulf %get3A_647, %get3A_650 : vector<16xf32>
      %add3A_652 = arith.addf %add3A_644, %mul3A_651 : vector<16xf32>
      %swap3A_653 = arith.constant 8 : i32
      %swap3A_654 = arith.index_cast %swap3A_653 : i32 to index
      %swap3A_655 = arith.constant 0 : index
      %swap3A_656 = tpu.vector_load %arg9[%swap3A_654, %swap3A_655] {strides = array<i32>} : memref<16x17xf32, #tpu.memory_space<vmem>>, vector<16xf32>,
      tpu.vector_store %arg9[%swap3A_654, %swap3A_655], %add3A_652 {strides = array<i32>} : memref<16x17xf32, #tpu.memory_space<vmem>>, vector<16xf32>,
      %add3A_657 = arith.constant 9 : i32
      %add3A_658 = arith.addi %mul3A_37, %add3A_657 : i32
      %get3A_659 = arith.index_cast %add3A_658 : i32 to index
      %get3A_660 = arith.constant 0 : index
      %get3A_661 = tpu.vector_load %arg10[%get3A_659, %get3A_660] {strides = array<i32>} : memref<80x128xf32, #tpu.memory_space<vmem>>, vector<16xf32>,
      %get3A_662 = arith.index_cast %add3A_658 : i32 to index
      %get3A_663 = arith.constant 0 : index
      %get3A_664 = tpu.vector_load %arg11[%get3A_662, %get3A_663] {strides = array<i32>} : memref<80x128xf32, #tpu.memory_space<vmem>>, vector<16xf32>,
      %mul3A_665 = arith.mulf %get3A_661, %get3A_664 : vector<16xf32>
      %get3A_666 = arith.index_cast %add3A_658 : i32 to index
      %get3A_667 = arith.constant 16 : index
      %get3A_668 = tpu.vector_load %arg10[%get3A_666, %get3A_667] {strides = array<i32>} : memref<80x128xf32, #tpu.memory_space<vmem>>, vector<16xf32>,
      %get3A_669 = arith.index_cast %add3A_658 : i32 to index
      %get3A_670 = arith.constant 16 : index
      %get3A_671 = tpu.vector_load %arg11[%get3A_669, %get3A_670] {strides = array<i32>} : memref<80x128xf32, #tpu.memory_space<vmem>>, vector<16xf32>,
      %mul3A_672 = arith.mulf %get3A_668, %get3A_671 : vector<16xf32>
      %add3A_673 = arith.addf %mul3A_665, %mul3A_672 : vector<16xf32>
      %get3A_674 = arith.index_cast %add3A_658 : i32 to index
      %get3A_675 = arith.constant 32 : index
      %get3A_676 = tpu.vector_load %arg10[%get3A_674, %get3A_675] {strides = array<i32>} : memref<80x128xf32, #tpu.memory_space<vmem>>, vector<16xf32>,
      %get3A_677 = arith.index_cast %add3A_658 : i32 to index
      %get3A_678 = arith.constant 32 : index
      %get3A_679 = tpu.vector_load %arg11[%get3A_677, %get3A_678] {strides = array<i32>} : memref<80x128xf32, #tpu.memory_space<vmem>>, vector<16xf32>,
      %mul3A_680 = arith.mulf %get3A_676, %get3A_679 : vector<16xf32>
      %add3A_681 = arith.addf %add3A_673, %mul3A_680 : vector<16xf32>
      %get3A_682 = arith.index_cast %add3A_658 : i32 to index
      %get3A_683 = arith.constant 48 : index
      %get3A_684 = tpu.vector_load %arg10[%get3A_682, %get3A_683] {strides = array<i32>} : memref<80x128xf32, #tpu.memory_space<vmem>>, vector<16xf32>,
      %get3A_685 = arith.index_cast %add3A_658 : i32 to index
      %get3A_686 = arith.constant 48 : index
      %get3A_687 = tpu.vector_load %arg11[%get3A_685, %get3A_686] {strides = array<i32>} : memref<80x128xf32, #tpu.memory_space<vmem>>, vector<16xf32>,
      %mul3A_688 = arith.mulf %get3A_684, %get3A_687 : vector<16xf32>
      %add3A_689 = arith.addf %add3A_681, %mul3A_688 : vector<16xf32>
      %get3A_690 = arith.index_cast %add3A_658 : i32 to index
      %get3A_691 = arith.constant 64 : index
      %get3A_692 = tpu.vector_load %arg10[%get3A_690, %get3A_691] {strides = array<i32>} : memref<80x128xf32, #tpu.memory_space<vmem>>, vector<16xf32>,
      %get3A_693 = arith.index_cast %add3A_658 : i32 to index
      %get3A_694 = arith.constant 64 : index
      %get3A_695 = tpu.vector_load %arg11[%get3A_693, %get3A_694] {strides = array<i32>} : memref<80x128xf32, #tpu.memory_space<vmem>>, vector<16xf32>,
      %mul3A_696 = arith.mulf %get3A_692, %get3A_695 : vector<16xf32>
      %add3A_697 = arith.addf %add3A_689, %mul3A_696 : vector<16xf32>
      %get3A_698 = arith.index_cast %add3A_658 : i32 to index
      %get3A_699 = arith.constant 80 : index
      %get3A_700 = tpu.vector_load %arg10[%get3A_698, %get3A_699] {strides = array<i32>} : memref<80x128xf32, #tpu.memory_space<vmem>>, vector<16xf32>,
      %get3A_701 = arith.index_cast %add3A_658 : i32 to index
      %get3A_702 = arith.constant 80 : index
      %get3A_703 = tpu.vector_load %arg11[%get3A_701, %get3A_702] {strides = array<i32>} : memref<80x128xf32, #tpu.memory_space<vmem>>, vector<16xf32>,
      %mul3A_704 = arith.mulf %get3A_700, %get3A_703 : vector<16xf32>
      %add3A_705 = arith.addf %add3A_697, %mul3A_704 : vector<16xf32>
      %get3A_706 = arith.index_cast %add3A_658 : i32 to index
      %get3A_707 = arith.constant 96 : index
      %get3A_708 = tpu.vector_load %arg10[%get3A_706, %get3A_707] {strides = array<i32>} : memref<80x128xf32, #tpu.memory_space<vmem>>, vector<16xf32>,
      %get3A_709 = arith.index_cast %add3A_658 : i32 to index
      %get3A_710 = arith.constant 96 : index
      %get3A_711 = tpu.vector_load %arg11[%get3A_709, %get3A_710] {strides = array<i32>} : memref<80x128xf32, #tpu.memory_space<vmem>>, vector<16xf32>,
      %mul3A_712 = arith.mulf %get3A_708, %get3A_711 : vector<16xf32>
      %add3A_713 = arith.addf %add3A_705, %mul3A_712 : vector<16xf32>
      %get3A_714 = arith.index_cast %add3A_658 : i32 to index
      %get3A_715 = arith.constant 112 : index
      %get3A_716 = tpu.vector_load %arg10[%get3A_714, %get3A_715] {strides = array<i32>} : memref<80x128xf32, #tpu.memory_space<vmem>>, vector<16xf32>,
      %get3A_717 = arith.index_cast %add3A_658 : i32 to index
      %get3A_718 = arith.constant 112 : index
      %get3A_719 = tpu.vector_load %arg11[%get3A_717, %get3A_718] {strides = array<i32>} : memref<80x128xf32, #tpu.memory_space<vmem>>, vector<16xf32>,
      %mul3A_720 = arith.mulf %get3A_716, %get3A_719 : vector<16xf32>
      %add3A_721 = arith.addf %add3A_713, %mul3A_720 : vector<16xf32>
      %swap3A_722 = arith.constant 9 : i32
      %swap3A_723 = arith.index_cast %swap3A_722 : i32 to index
      %swap3A_724 = arith.constant 0 : index
      %swap3A_725 = tpu.vector_load %arg9[%swap3A_723, %swap3A_724] {strides = array<i32>} : memref<16x17xf32, #tpu.memory_space<vmem>>, vector<16xf32>,
      tpu.vector_store %arg9[%swap3A_723, %swap3A_724], %add3A_721 {strides = array<i32>} : memref<16x17xf32, #tpu.memory_space<vmem>>, vector<16xf32>,
      %add3A_726 = arith.constant 10 : i32
      %add3A_727 = arith.addi %mul3A_37, %add3A_726 : i32
      %get3A_728 = arith.index_cast %add3A_727 : i32 to index
      %get3A_729 = arith.constant 0 : index
      %get3A_730 = tpu.vector_load %arg10[%get3A_728, %get3A_729] {strides = array<i32>} : memref<80x128xf32, #tpu.memory_space<vmem>>, vector<16xf32>,
      %get3A_731 = arith.index_cast %add3A_727 : i32 to index
      %get3A_732 = arith.constant 0 : index
      %get3A_733 = tpu.vector_load %arg11[%get3A_731, %get3A_732] {strides = array<i32>} : memref<80x128xf32, #tpu.memory_space<vmem>>, vector<16xf32>,
      %mul3A_734 = arith.mulf %get3A_730, %get3A_733 : vector<16xf32>
      %get3A_735 = arith.index_cast %add3A_727 : i32 to index
      %get3A_736 = arith.constant 16 : index
      %get3A_737 = tpu.vector_load %arg10[%get3A_735, %get3A_736] {strides = array<i32>} : memref<80x128xf32, #tpu.memory_space<vmem>>, vector<16xf32>,
      %get3A_738 = arith.index_cast %add3A_727 : i32 to index
      %get3A_739 = arith.constant 16 : index
      %get3A_740 = tpu.vector_load %arg11[%get3A_738, %get3A_739] {strides = array<i32>} : memref<80x128xf32, #tpu.memory_space<vmem>>, vector<16xf32>,
      %mul3A_741 = arith.mulf %get3A_737, %get3A_740 : vector<16xf32>
      %add3A_742 = arith.addf %mul3A_734, %mul3A_741 : vector<16xf32>
      %get3A_743 = arith.index_cast %add3A_727 : i32 to index
      %get3A_744 = arith.constant 32 : index
      %get3A_745 = tpu.vector_load %arg10[%get3A_743, %get3A_744] {strides = array<i32>} : memref<80x128xf32, #tpu.memory_space<vmem>>, vector<16xf32>,
      %get3A_746 = arith.index_cast %add3A_727 : i32 to index
      %get3A_747 = arith.constant 32 : index
      %get3A_748 = tpu.vector_load %arg11[%get3A_746, %get3A_747] {strides = array<i32>} : memref<80x128xf32, #tpu.memory_space<vmem>>, vector<16xf32>,
      %mul3A_749 = arith.mulf %get3A_745, %get3A_748 : vector<16xf32>
      %add3A_750 = arith.addf %add3A_742, %mul3A_749 : vector<16xf32>
      %get3A_751 = arith.index_cast %add3A_727 : i32 to index
      %get3A_752 = arith.constant 48 : index
      %get3A_753 = tpu.vector_load %arg10[%get3A_751, %get3A_752] {strides = array<i32>} : memref<80x128xf32, #tpu.memory_space<vmem>>, vector<16xf32>,
      %get3A_754 = arith.index_cast %add3A_727 : i32 to index
      %get3A_755 = arith.constant 48 : index
      %get3A_756 = tpu.vector_load %arg11[%get3A_754, %get3A_755] {strides = array<i32>} : memref<80x128xf32, #tpu.memory_space<vmem>>, vector<16xf32>,
      %mul3A_757 = arith.mulf %get3A_753, %get3A_756 : vector<16xf32>
      %add3A_758 = arith.addf %add3A_750, %mul3A_757 : vector<16xf32>
      %get3A_759 = arith.index_cast %add3A_727 : i32 to index
      %get3A_760 = arith.constant 64 : index
      %get3A_761 = tpu.vector_load %arg10[%get3A_759, %get3A_760] {strides = array<i32>} : memref<80x128xf32, #tpu.memory_space<vmem>>, vector<16xf32>,
      %get3A_762 = arith.index_cast %add3A_727 : i32 to index
      %get3A_763 = arith.constant 64 : index
      %get3A_764 = tpu.vector_load %arg11[%get3A_762, %get3A_763] {strides = array<i32>} : memref<80x128xf32, #tpu.memory_space<vmem>>, vector<16xf32>,
      %mul3A_765 = arith.mulf %get3A_761, %get3A_764 : vector<16xf32>
      %add3A_766 = arith.addf %add3A_758, %mul3A_765 : vector<16xf32>
      %get3A_767 = arith.index_cast %add3A_727 : i32 to index
      %get3A_768 = arith.constant 80 : index
      %get3A_769 = tpu.vector_load %arg10[%get3A_767, %get3A_768] {strides = array<i32>} : memref<80x128xf32, #tpu.memory_space<vmem>>, vector<16xf32>,
      %get3A_770 = arith.index_cast %add3A_727 : i32 to index
      %get3A_771 = arith.constant 80 : index
      %get3A_772 = tpu.vector_load %arg11[%get3A_770, %get3A_771] {strides = array<i32>} : memref<80x128xf32, #tpu.memory_space<vmem>>, vector<16xf32>,
      %mul3A_773 = arith.mulf %get3A_769, %get3A_772 : vector<16xf32>
      %add3A_774 = arith.addf %add3A_766, %mul3A_773 : vector<16xf32>
      %get3A_775 = arith.index_cast %add3A_727 : i32 to index
      %get3A_776 = arith.constant 96 : index
      %get3A_777 = tpu.vector_load %arg10[%get3A_775, %get3A_776] {strides = array<i32>} : memref<80x128xf32, #tpu.memory_space<vmem>>, vector<16xf32>,
      %get3A_778 = arith.index_cast %add3A_727 : i32 to index
      %get3A_779 = arith.constant 96 : index
      %get3A_780 = tpu.vector_load %arg11[%get3A_778, %get3A_779] {strides = array<i32>} : memref<80x128xf32, #tpu.memory_space<vmem>>, vector<16xf32>,
      %mul3A_781 = arith.mulf %get3A_777, %get3A_780 : vector<16xf32>
      %add3A_782 = arith.addf %add3A_774, %mul3A_781 : vector<16xf32>
      %get3A_783 = arith.index_cast %add3A_727 : i32 to index
      %get3A_784 = arith.constant 112 : index
      %get3A_785 = tpu.vector_load %arg10[%get3A_783, %get3A_784] {strides = array<i32>} : memref<80x128xf32, #tpu.memory_space<vmem>>, vector<16xf32>,
      %get3A_786 = arith.index_cast %add3A_727 : i32 to index
      %get3A_787 = arith.constant 112 : index
      %get3A_788 = tpu.vector_load %arg11[%get3A_786, %get3A_787] {strides = array<i32>} : memref<80x128xf32, #tpu.memory_space<vmem>>, vector<16xf32>,
      %mul3A_789 = arith.mulf %get3A_785, %get3A_788 : vector<16xf32>
      %add3A_790 = arith.addf %add3A_782, %mul3A_789 : vector<16xf32>
      %swap3A_791 = arith.constant 10 : i32
      %swap3A_792 = arith.index_cast %swap3A_791 : i32 to index
      %swap3A_793 = arith.constant 0 : index
      %swap3A_794 = tpu.vector_load %arg9[%swap3A_792, %swap3A_793] {strides = array<i32>} : memref<16x17xf32, #tpu.memory_space<vmem>>, vector<16xf32>,
      tpu.vector_store %arg9[%swap3A_792, %swap3A_793], %add3A_790 {strides = array<i32>} : memref<16x17xf32, #tpu.memory_space<vmem>>, vector<16xf32>,
      %add3A_795 = arith.constant 11 : i32
      %add3A_796 = arith.addi %mul3A_37, %add3A_795 : i32
      %get3A_797 = arith.index_cast %add3A_796 : i32 to index
      %get3A_798 = arith.constant 0 : index
      %get3A_799 = tpu.vector_load %arg10[%get3A_797, %get3A_798] {strides = array<i32>} : memref<80x128xf32, #tpu.memory_space<vmem>>, vector<16xf32>,
      %get3A_800 = arith.index_cast %add3A_796 : i32 to index
      %get3A_801 = arith.constant 0 : index
      %get3A_802 = tpu.vector_load %arg11[%get3A_800, %get3A_801] {strides = array<i32>} : memref<80x128xf32, #tpu.memory_space<vmem>>, vector<16xf32>,
      %mul3A_803 = arith.mulf %get3A_799, %get3A_802 : vector<16xf32>
      %get3A_804 = arith.index_cast %add3A_796 : i32 to index
      %get3A_805 = arith.constant 16 : index
      %get3A_806 = tpu.vector_load %arg10[%get3A_804, %get3A_805] {strides = array<i32>} : memref<80x128xf32, #tpu.memory_space<vmem>>, vector<16xf32>,
      %get3A_807 = arith.index_cast %add3A_796 : i32 to index
      %get3A_808 = arith.constant 16 : index
      %get3A_809 = tpu.vector_load %arg11[%get3A_807, %get3A_808] {strides = array<i32>} : memref<80x128xf32, #tpu.memory_space<vmem>>, vector<16xf32>,
      %mul3A_810 = arith.mulf %get3A_806, %get3A_809 : vector<16xf32>
      %add3A_811 = arith.addf %mul3A_803, %mul3A_810 : vector<16xf32>
      %get3A_812 = arith.index_cast %add3A_796 : i32 to index
      %get3A_813 = arith.constant 32 : index
      %get3A_814 = tpu.vector_load %arg10[%get3A_812, %get3A_813] {strides = array<i32>} : memref<80x128xf32, #tpu.memory_space<vmem>>, vector<16xf32>,
      %get3A_815 = arith.index_cast %add3A_796 : i32 to index
      %get3A_816 = arith.constant 32 : index
      %get3A_817 = tpu.vector_load %arg11[%get3A_815, %get3A_816] {strides = array<i32>} : memref<80x128xf32, #tpu.memory_space<vmem>>, vector<16xf32>,
      %mul3A_818 = arith.mulf %get3A_814, %get3A_817 : vector<16xf32>
      %add3A_819 = arith.addf %add3A_811, %mul3A_818 : vector<16xf32>
      %get3A_820 = arith.index_cast %add3A_796 : i32 to index
      %get3A_821 = arith.constant 48 : index
      %get3A_822 = tpu.vector_load %arg10[%get3A_820, %get3A_821] {strides = array<i32>} : memref<80x128xf32, #tpu.memory_space<vmem>>, vector<16xf32>,
      %get3A_823 = arith.index_cast %add3A_796 : i32 to index
      %get3A_824 = arith.constant 48 : index
      %get3A_825 = tpu.vector_load %arg11[%get3A_823, %get3A_824] {strides = array<i32>} : memref<80x128xf32, #tpu.memory_space<vmem>>, vector<16xf32>,
      %mul3A_826 = arith.mulf %get3A_822, %get3A_825 : vector<16xf32>
      %add3A_827 = arith.addf %add3A_819, %mul3A_826 : vector<16xf32>
      %get3A_828 = arith.index_cast %add3A_796 : i32 to index
      %get3A_829 = arith.constant 64 : index
      %get3A_830 = tpu.vector_load %arg10[%get3A_828, %get3A_829] {strides = array<i32>} : memref<80x128xf32, #tpu.memory_space<vmem>>, vector<16xf32>,
      %get3A_831 = arith.index_cast %add3A_796 : i32 to index
      %get3A_832 = arith.constant 64 : index
      %get3A_833 = tpu.vector_load %arg11[%get3A_831, %get3A_832] {strides = array<i32>} : memref<80x128xf32, #tpu.memory_space<vmem>>, vector<16xf32>,
      %mul3A_834 = arith.mulf %get3A_830, %get3A_833 : vector<16xf32>
      %add3A_835 = arith.addf %add3A_827, %mul3A_834 : vector<16xf32>
      %get3A_836 = arith.index_cast %add3A_796 : i32 to index
      %get3A_837 = arith.constant 80 : index
      %get3A_838 = tpu.vector_load %arg10[%get3A_836, %get3A_837] {strides = array<i32>} : memref<80x128xf32, #tpu.memory_space<vmem>>, vector<16xf32>,
      %get3A_839 = arith.index_cast %add3A_796 : i32 to index
      %get3A_840 = arith.constant 80 : index
      %get3A_841 = tpu.vector_load %arg11[%get3A_839, %get3A_840] {strides = array<i32>} : memref<80x128xf32, #tpu.memory_space<vmem>>, vector<16xf32>,
      %mul3A_842 = arith.mulf %get3A_838, %get3A_841 : vector<16xf32>
      %add3A_843 = arith.addf %add3A_835, %mul3A_842 : vector<16xf32>
      %get3A_844 = arith.index_cast %add3A_796 : i32 to index
      %get3A_845 = arith.constant 96 : index
      %get3A_846 = tpu.vector_load %arg10[%get3A_844, %get3A_845] {strides = array<i32>} : memref<80x128xf32, #tpu.memory_space<vmem>>, vector<16xf32>,
      %get3A_847 = arith.index_cast %add3A_796 : i32 to index
      %get3A_848 = arith.constant 96 : index
      %get3A_849 = tpu.vector_load %arg11[%get3A_847, %get3A_848] {strides = array<i32>} : memref<80x128xf32, #tpu.memory_space<vmem>>, vector<16xf32>,
      %mul3A_850 = arith.mulf %get3A_846, %get3A_849 : vector<16xf32>
      %add3A_851 = arith.addf %add3A_843, %mul3A_850 : vector<16xf32>
      %get3A_852 = arith.index_cast %add3A_796 : i32 to index
      %get3A_853 = arith.constant 112 : index
      %get3A_854 = tpu.vector_load %arg10[%get3A_852, %get3A_853] {strides = array<i32>} : memref<80x128xf32, #tpu.memory_space<vmem>>, vector<16xf32>,
      %get3A_855 = arith.index_cast %add3A_796 : i32 to index
      %get3A_856 = arith.constant 112 : index
      %get3A_857 = tpu.vector_load %arg11[%get3A_855, %get3A_856] {strides = array<i32>} : memref<80x128xf32, #tpu.memory_space<vmem>>, vector<16xf32>,
      %mul3A_858 = arith.mulf %get3A_854, %get3A_857 : vector<16xf32>
      %add3A_859 = arith.addf %add3A_851, %mul3A_858 : vector<16xf32>
      %swap3A_860 = arith.constant 11 : i32
      %swap3A_861 = arith.index_cast %swap3A_860 : i32 to index
      %swap3A_862 = arith.constant 0 : index
      %swap3A_863 = tpu.vector_load %arg9[%swap3A_861, %swap3A_862] {strides = array<i32>} : memref<16x17xf32, #tpu.memory_space<vmem>>, vector<16xf32>,
      tpu.vector_store %arg9[%swap3A_861, %swap3A_862], %add3A_859 {strides = array<i32>} : memref<16x17xf32, #tpu.memory_space<vmem>>, vector<16xf32>,
      %add3A_864 = arith.constant 12 : i32
      %add3A_865 = arith.addi %mul3A_37, %add3A_864 : i32
      %get3A_866 = arith.index_cast %add3A_865 : i32 to index
      %get3A_867 = arith.constant 0 : index
      %get3A_868 = tpu.vector_load %arg10[%get3A_866, %get3A_867] {strides = array<i32>} : memref<80x128xf32, #tpu.memory_space<vmem>>, vector<16xf32>,
      %get3A_869 = arith.index_cast %add3A_865 : i32 to index
      %get3A_870 = arith.constant 0 : index
      %get3A_871 = tpu.vector_load %arg11[%get3A_869, %get3A_870] {strides = array<i32>} : memref<80x128xf32, #tpu.memory_space<vmem>>, vector<16xf32>,
      %mul3A_872 = arith.mulf %get3A_868, %get3A_871 : vector<16xf32>
      %get3A_873 = arith.index_cast %add3A_865 : i32 to index
      %get3A_874 = arith.constant 16 : index
      %get3A_875 = tpu.vector_load %arg10[%get3A_873, %get3A_874] {strides = array<i32>} : memref<80x128xf32, #tpu.memory_space<vmem>>, vector<16xf32>,
      %get3A_876 = arith.index_cast %add3A_865 : i32 to index
      %get3A_877 = arith.constant 16 : index
      %get3A_878 = tpu.vector_load %arg11[%get3A_876, %get3A_877] {strides = array<i32>} : memref<80x128xf32, #tpu.memory_space<vmem>>, vector<16xf32>,
      %mul3A_879 = arith.mulf %get3A_875, %get3A_878 : vector<16xf32>
      %add3A_880 = arith.addf %mul3A_872, %mul3A_879 : vector<16xf32>
      %get3A_881 = arith.index_cast %add3A_865 : i32 to index
      %get3A_882 = arith.constant 32 : index
      %get3A_883 = tpu.vector_load %arg10[%get3A_881, %get3A_882] {strides = array<i32>} : memref<80x128xf32, #tpu.memory_space<vmem>>, vector<16xf32>,
      %get3A_884 = arith.index_cast %add3A_865 : i32 to index
      %get3A_885 = arith.constant 32 : index
      %get3A_886 = tpu.vector_load %arg11[%get3A_884, %get3A_885] {strides = array<i32>} : memref<80x128xf32, #tpu.memory_space<vmem>>, vector<16xf32>,
      %mul3A_887 = arith.mulf %get3A_883, %get3A_886 : vector<16xf32>
      %add3A_888 = arith.addf %add3A_880, %mul3A_887 : vector<16xf32>
      %get3A_889 = arith.index_cast %add3A_865 : i32 to index
      %get3A_890 = arith.constant 48 : index
      %get3A_891 = tpu.vector_load %arg10[%get3A_889, %get3A_890] {strides = array<i32>} : memref<80x128xf32, #tpu.memory_space<vmem>>, vector<16xf32>,
      %get3A_892 = arith.index_cast %add3A_865 : i32 to index
      %get3A_893 = arith.constant 48 : index
      %get3A_894 = tpu.vector_load %arg11[%get3A_892, %get3A_893] {strides = array<i32>} : memref<80x128xf32, #tpu.memory_space<vmem>>, vector<16xf32>,
      %mul3A_895 = arith.mulf %get3A_891, %get3A_894 : vector<16xf32>
      %add3A_896 = arith.addf %add3A_888, %mul3A_895 : vector<16xf32>
      %get3A_897 = arith.index_cast %add3A_865 : i32 to index
      %get3A_898 = arith.constant 64 : index
      %get3A_899 = tpu.vector_load %arg10[%get3A_897, %get3A_898] {strides = array<i32>} : memref<80x128xf32, #tpu.memory_space<vmem>>, vector<16xf32>,
      %get3A_900 = arith.index_cast %add3A_865 : i32 to index
      %get3A_901 = arith.constant 64 : index
      %get3A_902 = tpu.vector_load %arg11[%get3A_900, %get3A_901] {strides = array<i32>} : memref<80x128xf32, #tpu.memory_space<vmem>>, vector<16xf32>,
      %mul3A_903 = arith.mulf %get3A_899, %get3A_902 : vector<16xf32>
      %add3A_904 = arith.addf %add3A_896, %mul3A_903 : vector<16xf32>
      %get3A_905 = arith.index_cast %add3A_865 : i32 to index
      %get3A_906 = arith.constant 80 : index
      %get3A_907 = tpu.vector_load %arg10[%get3A_905, %get3A_906] {strides = array<i32>} : memref<80x128xf32, #tpu.memory_space<vmem>>, vector<16xf32>,
      %get3A_908 = arith.index_cast %add3A_865 : i32 to index
      %get3A_909 = arith.constant 80 : index
      %get3A_910 = tpu.vector_load %arg11[%get3A_908, %get3A_909] {strides = array<i32>} : memref<80x128xf32, #tpu.memory_space<vmem>>, vector<16xf32>,
      %mul3A_911 = arith.mulf %get3A_907, %get3A_910 : vector<16xf32>
      %add3A_912 = arith.addf %add3A_904, %mul3A_911 : vector<16xf32>
      %get3A_913 = arith.index_cast %add3A_865 : i32 to index
      %get3A_914 = arith.constant 96 : index
      %get3A_915 = tpu.vector_load %arg10[%get3A_913, %get3A_914] {strides = array<i32>} : memref<80x128xf32, #tpu.memory_space<vmem>>, vector<16xf32>,
      %get3A_916 = arith.index_cast %add3A_865 : i32 to index
      %get3A_917 = arith.constant 96 : index
      %get3A_918 = tpu.vector_load %arg11[%get3A_916, %get3A_917] {strides = array<i32>} : memref<80x128xf32, #tpu.memory_space<vmem>>, vector<16xf32>,
      %mul3A_919 = arith.mulf %get3A_915, %get3A_918 : vector<16xf32>
      %add3A_920 = arith.addf %add3A_912, %mul3A_919 : vector<16xf32>
      %get3A_921 = arith.index_cast %add3A_865 : i32 to index
      %get3A_922 = arith.constant 112 : index
      %get3A_923 = tpu.vector_load %arg10[%get3A_921, %get3A_922] {strides = array<i32>} : memref<80x128xf32, #tpu.memory_space<vmem>>, vector<16xf32>,
      %get3A_924 = arith.index_cast %add3A_865 : i32 to index
      %get3A_925 = arith.constant 112 : index
      %get3A_926 = tpu.vector_load %arg11[%get3A_924, %get3A_925] {strides = array<i32>} : memref<80x128xf32, #tpu.memory_space<vmem>>, vector<16xf32>,
      %mul3A_927 = arith.mulf %get3A_923, %get3A_926 : vector<16xf32>
      %add3A_928 = arith.addf %add3A_920, %mul3A_927 : vector<16xf32>
      %swap3A_929 = arith.constant 12 : i32
      %swap3A_930 = arith.index_cast %swap3A_929 : i32 to index
      %swap3A_931 = arith.constant 0 : index
      %swap3A_932 = tpu.vector_load %arg9[%swap3A_930, %swap3A_931] {strides = array<i32>} : memref<16x17xf32, #tpu.memory_space<vmem>>, vector<16xf32>,
      tpu.vector_store %arg9[%swap3A_930, %swap3A_931], %add3A_928 {strides = array<i32>} : memref<16x17xf32, #tpu.memory_space<vmem>>, vector<16xf32>,
      %add3A_933 = arith.constant 13 : i32
      %add3A_934 = arith.addi %mul3A_37, %add3A_933 : i32
      %get3A_935 = arith.index_cast %add3A_934 : i32 to index
      %get3A_936 = arith.constant 0 : index
      %get3A_937 = tpu.vector_load %arg10[%get3A_935, %get3A_936] {strides = array<i32>} : memref<80x128xf32, #tpu.memory_space<vmem>>, vector<16xf32>,
      %get3A_938 = arith.index_cast %add3A_934 : i32 to index
      %get3A_939 = arith.constant 0 : index
      %get3A_940 = tpu.vector_load %arg11[%get3A_938, %get3A_939] {strides = array<i32>} : memref<80x128xf32, #tpu.memory_space<vmem>>, vector<16xf32>,
      %mul3A_941 = arith.mulf %get3A_937, %get3A_940 : vector<16xf32>
      %get3A_942 = arith.index_cast %add3A_934 : i32 to index
      %get3A_943 = arith.constant 16 : index
      %get3A_944 = tpu.vector_load %arg10[%get3A_942, %get3A_943] {strides = array<i32>} : memref<80x128xf32, #tpu.memory_space<vmem>>, vector<16xf32>,
      %get3A_945 = arith.index_cast %add3A_934 : i32 to index
      %get3A_946 = arith.constant 16 : index
      %get3A_947 = tpu.vector_load %arg11[%get3A_945, %get3A_946] {strides = array<i32>} : memref<80x128xf32, #tpu.memory_space<vmem>>, vector<16xf32>,
      %mul3A_948 = arith.mulf %get3A_944, %get3A_947 : vector<16xf32>
      %add3A_949 = arith.addf %mul3A_941, %mul3A_948 : vector<16xf32>
      %get3A_950 = arith.index_cast %add3A_934 : i32 to index
      %get3A_951 = arith.constant 32 : index
      %get3A_952 = tpu.vector_load %arg10[%get3A_950, %get3A_951] {strides = array<i32>} : memref<80x128xf32, #tpu.memory_space<vmem>>, vector<16xf32>,
      %get3A_953 = arith.index_cast %add3A_934 : i32 to index
      %get3A_954 = arith.constant 32 : index
      %get3A_955 = tpu.vector_load %arg11[%get3A_953, %get3A_954] {strides = array<i32>} : memref<80x128xf32, #tpu.memory_space<vmem>>, vector<16xf32>,
      %mul3A_956 = arith.mulf %get3A_952, %get3A_955 : vector<16xf32>
      %add3A_957 = arith.addf %add3A_949, %mul3A_956 : vector<16xf32>
      %get3A_958 = arith.index_cast %add3A_934 : i32 to index
      %get3A_959 = arith.constant 48 : index
      %get3A_960 = tpu.vector_load %arg10[%get3A_958, %get3A_959] {strides = array<i32>} : memref<80x128xf32, #tpu.memory_space<vmem>>, vector<16xf32>,
      %get3A_961 = arith.index_cast %add3A_934 : i32 to index
      %get3A_962 = arith.constant 48 : index
      %get3A_963 = tpu.vector_load %arg11[%get3A_961, %get3A_962] {strides = array<i32>} : memref<80x128xf32, #tpu.memory_space<vmem>>, vector<16xf32>,
      %mul3A_964 = arith.mulf %get3A_960, %get3A_963 : vector<16xf32>
      %add3A_965 = arith.addf %add3A_957, %mul3A_964 : vector<16xf32>
      %get3A_966 = arith.index_cast %add3A_934 : i32 to index
      %get3A_967 = arith.constant 64 : index
      %get3A_968 = tpu.vector_load %arg10[%get3A_966, %get3A_967] {strides = array<i32>} : memref<80x128xf32, #tpu.memory_space<vmem>>, vector<16xf32>,
      %get3A_969 = arith.index_cast %add3A_934 : i32 to index
      %get3A_970 = arith.constant 64 : index
      %get3A_971 = tpu.vector_load %arg11[%get3A_969, %get3A_970] {strides = array<i32>} : memref<80x128xf32, #tpu.memory_space<vmem>>, vector<16xf32>,
      %mul3A_972 = arith.mulf %get3A_968, %get3A_971 : vector<16xf32>
      %add3A_973 = arith.addf %add3A_965, %mul3A_972 : vector<16xf32>
      %get3A_974 = arith.index_cast %add3A_934 : i32 to index
      %get3A_975 = arith.constant 80 : index
      %get3A_976 = tpu.vector_load %arg10[%get3A_974, %get3A_975] {strides = array<i32>} : memref<80x128xf32, #tpu.memory_space<vmem>>, vector<16xf32>,
      %get3A_977 = arith.index_cast %add3A_934 : i32 to index
      %get3A_978 = arith.constant 80 : index
      %get3A_979 = tpu.vector_load %arg11[%get3A_977, %get3A_978] {strides = array<i32>} : memref<80x128xf32, #tpu.memory_space<vmem>>, vector<16xf32>,
      %mul3A_980 = arith.mulf %get3A_976, %get3A_979 : vector<16xf32>
      %add3A_981 = arith.addf %add3A_973, %mul3A_980 : vector<16xf32>
      %get3A_982 = arith.index_cast %add3A_934 : i32 to index
      %get3A_983 = arith.constant 96 : index
      %get3A_984 = tpu.vector_load %arg10[%get3A_982, %get3A_983] {strides = array<i32>} : memref<80x128xf32, #tpu.memory_space<vmem>>, vector<16xf32>,
      %get3A_985 = arith.index_cast %add3A_934 : i32 to index
      %get3A_986 = arith.constant 96 : index
      %get3A_987 = tpu.vector_load %arg11[%get3A_985, %get3A_986] {strides = array<i32>} : memref<80x128xf32, #tpu.memory_space<vmem>>, vector<16xf32>,
      %mul3A_988 = arith.mulf %get3A_984, %get3A_987 : vector<16xf32>
      %add3A_989 = arith.addf %add3A_981, %mul3A_988 : vector<16xf32>
      %get3A_990 = arith.index_cast %add3A_934 : i32 to index
      %get3A_991 = arith.constant 112 : index
      %get3A_992 = tpu.vector_load %arg10[%get3A_990, %get3A_991] {strides = array<i32>} : memref<80x128xf32, #tpu.memory_space<vmem>>, vector<16xf32>,
      %get3A_993 = arith.index_cast %add3A_934 : i32 to index
      %get3A_994 = arith.constant 112 : index
      %get3A_995 = tpu.vector_load %arg11[%get3A_993, %get3A_994] {strides = array<i32>} : memref<80x128xf32, #tpu.memory_space<vmem>>, vector<16xf32>,
      %mul3A_996 = arith.mulf %get3A_992, %get3A_995 : vector<16xf32>
      %add3A_997 = arith.addf %add3A_989, %mul3A_996 : vector<16xf32>
      %swap3A_998 = arith.constant 13 : i32
      %swap3A_999 = arith.index_cast %swap3A_998 : i32 to index
      %swap3A_1000 = arith.constant 0 : index
      %swap3A_1001 = tpu.vector_load %arg9[%swap3A_999, %swap3A_1000] {strides = array<i32>} : memref<16x17xf32, #tpu.memory_space<vmem>>, vector<16xf32>,
      tpu.vector_store %arg9[%swap3A_999, %swap3A_1000], %add3A_997 {strides = array<i32>} : memref<16x17xf32, #tpu.memory_space<vmem>>, vector<16xf32>,
      %add3A_1002 = arith.constant 14 : i32
      %add3A_1003 = arith.addi %mul3A_37, %add3A_1002 : i32
      %get3A_1004 = arith.index_cast %add3A_1003 : i32 to index
      %get3A_1005 = arith.constant 0 : index
      %get3A_1006 = tpu.vector_load %arg10[%get3A_1004, %get3A_1005] {strides = array<i32>} : memref<80x128xf32, #tpu.memory_space<vmem>>, vector<16xf32>,
      %get3A_1007 = arith.index_cast %add3A_1003 : i32 to index
      %get3A_1008 = arith.constant 0 : index
      %get3A_1009 = tpu.vector_load %arg11[%get3A_1007, %get3A_1008] {strides = array<i32>} : memref<80x128xf32, #tpu.memory_space<vmem>>, vector<16xf32>,
      %mul3A_1010 = arith.mulf %get3A_1006, %get3A_1009 : vector<16xf32>
      %get3A_1011 = arith.index_cast %add3A_1003 : i32 to index
      %get3A_1012 = arith.constant 16 : index
      %get3A_1013 = tpu.vector_load %arg10[%get3A_1011, %get3A_1012] {strides = array<i32>} : memref<80x128xf32, #tpu.memory_space<vmem>>, vector<16xf32>,
      %get3A_1014 = arith.index_cast %add3A_1003 : i32 to index
      %get3A_1015 = arith.constant 16 : index
      %get3A_1016 = tpu.vector_load %arg11[%get3A_1014, %get3A_1015] {strides = array<i32>} : memref<80x128xf32, #tpu.memory_space<vmem>>, vector<16xf32>,
      %mul3A_1017 = arith.mulf %get3A_1013, %get3A_1016 : vector<16xf32>
      %add3A_1018 = arith.addf %mul3A_1010, %mul3A_1017 : vector<16xf32>
      %get3A_1019 = arith.index_cast %add3A_1003 : i32 to index
      %get3A_1020 = arith.constant 32 : index
      %get3A_1021 = tpu.vector_load %arg10[%get3A_1019, %get3A_1020] {strides = array<i32>} : memref<80x128xf32, #tpu.memory_space<vmem>>, vector<16xf32>,
      %get3A_1022 = arith.index_cast %add3A_1003 : i32 to index
      %get3A_1023 = arith.constant 32 : index
      %get3A_1024 = tpu.vector_load %arg11[%get3A_1022, %get3A_1023] {strides = array<i32>} : memref<80x128xf32, #tpu.memory_space<vmem>>, vector<16xf32>,
      %mul3A_1025 = arith.mulf %get3A_1021, %get3A_1024 : vector<16xf32>
      %add3A_1026 = arith.addf %add3A_1018, %mul3A_1025 : vector<16xf32>
      %get3A_1027 = arith.index_cast %add3A_1003 : i32 to index
      %get3A_1028 = arith.constant 48 : index
      %get3A_1029 = tpu.vector_load %arg10[%get3A_1027, %get3A_1028] {strides = array<i32>} : memref<80x128xf32, #tpu.memory_space<vmem>>, vector<16xf32>,
      %get3A_1030 = arith.index_cast %add3A_1003 : i32 to index
      %get3A_1031 = arith.constant 48 : index
      %get3A_1032 = tpu.vector_load %arg11[%get3A_1030, %get3A_1031] {strides = array<i32>} : memref<80x128xf32, #tpu.memory_space<vmem>>, vector<16xf32>,
      %mul3A_1033 = arith.mulf %get3A_1029, %get3A_1032 : vector<16xf32>
      %add3A_1034 = arith.addf %add3A_1026, %mul3A_1033 : vector<16xf32>
      %get3A_1035 = arith.index_cast %add3A_1003 : i32 to index
      %get3A_1036 = arith.constant 64 : index
      %get3A_1037 = tpu.vector_load %arg10[%get3A_1035, %get3A_1036] {strides = array<i32>} : memref<80x128xf32, #tpu.memory_space<vmem>>, vector<16xf32>,
      %get3A_1038 = arith.index_cast %add3A_1003 : i32 to index
      %get3A_1039 = arith.constant 64 : index
      %get3A_1040 = tpu.vector_load %arg11[%get3A_1038, %get3A_1039] {strides = array<i32>} : memref<80x128xf32, #tpu.memory_space<vmem>>, vector<16xf32>,
      %mul3A_1041 = arith.mulf %get3A_1037, %get3A_1040 : vector<16xf32>
      %add3A_1042 = arith.addf %add3A_1034, %mul3A_1041 : vector<16xf32>
      %get3A_1043 = arith.index_cast %add3A_1003 : i32 to index
      %get3A_1044 = arith.constant 80 : index
      %get3A_1045 = tpu.vector_load %arg10[%get3A_1043, %get3A_1044] {strides = array<i32>} : memref<80x128xf32, #tpu.memory_space<vmem>>, vector<16xf32>,
      %get3A_1046 = arith.index_cast %add3A_1003 : i32 to index
      %get3A_1047 = arith.constant 80 : index
      %get3A_1048 = tpu.vector_load %arg11[%get3A_1046, %get3A_1047] {strides = array<i32>} : memref<80x128xf32, #tpu.memory_space<vmem>>, vector<16xf32>,
      %mul3A_1049 = arith.mulf %get3A_1045, %get3A_1048 : vector<16xf32>
      %add3A_1050 = arith.addf %add3A_1042, %mul3A_1049 : vector<16xf32>
      %get3A_1051 = arith.index_cast %add3A_1003 : i32 to index
      %get3A_1052 = arith.constant 96 : index
      %get3A_1053 = tpu.vector_load %arg10[%get3A_1051, %get3A_1052] {strides = array<i32>} : memref<80x128xf32, #tpu.memory_space<vmem>>, vector<16xf32>,
      %get3A_1054 = arith.index_cast %add3A_1003 : i32 to index
      %get3A_1055 = arith.constant 96 : index
      %get3A_1056 = tpu.vector_load %arg11[%get3A_1054, %get3A_1055] {strides = array<i32>} : memref<80x128xf32, #tpu.memory_space<vmem>>, vector<16xf32>,
      %mul3A_1057 = arith.mulf %get3A_1053, %get3A_1056 : vector<16xf32>
      %add3A_1058 = arith.addf %add3A_1050, %mul3A_1057 : vector<16xf32>
      %get3A_1059 = arith.index_cast %add3A_1003 : i32 to index
      %get3A_1060 = arith.constant 112 : index
      %get3A_1061 = tpu.vector_load %arg10[%get3A_1059, %get3A_1060] {strides = array<i32>} : memref<80x128xf32, #tpu.memory_space<vmem>>, vector<16xf32>,
      %get3A_1062 = arith.index_cast %add3A_1003 : i32 to index
      %get3A_1063 = arith.constant 112 : index
      %get3A_1064 = tpu.vector_load %arg11[%get3A_1062, %get3A_1063] {strides = array<i32>} : memref<80x128xf32, #tpu.memory_space<vmem>>, vector<16xf32>,
      %mul3A_1065 = arith.mulf %get3A_1061, %get3A_1064 : vector<16xf32>
      %add3A_1066 = arith.addf %add3A_1058, %mul3A_1065 : vector<16xf32>
      %swap3A_1067 = arith.constant 14 : i32
      %swap3A_1068 = arith.index_cast %swap3A_1067 : i32 to index
      %swap3A_1069 = arith.constant 0 : index
      %swap3A_1070 = tpu.vector_load %arg9[%swap3A_1068, %swap3A_1069] {strides = array<i32>} : memref<16x17xf32, #tpu.memory_space<vmem>>, vector<16xf32>,
      tpu.vector_store %arg9[%swap3A_1068, %swap3A_1069], %add3A_1066 {strides = array<i32>} : memref<16x17xf32, #tpu.memory_space<vmem>>, vector<16xf32>,
      %add3A_1071 = arith.constant 15 : i32
      %add3A_1072 = arith.addi %mul3A_37, %add3A_1071 : i32
      %get3A_1073 = arith.index_cast %add3A_1072 : i32 to index
      %get3A_1074 = arith.constant 0 : index
      %get3A_1075 = tpu.vector_load %arg10[%get3A_1073, %get3A_1074] {strides = array<i32>} : memref<80x128xf32, #tpu.memory_space<vmem>>, vector<16xf32>,
      %get3A_1076 = arith.index_cast %add3A_1072 : i32 to index
      %get3A_1077 = arith.constant 0 : index
      %get3A_1078 = tpu.vector_load %arg11[%get3A_1076, %get3A_1077] {strides = array<i32>} : memref<80x128xf32, #tpu.memory_space<vmem>>, vector<16xf32>,
      %mul3A_1079 = arith.mulf %get3A_1075, %get3A_1078 : vector<16xf32>
      %get3A_1080 = arith.index_cast %add3A_1072 : i32 to index
      %get3A_1081 = arith.constant 16 : index
      %get3A_1082 = tpu.vector_load %arg10[%get3A_1080, %get3A_1081] {strides = array<i32>} : memref<80x128xf32, #tpu.memory_space<vmem>>, vector<16xf32>,
      %get3A_1083 = arith.index_cast %add3A_1072 : i32 to index
      %get3A_1084 = arith.constant 16 : index
      %get3A_1085 = tpu.vector_load %arg11[%get3A_1083, %get3A_1084] {strides = array<i32>} : memref<80x128xf32, #tpu.memory_space<vmem>>, vector<16xf32>,
      %mul3A_1086 = arith.mulf %get3A_1082, %get3A_1085 : vector<16xf32>
      %add3A_1087 = arith.addf %mul3A_1079, %mul3A_1086 : vector<16xf32>
      %get3A_1088 = arith.index_cast %add3A_1072 : i32 to index
      %get3A_1089 = arith.constant 32 : index
      %get3A_1090 = tpu.vector_load %arg10[%get3A_1088, %get3A_1089] {strides = array<i32>} : memref<80x128xf32, #tpu.memory_space<vmem>>, vector<16xf32>,
      %get3A_1091 = arith.index_cast %add3A_1072 : i32 to index
      %get3A_1092 = arith.constant 32 : index
      %get3A_1093 = tpu.vector_load %arg11[%get3A_1091, %get3A_1092] {strides = array<i32>} : memref<80x128xf32, #tpu.memory_space<vmem>>, vector<16xf32>,
      %mul3A_1094 = arith.mulf %get3A_1090, %get3A_1093 : vector<16xf32>
      %add3A_1095 = arith.addf %add3A_1087, %mul3A_1094 : vector<16xf32>
      %get3A_1096 = arith.index_cast %add3A_1072 : i32 to index
      %get3A_1097 = arith.constant 48 : index
      %get3A_1098 = tpu.vector_load %arg10[%get3A_1096, %get3A_1097] {strides = array<i32>} : memref<80x128xf32, #tpu.memory_space<vmem>>, vector<16xf32>,
      %get3A_1099 = arith.index_cast %add3A_1072 : i32 to index
      %get3A_1100 = arith.constant 48 : index
      %get3A_1101 = tpu.vector_load %arg11[%get3A_1099, %get3A_1100] {strides = array<i32>} : memref<80x128xf32, #tpu.memory_space<vmem>>, vector<16xf32>,
      %mul3A_1102 = arith.mulf %get3A_1098, %get3A_1101 : vector<16xf32>
      %add3A_1103 = arith.addf %add3A_1095, %mul3A_1102 : vector<16xf32>
      %get3A_1104 = arith.index_cast %add3A_1072 : i32 to index
      %get3A_1105 = arith.constant 64 : index
      %get3A_1106 = tpu.vector_load %arg10[%get3A_1104, %get3A_1105] {strides = array<i32>} : memref<80x128xf32, #tpu.memory_space<vmem>>, vector<16xf32>,
      %get3A_1107 = arith.index_cast %add3A_1072 : i32 to index
      %get3A_1108 = arith.constant 64 : index
      %get3A_1109 = tpu.vector_load %arg11[%get3A_1107, %get3A_1108] {strides = array<i32>} : memref<80x128xf32, #tpu.memory_space<vmem>>, vector<16xf32>,
      %mul3A_1110 = arith.mulf %get3A_1106, %get3A_1109 : vector<16xf32>
      %add3A_1111 = arith.addf %add3A_1103, %mul3A_1110 : vector<16xf32>
      %get3A_1112 = arith.index_cast %add3A_1072 : i32 to index
      %get3A_1113 = arith.constant 80 : index
      %get3A_1114 = tpu.vector_load %arg10[%get3A_1112, %get3A_1113] {strides = array<i32>} : memref<80x128xf32, #tpu.memory_space<vmem>>, vector<16xf32>,
      %get3A_1115 = arith.index_cast %add3A_1072 : i32 to index
      %get3A_1116 = arith.constant 80 : index
      %get3A_1117 = tpu.vector_load %arg11[%get3A_1115, %get3A_1116] {strides = array<i32>} : memref<80x128xf32, #tpu.memory_space<vmem>>, vector<16xf32>,
      %mul3A_1118 = arith.mulf %get3A_1114, %get3A_1117 : vector<16xf32>
      %add3A_1119 = arith.addf %add3A_1111, %mul3A_1118 : vector<16xf32>
      %get3A_1120 = arith.index_cast %add3A_1072 : i32 to index
      %get3A_1121 = arith.constant 96 : index
      %get3A_1122 = tpu.vector_load %arg10[%get3A_1120, %get3A_1121] {strides = array<i32>} : memref<80x128xf32, #tpu.memory_space<vmem>>, vector<16xf32>,
      %get3A_1123 = arith.index_cast %add3A_1072 : i32 to index
      %get3A_1124 = arith.constant 96 : index
      %get3A_1125 = tpu.vector_load %arg11[%get3A_1123, %get3A_1124] {strides = array<i32>} : memref<80x128xf32, #tpu.memory_space<vmem>>, vector<16xf32>,
      %mul3A_1126 = arith.mulf %get3A_1122, %get3A_1125 : vector<16xf32>
      %add3A_1127 = arith.addf %add3A_1119, %mul3A_1126 : vector<16xf32>
      %get3A_1128 = arith.index_cast %add3A_1072 : i32 to index
      %get3A_1129 = arith.constant 112 : index
      %get3A_1130 = tpu.vector_load %arg10[%get3A_1128, %get3A_1129] {strides = array<i32>} : memref<80x128xf32, #tpu.memory_space<vmem>>, vector<16xf32>,
      %get3A_1131 = arith.index_cast %add3A_1072 : i32 to index
      %get3A_1132 = arith.constant 112 : index
      %get3A_1133 = tpu.vector_load %arg11[%get3A_1131, %get3A_1132] {strides = array<i32>} : memref<80x128xf32, #tpu.memory_space<vmem>>, vector<16xf32>,
      %mul3A_1134 = arith.mulf %get3A_1130, %get3A_1133 : vector<16xf32>
      %add3A_1135 = arith.addf %add3A_1127, %mul3A_1134 : vector<16xf32>
      %swap3A_1136 = arith.constant 15 : i32
      %swap3A_1137 = arith.index_cast %swap3A_1136 : i32 to index
      %swap3A_1138 = arith.constant 0 : index
      %swap3A_1139 = tpu.vector_load %arg9[%swap3A_1137, %swap3A_1138] {strides = array<i32>} : memref<16x17xf32, #tpu.memory_space<vmem>>, vector<16xf32>,
      tpu.vector_store %arg9[%swap3A_1137, %swap3A_1138], %add3A_1135 {strides = array<i32>} : memref<16x17xf32, #tpu.memory_space<vmem>>, vector<16xf32>,
      %broadcast_in_dim3A = arith.constant 0 : i32
      %broadcast_in_dim3A_1140 = vector.broadcast %broadcast_in_dim3A : i32 to vector<16xi32>
      %gather3A = tpu.vector_load_idx %arg9[%iota3A, %broadcast_in_dim3A_1140] : memref<16x17xf32, #tpu.memory_space<vmem>>[vector<16xi32>, vector<16xi32>], vector<16xf32>,
      %broadcast_in_dim3A_1141 = arith.constant 1 : i32
      %broadcast_in_dim3A_1142 = vector.broadcast %broadcast_in_dim3A_1141 : i32 to vector<16xi32>
      %gather3A_1143 = tpu.vector_load_idx %arg9[%iota3A, %broadcast_in_dim3A_1142] : memref<16x17xf32, #tpu.memory_space<vmem>>[vector<16xi32>, vector<16xi32>], vector<16xf32>,
      %add3A_1144 = arith.addf %gather3A, %gather3A_1143 : vector<16xf32>
      %broadcast_in_dim3A_1145 = arith.constant 2 : i32
      %broadcast_in_dim3A_1146 = vector.broadcast %broadcast_in_dim3A_1145 : i32 to vector<16xi32>
      %gather3A_1147 = tpu.vector_load_idx %arg9[%iota3A, %broadcast_in_dim3A_1146] : memref<16x17xf32, #tpu.memory_space<vmem>>[vector<16xi32>, vector<16xi32>], vector<16xf32>,
      %add3A_1148 = arith.addf %add3A_1144, %gather3A_1147 : vector<16xf32>
      %broadcast_in_dim3A_1149 = arith.constant 3 : i32
      %broadcast_in_dim3A_1150 = vector.broadcast %broadcast_in_dim3A_1149 : i32 to vector<16xi32>
      %gather3A_1151 = tpu.vector_load_idx %arg9[%iota3A, %broadcast_in_dim3A_1150] : memref<16x17xf32, #tpu.memory_space<vmem>>[vector<16xi32>, vector<16xi32>], vector<16xf32>,
      %add3A_1152 = arith.addf %add3A_1148, %gather3A_1151 : vector<16xf32>
      %broadcast_in_dim3A_1153 = arith.constant 4 : i32
      %broadcast_in_dim3A_1154 = vector.broadcast %broadcast_in_dim3A_1153 : i32 to vector<16xi32>
      %gather3A_1155 = tpu.vector_load_idx %arg9[%iota3A, %broadcast_in_dim3A_1154] : memref<16x17xf32, #tpu.memory_space<vmem>>[vector<16xi32>, vector<16xi32>], vector<16xf32>,
      %add3A_1156 = arith.addf %add3A_1152, %gather3A_1155 : vector<16xf32>
      %broadcast_in_dim3A_1157 = arith.constant 5 : i32
      %broadcast_in_dim3A_1158 = vector.broadcast %broadcast_in_dim3A_1157 : i32 to vector<16xi32>
      %gather3A_1159 = tpu.vector_load_idx %arg9[%iota3A, %broadcast_in_dim3A_1158] : memref<16x17xf32, #tpu.memory_space<vmem>>[vector<16xi32>, vector<16xi32>], vector<16xf32>,
      %add3A_1160 = arith.addf %add3A_1156, %gather3A_1159 : vector<16xf32>
      %broadcast_in_dim3A_1161 = arith.constant 6 : i32
      %broadcast_in_dim3A_1162 = vector.broadcast %broadcast_in_dim3A_1161 : i32 to vector<16xi32>
      %gather3A_1163 = tpu.vector_load_idx %arg9[%iota3A, %broadcast_in_dim3A_1162] : memref<16x17xf32, #tpu.memory_space<vmem>>[vector<16xi32>, vector<16xi32>], vector<16xf32>,
      %add3A_1164 = arith.addf %add3A_1160, %gather3A_1163 : vector<16xf32>
      %broadcast_in_dim3A_1165 = arith.constant 7 : i32
      %broadcast_in_dim3A_1166 = vector.broadcast %broadcast_in_dim3A_1165 : i32 to vector<16xi32>
      %gather3A_1167 = tpu.vector_load_idx %arg9[%iota3A, %broadcast_in_dim3A_1166] : memref<16x17xf32, #tpu.memory_space<vmem>>[vector<16xi32>, vector<16xi32>], vector<16xf32>,
      %add3A_1168 = arith.addf %add3A_1164, %gather3A_1167 : vector<16xf32>
      %broadcast_in_dim3A_1169 = arith.constant 8 : i32
      %broadcast_in_dim3A_1170 = vector.broadcast %broadcast_in_dim3A_1169 : i32 to vector<16xi32>
      %gather3A_1171 = tpu.vector_load_idx %arg9[%iota3A, %broadcast_in_dim3A_1170] : memref<16x17xf32, #tpu.memory_space<vmem>>[vector<16xi32>, vector<16xi32>], vector<16xf32>,
      %add3A_1172 = arith.addf %add3A_1168, %gather3A_1171 : vector<16xf32>
      %broadcast_in_dim3A_1173 = arith.constant 9 : i32
      %broadcast_in_dim3A_1174 = vector.broadcast %broadcast_in_dim3A_1173 : i32 to vector<16xi32>
      %gather3A_1175 = tpu.vector_load_idx %arg9[%iota3A, %broadcast_in_dim3A_1174] : memref<16x17xf32, #tpu.memory_space<vmem>>[vector<16xi32>, vector<16xi32>], vector<16xf32>,
      %add3A_1176 = arith.addf %add3A_1172, %gather3A_1175 : vector<16xf32>
      %broadcast_in_dim3A_1177 = arith.constant 10 : i32
      %broadcast_in_dim3A_1178 = vector.broadcast %broadcast_in_dim3A_1177 : i32 to vector<16xi32>
      %gather3A_1179 = tpu.vector_load_idx %arg9[%iota3A, %broadcast_in_dim3A_1178] : memref<16x17xf32, #tpu.memory_space<vmem>>[vector<16xi32>, vector<16xi32>], vector<16xf32>,
      %add3A_1180 = arith.addf %add3A_1176, %gather3A_1179 : vector<16xf32>
      %broadcast_in_dim3A_1181 = arith.constant 11 : i32
      %broadcast_in_dim3A_1182 = vector.broadcast %broadcast_in_dim3A_1181 : i32 to vector<16xi32>
      %gather3A_1183 = tpu.vector_load_idx %arg9[%iota3A, %broadcast_in_dim3A_1182] : memref<16x17xf32, #tpu.memory_space<vmem>>[vector<16xi32>, vector<16xi32>], vector<16xf32>,
      %add3A_1184 = arith.addf %add3A_1180, %gather3A_1183 : vector<16xf32>
      %broadcast_in_dim3A_1185 = arith.constant 12 : i32
      %broadcast_in_dim3A_1186 = vector.broadcast %broadcast_in_dim3A_1185 : i32 to vector<16xi32>
      %gather3A_1187 = tpu.vector_load_idx %arg9[%iota3A, %broadcast_in_dim3A_1186] : memref<16x17xf32, #tpu.memory_space<vmem>>[vector<16xi32>, vector<16xi32>], vector<16xf32>,
      %add3A_1188 = arith.addf %add3A_1184, %gather3A_1187 : vector<16xf32>
      %broadcast_in_dim3A_1189 = arith.constant 13 : i32
      %broadcast_in_dim3A_1190 = vector.broadcast %broadcast_in_dim3A_1189 : i32 to vector<16xi32>
      %gather3A_1191 = tpu.vector_load_idx %arg9[%iota3A, %broadcast_in_dim3A_1190] : memref<16x17xf32, #tpu.memory_space<vmem>>[vector<16xi32>, vector<16xi32>], vector<16xf32>,
      %add3A_1192 = arith.addf %add3A_1188, %gather3A_1191 : vector<16xf32>
      %broadcast_in_dim3A_1193 = arith.constant 14 : i32
      %broadcast_in_dim3A_1194 = vector.broadcast %broadcast_in_dim3A_1193 : i32 to vector<16xi32>
      %gather3A_1195 = tpu.vector_load_idx %arg9[%iota3A, %broadcast_in_dim3A_1194] : memref<16x17xf32, #tpu.memory_space<vmem>>[vector<16xi32>, vector<16xi32>], vector<16xf32>,
      %add3A_1196 = arith.addf %add3A_1192, %gather3A_1195 : vector<16xf32>
      %broadcast_in_dim3A_1197 = arith.constant 15 : i32
      %broadcast_in_dim3A_1198 = vector.broadcast %broadcast_in_dim3A_1197 : i32 to vector<16xi32>
      %gather3A_1199 = tpu.vector_load_idx %arg9[%iota3A, %broadcast_in_dim3A_1198] : memref<16x17xf32, #tpu.memory_space<vmem>>[vector<16xi32>, vector<16xi32>], vector<16xf32>,
      %add3A_1200 = arith.addf %add3A_1196, %gather3A_1199 : vector<16xf32>
      %add3A_1201 = arith.constant 9920 : i32
      %add3A_1202 = arith.addi %add3A_1201, %mul3A_37 : i32
      %swap3A_1203 = arith.index_cast %add3A_1202 : i32 to index
      %swap3A_1204 = tpu.vector_load %arg8[%swap3A_1203] {strides = array<i32>} : memref<10000xf32, #tpu.memory_space<vmem>>, vector<16xf32>,
      tpu.vector_store %arg8[%swap3A_1203], %add3A_1200 {strides = array<i32>} : memref<10000xf32, #tpu.memory_space<vmem>>, vector<16xf32>,
      %scan3A_1205 = arith.constant 0 : i32
      scf.yield %scan3A_1205 : i32
    }
    %scan3A_33 = arith.constant 5 : i32
    "tpu.region"() ({
      %run_scoped3A = tpu.sem_alloc : memref<!tpu.dma_semaphore, #tpu.memory_space<semaphore_mem>>
      %dma_start3A_34 = tpu.memref_slice %arg5[%mul3A_2] : memref<320000xf32, #tpu.memory_space<hbm>> -> memref<10000xf32, #tpu.memory_space<hbm>>
      %dma_start3A_35 = tpu.memref_slice %arg5[%mul3A_2] : memref<320000xf32, #tpu.memory_space<hbm>> -> memref<10000xf32, #tpu.memory_space<hbm>>
      tpu.enqueue_dma source(%arg8 : memref<10000xf32, #tpu.memory_space<vmem>>) target(%dma_start3A_35 : memref<10000xf32, #tpu.memory_space<hbm>>) target_semaphore(%run_scoped3A : memref<!tpu.dma_semaphore, #tpu.memory_space<semaphore_mem>>)
      %dma_wait3A_36 = tpu.memref_slice %arg5[%mul3A_2] : memref<320000xf32, #tpu.memory_space<hbm>> -> memref<10000xf32, #tpu.memory_space<hbm>>
      %dma_wait3A_37 = tpu.memref_slice %arg5[%mul3A_2] : memref<320000xf32, #tpu.memory_space<hbm>> -> memref<10000xf32, #tpu.memory_space<hbm>>
      tpu.wait_dma2 semaphore(%run_scoped3A : memref<!tpu.dma_semaphore, #tpu.memory_space<semaphore_mem>>) src(%arg8 : memref<10000xf32, #tpu.memory_space<vmem>>) dst(%dma_wait3A_37 : memref<10000xf32, #tpu.memory_space<hbm>>)
      tpu.yield
    }) : () -> ()
    return
  }
}

</mosaic_0001>

<sc_bundles>
// kernel: kernel.3.cloned.1.call-start
scs
__scs_entry_jumppad:
0x0: {  	(pc) =	sbr.rel $0x88, $3  }
0x1: {  	(tag) =	ssettag $0x0;
	lr =	simm.s32 $0x1  }
0x2: {  	[smem:$0x3F9F] =	sst lr;
	_ =	strace $0xD0000000  }
0x3: {  	_ = 	snop  }
0x4: {  	_ = 	snop  }
0x5: {  	_ = 	snop  }
0x6: {  	_ = 	snop  }
0x7: {  	_ = 	snop  }
__scs_overlays_trampoline_lowered:
0x8: {  	[smem:$0x3FAE] =	sst s0  }
0x9: {  	[smem:$0x3FAF] =	sst s1  }
0xa: {  	[smem:$0x3FB0] =	sst s2  }
0xb: {  	[smem:$0x3FB1] =	sst s3  }
0xc: {  	[smem:$0x3FB2] =	sst s4  }
0xd: {  	[smem:$0x3FB3] =	sst s5  }
0xe: {  	[smem:$0x3FB4] =	sst s6  }
0xf: {  	[smem:$0x3FB5] =	sst s7  }
0x10: {  	[smem:$0x3FB6] =	sst s8  }
0x11: {  	[smem:$0x3FB7] =	sst s9;
	s0 =	simm.s32 @!p0 $0x0  }
0x12: {  	s1 =	sld [smem:$0x3F9D];
	s0 =	simm.s32 @p0 $0x1  }
0x13: {  	[smem:$0x3FB8] =	sst s0;
	s0 =	simm.s32 @!p1 $0x0  }
0x14: {  	s2 =	sld [smem:$0x3F9C];
	s0 =	simm.s32 @p1 $0x1  }
0x15: {  	[smem:$0x3FB9] =	sst s0;
	s0 =	simm.s32 @!p2 $0x0  }
0x16: {  	s3 =	sld [smem:$0x3FDB];
	s0 =	simm.s32 @p2 $0x1  }
0x17: {  	s4 =	simm.s32 $0x1BF5;
	[smem:$0x3FBB] =	sst s0  }
0x18: {  	s0 =	sld [smem:$0x3F9E];
	_ =	swait.ge [sflag:s4], $0x0  }
0x19: {  	s7 =	sld [smem:$0x3F9F]  }
0x1a: {  	s8 =	sadd.s32 $0xFFFFE003, lr  }
0x1b: {  	s9 =	sadd.s32 $0xFFFFFEF7, lr;
	s5 =	simm.s32 $0xFFFFFFFF;
	p2 =	slt.u32 s8, $0xFFFFF086  }
0x1c: {  	p1 =	slt.u32 s9, $0xF7A;
	s5 =	simm.s32 @!p2 $0x0  }
0x1d: {  	s5 =	simm.s32 @p1 $0x1;
	p0 =	seq.s32 s7, s2  }
0x1e: {  	s7 =	smul.u32 @!p0 $0xF7A, s2;
	p2 =	seq.s32 @!p0 s5, $0x0  }
0x1f: {  	s9 =	smul.u32 $0xF7A, s1;
	s8 =	simm.s32 @!p0 $0x1BF5;
	p2 =	por !p2, p0  }
0x20: {  	[sflag:s8] =	ssyncset.s32 @!p0 $0xFFFFF086;
	s6 =	sadd.s32 @!p0 s3, s7;
	s7 =	simm.s32 @!p0 $0x108  }
0x21: {  	s3 =	sadd.s32 s3, s9;
	s6 =	sadd.s32 @!p0 $0x88, s6;
	s7 =	simm.s32 @p2 $0x1082  }
0x22: {  	[simem:s7], [sflag:s8] =	dma.local @!p0 [hbm:s6], $0xF7A  }
0x23: {  	s9 =	sor.u32 $0xD0000000, s2;
	s6 =	simm.s32 $0x108;
	_ =	swait.ge @!p0 [sflag:s8], $0x0  }
0x24: {  	s3 =	sadd.s32 $0x88, s3;
	s6 =	simm.s32 @!p1 $0x1082;
	[sflag:s4] =	ssyncset.s32 $0xFFFFF086  }
0x25: {  	[simem:s6], [sflag:s4] =	dma.local [hbm:s3], $0xF7A  }
0x26: {  	[smem:$0x3F9F] =	sst s1;
	(tag) =	ssettag s2;
	_ =	strace s9  }
0x27: {  	s1 =	sld [smem:$0x3FAF]  }
0x28: {  	s2 =	sld [smem:$0x3FB0]  }
0x29: {  	s4 =	sld [smem:$0x3FB2]  }
0x2a: {  	p0 =	seq.s32 s5, $0x0;
	s5 =	sld [smem:$0x3FB3]  }
0x2b: {  	s6 =	sld [smem:$0x3FB4]  }
0x2c: {  	s7 =	sld [smem:$0x3FB5]  }
0x2d: {  	s3 =	simm.s32 $0x108;
	s8 =	sld [smem:$0x3FB6]  }
0x2e: {  	s3 =	simm.s32 @!p0 $0x1082;
	s9 =	sld [smem:$0x3FB7]  }
0x2f: {  	lr =	sadd.s32 s0, s3;
	s0 =	sld [smem:$0x3FAE]  }
0x30: {  	s3 =	sld [smem:$0x3FB1]  }
0x31: {  	[smem:$0x3FBA] =	sst s10  }
0x32: {  	s10 =	sld [smem:$0x3FB8];
	_ =	sdelay $0x3  }
0x33: {  	p0 =	seq.s32 s10, $0x1;
	s10 =	sld [smem:$0x3FBA];
	_ =	sdelay $0x3  }
0x34: {  	[smem:$0x3FBA] =	sst s10  }
0x35: {  	s10 =	sld [smem:$0x3FB9];
	_ =	sdelay $0x3  }
0x36: {  	p1 =	seq.s32 s10, $0x1;
	s10 =	sld [smem:$0x3FBA];
	_ =	sdelay $0x3  }
0x37: {  	[smem:$0x3FBA] =	sst s10  }
0x38: {  	s10 =	sld [smem:$0x3FBB]  }
0x39: {  	_ = 	snop;
	(pc) =	sbr.ind lr, $3  }
0x3a: {  	_ = 	snop  }
0x3b: {  	_ = 	snop  }
0x3c: {  	p2 =	seq.s32 s10, $0x1;
	s10 =	sld [smem:$0x3FBA]  }
0x3d: {  	_ =	shalt  }
0x3e: {  	_ =	shalt  }
0x3f: {  	_ =	shalt  }
0x40: {  	_ =	shalt  }
0x41: {  	_ =	shalt  }
0x42: {  	_ =	shalt  }
0x43: {  	_ =	shalt  }
0x44: {  	_ =	shalt  }
0x45: {  	_ =	shalt  }
0x46: {  	_ =	shalt  }
0x47: {  	_ =	shalt  }
0x48: {  	_ =	shalt  }
0x49: {  	_ =	shalt  }
0x4a: {  	_ =	shalt  }
0x4b: {  	_ =	shalt  }
0x4c: {  	_ =	shalt  }
0x4d: {  	_ =	shalt  }
0x4e: {  	_ =	shalt  }
0x4f: {  	_ =	shalt  }
0x50: {  	_ =	shalt  }
0x51: {  	_ =	shalt  }
0x52: {  	_ =	shalt  }
0x53: {  	_ =	shalt  }
0x54: {  	_ =	shalt  }
0x55: {  	_ =	shalt  }
0x56: {  	_ =	shalt  }
0x57: {  	_ =	shalt  }
0x58: {  	_ =	shalt  }
0x59: {  	_ =	shalt  }
0x5a: {  	_ =	shalt  }
0x5b: {  	_ =	shalt  }
0x5c: {  	_ =	shalt  }
0x5d: {  	_ =	shalt  }
0x5e: {  	_ =	shalt  }
0x5f: {  	_ =	shalt  }
0x60: {  	_ =	shalt  }
0x61: {  	_ =	shalt  }
0x62: {  	_ =	shalt  }
0x63: {  	_ =	shalt  }
0x64: {  	_ =	shalt  }
0x65: {  	_ =	shalt  }
0x66: {  	_ =	shalt  }
0x67: {  	_ =	shalt  }
0x68: {  	_ =	shalt  }
0x69: {  	_ =	shalt  }
0x6a: {  	_ =	shalt  }
0x6b: {  	_ =	shalt  }
0x6c: {  	_ =	shalt  }
0x6d: {  	_ =	shalt  }
0x6e: {  	_ =	shalt  }
0x6f: {  	_ =	shalt  }
0x70: {  	_ =	shalt  }
0x71: {  	_ =	shalt  }
0x72: {  	_ =	shalt  }
0x73: {  	_ =	shalt  }
0x74: {  	_ =	shalt  }
0x75: {  	_ =	shalt  }
0x76: {  	_ =	shalt  }
0x77: {  	_ =	shalt  }
0x78: {  	_ =	shalt  }
0x79: {  	_ =	shalt  }
0x7a: {  	_ =	shalt  }
0x7b: {  	_ =	shalt  }
0x7c: {  	_ =	shalt  }
0x7d: {  	_ =	shalt  }
0x7e: {  	_ =	shalt  }
0x7f: {  	_ =	shalt  }
0x80: {  	_ =	shalt  }
0x81: {  	_ =	shalt  }
0x82: {  	_ =	shalt  }
0x83: {  	_ =	shalt  }
0x84: {  	_ =	shalt  }
0x85: {  	_ =	shalt  }
0x86: {  	_ =	shalt  }
0x87: {  	_ =	shalt  }
.Lfunc_end0:
.L_simem_size_0:
called_computation_lowered:
.L_overlay_start_0:
0x88: {  	s2 =	sld [smem:$0x3FD9]  }
0x89: {  	s3 =	sld [smem:$0x3FFE];
	_ =	sdelay $0x1  }
0x8a: {  	s1 =	srdreg.scid  }
0x8b: {  	s0 =	sand.u32 $0x1, s1  }
0x8c: {  	s17 =	sshll.u32 s0, $0xA;
	s2 =	sadd.s32 s3, s2  }
0x8d: {  	s2 =	sadd.s32 s2, s17  }
0x8e: {  	[smem:$0x3FC6] =	sst s2  }
0x8f: {  	_ = 	snop  }
0x90: {  	s2 =	sld [smem:$0x3FC9];
	(tm) =	ssettm $0x1  }
0x91: {  	s18 =	sld [smem:$0x3FFB];
	_ =	sdelay $0x3  }
0x92: {  	_ =	strace s18  }
0x93: {  	s3 =	sld [smem:$0x3FFC];
	_ =	sdelay $0x3  }
0x94: {  	_ =	strace s3  }
0x95: {  	s3 =	sld [smem:$0x3FFD];
	_ =	sdelay $0x3  }
0x96: {  	_ =	strace s3  }
0x97: {  	_ =	strace $0x8FFFFFFF  }
0x98: {  	s19 =	sld [smem:$0x3FDB];
	_ =	sdelay $0x1  }
0x99: {  	s4 =	simm.s32 $_scs_section_size  }
0x9a: {  	s5 =	simm.s32 $_size__tile_overlayer_lowered;
	s6 =	simm.s32 $_tile_overlayer_lowered  }
0x9b: {  	s22 =	simm.s32 $0x1BFF;
	s21 =	sshll.u32 s6, $0x1;
	s3 =	sadd.s32 s4, s19  }
0x9c: {  	s7 =	simm.s32 $0x0;
	s20 =	sshll.u32 s5, $0x1;
	s5 =	sadd.s32 s21, s3  }
0x9d: {  	[timem:s7], [sflag:s22] =	dma.local [hbm:s5], s20  }
0x9e: {  	_ =	swait.ge [sflag:s22], s20  }
0x9f: {  	s4 =	ssub.s32 $0x0, s20;
	[sflag:s22] =	ssyncset.done $0x0  }
0xa0: {  	[sflag:s22] =	ssyncadd.s32 s4;
	_ =	sdelay $0x1  }
0xa1: {  	s23 =	simm.s32 $0x1B8B  }
0xa2: {  	_ =	swait.ge [sflag:s23], $0x1  }
0xa3: {  	[sflag:s23] =	ssyncset.done $0x0  }
0xa4: {  	s25 =	simm.s32 $0x1B8E;
	s24 =	sld [smem:$0x3FFE];
	[sflag:s23] =	ssyncadd.s32 $0xFFFFFFFF  }
0xa5: {  	s26 =	simm.s32 $execute0_lowered;
	[smem:$0x3FD2] =	sst s25  }
0xa6: {  	s5 =	sshll.u32 s26, $0x1;
	_ =	strace $0x80000046;
	[dreg:$0x1] =	wrdreg $0xFFFFFFFF  }
0xa7: {  	s28 =	simm.s32 $_size_execute0_lowered;
	s3 =	sadd.s32 s3, s5;
	[dreg:$0x0] =	wrdreg $0x0  }
0xa8: {  	s5 =	sshll.u32 s28, $0x1;
	[dreg:$0x2] =	wrdreg s3  }
0xa9: {  	[dreg:$0x3] =	wrdreg s5  }
0xaa: {  	[dreg:$0x4] =	wrdreg $0xC0  }
0xab: {  	_ =	task [dreg:s7], $0x5FFFF  }
0xac: {  	[dreg:$0x1] =	wrdreg $0xFFFFFFFF  }
0xad: {  	[dreg:$0x0] =	wrdreg $0x60  }
0xae: {  	[dreg:$0x2] =	wrdreg s2  }
0xaf: {  	[dreg:$0x3] =	wrdreg s24  }
0xb0: {  	[dreg:$0x4] =	wrdreg $0x9  }
0xb1: {  	_ =	task.clear_ibuf [dreg:s7], $0x5FFFF;
	_ =	strace $0x90000046  }
0xb2: {  	s29 =	simm.s32 $0x9;
	_ =	strace $0x80000048  }
0xb3: {  	_ =	swait.ge [sflag:s29], $0x1  }
0xb4: {  	[sflag:s29] =	ssyncadd.s32 $0xFFFFFFFF  }
0xb5: {  	_ =	strace $0x90000048  }
0xb6: {  	_ =	sfence  }
0xb7: {  	s30 =	sld [smem:$0x0];
	_ =	sdelay $0x2  }
0xb8: {  	s31 =	sshll.u32 s1, $0xD;
	s1 =	sshrl.u32 s1, $0x2  }
0xb9: {  	s3 =	sand.u32 $0x4000, s31;
	s1 =	sadd.s32 s1, s30  }
0xba: {  	s0 =	sor.u32 s3, s0;
	s1 =	sshll.u32 s1, $0x11  }
0xbb: {  	s0 =	sor.u32 s1, s0  }
0xbc: {  	s0 =	sadd.s32 $0x8F2B, s0  }
0xbd: {  	[sflag:s0] =	ssyncadd.remote.s32 $0x1  }
0xbe: {  	_ =	sfence.sel $0xFFFF  }
0xbf: {  	[dreg:$0x0] =	wrdreg $0xFFFFFFFF;
	(pc) =	sbr.abs _section_cstart, $3  }
0xc0: {  	[dreg:$0x1] =	wrdreg $0xFFFFFFFF  }
0xc1: {  	_ =	task.clear_ibuf [dreg:s7], $0x2FFFF;
	_ =	strace $0x9FFFFFFF  }
0xc2: {  	(tm) =	ssettm $0x7FFFFFFF  }
0xc3: {  	_ =	shalt  }
tec
execute0_lowered:
.L_overlay_start_1:
0x0: {  	(tag) =	ssettag $0x1  }
0x1: {  	s1 =	srdreg.scid  }
0x2: {  	s0 =	stileid.u32;
	s2 =	rddreg [dreg:$0x0]  }
0x3: {  	s5 =	rddreg [dreg:$0x1];
	s3 =	simm.s32 $0x0;
	s9 =	simm.s32 $0x2780  }
0x4: {  	s10 =	simm.s32 $0x50;
	s11 =	simm.s32 $0x7E80;
	s12 =	simm.s32 $0xA680  }
0x5: {  	v0 =	vlaneseq.u32;
	s13 =	simm.s32 $0xCE80;
	s14 =	simm.s32 $0xF680;
	s15 =	simm.s32 $0x1  }
0x6: {  	s16 =	simm.s32 $0x2;
	s17 =	simm.s32 $0x7680;
	s18 =	simm.s32 $0x3;
	v0 =	vmul.u32 $0x80, v0  }
0x7: {  	s19 =	simm.s32 $0x4;
	s4 =	sand.u32 $0x1, s1;
	s31 =	sshll.u32 s0, $0x1  }
0x8: {  	s20 =	simm.s32 $0x4F00;
	s21 =	simm.s32 $0x0;
	s6 =	sor.u32 s4, s31;
	v1 =	vor.u32 $0x1, v0;
	v2 =	vor.u32 $0x2, v0;
	v3 =	vor.u32 $0x3, v0  }
0x9: {  	[smem:$0x7FF] =	sst s3;
	s7 =	ssub.s32 $0x2, s4;
	s6 =	smul.u32 $0x4E2, s6;
	v4 =	vor.u32 $0x4, v0;
	v5 =	vor.u32 $0x5, v0;
	v6 =	vor.u32 $0x6, v0  }
0xa: {  	s1 =	rddreg [dreg:$0x2];
	_ =	strace $0x80000047;
	s8 =	sshrl.u32 s7, $0x1;
	v7 =	vor.u32 $0x7, v0;
	v8 =	vor.u32 $0x8, v0;
	v9 =	vor.u32 $0x9, v0  }
0xb: {  	v10 =	vor.u32 $0xA, v0;
	v11 =	vor.u32 $0xB, v0;
	v12 =	vor.u32 $0xC, v0;
	s7 =	ssub.s32 s7, s8;
	s8 =	simm.s32 $0x5;
	s4 =	sadd.s32 s5, s6  }
0xc: {  	v13 =	vor.u32 $0xD, v0;
	v14 =	vor.u32 $0xE, v0;
	v15 =	vor.u32 $0xF, v0;
	s7 =	smax.u32 s7, $0x1;
	s5 =	sadd.s32 $0x9E00, s4;
	s6 =	sadd.s32 $0x13C00, s4  }
.LBB2_1:
0xd: {  	[tilespmem:s3], [sflag:$0x5] =	stream.linear.gather [hbm4b:s5+s3], $0x2710, $0x38;
	[tilespmem:$0x11E80] =	vst v63  }
0xe: {  	_ =	swait.ge [sflag:s8], $0x2710  }
0xf: {  	[sflag:s8] =	ssyncset.done $0x0  }
0x10: {  	[sflag:s8] =	ssyncadd.s32 $0xFFFFD8F0  }
0x11: {  	[tilespmem:s9], [sflag:$0x5] =	stream.linear.gather [hbm4b:s4+s3], $0x2710, $0x38;
	[tilespmem:$0x11E80] =	vst v63  }
0x12: {  	_ =	swait.ge [sflag:s8], $0x2710  }
0x13: {  	[sflag:s8] =	ssyncset.done $0x0  }
0x14: {  	[sflag:s8] =	ssyncadd.s32 $0xFFFFD8F0  }
0x15: {  	[tilespmem:s11], [sflag:$0x1] =	stream.indirect.gather [hbm4b:s2+s10], $0x80, s3, s10, $0xb8;
	[tilespmem:$0x11E80] =	vst v63  }
0x16: {  	s22 =	simm.s32 $0x0  }
0x17: {  	[tilespmem:s12], [sflag:$0x2] =	stream.indirect.gather [hbm4b:s2+s10], $0x80, s9, s10, $0xb8;
	[tilespmem:$0x11E80] =	vst v63  }
.LBB2_2:
0x18: {  	s24 =	smul.u32 $0xA0, s22;
	_ =	sdelay $0x1  }
0x19: {  	s23 =	sadd.s32 $0x50, s24  }
0x1a: {  	[tilespmem:s13], [sflag:$0x3] =	stream.indirect.gather [hbm4b:s2+s10], $0x80, s23, s10, $0xb8;
	[tilespmem:$0x11E80] =	vst v63  }
0x1b: {  	s25 =	sadd.s32 $0x27D0, s24  }
0x1c: {  	[tilespmem:s14], [sflag:$0x4] =	stream.indirect.gather [hbm4b:s2+s10], $0x80, s25, s10, $0xb8;
	[tilespmem:$0x11E80] =	vst v63  }
0x1d: {  	_ =	swait.ge [sflag:s15], $0x2800  }
0x1e: {  	s31 =	smul.u32 $0x280, s22;
	[sflag:s15] =	ssyncset.done $0x0  }
0x1f: {  	[sflag:s15] =	ssyncadd.s32 $0xFFFFD800  }
0x20: {  	s25 =	sshra.s32 s31, $0x2;
	_ =	swait.ge [sflag:s16], $0x2800  }
0x21: {  	s26 =	sadd.s32 $0x4F00, s25;
	[sflag:s16] =	ssyncset.done $0x0  }
0x22: {  	s25 =	simm.s32 $0x0;
	v16 =	vmov s26;
	[sflag:s16] =	ssyncadd.s32 $0xFFFFD800  }
.LBB2_3:
0x23: {  	s26 =	sshll.u32 s25, $0xB  }
0x24: {  	v17 =	vld [tilespmem:s26+$0x7E80]  }
0x25: {  	v18 =	vld [tilespmem:s26+$0xA680]  }
0x26: {  	v19 =	vld [tilespmem:s26+$0x7E90]  }
0x27: {  	v20 =	vld [tilespmem:s26+$0xA690]  }
0x28: {  	v21 =	vld [tilespmem:s26+$0x7EA0]  }
0x29: {  	v22 =	vld [tilespmem:s26+$0xA6A0]  }
0x2a: {  	v23 =	vld [tilespmem:s26+$0x7EB0]  }
0x2b: {  	v24 =	vld [tilespmem:s26+$0xA6B0]  }
0x2c: {  	v32 =	vld [tilespmem:s26+$0xA6C0];
	v17 =	vmul.f32 v18, v17;
	v18 =	vmul.f32 v20, v19  }
0x2d: {  	v19 =	vld [tilespmem:s26+$0x7EC0]  }
0x2e: {  	v33 =	vld [tilespmem:s26+$0x7ED0];
	v17 =	vadd.f32 v18, v17;
	v18 =	vmul.f32 v22, v21  }
0x2f: {  	v34 =	vld [tilespmem:s26+$0xA6D0]  }
0x30: {  	v35 =	vld [tilespmem:s26+$0x7EE0];
	v17 =	vadd.f32 v18, v17;
	v18 =	vmul.f32 v24, v23  }
0x31: {  	v36 =	vld [tilespmem:s26+$0xA6E0]  }
0x32: {  	v37 =	vld [tilespmem:s26+$0xA6F0];
	v17 =	vadd.f32 v18, v17;
	v18 =	vmul.f32 v32, v19  }
0x33: {  	v19 =	vld [tilespmem:s26+$0x7EF0]  }
0x34: {  	v17 =	vadd.f32 v18, v17;
	v18 =	vmul.f32 v34, v33;
	_ =	sdelay $0x1  }
0x35: {  	v17 =	vadd.f32 v18, v17;
	v18 =	vmul.f32 v36, v35;
	_ =	sdelay $0x1  }
0x36: {  	v17 =	vadd.f32 v18, v17;
	v18 =	vmul.f32 v37, v19;
	_ =	sdelay $0x1  }
0x37: {  	v17 =	vadd.f32 v18, v17;
	_ =	sdelay $0x1  }
0x38: {  	[tilespmem:$0x7680] =	vst v17  }
0x39: {  	v17 =	vld [tilespmem:s26+$0x7F00]  }
0x3a: {  	v18 =	vld [tilespmem:s26+$0xA700]  }
0x3b: {  	v19 =	vld [tilespmem:s26+$0x7F10]  }
0x3c: {  	v38 =	vld [tilespmem:s26+$0xA710]  }
0x3d: {  	v39 =	vld [tilespmem:s26+$0x7F20]  }
0x3e: {  	v40 =	vld [tilespmem:s26+$0xA720]  }
0x3f: {  	v41 =	vld [tilespmem:s26+$0x7F30]  }
0x40: {  	v42 =	vld [tilespmem:s26+$0xA730]  }
0x41: {  	v43 =	vld [tilespmem:s26+$0xA740];
	v17 =	vmul.f32 v18, v17;
	v18 =	vmul.f32 v38, v19  }
0x42: {  	v19 =	vld [tilespmem:s26+$0x7F40]  }
0x43: {  	v44 =	vld [tilespmem:s26+$0x7F50];
	v17 =	vadd.f32 v18, v17;
	v18 =	vmul.f32 v40, v39  }
0x44: {  	v45 =	vld [tilespmem:s26+$0xA750]  }
0x45: {  	v46 =	vld [tilespmem:s26+$0x7F60];
	v17 =	vadd.f32 v18, v17;
	v18 =	vmul.f32 v42, v41  }
0x46: {  	v47 =	vld [tilespmem:s26+$0xA760]  }
0x47: {  	v48 =	vld [tilespmem:s26+$0xA770];
	v17 =	vadd.f32 v18, v17;
	v18 =	vmul.f32 v43, v19  }
0x48: {  	v19 =	vld [tilespmem:s26+$0x7F70]  }
0x49: {  	v17 =	vadd.f32 v18, v17;
	v18 =	vmul.f32 v45, v44;
	_ =	sdelay $0x1  }
0x4a: {  	v17 =	vadd.f32 v18, v17;
	v18 =	vmul.f32 v47, v46;
	_ =	sdelay $0x1  }
0x4b: {  	v17 =	vadd.f32 v18, v17;
	v18 =	vmul.f32 v48, v19;
	_ =	sdelay $0x1  }
0x4c: {  	v17 =	vadd.f32 v18, v17;
	_ =	sdelay $0x1  }
0x4d: {  	[tilespmem:$0x7700] =	vst v17  }
0x4e: {  	v17 =	vld [tilespmem:s26+$0x7F80]  }
0x4f: {  	v18 =	vld [tilespmem:s26+$0xA780]  }
0x50: {  	v19 =	vld [tilespmem:s26+$0x7F90]  }
0x51: {  	v49 =	vld [tilespmem:s26+$0xA790]  }
0x52: {  	v50 =	vld [tilespmem:s26+$0x7FA0]  }
0x53: {  	v51 =	vld [tilespmem:s26+$0xA7A0]  }
0x54: {  	v52 =	vld [tilespmem:s26+$0x7FB0]  }
0x55: {  	v53 =	vld [tilespmem:s26+$0xA7B0]  }
0x56: {  	v54 =	vld [tilespmem:s26+$0xA7C0];
	v17 =	vmul.f32 v18, v17;
	v18 =	vmul.f32 v49, v19  }
0x57: {  	v19 =	vld [tilespmem:s26+$0x7FC0]  }
0x58: {  	v55 =	vld [tilespmem:s26+$0x7FD0];
	v17 =	vadd.f32 v18, v17;
	v18 =	vmul.f32 v51, v50  }
0x59: {  	v56 =	vld [tilespmem:s26+$0xA7D0]  }
0x5a: {  	v57 =	vld [tilespmem:s26+$0x7FE0];
	v17 =	vadd.f32 v18, v17;
	v18 =	vmul.f32 v53, v52  }
0x5b: {  	v58 =	vld [tilespmem:s26+$0xA7E0]  }
0x5c: {  	v59 =	vld [tilespmem:s26+$0xA7F0];
	v17 =	vadd.f32 v18, v17;
	v18 =	vmul.f32 v54, v19  }
0x5d: {  	v19 =	vld [tilespmem:s26+$0x7FF0]  }
0x5e: {  	v17 =	vadd.f32 v18, v17;
	v18 =	vmul.f32 v56, v55;
	_ =	sdelay $0x1  }
0x5f: {  	v17 =	vadd.f32 v18, v17;
	v18 =	vmul.f32 v58, v57;
	_ =	sdelay $0x1  }
0x60: {  	v17 =	vadd.f32 v18, v17;
	v18 =	vmul.f32 v59, v19;
	_ =	sdelay $0x1  }
0x61: {  	v17 =	vadd.f32 v18, v17;
	_ =	sdelay $0x1  }
0x62: {  	[tilespmem:$0x7780] =	vst v17  }
0x63: {  	v17 =	vld [tilespmem:s26+$0x8000]  }
0x64: {  	v18 =	vld [tilespmem:s26+$0xA800]  }
0x65: {  	v19 =	vld [tilespmem:s26+$0x8010]  }
0x66: {  	v60 =	vld [tilespmem:s26+$0xA810]  }
0x67: {  	v61 =	vld [tilespmem:s26+$0x8020]  }
0x68: {  	v62 =	vld [tilespmem:s26+$0xA820]  }
0x69: {  	v63 =	vld [tilespmem:s26+$0x8030]  }
0x6a: {  	v28 =	vld [tilespmem:s26+$0xA830]  }
0x6b: {  	v29 =	vld [tilespmem:s26+$0xA840];
	v17 =	vmul.f32 v18, v17;
	v18 =	vmul.f32 v60, v19  }
0x6c: {  	v19 =	vld [tilespmem:s26+$0x8040]  }
0x6d: {  	v30 =	vld [tilespmem:s26+$0x8050];
	v17 =	vadd.f32 v18, v17;
	v18 =	vmul.f32 v62, v61  }
0x6e: {  	v31 =	vld [tilespmem:s26+$0xA850]  }
0x6f: {  	v32 =	vld [tilespmem:s26+$0x8060];
	v17 =	vadd.f32 v18, v17;
	v18 =	vmul.f32 v28, v63  }
0x70: {  	v33 =	vld [tilespmem:s26+$0xA860]  }
0x71: {  	v34 =	vld [tilespmem:s26+$0xA870];
	v17 =	vadd.f32 v18, v17;
	v18 =	vmul.f32 v29, v19  }
0x72: {  	v19 =	vld [tilespmem:s26+$0x8070]  }
0x73: {  	v17 =	vadd.f32 v18, v17;
	v18 =	vmul.f32 v31, v30;
	_ =	sdelay $0x1  }
0x74: {  	v17 =	vadd.f32 v18, v17;
	v18 =	vmul.f32 v33, v32;
	_ =	sdelay $0x1  }
0x75: {  	v17 =	vadd.f32 v18, v17;
	v18 =	vmul.f32 v34, v19;
	_ =	sdelay $0x1  }
0x76: {  	v17 =	vadd.f32 v18, v17;
	_ =	sdelay $0x1  }
0x77: {  	[tilespmem:$0x7800] =	vst v17  }
0x78: {  	v17 =	vld [tilespmem:s26+$0x8080]  }
0x79: {  	v18 =	vld [tilespmem:s26+$0xA880]  }
0x7a: {  	v19 =	vld [tilespmem:s26+$0x8090]  }
0x7b: {  	v35 =	vld [tilespmem:s26+$0xA890]  }
0x7c: {  	v36 =	vld [tilespmem:s26+$0x80A0]  }
0x7d: {  	v37 =	vld [tilespmem:s26+$0xA8A0]  }
0x7e: {  	v38 =	vld [tilespmem:s26+$0x80B0]  }
0x7f: {  	v39 =	vld [tilespmem:s26+$0xA8B0]  }
0x80: {  	v40 =	vld [tilespmem:s26+$0xA8C0];
	v17 =	vmul.f32 v18, v17;
	v18 =	vmul.f32 v35, v19  }
0x81: {  	v19 =	vld [tilespmem:s26+$0x80C0]  }
0x82: {  	v41 =	vld [tilespmem:s26+$0x80D0];
	v17 =	vadd.f32 v18, v17;
	v18 =	vmul.f32 v37, v36  }
0x83: {  	v42 =	vld [tilespmem:s26+$0xA8D0]  }
0x84: {  	v43 =	vld [tilespmem:s26+$0x80E0];
	v17 =	vadd.f32 v18, v17;
	v18 =	vmul.f32 v39, v38  }
0x85: {  	v44 =	vld [tilespmem:s26+$0xA8E0]  }
0x86: {  	v45 =	vld [tilespmem:s26+$0xA8F0];
	v17 =	vadd.f32 v18, v17;
	v18 =	vmul.f32 v40, v19  }
0x87: {  	v19 =	vld [tilespmem:s26+$0x80F0]  }
0x88: {  	v17 =	vadd.f32 v18, v17;
	v18 =	vmul.f32 v42, v41;
	_ =	sdelay $0x1  }
0x89: {  	v17 =	vadd.f32 v18, v17;
	v18 =	vmul.f32 v44, v43;
	_ =	sdelay $0x1  }
0x8a: {  	v17 =	vadd.f32 v18, v17;
	v18 =	vmul.f32 v45, v19;
	_ =	sdelay $0x1  }
0x8b: {  	v17 =	vadd.f32 v18, v17;
	_ =	sdelay $0x1  }
0x8c: {  	[tilespmem:$0x7880] =	vst v17  }
0x8d: {  	v17 =	vld [tilespmem:s26+$0x8100]  }
0x8e: {  	v18 =	vld [tilespmem:s26+$0xA900]  }
0x8f: {  	v19 =	vld [tilespmem:s26+$0x8110]  }
0x90: {  	v46 =	vld [tilespmem:s26+$0xA910]  }
0x91: {  	v47 =	vld [tilespmem:s26+$0x8120]  }
0x92: {  	v48 =	vld [tilespmem:s26+$0xA920]  }
0x93: {  	v49 =	vld [tilespmem:s26+$0x8130]  }
0x94: {  	v50 =	vld [tilespmem:s26+$0xA930]  }
0x95: {  	v51 =	vld [tilespmem:s26+$0xA940];
	v17 =	vmul.f32 v18, v17;
	v18 =	vmul.f32 v46, v19  }
0x96: {  	v19 =	vld [tilespmem:s26+$0x8140]  }
0x97: {  	v52 =	vld [tilespmem:s26+$0x8150];
	v17 =	vadd.f32 v18, v17;
	v18 =	vmul.f32 v48, v47  }
0x98: {  	v53 =	vld [tilespmem:s26+$0xA950]  }
0x99: {  	v54 =	vld [tilespmem:s26+$0x8160];
	v17 =	vadd.f32 v18, v17;
	v18 =	vmul.f32 v50, v49  }
0x9a: {  	v55 =	vld [tilespmem:s26+$0xA960]  }
0x9b: {  	v56 =	vld [tilespmem:s26+$0xA970];
	v17 =	vadd.f32 v18, v17;
	v18 =	vmul.f32 v51, v19  }
0x9c: {  	v19 =	vld [tilespmem:s26+$0x8170]  }
0x9d: {  	v17 =	vadd.f32 v18, v17;
	v18 =	vmul.f32 v53, v52;
	_ =	sdelay $0x1  }
0x9e: {  	v17 =	vadd.f32 v18, v17;
	v18 =	vmul.f32 v55, v54;
	_ =	sdelay $0x1  }
0x9f: {  	v17 =	vadd.f32 v18, v17;
	v18 =	vmul.f32 v56, v19;
	_ =	sdelay $0x1  }
0xa0: {  	v17 =	vadd.f32 v18, v17;
	_ =	sdelay $0x1  }
0xa1: {  	[tilespmem:$0x7900] =	vst v17  }
0xa2: {  	v17 =	vld [tilespmem:s26+$0x8180]  }
0xa3: {  	v18 =	vld [tilespmem:s26+$0xA980]  }
0xa4: {  	v19 =	vld [tilespmem:s26+$0x8190]  }
0xa5: {  	v57 =	vld [tilespmem:s26+$0xA990]  }
0xa6: {  	v58 =	vld [tilespmem:s26+$0x81A0]  }
0xa7: {  	v59 =	vld [tilespmem:s26+$0xA9A0]  }
0xa8: {  	v60 =	vld [tilespmem:s26+$0x81B0]  }
0xa9: {  	v61 =	vld [tilespmem:s26+$0xA9B0]  }
0xaa: {  	v62 =	vld [tilespmem:s26+$0xA9C0];
	v17 =	vmul.f32 v18, v17;
	v18 =	vmul.f32 v57, v19  }
0xab: {  	v19 =	vld [tilespmem:s26+$0x81C0]  }
0xac: {  	v63 =	vld [tilespmem:s26+$0x81D0];
	v17 =	vadd.f32 v18, v17;
	v18 =	vmul.f32 v59, v58  }
0xad: {  	v28 =	vld [tilespmem:s26+$0xA9D0]  }
0xae: {  	v29 =	vld [tilespmem:s26+$0x81E0];
	v17 =	vadd.f32 v18, v17;
	v18 =	vmul.f32 v61, v60  }
0xaf: {  	v30 =	vld [tilespmem:s26+$0xA9E0]  }
0xb0: {  	v31 =	vld [tilespmem:s26+$0xA9F0];
	v17 =	vadd.f32 v18, v17;
	v18 =	vmul.f32 v62, v19  }
0xb1: {  	v19 =	vld [tilespmem:s26+$0x81F0]  }
0xb2: {  	v17 =	vadd.f32 v18, v17;
	v18 =	vmul.f32 v28, v63;
	_ =	sdelay $0x1  }
0xb3: {  	v17 =	vadd.f32 v18, v17;
	v18 =	vmul.f32 v30, v29;
	_ =	sdelay $0x1  }
0xb4: {  	v17 =	vadd.f32 v18, v17;
	v18 =	vmul.f32 v31, v19;
	_ =	sdelay $0x1  }
0xb5: {  	v17 =	vadd.f32 v18, v17;
	_ =	sdelay $0x1  }
0xb6: {  	[tilespmem:$0x7980] =	vst v17  }
0xb7: {  	v17 =	vld [tilespmem:s26+$0x8200]  }
0xb8: {  	v18 =	vld [tilespmem:s26+$0xAA00]  }
0xb9: {  	v19 =	vld [tilespmem:s26+$0x8210]  }
0xba: {  	v32 =	vld [tilespmem:s26+$0xAA10]  }
0xbb: {  	v33 =	vld [tilespmem:s26+$0x8220]  }
0xbc: {  	v34 =	vld [tilespmem:s26+$0xAA20]  }
0xbd: {  	v35 =	vld [tilespmem:s26+$0x8230]  }
0xbe: {  	v36 =	vld [tilespmem:s26+$0xAA30]  }
0xbf: {  	v37 =	vld [tilespmem:s26+$0xAA40];
	v17 =	vmul.f32 v18, v17;
	v18 =	vmul.f32 v32, v19  }
0xc0: {  	v19 =	vld [tilespmem:s26+$0x8240]  }
0xc1: {  	v38 =	vld [tilespmem:s26+$0x8250];
	v17 =	vadd.f32 v18, v17;
	v18 =	vmul.f32 v34, v33  }
0xc2: {  	v39 =	vld [tilespmem:s26+$0xAA50]  }
0xc3: {  	v40 =	vld [tilespmem:s26+$0x8260];
	v17 =	vadd.f32 v18, v17;
	v18 =	vmul.f32 v36, v35  }
0xc4: {  	v41 =	vld [tilespmem:s26+$0xAA60]  }
0xc5: {  	v42 =	vld [tilespmem:s26+$0xAA70];
	v17 =	vadd.f32 v18, v17;
	v18 =	vmul.f32 v37, v19  }
0xc6: {  	v19 =	vld [tilespmem:s26+$0x8270]  }
0xc7: {  	v17 =	vadd.f32 v18, v17;
	v18 =	vmul.f32 v39, v38;
	_ =	sdelay $0x1  }
0xc8: {  	v17 =	vadd.f32 v18, v17;
	v18 =	vmul.f32 v41, v40;
	_ =	sdelay $0x1  }
0xc9: {  	v17 =	vadd.f32 v18, v17;
	v18 =	vmul.f32 v42, v19;
	_ =	sdelay $0x1  }
0xca: {  	v17 =	vadd.f32 v18, v17;
	_ =	sdelay $0x1  }
0xcb: {  	[tilespmem:$0x7A00] =	vst v17  }
0xcc: {  	v17 =	vld [tilespmem:s26+$0x8280]  }
0xcd: {  	v18 =	vld [tilespmem:s26+$0xAA80]  }
0xce: {  	v19 =	vld [tilespmem:s26+$0x8290]  }
0xcf: {  	v43 =	vld [tilespmem:s26+$0xAA90]  }
0xd0: {  	v44 =	vld [tilespmem:s26+$0x82A0]  }
0xd1: {  	v45 =	vld [tilespmem:s26+$0xAAA0]  }
0xd2: {  	v46 =	vld [tilespmem:s26+$0x82B0]  }
0xd3: {  	v47 =	vld [tilespmem:s26+$0xAAB0]  }
0xd4: {  	v48 =	vld [tilespmem:s26+$0xAAC0];
	v17 =	vmul.f32 v18, v17;
	v18 =	vmul.f32 v43, v19  }
0xd5: {  	v19 =	vld [tilespmem:s26+$0x82C0]  }
0xd6: {  	v49 =	vld [tilespmem:s26+$0x82D0];
	v17 =	vadd.f32 v18, v17;
	v18 =	vmul.f32 v45, v44  }
0xd7: {  	v50 =	vld [tilespmem:s26+$0xAAD0]  }
0xd8: {  	v51 =	vld [tilespmem:s26+$0x82E0];
	v17 =	vadd.f32 v18, v17;
	v18 =	vmul.f32 v47, v46  }
0xd9: {  	v52 =	vld [tilespmem:s26+$0xAAE0]  }
0xda: {  	v53 =	vld [tilespmem:s26+$0xAAF0];
	v17 =	vadd.f32 v18, v17;
	v18 =	vmul.f32 v48, v19  }
0xdb: {  	v19 =	vld [tilespmem:s26+$0x82F0]  }
0xdc: {  	v17 =	vadd.f32 v18, v17;
	v18 =	vmul.f32 v50, v49;
	_ =	sdelay $0x1  }
0xdd: {  	v17 =	vadd.f32 v18, v17;
	v18 =	vmul.f32 v52, v51;
	_ =	sdelay $0x1  }
0xde: {  	v17 =	vadd.f32 v18, v17;
	v18 =	vmul.f32 v53, v19;
	_ =	sdelay $0x1  }
0xdf: {  	v17 =	vadd.f32 v18, v17;
	_ =	sdelay $0x1  }
0xe0: {  	[tilespmem:$0x7A80] =	vst v17  }
0xe1: {  	v17 =	vld [tilespmem:s26+$0x8300]  }
0xe2: {  	v18 =	vld [tilespmem:s26+$0xAB00]  }
0xe3: {  	v19 =	vld [tilespmem:s26+$0x8310]  }
0xe4: {  	v54 =	vld [tilespmem:s26+$0xAB10]  }
0xe5: {  	v55 =	vld [tilespmem:s26+$0x8320]  }
0xe6: {  	v56 =	vld [tilespmem:s26+$0xAB20]  }
0xe7: {  	v57 =	vld [tilespmem:s26+$0x8330]  }
0xe8: {  	v58 =	vld [tilespmem:s26+$0xAB30]  }
0xe9: {  	v59 =	vld [tilespmem:s26+$0xAB40];
	v17 =	vmul.f32 v18, v17;
	v18 =	vmul.f32 v54, v19  }
0xea: {  	v19 =	vld [tilespmem:s26+$0x8340]  }
0xeb: {  	v60 =	vld [tilespmem:s26+$0x8350];
	v17 =	vadd.f32 v18, v17;
	v18 =	vmul.f32 v56, v55  }
0xec: {  	v61 =	vld [tilespmem:s26+$0xAB50]  }
0xed: {  	v62 =	vld [tilespmem:s26+$0x8360];
	v17 =	vadd.f32 v18, v17;
	v18 =	vmul.f32 v58, v57  }
0xee: {  	v63 =	vld [tilespmem:s26+$0xAB60]  }
0xef: {  	v28 =	vld [tilespmem:s26+$0xAB70];
	v17 =	vadd.f32 v18, v17;
	v18 =	vmul.f32 v59, v19  }
0xf0: {  	v19 =	vld [tilespmem:s26+$0x8370]  }
0xf1: {  	v17 =	vadd.f32 v18, v17;
	v18 =	vmul.f32 v61, v60;
	_ =	sdelay $0x1  }
0xf2: {  	v17 =	vadd.f32 v18, v17;
	v18 =	vmul.f32 v63, v62;
	_ =	sdelay $0x1  }
0xf3: {  	v17 =	vadd.f32 v18, v17;
	v18 =	vmul.f32 v28, v19;
	_ =	sdelay $0x1  }
0xf4: {  	v17 =	vadd.f32 v18, v17;
	_ =	sdelay $0x1  }
0xf5: {  	[tilespmem:$0x7B00] =	vst v17  }
0xf6: {  	v17 =	vld [tilespmem:s26+$0x8380]  }
0xf7: {  	v18 =	vld [tilespmem:s26+$0xAB80]  }
0xf8: {  	v19 =	vld [tilespmem:s26+$0x8390]  }
0xf9: {  	v29 =	vld [tilespmem:s26+$0xAB90]  }
0xfa: {  	v30 =	vld [tilespmem:s26+$0x83A0]  }
0xfb: {  	v31 =	vld [tilespmem:s26+$0xABA0]  }
0xfc: {  	v32 =	vld [tilespmem:s26+$0x83B0]  }
0xfd: {  	v33 =	vld [tilespmem:s26+$0xABB0]  }
0xfe: {  	v34 =	vld [tilespmem:s26+$0xABC0];
	v17 =	vmul.f32 v18, v17;
	v18 =	vmul.f32 v29, v19  }
0xff: {  	v19 =	vld [tilespmem:s26+$0x83C0]  }
0x100: {  	v35 =	vld [tilespmem:s26+$0x83D0];
	v17 =	vadd.f32 v18, v17;
	v18 =	vmul.f32 v31, v30  }
0x101: {  	v36 =	vld [tilespmem:s26+$0xABD0]  }
0x102: {  	v37 =	vld [tilespmem:s26+$0x83E0];
	v17 =	vadd.f32 v18, v17;
	v18 =	vmul.f32 v33, v32  }
0x103: {  	v38 =	vld [tilespmem:s26+$0xABE0]  }
0x104: {  	v39 =	vld [tilespmem:s26+$0xABF0];
	v17 =	vadd.f32 v18, v17;
	v18 =	vmul.f32 v34, v19  }
0x105: {  	v19 =	vld [tilespmem:s26+$0x83F0]  }
0x106: {  	v17 =	vadd.f32 v18, v17;
	v18 =	vmul.f32 v36, v35;
	_ =	sdelay $0x1  }
0x107: {  	v17 =	vadd.f32 v18, v17;
	v18 =	vmul.f32 v38, v37;
	_ =	sdelay $0x1  }
0x108: {  	v17 =	vadd.f32 v18, v17;
	v18 =	vmul.f32 v39, v19;
	_ =	sdelay $0x1  }
0x109: {  	v17 =	vadd.f32 v18, v17;
	_ =	sdelay $0x1  }
0x10a: {  	[tilespmem:$0x7B80] =	vst v17  }
0x10b: {  	v17 =	vld [tilespmem:s26+$0x8400]  }
0x10c: {  	v18 =	vld [tilespmem:s26+$0xAC00]  }
0x10d: {  	v19 =	vld [tilespmem:s26+$0x8410]  }
0x10e: {  	v40 =	vld [tilespmem:s26+$0xAC10]  }
0x10f: {  	v41 =	vld [tilespmem:s26+$0x8420]  }
0x110: {  	v42 =	vld [tilespmem:s26+$0xAC20]  }
0x111: {  	v43 =	vld [tilespmem:s26+$0x8430]  }
0x112: {  	v44 =	vld [tilespmem:s26+$0xAC30]  }
0x113: {  	v45 =	vld [tilespmem:s26+$0xAC40];
	v17 =	vmul.f32 v18, v17;
	v18 =	vmul.f32 v40, v19  }
0x114: {  	v19 =	vld [tilespmem:s26+$0x8440]  }
0x115: {  	v46 =	vld [tilespmem:s26+$0x8450];
	v17 =	vadd.f32 v18, v17;
	v18 =	vmul.f32 v42, v41  }
0x116: {  	v47 =	vld [tilespmem:s26+$0xAC50]  }
0x117: {  	v48 =	vld [tilespmem:s26+$0x8460];
	v17 =	vadd.f32 v18, v17;
	v18 =	vmul.f32 v44, v43  }
0x118: {  	v49 =	vld [tilespmem:s26+$0xAC60]  }
0x119: {  	v50 =	vld [tilespmem:s26+$0xAC70];
	v17 =	vadd.f32 v18, v17;
	v18 =	vmul.f32 v45, v19  }
0x11a: {  	v19 =	vld [tilespmem:s26+$0x8470]  }
0x11b: {  	v17 =	vadd.f32 v18, v17;
	v18 =	vmul.f32 v47, v46;
	_ =	sdelay $0x1  }
0x11c: {  	v17 =	vadd.f32 v18, v17;
	v18 =	vmul.f32 v49, v48;
	_ =	sdelay $0x1  }
0x11d: {  	v17 =	vadd.f32 v18, v17;
	v18 =	vmul.f32 v50, v19;
	_ =	sdelay $0x1  }
0x11e: {  	v17 =	vadd.f32 v18, v17;
	_ =	sdelay $0x1  }
0x11f: {  	[tilespmem:$0x7C00] =	vst v17  }
0x120: {  	v17 =	vld [tilespmem:s26+$0x8480]  }
0x121: {  	v18 =	vld [tilespmem:s26+$0xAC80]  }
0x122: {  	v19 =	vld [tilespmem:s26+$0x8490]  }
0x123: {  	v51 =	vld [tilespmem:s26+$0xAC90]  }
0x124: {  	v52 =	vld [tilespmem:s26+$0x84A0]  }
0x125: {  	v53 =	vld [tilespmem:s26+$0xACA0]  }
0x126: {  	v54 =	vld [tilespmem:s26+$0x84B0]  }
0x127: {  	v55 =	vld [tilespmem:s26+$0xACB0]  }
0x128: {  	v56 =	vld [tilespmem:s26+$0xACC0];
	v17 =	vmul.f32 v18, v17;
	v18 =	vmul.f32 v51, v19  }
0x129: {  	v19 =	vld [tilespmem:s26+$0x84C0]  }
0x12a: {  	v57 =	vld [tilespmem:s26+$0x84D0];
	v17 =	vadd.f32 v18, v17;
	v18 =	vmul.f32 v53, v52  }
0x12b: {  	v58 =	vld [tilespmem:s26+$0xACD0]  }
0x12c: {  	v59 =	vld [tilespmem:s26+$0x84E0];
	v17 =	vadd.f32 v18, v17;
	v18 =	vmul.f32 v55, v54  }
0x12d: {  	v60 =	vld [tilespmem:s26+$0xACE0]  }
0x12e: {  	v61 =	vld [tilespmem:s26+$0xACF0];
	v17 =	vadd.f32 v18, v17;
	v18 =	vmul.f32 v56, v19  }
0x12f: {  	v19 =	vld [tilespmem:s26+$0x84F0]  }
0x130: {  	v17 =	vadd.f32 v18, v17;
	v18 =	vmul.f32 v58, v57;
	_ =	sdelay $0x1  }
0x131: {  	v17 =	vadd.f32 v18, v17;
	v18 =	vmul.f32 v60, v59;
	_ =	sdelay $0x1  }
0x132: {  	v17 =	vadd.f32 v18, v17;
	v18 =	vmul.f32 v61, v19;
	_ =	sdelay $0x1  }
0x133: {  	v17 =	vadd.f32 v18, v17;
	_ =	sdelay $0x1  }
0x134: {  	[tilespmem:$0x7C80] =	vst v17  }
0x135: {  	v17 =	vld [tilespmem:s26+$0x8500]  }
0x136: {  	v18 =	vld [tilespmem:s26+$0xAD00]  }
0x137: {  	v19 =	vld [tilespmem:s26+$0x8510]  }
0x138: {  	v62 =	vld [tilespmem:s26+$0xAD10]  }
0x139: {  	v63 =	vld [tilespmem:s26+$0x8520]  }
0x13a: {  	v28 =	vld [tilespmem:s26+$0xAD20]  }
0x13b: {  	v29 =	vld [tilespmem:s26+$0x8530]  }
0x13c: {  	v30 =	vld [tilespmem:s26+$0xAD30]  }
0x13d: {  	v31 =	vld [tilespmem:s26+$0xAD40];
	v17 =	vmul.f32 v18, v17;
	v18 =	vmul.f32 v62, v19  }
0x13e: {  	v19 =	vld [tilespmem:s26+$0x8540]  }
0x13f: {  	v32 =	vld [tilespmem:s26+$0x8550];
	v17 =	vadd.f32 v18, v17;
	v18 =	vmul.f32 v28, v63  }
0x140: {  	v33 =	vld [tilespmem:s26+$0xAD50]  }
0x141: {  	v34 =	vld [tilespmem:s26+$0x8560];
	v17 =	vadd.f32 v18, v17;
	v18 =	vmul.f32 v30, v29  }
0x142: {  	v35 =	vld [tilespmem:s26+$0xAD60]  }
0x143: {  	v36 =	vld [tilespmem:s26+$0xAD70];
	v17 =	vadd.f32 v18, v17;
	v18 =	vmul.f32 v31, v19  }
0x144: {  	v19 =	vld [tilespmem:s26+$0x8570]  }
0x145: {  	v17 =	vadd.f32 v18, v17;
	v18 =	vmul.f32 v33, v32;
	_ =	sdelay $0x1  }
0x146: {  	v17 =	vadd.f32 v18, v17;
	v18 =	vmul.f32 v35, v34;
	_ =	sdelay $0x1  }
0x147: {  	v17 =	vadd.f32 v18, v17;
	v18 =	vmul.f32 v36, v19;
	_ =	sdelay $0x1  }
0x148: {  	v17 =	vadd.f32 v18, v17;
	_ =	sdelay $0x1  }
0x149: {  	[tilespmem:$0x7D00] =	vst v17  }
0x14a: {  	v17 =	vld [tilespmem:s26+$0x8580]  }
0x14b: {  	v18 =	vld [tilespmem:s26+$0xAD80]  }
0x14c: {  	v19 =	vld [tilespmem:s26+$0x8590]  }
0x14d: {  	v37 =	vld [tilespmem:s26+$0xAD90]  }
0x14e: {  	v38 =	vld [tilespmem:s26+$0x85A0]  }
0x14f: {  	v39 =	vld [tilespmem:s26+$0xADA0]  }
0x150: {  	v40 =	vld [tilespmem:s26+$0x85B0]  }
0x151: {  	v41 =	vld [tilespmem:s26+$0xADB0]  }
0x152: {  	v42 =	vld [tilespmem:s26+$0xADC0];
	v17 =	vmul.f32 v18, v17;
	v18 =	vmul.f32 v37, v19  }
0x153: {  	v19 =	vld [tilespmem:s26+$0x85C0]  }
0x154: {  	v43 =	vld [tilespmem:s26+$0x85D0];
	v17 =	vadd.f32 v18, v17;
	v18 =	vmul.f32 v39, v38  }
0x155: {  	v44 =	vld [tilespmem:s26+$0xADD0]  }
0x156: {  	v45 =	vld [tilespmem:s26+$0x85E0];
	v17 =	vadd.f32 v18, v17;
	v18 =	vmul.f32 v41, v40  }
0x157: {  	v46 =	vld [tilespmem:s26+$0xADE0]  }
0x158: {  	v47 =	vld [tilespmem:s26+$0xADF0];
	v17 =	vadd.f32 v18, v17;
	v18 =	vmul.f32 v42, v19  }
0x159: {  	v19 =	vld [tilespmem:s26+$0x85F0]  }
0x15a: {  	v17 =	vadd.f32 v18, v17;
	v18 =	vmul.f32 v44, v43;
	_ =	sdelay $0x1  }
0x15b: {  	v17 =	vadd.f32 v18, v17;
	v18 =	vmul.f32 v46, v45;
	_ =	sdelay $0x1  }
0x15c: {  	v17 =	vadd.f32 v18, v17;
	v18 =	vmul.f32 v47, v19;
	_ =	sdelay $0x1  }
0x15d: {  	v17 =	vadd.f32 v18, v17;
	_ =	sdelay $0x1  }
0x15e: {  	[tilespmem:$0x7D80] =	vst v17  }
0x15f: {  	v17 =	vld [tilespmem:s26+$0x8600]  }
0x160: {  	v18 =	vld [tilespmem:s26+$0xAE00]  }
0x161: {  	v19 =	vld [tilespmem:s26+$0x8610]  }
0x162: {  	v48 =	vld [tilespmem:s26+$0xAE10]  }
0x163: {  	v49 =	vld [tilespmem:s26+$0x8620]  }
0x164: {  	v50 =	vld [tilespmem:s26+$0xAE20]  }
0x165: {  	v51 =	vld [tilespmem:s26+$0x8630]  }
0x166: {  	v52 =	vld [tilespmem:s26+$0xAE30]  }
0x167: {  	v53 =	vld [tilespmem:s26+$0xAE40];
	v17 =	vmul.f32 v18, v17;
	v18 =	vmul.f32 v48, v19  }
0x168: {  	v19 =	vld [tilespmem:s26+$0x8640]  }
0x169: {  	v54 =	vld [tilespmem:s26+$0x8650];
	v17 =	vadd.f32 v18, v17;
	v18 =	vmul.f32 v50, v49  }
0x16a: {  	v55 =	vld [tilespmem:s26+$0xAE50]  }
0x16b: {  	v56 =	vld [tilespmem:s26+$0x8660];
	v17 =	vadd.f32 v18, v17;
	v18 =	vmul.f32 v52, v51  }
0x16c: {  	v57 =	vld [tilespmem:s26+$0xAE60]  }
0x16d: {  	v58 =	vld [tilespmem:s26+$0xAE70];
	v17 =	vadd.f32 v18, v17;
	v18 =	vmul.f32 v53, v19  }
0x16e: {  	v19 =	vld [tilespmem:s26+$0x8670]  }
0x16f: {  	v17 =	vadd.f32 v18, v17;
	v18 =	vmul.f32 v55, v54;
	_ =	sdelay $0x1  }
0x170: {  	v17 =	vadd.f32 v18, v17;
	v18 =	vmul.f32 v57, v56;
	_ =	sdelay $0x1  }
0x171: {  	v17 =	vadd.f32 v18, v17;
	v18 =	vmul.f32 v58, v19;
	_ =	sdelay $0x1  }
0x172: {  	v17 =	vadd.f32 v18, v17;
	_ =	sdelay $0x1  }
0x173: {  	[tilespmem:$0x7E00] =	vst v17  }
0x174: {  	v17 =	vld.idx.msk [tilespmem:v0+s17+$0x0], $0xffff  }
0x175: {  	v18 =	vld.idx.msk [tilespmem:v1+s17+$0x0], $0xffff;
	_ =	sdelay $0x1  }
0x176: {  	v19 =	vld.idx.msk [tilespmem:v2+s17+$0x0], $0xffff;
	_ =	sdelay $0x1  }
0x177: {  	v59 =	vld.idx.msk [tilespmem:v3+s17+$0x0], $0xffff  }
0x178: {  	v17 =	vadd.f32 v18, v17  }
0x179: {  	v18 =	vld.idx.msk [tilespmem:v4+s17+$0x0], $0xffff  }
0x17a: {  	v17 =	vadd.f32 v19, v17  }
0x17b: {  	v19 =	vld.idx.msk [tilespmem:v5+s17+$0x0], $0xffff  }
0x17c: {  	v17 =	vadd.f32 v59, v17  }
0x17d: {  	v60 =	vld.idx.msk [tilespmem:v6+s17+$0x0], $0xffff  }
0x17e: {  	v17 =	vadd.f32 v18, v17  }
0x17f: {  	v18 =	vld.idx.msk [tilespmem:v7+s17+$0x0], $0xffff  }
0x180: {  	v17 =	vadd.f32 v19, v17  }
0x181: {  	v19 =	vld.idx.msk [tilespmem:v8+s17+$0x0], $0xffff  }
0x182: {  	v17 =	vadd.f32 v60, v17  }
0x183: {  	v61 =	vld.idx.msk [tilespmem:v9+s17+$0x0], $0xffff  }
0x184: {  	v17 =	vadd.f32 v18, v17  }
0x185: {  	v18 =	vld.idx.msk [tilespmem:v10+s17+$0x0], $0xffff  }
0x186: {  	v17 =	vadd.f32 v19, v17  }
0x187: {  	v19 =	vld.idx.msk [tilespmem:v11+s17+$0x0], $0xffff  }
0x188: {  	v17 =	vadd.f32 v61, v17  }
0x189: {  	v62 =	vld.idx.msk [tilespmem:v12+s17+$0x0], $0xffff  }
0x18a: {  	v17 =	vadd.f32 v18, v17  }
0x18b: {  	v18 =	vld.idx.msk [tilespmem:v13+s17+$0x0], $0xffff  }
0x18c: {  	v17 =	vadd.f32 v19, v17  }
0x18d: {  	v19 =	vld.idx.msk [tilespmem:v14+s17+$0x0], $0xffff  }
0x18e: {  	v17 =	vadd.f32 v62, v17  }
0x18f: {  	v63 =	vld.idx.msk [tilespmem:v15+s17+$0x0], $0xffff  }
0x190: {  	v17 =	vadd.f32 v18, v17  }
0x191: {  	p0 =	sne.s32 s25, $0x4  }
.Ltmp0:
0x192: {  	v17 =	vadd.f32 v19, v17;
	(pc) =	sbr.rel @p0 .LBB2_3-.Ltmp0, $4  }
0x193: {  	_ = 	snop  }
0x194: {  	s31 =	sshll.u32 s25, $0x4;
	v17 =	vadd.f32 v63, v17  }
0x195: {  	s26 =	sand.u32 $0x3FFFFFF0, s31  }
0x196: {  	s25 =	sadd.s32 $0x1, s25;
	[tilespmem:v16+s26+$0x0 ss:$0x1] =	vst.idx.msk $0xffff, v17  }
0x197: {  	s25 =	sadd.s32 $0xA0, s24  }
0x198: {  	[tilespmem:s11], [sflag:$0x1] =	stream.indirect.gather [hbm4b:s2+s10], $0x80, s25, s10, $0xb8;
	[tilespmem:$0x11E80] =	vst v63  }
0x199: {  	s30 =	sadd.s32 $0x2820, s24  }
0x19a: {  	[tilespmem:s12], [sflag:$0x2] =	stream.indirect.gather [hbm4b:s2+s10], $0x80, s30, s10, $0xb8;
	[tilespmem:$0x11E80] =	vst v63  }
0x19b: {  	_ =	swait.ge [sflag:s18], $0x2800  }
0x19c: {  	[sflag:s18] =	ssyncset.done $0x0  }
0x19d: {  	[sflag:s18] =	ssyncadd.s32 $0xFFFFD800  }
0x19e: {  	_ =	swait.ge [sflag:s19], $0x2800  }
0x19f: {  	s31 =	sadd.s32 $0x4F00, s23;
	[sflag:s19] =	ssyncset.done $0x0  }
0x1a0: {  	s23 =	simm.s32 $0x0;
	v16 =	vmov s31;
	[sflag:s19] =	ssyncadd.s32 $0xFFFFD800  }
.LBB2_5:
0x1a1: {  	s24 =	sshll.u32 s23, $0xB  }
0x1a2: {  	v17 =	vld [tilespmem:s24+$0xCE80]  }
0x1a3: {  	v18 =	vld [tilespmem:s24+$0xF680]  }
0x1a4: {  	v19 =	vld [tilespmem:s24+$0xCE90]  }
0x1a5: {  	v20 =	vld [tilespmem:s24+$0xF690]  }
0x1a6: {  	v21 =	vld [tilespmem:s24+$0xCEA0]  }
0x1a7: {  	v22 =	vld [tilespmem:s24+$0xF6A0]  }
0x1a8: {  	v23 =	vld [tilespmem:s24+$0xCEB0]  }
0x1a9: {  	v24 =	vld [tilespmem:s24+$0xF6B0]  }
0x1aa: {  	v32 =	vld [tilespmem:s24+$0xF6C0];
	v17 =	vmul.f32 v18, v17;
	v18 =	vmul.f32 v20, v19  }
0x1ab: {  	v19 =	vld [tilespmem:s24+$0xCEC0]  }
0x1ac: {  	v33 =	vld [tilespmem:s24+$0xCED0];
	v17 =	vadd.f32 v18, v17;
	v18 =	vmul.f32 v22, v21  }
0x1ad: {  	v34 =	vld [tilespmem:s24+$0xF6D0]  }
0x1ae: {  	v35 =	vld [tilespmem:s24+$0xCEE0];
	v17 =	vadd.f32 v18, v17;
	v18 =	vmul.f32 v24, v23  }
0x1af: {  	v36 =	vld [tilespmem:s24+$0xF6E0]  }
0x1b0: {  	v37 =	vld [tilespmem:s24+$0xF6F0];
	v17 =	vadd.f32 v18, v17;
	v18 =	vmul.f32 v32, v19  }
0x1b1: {  	v19 =	vld [tilespmem:s24+$0xCEF0]  }
0x1b2: {  	v17 =	vadd.f32 v18, v17;
	v18 =	vmul.f32 v34, v33;
	_ =	sdelay $0x1  }
0x1b3: {  	v17 =	vadd.f32 v18, v17;
	v18 =	vmul.f32 v36, v35;
	_ =	sdelay $0x1  }
0x1b4: {  	v17 =	vadd.f32 v18, v17;
	v18 =	vmul.f32 v37, v19;
	_ =	sdelay $0x1  }
0x1b5: {  	v17 =	vadd.f32 v18, v17;
	_ =	sdelay $0x1  }
0x1b6: {  	[tilespmem:$0x7680] =	vst v17  }
0x1b7: {  	v17 =	vld [tilespmem:s24+$0xCF00]  }
0x1b8: {  	v18 =	vld [tilespmem:s24+$0xF700]  }
0x1b9: {  	v19 =	vld [tilespmem:s24+$0xCF10]  }
0x1ba: {  	v38 =	vld [tilespmem:s24+$0xF710]  }
0x1bb: {  	v39 =	vld [tilespmem:s24+$0xCF20]  }
0x1bc: {  	v40 =	vld [tilespmem:s24+$0xF720]  }
0x1bd: {  	v41 =	vld [tilespmem:s24+$0xCF30]  }
0x1be: {  	v42 =	vld [tilespmem:s24+$0xF730]  }
0x1bf: {  	v43 =	vld [tilespmem:s24+$0xF740];
	v17 =	vmul.f32 v18, v17;
	v18 =	vmul.f32 v38, v19  }
0x1c0: {  	v19 =	vld [tilespmem:s24+$0xCF40]  }
0x1c1: {  	v44 =	vld [tilespmem:s24+$0xCF50];
	v17 =	vadd.f32 v18, v17;
	v18 =	vmul.f32 v40, v39  }
0x1c2: {  	v45 =	vld [tilespmem:s24+$0xF750]  }
0x1c3: {  	v46 =	vld [tilespmem:s24+$0xCF60];
	v17 =	vadd.f32 v18, v17;
	v18 =	vmul.f32 v42, v41  }
0x1c4: {  	v47 =	vld [tilespmem:s24+$0xF760]  }
0x1c5: {  	v48 =	vld [tilespmem:s24+$0xF770];
	v17 =	vadd.f32 v18, v17;
	v18 =	vmul.f32 v43, v19  }
0x1c6: {  	v19 =	vld [tilespmem:s24+$0xCF70]  }
0x1c7: {  	v17 =	vadd.f32 v18, v17;
	v18 =	vmul.f32 v45, v44;
	_ =	sdelay $0x1  }
0x1c8: {  	v17 =	vadd.f32 v18, v17;
	v18 =	vmul.f32 v47, v46;
	_ =	sdelay $0x1  }
0x1c9: {  	v17 =	vadd.f32 v18, v17;
	v18 =	vmul.f32 v48, v19;
	_ =	sdelay $0x1  }
0x1ca: {  	v17 =	vadd.f32 v18, v17;
	_ =	sdelay $0x1  }
0x1cb: {  	[tilespmem:$0x7700] =	vst v17  }
0x1cc: {  	v17 =	vld [tilespmem:s24+$0xCF80]  }
0x1cd: {  	v18 =	vld [tilespmem:s24+$0xF780]  }
0x1ce: {  	v19 =	vld [tilespmem:s24+$0xCF90]  }
0x1cf: {  	v49 =	vld [tilespmem:s24+$0xF790]  }
0x1d0: {  	v50 =	vld [tilespmem:s24+$0xCFA0]  }
0x1d1: {  	v51 =	vld [tilespmem:s24+$0xF7A0]  }
0x1d2: {  	v52 =	vld [tilespmem:s24+$0xCFB0]  }
0x1d3: {  	v53 =	vld [tilespmem:s24+$0xF7B0]  }
0x1d4: {  	v54 =	vld [tilespmem:s24+$0xF7C0];
	v17 =	vmul.f32 v18, v17;
	v18 =	vmul.f32 v49, v19  }
0x1d5: {  	v19 =	vld [tilespmem:s24+$0xCFC0]  }
0x1d6: {  	v55 =	vld [tilespmem:s24+$0xCFD0];
	v17 =	vadd.f32 v18, v17;
	v18 =	vmul.f32 v51, v50  }
0x1d7: {  	v56 =	vld [tilespmem:s24+$0xF7D0]  }
0x1d8: {  	v57 =	vld [tilespmem:s24+$0xCFE0];
	v17 =	vadd.f32 v18, v17;
	v18 =	vmul.f32 v53, v52  }
0x1d9: {  	v58 =	vld [tilespmem:s24+$0xF7E0]  }
0x1da: {  	v59 =	vld [tilespmem:s24+$0xF7F0];
	v17 =	vadd.f32 v18, v17;
	v18 =	vmul.f32 v54, v19  }
0x1db: {  	v19 =	vld [tilespmem:s24+$0xCFF0]  }
0x1dc: {  	v17 =	vadd.f32 v18, v17;
	v18 =	vmul.f32 v56, v55;
	_ =	sdelay $0x1  }
0x1dd: {  	v17 =	vadd.f32 v18, v17;
	v18 =	vmul.f32 v58, v57;
	_ =	sdelay $0x1  }
0x1de: {  	v17 =	vadd.f32 v18, v17;
	v18 =	vmul.f32 v59, v19;
	_ =	sdelay $0x1  }
0x1df: {  	v17 =	vadd.f32 v18, v17;
	_ =	sdelay $0x1  }
0x1e0: {  	[tilespmem:$0x7780] =	vst v17  }
0x1e1: {  	v17 =	vld [tilespmem:s24+$0xD000]  }
0x1e2: {  	v18 =	vld [tilespmem:s24+$0xF800]  }
0x1e3: {  	v19 =	vld [tilespmem:s24+$0xD010]  }
0x1e4: {  	v60 =	vld [tilespmem:s24+$0xF810]  }
0x1e5: {  	v61 =	vld [tilespmem:s24+$0xD020]  }
0x1e6: {  	v62 =	vld [tilespmem:s24+$0xF820]  }
0x1e7: {  	v63 =	vld [tilespmem:s24+$0xD030]  }
0x1e8: {  	v28 =	vld [tilespmem:s24+$0xF830]  }
0x1e9: {  	v29 =	vld [tilespmem:s24+$0xF840];
	v17 =	vmul.f32 v18, v17;
	v18 =	vmul.f32 v60, v19  }
0x1ea: {  	v19 =	vld [tilespmem:s24+$0xD040]  }
0x1eb: {  	v30 =	vld [tilespmem:s24+$0xD050];
	v17 =	vadd.f32 v18, v17;
	v18 =	vmul.f32 v62, v61  }
0x1ec: {  	v31 =	vld [tilespmem:s24+$0xF850]  }
0x1ed: {  	v32 =	vld [tilespmem:s24+$0xD060];
	v17 =	vadd.f32 v18, v17;
	v18 =	vmul.f32 v28, v63  }
0x1ee: {  	v33 =	vld [tilespmem:s24+$0xF860]  }
0x1ef: {  	v34 =	vld [tilespmem:s24+$0xF870];
	v17 =	vadd.f32 v18, v17;
	v18 =	vmul.f32 v29, v19  }
0x1f0: {  	v19 =	vld [tilespmem:s24+$0xD070]  }
0x1f1: {  	v17 =	vadd.f32 v18, v17;
	v18 =	vmul.f32 v31, v30;
	_ =	sdelay $0x1  }
0x1f2: {  	v17 =	vadd.f32 v18, v17;
	v18 =	vmul.f32 v33, v32;
	_ =	sdelay $0x1  }
0x1f3: {  	v17 =	vadd.f32 v18, v17;
	v18 =	vmul.f32 v34, v19;
	_ =	sdelay $0x1  }
0x1f4: {  	v17 =	vadd.f32 v18, v17;
	_ =	sdelay $0x1  }
0x1f5: {  	[tilespmem:$0x7800] =	vst v17  }
0x1f6: {  	v17 =	vld [tilespmem:s24+$0xD080]  }
0x1f7: {  	v18 =	vld [tilespmem:s24+$0xF880]  }
0x1f8: {  	v19 =	vld [tilespmem:s24+$0xD090]  }
0x1f9: {  	v35 =	vld [tilespmem:s24+$0xF890]  }
0x1fa: {  	v36 =	vld [tilespmem:s24+$0xD0A0]  }
0x1fb: {  	v37 =	vld [tilespmem:s24+$0xF8A0]  }
0x1fc: {  	v38 =	vld [tilespmem:s24+$0xD0B0]  }
0x1fd: {  	v39 =	vld [tilespmem:s24+$0xF8B0]  }
0x1fe: {  	v40 =	vld [tilespmem:s24+$0xF8C0];
	v17 =	vmul.f32 v18, v17;
	v18 =	vmul.f32 v35, v19  }
0x1ff: {  	v19 =	vld [tilespmem:s24+$0xD0C0]  }
0x200: {  	v41 =	vld [tilespmem:s24+$0xD0D0];
	v17 =	vadd.f32 v18, v17;
	v18 =	vmul.f32 v37, v36  }
0x201: {  	v42 =	vld [tilespmem:s24+$0xF8D0]  }
0x202: {  	v43 =	vld [tilespmem:s24+$0xD0E0];
	v17 =	vadd.f32 v18, v17;
	v18 =	vmul.f32 v39, v38  }
0x203: {  	v44 =	vld [tilespmem:s24+$0xF8E0]  }
0x204: {  	v45 =	vld [tilespmem:s24+$0xF8F0];
	v17 =	vadd.f32 v18, v17;
	v18 =	vmul.f32 v40, v19  }
0x205: {  	v19 =	vld [tilespmem:s24+$0xD0F0]  }
0x206: {  	v17 =	vadd.f32 v18, v17;
	v18 =	vmul.f32 v42, v41;
	_ =	sdelay $0x1  }
0x207: {  	v17 =	vadd.f32 v18, v17;
	v18 =	vmul.f32 v44, v43;
	_ =	sdelay $0x1  }
0x208: {  	v17 =	vadd.f32 v18, v17;
	v18 =	vmul.f32 v45, v19;
	_ =	sdelay $0x1  }
0x209: {  	v17 =	vadd.f32 v18, v17;
	_ =	sdelay $0x1  }
0x20a: {  	[tilespmem:$0x7880] =	vst v17  }
0x20b: {  	v17 =	vld [tilespmem:s24+$0xD100]  }
0x20c: {  	v18 =	vld [tilespmem:s24+$0xF900]  }
0x20d: {  	v19 =	vld [tilespmem:s24+$0xD110]  }
0x20e: {  	v46 =	vld [tilespmem:s24+$0xF910]  }
0x20f: {  	v47 =	vld [tilespmem:s24+$0xD120]  }
0x210: {  	v48 =	vld [tilespmem:s24+$0xF920]  }
0x211: {  	v49 =	vld [tilespmem:s24+$0xD130]  }
0x212: {  	v50 =	vld [tilespmem:s24+$0xF930]  }
0x213: {  	v51 =	vld [tilespmem:s24+$0xF940];
	v17 =	vmul.f32 v18, v17;
	v18 =	vmul.f32 v46, v19  }
0x214: {  	v19 =	vld [tilespmem:s24+$0xD140]  }
0x215: {  	v52 =	vld [tilespmem:s24+$0xD150];
	v17 =	vadd.f32 v18, v17;
	v18 =	vmul.f32 v48, v47  }
0x216: {  	v53 =	vld [tilespmem:s24+$0xF950]  }
0x217: {  	v54 =	vld [tilespmem:s24+$0xD160];
	v17 =	vadd.f32 v18, v17;
	v18 =	vmul.f32 v50, v49  }
0x218: {  	v55 =	vld [tilespmem:s24+$0xF960]  }
0x219: {  	v56 =	vld [tilespmem:s24+$0xF970];
	v17 =	vadd.f32 v18, v17;
	v18 =	vmul.f32 v51, v19  }
0x21a: {  	v19 =	vld [tilespmem:s24+$0xD170]  }
0x21b: {  	v17 =	vadd.f32 v18, v17;
	v18 =	vmul.f32 v53, v52;
	_ =	sdelay $0x1  }
0x21c: {  	v17 =	vadd.f32 v18, v17;
	v18 =	vmul.f32 v55, v54;
	_ =	sdelay $0x1  }
0x21d: {  	v17 =	vadd.f32 v18, v17;
	v18 =	vmul.f32 v56, v19;
	_ =	sdelay $0x1  }
0x21e: {  	v17 =	vadd.f32 v18, v17;
	_ =	sdelay $0x1  }
0x21f: {  	[tilespmem:$0x7900] =	vst v17  }
0x220: {  	v17 =	vld [tilespmem:s24+$0xD180]  }
0x221: {  	v18 =	vld [tilespmem:s24+$0xF980]  }
0x222: {  	v19 =	vld [tilespmem:s24+$0xD190]  }
0x223: {  	v57 =	vld [tilespmem:s24+$0xF990]  }
0x224: {  	v58 =	vld [tilespmem:s24+$0xD1A0]  }
0x225: {  	v59 =	vld [tilespmem:s24+$0xF9A0]  }
0x226: {  	v60 =	vld [tilespmem:s24+$0xD1B0]  }
0x227: {  	v61 =	vld [tilespmem:s24+$0xF9B0]  }
0x228: {  	v62 =	vld [tilespmem:s24+$0xF9C0];
	v17 =	vmul.f32 v18, v17;
	v18 =	vmul.f32 v57, v19  }
0x229: {  	v19 =	vld [tilespmem:s24+$0xD1C0]  }
0x22a: {  	v63 =	vld [tilespmem:s24+$0xD1D0];
	v17 =	vadd.f32 v18, v17;
	v18 =	vmul.f32 v59, v58  }
0x22b: {  	v28 =	vld [tilespmem:s24+$0xF9D0]  }
0x22c: {  	v29 =	vld [tilespmem:s24+$0xD1E0];
	v17 =	vadd.f32 v18, v17;
	v18 =	vmul.f32 v61, v60  }
0x22d: {  	v30 =	vld [tilespmem:s24+$0xF9E0]  }
0x22e: {  	v31 =	vld [tilespmem:s24+$0xF9F0];
	v17 =	vadd.f32 v18, v17;
	v18 =	vmul.f32 v62, v19  }
0x22f: {  	v19 =	vld [tilespmem:s24+$0xD1F0]  }
0x230: {  	v17 =	vadd.f32 v18, v17;
	v18 =	vmul.f32 v28, v63;
	_ =	sdelay $0x1  }
0x231: {  	v17 =	vadd.f32 v18, v17;
	v18 =	vmul.f32 v30, v29;
	_ =	sdelay $0x1  }
0x232: {  	v17 =	vadd.f32 v18, v17;
	v18 =	vmul.f32 v31, v19;
	_ =	sdelay $0x1  }
0x233: {  	v17 =	vadd.f32 v18, v17;
	_ =	sdelay $0x1  }
0x234: {  	[tilespmem:$0x7980] =	vst v17  }
0x235: {  	v17 =	vld [tilespmem:s24+$0xD200]  }
0x236: {  	v18 =	vld [tilespmem:s24+$0xFA00]  }
0x237: {  	v19 =	vld [tilespmem:s24+$0xD210]  }
0x238: {  	v32 =	vld [tilespmem:s24+$0xFA10]  }
0x239: {  	v33 =	vld [tilespmem:s24+$0xD220]  }
0x23a: {  	v34 =	vld [tilespmem:s24+$0xFA20]  }
0x23b: {  	v35 =	vld [tilespmem:s24+$0xD230]  }
0x23c: {  	v36 =	vld [tilespmem:s24+$0xFA30]  }
0x23d: {  	v37 =	vld [tilespmem:s24+$0xFA40];
	v17 =	vmul.f32 v18, v17;
	v18 =	vmul.f32 v32, v19  }
0x23e: {  	v19 =	vld [tilespmem:s24+$0xD240]  }
0x23f: {  	v38 =	vld [tilespmem:s24+$0xD250];
	v17 =	vadd.f32 v18, v17;
	v18 =	vmul.f32 v34, v33  }
0x240: {  	v39 =	vld [tilespmem:s24+$0xFA50]  }
0x241: {  	v40 =	vld [tilespmem:s24+$0xD260];
	v17 =	vadd.f32 v18, v17;
	v18 =	vmul.f32 v36, v35  }
0x242: {  	v41 =	vld [tilespmem:s24+$0xFA60]  }
0x243: {  	v42 =	vld [tilespmem:s24+$0xFA70];
	v17 =	vadd.f32 v18, v17;
	v18 =	vmul.f32 v37, v19  }
0x244: {  	v19 =	vld [tilespmem:s24+$0xD270]  }
0x245: {  	v17 =	vadd.f32 v18, v17;
	v18 =	vmul.f32 v39, v38;
	_ =	sdelay $0x1  }
0x246: {  	v17 =	vadd.f32 v18, v17;
	v18 =	vmul.f32 v41, v40;
	_ =	sdelay $0x1  }
0x247: {  	v17 =	vadd.f32 v18, v17;
	v18 =	vmul.f32 v42, v19;
	_ =	sdelay $0x1  }
0x248: {  	v17 =	vadd.f32 v18, v17;
	_ =	sdelay $0x1  }
0x249: {  	[tilespmem:$0x7A00] =	vst v17  }
0x24a: {  	v17 =	vld [tilespmem:s24+$0xD280]  }
0x24b: {  	v18 =	vld [tilespmem:s24+$0xFA80]  }
0x24c: {  	v19 =	vld [tilespmem:s24+$0xD290]  }
0x24d: {  	v43 =	vld [tilespmem:s24+$0xFA90]  }
0x24e: {  	v44 =	vld [tilespmem:s24+$0xD2A0]  }
0x24f: {  	v45 =	vld [tilespmem:s24+$0xFAA0]  }
0x250: {  	v46 =	vld [tilespmem:s24+$0xD2B0]  }
0x251: {  	v47 =	vld [tilespmem:s24+$0xFAB0]  }
0x252: {  	v48 =	vld [tilespmem:s24+$0xFAC0];
	v17 =	vmul.f32 v18, v17;
	v18 =	vmul.f32 v43, v19  }
0x253: {  	v19 =	vld [tilespmem:s24+$0xD2C0]  }
0x254: {  	v49 =	vld [tilespmem:s24+$0xD2D0];
	v17 =	vadd.f32 v18, v17;
	v18 =	vmul.f32 v45, v44  }
0x255: {  	v50 =	vld [tilespmem:s24+$0xFAD0]  }
0x256: {  	v51 =	vld [tilespmem:s24+$0xD2E0];
	v17 =	vadd.f32 v18, v17;
	v18 =	vmul.f32 v47, v46  }
0x257: {  	v52 =	vld [tilespmem:s24+$0xFAE0]  }
0x258: {  	v53 =	vld [tilespmem:s24+$0xFAF0];
	v17 =	vadd.f32 v18, v17;
	v18 =	vmul.f32 v48, v19  }
0x259: {  	v19 =	vld [tilespmem:s24+$0xD2F0]  }
0x25a: {  	v17 =	vadd.f32 v18, v17;
	v18 =	vmul.f32 v50, v49;
	_ =	sdelay $0x1  }
0x25b: {  	v17 =	vadd.f32 v18, v17;
	v18 =	vmul.f32 v52, v51;
	_ =	sdelay $0x1  }
0x25c: {  	v17 =	vadd.f32 v18, v17;
	v18 =	vmul.f32 v53, v19;
	_ =	sdelay $0x1  }
0x25d: {  	v17 =	vadd.f32 v18, v17;
	_ =	sdelay $0x1  }
0x25e: {  	[tilespmem:$0x7A80] =	vst v17  }
0x25f: {  	v17 =	vld [tilespmem:s24+$0xD300]  }
0x260: {  	v18 =	vld [tilespmem:s24+$0xFB00]  }
0x261: {  	v19 =	vld [tilespmem:s24+$0xD310]  }
0x262: {  	v54 =	vld [tilespmem:s24+$0xFB10]  }
0x263: {  	v55 =	vld [tilespmem:s24+$0xD320]  }
0x264: {  	v56 =	vld [tilespmem:s24+$0xFB20]  }
0x265: {  	v57 =	vld [tilespmem:s24+$0xD330]  }
0x266: {  	v58 =	vld [tilespmem:s24+$0xFB30]  }
0x267: {  	v59 =	vld [tilespmem:s24+$0xFB40];
	v17 =	vmul.f32 v18, v17;
	v18 =	vmul.f32 v54, v19  }
0x268: {  	v19 =	vld [tilespmem:s24+$0xD340]  }
0x269: {  	v60 =	vld [tilespmem:s24+$0xD350];
	v17 =	vadd.f32 v18, v17;
	v18 =	vmul.f32 v56, v55  }
0x26a: {  	v61 =	vld [tilespmem:s24+$0xFB50]  }
0x26b: {  	v62 =	vld [tilespmem:s24+$0xD360];
	v17 =	vadd.f32 v18, v17;
	v18 =	vmul.f32 v58, v57  }
0x26c: {  	v63 =	vld [tilespmem:s24+$0xFB60]  }
0x26d: {  	v28 =	vld [tilespmem:s24+$0xFB70];
	v17 =	vadd.f32 v18, v17;
	v18 =	vmul.f32 v59, v19  }
0x26e: {  	v19 =	vld [tilespmem:s24+$0xD370]  }
0x26f: {  	v17 =	vadd.f32 v18, v17;
	v18 =	vmul.f32 v61, v60;
	_ =	sdelay $0x1  }
0x270: {  	v17 =	vadd.f32 v18, v17;
	v18 =	vmul.f32 v63, v62;
	_ =	sdelay $0x1  }
0x271: {  	v17 =	vadd.f32 v18, v17;
	v18 =	vmul.f32 v28, v19;
	_ =	sdelay $0x1  }
0x272: {  	v17 =	vadd.f32 v18, v17;
	_ =	sdelay $0x1  }
0x273: {  	[tilespmem:$0x7B00] =	vst v17  }
0x274: {  	v17 =	vld [tilespmem:s24+$0xD380]  }
0x275: {  	v18 =	vld [tilespmem:s24+$0xFB80]  }
0x276: {  	v19 =	vld [tilespmem:s24+$0xD390]  }
0x277: {  	v29 =	vld [tilespmem:s24+$0xFB90]  }
0x278: {  	v30 =	vld [tilespmem:s24+$0xD3A0]  }
0x279: {  	v31 =	vld [tilespmem:s24+$0xFBA0]  }
0x27a: {  	v32 =	vld [tilespmem:s24+$0xD3B0]  }
0x27b: {  	v33 =	vld [tilespmem:s24+$0xFBB0]  }
0x27c: {  	v34 =	vld [tilespmem:s24+$0xFBC0];
	v17 =	vmul.f32 v18, v17;
	v18 =	vmul.f32 v29, v19  }
0x27d: {  	v19 =	vld [tilespmem:s24+$0xD3C0]  }
0x27e: {  	v35 =	vld [tilespmem:s24+$0xD3D0];
	v17 =	vadd.f32 v18, v17;
	v18 =	vmul.f32 v31, v30  }
0x27f: {  	v36 =	vld [tilespmem:s24+$0xFBD0]  }
0x280: {  	v37 =	vld [tilespmem:s24+$0xD3E0];
	v17 =	vadd.f32 v18, v17;
	v18 =	vmul.f32 v33, v32  }
0x281: {  	v38 =	vld [tilespmem:s24+$0xFBE0]  }
0x282: {  	v39 =	vld [tilespmem:s24+$0xFBF0];
	v17 =	vadd.f32 v18, v17;
	v18 =	vmul.f32 v34, v19  }
0x283: {  	v19 =	vld [tilespmem:s24+$0xD3F0]  }
0x284: {  	v17 =	vadd.f32 v18, v17;
	v18 =	vmul.f32 v36, v35;
	_ =	sdelay $0x1  }
0x285: {  	v17 =	vadd.f32 v18, v17;
	v18 =	vmul.f32 v38, v37;
	_ =	sdelay $0x1  }
0x286: {  	v17 =	vadd.f32 v18, v17;
	v18 =	vmul.f32 v39, v19;
	_ =	sdelay $0x1  }
0x287: {  	v17 =	vadd.f32 v18, v17;
	_ =	sdelay $0x1  }
0x288: {  	[tilespmem:$0x7B80] =	vst v17  }
0x289: {  	v17 =	vld [tilespmem:s24+$0xD400]  }
0x28a: {  	v18 =	vld [tilespmem:s24+$0xFC00]  }
0x28b: {  	v19 =	vld [tilespmem:s24+$0xD410]  }
0x28c: {  	v40 =	vld [tilespmem:s24+$0xFC10]  }
0x28d: {  	v41 =	vld [tilespmem:s24+$0xD420]  }
0x28e: {  	v42 =	vld [tilespmem:s24+$0xFC20]  }
0x28f: {  	v43 =	vld [tilespmem:s24+$0xD430]  }
0x290: {  	v44 =	vld [tilespmem:s24+$0xFC30]  }
0x291: {  	v45 =	vld [tilespmem:s24+$0xFC40];
	v17 =	vmul.f32 v18, v17;
	v18 =	vmul.f32 v40, v19  }
0x292: {  	v19 =	vld [tilespmem:s24+$0xD440]  }
0x293: {  	v46 =	vld [tilespmem:s24+$0xD450];
	v17 =	vadd.f32 v18, v17;
	v18 =	vmul.f32 v42, v41  }
0x294: {  	v47 =	vld [tilespmem:s24+$0xFC50]  }
0x295: {  	v48 =	vld [tilespmem:s24+$0xD460];
	v17 =	vadd.f32 v18, v17;
	v18 =	vmul.f32 v44, v43  }
0x296: {  	v49 =	vld [tilespmem:s24+$0xFC60]  }
0x297: {  	v50 =	vld [tilespmem:s24+$0xFC70];
	v17 =	vadd.f32 v18, v17;
	v18 =	vmul.f32 v45, v19  }
0x298: {  	v19 =	vld [tilespmem:s24+$0xD470]  }
0x299: {  	v17 =	vadd.f32 v18, v17;
	v18 =	vmul.f32 v47, v46;
	_ =	sdelay $0x1  }
0x29a: {  	v17 =	vadd.f32 v18, v17;
	v18 =	vmul.f32 v49, v48;
	_ =	sdelay $0x1  }
0x29b: {  	v17 =	vadd.f32 v18, v17;
	v18 =	vmul.f32 v50, v19;
	_ =	sdelay $0x1  }
0x29c: {  	v17 =	vadd.f32 v18, v17;
	_ =	sdelay $0x1  }
0x29d: {  	[tilespmem:$0x7C00] =	vst v17  }
0x29e: {  	v17 =	vld [tilespmem:s24+$0xD480]  }
0x29f: {  	v18 =	vld [tilespmem:s24+$0xFC80]  }
0x2a0: {  	v19 =	vld [tilespmem:s24+$0xD490]  }
0x2a1: {  	v51 =	vld [tilespmem:s24+$0xFC90]  }
0x2a2: {  	v52 =	vld [tilespmem:s24+$0xD4A0]  }
0x2a3: {  	v53 =	vld [tilespmem:s24+$0xFCA0]  }
0x2a4: {  	v54 =	vld [tilespmem:s24+$0xD4B0]  }
0x2a5: {  	v55 =	vld [tilespmem:s24+$0xFCB0]  }
0x2a6: {  	v56 =	vld [tilespmem:s24+$0xFCC0];
	v17 =	vmul.f32 v18, v17;
	v18 =	vmul.f32 v51, v19  }
0x2a7: {  	v19 =	vld [tilespmem:s24+$0xD4C0]  }
0x2a8: {  	v57 =	vld [tilespmem:s24+$0xD4D0];
	v17 =	vadd.f32 v18, v17;
	v18 =	vmul.f32 v53, v52  }
0x2a9: {  	v58 =	vld [tilespmem:s24+$0xFCD0]  }
0x2aa: {  	v59 =	vld [tilespmem:s24+$0xD4E0];
	v17 =	vadd.f32 v18, v17;
	v18 =	vmul.f32 v55, v54  }
0x2ab: {  	v60 =	vld [tilespmem:s24+$0xFCE0]  }
0x2ac: {  	v61 =	vld [tilespmem:s24+$0xFCF0];
	v17 =	vadd.f32 v18, v17;
	v18 =	vmul.f32 v56, v19  }
0x2ad: {  	v19 =	vld [tilespmem:s24+$0xD4F0]  }
0x2ae: {  	v17 =	vadd.f32 v18, v17;
	v18 =	vmul.f32 v58, v57;
	_ =	sdelay $0x1  }
0x2af: {  	v17 =	vadd.f32 v18, v17;
	v18 =	vmul.f32 v60, v59;
	_ =	sdelay $0x1  }
0x2b0: {  	v17 =	vadd.f32 v18, v17;
	v18 =	vmul.f32 v61, v19;
	_ =	sdelay $0x1  }
0x2b1: {  	v17 =	vadd.f32 v18, v17;
	_ =	sdelay $0x1  }
0x2b2: {  	[tilespmem:$0x7C80] =	vst v17  }
0x2b3: {  	v17 =	vld [tilespmem:s24+$0xD500]  }
0x2b4: {  	v18 =	vld [tilespmem:s24+$0xFD00]  }
0x2b5: {  	v19 =	vld [tilespmem:s24+$0xD510]  }
0x2b6: {  	v62 =	vld [tilespmem:s24+$0xFD10]  }
0x2b7: {  	v63 =	vld [tilespmem:s24+$0xD520]  }
0x2b8: {  	v28 =	vld [tilespmem:s24+$0xFD20]  }
0x2b9: {  	v29 =	vld [tilespmem:s24+$0xD530]  }
0x2ba: {  	v30 =	vld [tilespmem:s24+$0xFD30]  }
0x2bb: {  	v31 =	vld [tilespmem:s24+$0xFD40];
	v17 =	vmul.f32 v18, v17;
	v18 =	vmul.f32 v62, v19  }
0x2bc: {  	v19 =	vld [tilespmem:s24+$0xD540]  }
0x2bd: {  	v32 =	vld [tilespmem:s24+$0xD550];
	v17 =	vadd.f32 v18, v17;
	v18 =	vmul.f32 v28, v63  }
0x2be: {  	v33 =	vld [tilespmem:s24+$0xFD50]  }
0x2bf: {  	v34 =	vld [tilespmem:s24+$0xD560];
	v17 =	vadd.f32 v18, v17;
	v18 =	vmul.f32 v30, v29  }
0x2c0: {  	v35 =	vld [tilespmem:s24+$0xFD60]  }
0x2c1: {  	v36 =	vld [tilespmem:s24+$0xFD70];
	v17 =	vadd.f32 v18, v17;
	v18 =	vmul.f32 v31, v19  }
0x2c2: {  	v19 =	vld [tilespmem:s24+$0xD570]  }
0x2c3: {  	v17 =	vadd.f32 v18, v17;
	v18 =	vmul.f32 v33, v32;
	_ =	sdelay $0x1  }
0x2c4: {  	v17 =	vadd.f32 v18, v17;
	v18 =	vmul.f32 v35, v34;
	_ =	sdelay $0x1  }
0x2c5: {  	v17 =	vadd.f32 v18, v17;
	v18 =	vmul.f32 v36, v19;
	_ =	sdelay $0x1  }
0x2c6: {  	v17 =	vadd.f32 v18, v17;
	_ =	sdelay $0x1  }
0x2c7: {  	[tilespmem:$0x7D00] =	vst v17  }
0x2c8: {  	v17 =	vld [tilespmem:s24+$0xD580]  }
0x2c9: {  	v18 =	vld [tilespmem:s24+$0xFD80]  }
0x2ca: {  	v19 =	vld [tilespmem:s24+$0xD590]  }
0x2cb: {  	v37 =	vld [tilespmem:s24+$0xFD90]  }
0x2cc: {  	v38 =	vld [tilespmem:s24+$0xD5A0]  }
0x2cd: {  	v39 =	vld [tilespmem:s24+$0xFDA0]  }
0x2ce: {  	v40 =	vld [tilespmem:s24+$0xD5B0]  }
0x2cf: {  	v41 =	vld [tilespmem:s24+$0xFDB0]  }
0x2d0: {  	v42 =	vld [tilespmem:s24+$0xFDC0];
	v17 =	vmul.f32 v18, v17;
	v18 =	vmul.f32 v37, v19  }
0x2d1: {  	v19 =	vld [tilespmem:s24+$0xD5C0]  }
0x2d2: {  	v43 =	vld [tilespmem:s24+$0xD5D0];
	v17 =	vadd.f32 v18, v17;
	v18 =	vmul.f32 v39, v38  }
0x2d3: {  	v44 =	vld [tilespmem:s24+$0xFDD0]  }
0x2d4: {  	v45 =	vld [tilespmem:s24+$0xD5E0];
	v17 =	vadd.f32 v18, v17;
	v18 =	vmul.f32 v41, v40  }
0x2d5: {  	v46 =	vld [tilespmem:s24+$0xFDE0]  }
0x2d6: {  	v47 =	vld [tilespmem:s24+$0xFDF0];
	v17 =	vadd.f32 v18, v17;
	v18 =	vmul.f32 v42, v19  }
0x2d7: {  	v19 =	vld [tilespmem:s24+$0xD5F0]  }
0x2d8: {  	v17 =	vadd.f32 v18, v17;
	v18 =	vmul.f32 v44, v43;
	_ =	sdelay $0x1  }
0x2d9: {  	v17 =	vadd.f32 v18, v17;
	v18 =	vmul.f32 v46, v45;
	_ =	sdelay $0x1  }
0x2da: {  	v17 =	vadd.f32 v18, v17;
	v18 =	vmul.f32 v47, v19;
	_ =	sdelay $0x1  }
0x2db: {  	v17 =	vadd.f32 v18, v17;
	_ =	sdelay $0x1  }
0x2dc: {  	[tilespmem:$0x7D80] =	vst v17  }
0x2dd: {  	v17 =	vld [tilespmem:s24+$0xD600]  }
0x2de: {  	v18 =	vld [tilespmem:s24+$0xFE00]  }
0x2df: {  	v19 =	vld [tilespmem:s24+$0xD610]  }
0x2e0: {  	v48 =	vld [tilespmem:s24+$0xFE10]  }
0x2e1: {  	v49 =	vld [tilespmem:s24+$0xD620]  }
0x2e2: {  	v50 =	vld [tilespmem:s24+$0xFE20]  }
0x2e3: {  	v51 =	vld [tilespmem:s24+$0xD630]  }
0x2e4: {  	v52 =	vld [tilespmem:s24+$0xFE30]  }
0x2e5: {  	v53 =	vld [tilespmem:s24+$0xFE40];
	v17 =	vmul.f32 v18, v17;
	v18 =	vmul.f32 v48, v19  }
0x2e6: {  	v19 =	vld [tilespmem:s24+$0xD640]  }
0x2e7: {  	v54 =	vld [tilespmem:s24+$0xD650];
	v17 =	vadd.f32 v18, v17;
	v18 =	vmul.f32 v50, v49  }
0x2e8: {  	v55 =	vld [tilespmem:s24+$0xFE50]  }
0x2e9: {  	v56 =	vld [tilespmem:s24+$0xD660];
	v17 =	vadd.f32 v18, v17;
	v18 =	vmul.f32 v52, v51  }
0x2ea: {  	v57 =	vld [tilespmem:s24+$0xFE60]  }
0x2eb: {  	v58 =	vld [tilespmem:s24+$0xFE70];
	v17 =	vadd.f32 v18, v17;
	v18 =	vmul.f32 v53, v19  }
0x2ec: {  	v19 =	vld [tilespmem:s24+$0xD670]  }
0x2ed: {  	v17 =	vadd.f32 v18, v17;
	v18 =	vmul.f32 v55, v54;
	_ =	sdelay $0x1  }
0x2ee: {  	v17 =	vadd.f32 v18, v17;
	v18 =	vmul.f32 v57, v56;
	_ =	sdelay $0x1  }
0x2ef: {  	v17 =	vadd.f32 v18, v17;
	v18 =	vmul.f32 v58, v19;
	_ =	sdelay $0x1  }
0x2f0: {  	v17 =	vadd.f32 v18, v17;
	_ =	sdelay $0x1  }
0x2f1: {  	[tilespmem:$0x7E00] =	vst v17  }
0x2f2: {  	v17 =	vld.idx.msk [tilespmem:v0+s17+$0x0], $0xffff  }
0x2f3: {  	v18 =	vld.idx.msk [tilespmem:v1+s17+$0x0], $0xffff;
	_ =	sdelay $0x1  }
0x2f4: {  	v19 =	vld.idx.msk [tilespmem:v2+s17+$0x0], $0xffff;
	_ =	sdelay $0x1  }
0x2f5: {  	v59 =	vld.idx.msk [tilespmem:v3+s17+$0x0], $0xffff  }
0x2f6: {  	v17 =	vadd.f32 v18, v17  }
0x2f7: {  	v18 =	vld.idx.msk [tilespmem:v4+s17+$0x0], $0xffff  }
0x2f8: {  	v17 =	vadd.f32 v19, v17  }
0x2f9: {  	v19 =	vld.idx.msk [tilespmem:v5+s17+$0x0], $0xffff  }
0x2fa: {  	v17 =	vadd.f32 v59, v17  }
0x2fb: {  	v60 =	vld.idx.msk [tilespmem:v6+s17+$0x0], $0xffff  }
0x2fc: {  	v17 =	vadd.f32 v18, v17  }
0x2fd: {  	v18 =	vld.idx.msk [tilespmem:v7+s17+$0x0], $0xffff  }
0x2fe: {  	v17 =	vadd.f32 v19, v17  }
0x2ff: {  	v19 =	vld.idx.msk [tilespmem:v8+s17+$0x0], $0xffff  }
0x300: {  	v17 =	vadd.f32 v60, v17  }
0x301: {  	v61 =	vld.idx.msk [tilespmem:v9+s17+$0x0], $0xffff  }
0x302: {  	v17 =	vadd.f32 v18, v17  }
0x303: {  	v18 =	vld.idx.msk [tilespmem:v10+s17+$0x0], $0xffff  }
0x304: {  	v17 =	vadd.f32 v19, v17  }
0x305: {  	v19 =	vld.idx.msk [tilespmem:v11+s17+$0x0], $0xffff  }
0x306: {  	v17 =	vadd.f32 v61, v17  }
0x307: {  	v62 =	vld.idx.msk [tilespmem:v12+s17+$0x0], $0xffff  }
0x308: {  	v17 =	vadd.f32 v18, v17  }
0x309: {  	v18 =	vld.idx.msk [tilespmem:v13+s17+$0x0], $0xffff  }
0x30a: {  	v17 =	vadd.f32 v19, v17  }
0x30b: {  	v19 =	vld.idx.msk [tilespmem:v14+s17+$0x0], $0xffff  }
0x30c: {  	v17 =	vadd.f32 v62, v17  }
0x30d: {  	v63 =	vld.idx.msk [tilespmem:v15+s17+$0x0], $0xffff  }
0x30e: {  	v17 =	vadd.f32 v18, v17  }
0x30f: {  	p0 =	sne.s32 s23, $0x4  }
.Ltmp1:
0x310: {  	v17 =	vadd.f32 v19, v17;
	(pc) =	sbr.rel @p0 .LBB2_5-.Ltmp1, $4  }
0x311: {  	_ = 	snop  }
0x312: {  	s31 =	sshll.u32 s23, $0x4;
	v17 =	vadd.f32 v63, v17  }
0x313: {  	s24 =	sand.u32 $0x3FFFFFF0, s31  }
0x314: {  	s23 =	sadd.s32 $0x1, s23;
	[tilespmem:v16+s24+$0x0 ss:$0x1] =	vst.idx.msk $0xffff, v17  }
0x315: {  	s22 =	sadd.s32 $0x1, s22  }
0x316: {  	p0 =	sne.s32 s22, $0x3E  }
.Ltmp2:
0x317: {  	_ = 	snop;
	(pc) =	sbr.rel @p0 .LBB2_2-.Ltmp2, $1  }
0x318: {  	_ =	sdelay $0x3  }
0x319: {  	_ =	swait.ge [sflag:s15], $0x2800  }
0x31a: {  	[sflag:s15] =	ssyncset.done $0x0  }
0x31b: {  	[sflag:s15] =	ssyncadd.s32 $0xFFFFD800  }
0x31c: {  	_ =	swait.ge [sflag:s16], $0x2800  }
0x31d: {  	[sflag:s16] =	ssyncset.done $0x0  }
0x31e: {  	s22 =	simm.s32 $0x0;
	[sflag:s16] =	ssyncadd.s32 $0xFFFFD800  }
.LBB2_8:
0x31f: {  	s23 =	sshll.u32 s22, $0xB  }
0x320: {  	v16 =	vld [tilespmem:s23+$0x7E80]  }
0x321: {  	v17 =	vld [tilespmem:s23+$0xA680]  }
0x322: {  	v18 =	vld [tilespmem:s23+$0x7E90]  }
0x323: {  	v19 =	vld [tilespmem:s23+$0xA690]  }
0x324: {  	v20 =	vld [tilespmem:s23+$0x7EA0]  }
0x325: {  	v21 =	vld [tilespmem:s23+$0xA6A0]  }
0x326: {  	v22 =	vld [tilespmem:s23+$0x7EB0]  }
0x327: {  	v23 =	vld [tilespmem:s23+$0xA6B0]  }
0x328: {  	v36 =	vld [tilespmem:s23+$0x7EC0];
	v16 =	vmul.f32 v17, v16;
	v17 =	vmul.f32 v19, v18  }
0x329: {  	v37 =	vld [tilespmem:s23+$0xA6C0]  }
0x32a: {  	v38 =	vld [tilespmem:s23+$0x7ED0];
	v16 =	vadd.f32 v17, v16;
	v17 =	vmul.f32 v21, v20  }
0x32b: {  	v39 =	vld [tilespmem:s23+$0xA6D0]  }
0x32c: {  	v40 =	vld [tilespmem:s23+$0x7EE0];
	v16 =	vadd.f32 v17, v16;
	v17 =	vmul.f32 v23, v22  }
0x32d: {  	v41 =	vld [tilespmem:s23+$0xA6E0]  }
0x32e: {  	v42 =	vld [tilespmem:s23+$0x7EF0];
	v16 =	vadd.f32 v17, v16;
	v17 =	vmul.f32 v37, v36  }
0x32f: {  	v43 =	vld [tilespmem:s23+$0xA6F0]  }
0x330: {  	v16 =	vadd.f32 v17, v16;
	v17 =	vmul.f32 v39, v38;
	_ =	sdelay $0x1  }
0x331: {  	v16 =	vadd.f32 v17, v16;
	v17 =	vmul.f32 v41, v40;
	_ =	sdelay $0x1  }
0x332: {  	v16 =	vadd.f32 v17, v16;
	v17 =	vmul.f32 v43, v42;
	_ =	sdelay $0x1  }
0x333: {  	v16 =	vadd.f32 v17, v16;
	_ =	sdelay $0x1  }
0x334: {  	[tilespmem:$0x7680] =	vst v16  }
0x335: {  	v16 =	vld [tilespmem:s23+$0x7F00]  }
0x336: {  	v17 =	vld [tilespmem:s23+$0xA700]  }
0x337: {  	v44 =	vld [tilespmem:s23+$0x7F10]  }
0x338: {  	v45 =	vld [tilespmem:s23+$0xA710]  }
0x339: {  	v46 =	vld [tilespmem:s23+$0x7F20]  }
0x33a: {  	v47 =	vld [tilespmem:s23+$0xA720]  }
0x33b: {  	v48 =	vld [tilespmem:s23+$0x7F30]  }
0x33c: {  	v49 =	vld [tilespmem:s23+$0xA730]  }
0x33d: {  	v50 =	vld [tilespmem:s23+$0x7F40];
	v16 =	vmul.f32 v17, v16;
	v17 =	vmul.f32 v45, v44  }
0x33e: {  	v51 =	vld [tilespmem:s23+$0xA740]  }
0x33f: {  	v52 =	vld [tilespmem:s23+$0x7F50];
	v16 =	vadd.f32 v17, v16;
	v17 =	vmul.f32 v47, v46  }
0x340: {  	v53 =	vld [tilespmem:s23+$0xA750]  }
0x341: {  	v54 =	vld [tilespmem:s23+$0x7F60];
	v16 =	vadd.f32 v17, v16;
	v17 =	vmul.f32 v49, v48  }
0x342: {  	v55 =	vld [tilespmem:s23+$0xA760]  }
0x343: {  	v56 =	vld [tilespmem:s23+$0x7F70];
	v16 =	vadd.f32 v17, v16;
	v17 =	vmul.f32 v51, v50  }
0x344: {  	v57 =	vld [tilespmem:s23+$0xA770]  }
0x345: {  	v16 =	vadd.f32 v17, v16;
	v17 =	vmul.f32 v53, v52;
	_ =	sdelay $0x1  }
0x346: {  	v16 =	vadd.f32 v17, v16;
	v17 =	vmul.f32 v55, v54;
	_ =	sdelay $0x1  }
0x347: {  	v16 =	vadd.f32 v17, v16;
	v17 =	vmul.f32 v57, v56;
	_ =	sdelay $0x1  }
0x348: {  	v16 =	vadd.f32 v17, v16;
	_ =	sdelay $0x1  }
0x349: {  	[tilespmem:$0x7700] =	vst v16  }
0x34a: {  	v16 =	vld [tilespmem:s23+$0x7F80]  }
0x34b: {  	v17 =	vld [tilespmem:s23+$0xA780]  }
0x34c: {  	v58 =	vld [tilespmem:s23+$0x7F90]  }
0x34d: {  	v59 =	vld [tilespmem:s23+$0xA790]  }
0x34e: {  	v60 =	vld [tilespmem:s23+$0x7FA0]  }
0x34f: {  	v61 =	vld [tilespmem:s23+$0xA7A0]  }
0x350: {  	v62 =	vld [tilespmem:s23+$0x7FB0]  }
0x351: {  	v63 =	vld [tilespmem:s23+$0xA7B0]  }
0x352: {  	v24 =	vld [tilespmem:s23+$0x7FC0];
	v16 =	vmul.f32 v17, v16;
	v17 =	vmul.f32 v59, v58  }
0x353: {  	v25 =	vld [tilespmem:s23+$0xA7C0]  }
0x354: {  	v26 =	vld [tilespmem:s23+$0x7FD0];
	v16 =	vadd.f32 v17, v16;
	v17 =	vmul.f32 v61, v60  }
0x355: {  	v27 =	vld [tilespmem:s23+$0xA7D0]  }
0x356: {  	v28 =	vld [tilespmem:s23+$0x7FE0];
	v16 =	vadd.f32 v17, v16;
	v17 =	vmul.f32 v63, v62  }
0x357: {  	v29 =	vld [tilespmem:s23+$0xA7E0]  }
0x358: {  	v30 =	vld [tilespmem:s23+$0x7FF0];
	v16 =	vadd.f32 v17, v16;
	v17 =	vmul.f32 v25, v24  }
0x359: {  	v31 =	vld [tilespmem:s23+$0xA7F0]  }
0x35a: {  	v16 =	vadd.f32 v17, v16;
	v17 =	vmul.f32 v27, v26;
	_ =	sdelay $0x1  }
0x35b: {  	v16 =	vadd.f32 v17, v16;
	v17 =	vmul.f32 v29, v28;
	_ =	sdelay $0x1  }
0x35c: {  	v16 =	vadd.f32 v17, v16;
	v17 =	vmul.f32 v31, v30;
	_ =	sdelay $0x1  }
0x35d: {  	v16 =	vadd.f32 v17, v16;
	_ =	sdelay $0x1  }
0x35e: {  	[tilespmem:$0x7780] =	vst v16  }
0x35f: {  	v16 =	vld [tilespmem:s23+$0x8000]  }
0x360: {  	v17 =	vld [tilespmem:s23+$0xA800]  }
0x361: {  	v32 =	vld [tilespmem:s23+$0x8010]  }
0x362: {  	v33 =	vld [tilespmem:s23+$0xA810]  }
0x363: {  	v34 =	vld [tilespmem:s23+$0x8020]  }
0x364: {  	v35 =	vld [tilespmem:s23+$0xA820]  }
0x365: {  	v36 =	vld [tilespmem:s23+$0x8030]  }
0x366: {  	v37 =	vld [tilespmem:s23+$0xA830]  }
0x367: {  	v38 =	vld [tilespmem:s23+$0x8040];
	v16 =	vmul.f32 v17, v16;
	v17 =	vmul.f32 v33, v32  }
0x368: {  	v39 =	vld [tilespmem:s23+$0xA840]  }
0x369: {  	v40 =	vld [tilespmem:s23+$0x8050];
	v16 =	vadd.f32 v17, v16;
	v17 =	vmul.f32 v35, v34  }
0x36a: {  	v41 =	vld [tilespmem:s23+$0xA850]  }
0x36b: {  	v42 =	vld [tilespmem:s23+$0x8060];
	v16 =	vadd.f32 v17, v16;
	v17 =	vmul.f32 v37, v36  }
0x36c: {  	v43 =	vld [tilespmem:s23+$0xA860]  }
0x36d: {  	v44 =	vld [tilespmem:s23+$0x8070];
	v16 =	vadd.f32 v17, v16;
	v17 =	vmul.f32 v39, v38  }
0x36e: {  	v45 =	vld [tilespmem:s23+$0xA870]  }
0x36f: {  	v16 =	vadd.f32 v17, v16;
	v17 =	vmul.f32 v41, v40;
	_ =	sdelay $0x1  }
0x370: {  	v16 =	vadd.f32 v17, v16;
	v17 =	vmul.f32 v43, v42;
	_ =	sdelay $0x1  }
0x371: {  	v16 =	vadd.f32 v17, v16;
	v17 =	vmul.f32 v45, v44;
	_ =	sdelay $0x1  }
0x372: {  	v16 =	vadd.f32 v17, v16;
	_ =	sdelay $0x1  }
0x373: {  	[tilespmem:$0x7800] =	vst v16  }
0x374: {  	v16 =	vld [tilespmem:s23+$0x8080]  }
0x375: {  	v17 =	vld [tilespmem:s23+$0xA880]  }
0x376: {  	v46 =	vld [tilespmem:s23+$0x8090]  }
0x377: {  	v47 =	vld [tilespmem:s23+$0xA890]  }
0x378: {  	v48 =	vld [tilespmem:s23+$0x80A0]  }
0x379: {  	v49 =	vld [tilespmem:s23+$0xA8A0]  }
0x37a: {  	v50 =	vld [tilespmem:s23+$0x80B0]  }
0x37b: {  	v51 =	vld [tilespmem:s23+$0xA8B0]  }
0x37c: {  	v52 =	vld [tilespmem:s23+$0x80C0];
	v16 =	vmul.f32 v17, v16;
	v17 =	vmul.f32 v47, v46  }
0x37d: {  	v53 =	vld [tilespmem:s23+$0xA8C0]  }
0x37e: {  	v54 =	vld [tilespmem:s23+$0x80D0];
	v16 =	vadd.f32 v17, v16;
	v17 =	vmul.f32 v49, v48  }
0x37f: {  	v55 =	vld [tilespmem:s23+$0xA8D0]  }
0x380: {  	v56 =	vld [tilespmem:s23+$0x80E0];
	v16 =	vadd.f32 v17, v16;
	v17 =	vmul.f32 v51, v50  }
0x381: {  	v57 =	vld [tilespmem:s23+$0xA8E0]  }
0x382: {  	v58 =	vld [tilespmem:s23+$0x80F0];
	v16 =	vadd.f32 v17, v16;
	v17 =	vmul.f32 v53, v52  }
0x383: {  	v59 =	vld [tilespmem:s23+$0xA8F0]  }
0x384: {  	v16 =	vadd.f32 v17, v16;
	v17 =	vmul.f32 v55, v54;
	_ =	sdelay $0x1  }
0x385: {  	v16 =	vadd.f32 v17, v16;
	v17 =	vmul.f32 v57, v56;
	_ =	sdelay $0x1  }
0x386: {  	v16 =	vadd.f32 v17, v16;
	v17 =	vmul.f32 v59, v58;
	_ =	sdelay $0x1  }
0x387: {  	v16 =	vadd.f32 v17, v16;
	_ =	sdelay $0x1  }
0x388: {  	[tilespmem:$0x7880] =	vst v16  }
0x389: {  	v16 =	vld [tilespmem:s23+$0x8100]  }
0x38a: {  	v17 =	vld [tilespmem:s23+$0xA900]  }
0x38b: {  	v60 =	vld [tilespmem:s23+$0x8110]  }
0x38c: {  	v61 =	vld [tilespmem:s23+$0xA910]  }
0x38d: {  	v62 =	vld [tilespmem:s23+$0x8120]  }
0x38e: {  	v63 =	vld [tilespmem:s23+$0xA920]  }
0x38f: {  	v24 =	vld [tilespmem:s23+$0x8130]  }
0x390: {  	v25 =	vld [tilespmem:s23+$0xA930]  }
0x391: {  	v26 =	vld [tilespmem:s23+$0x8140];
	v16 =	vmul.f32 v17, v16;
	v17 =	vmul.f32 v61, v60  }
0x392: {  	v27 =	vld [tilespmem:s23+$0xA940]  }
0x393: {  	v28 =	vld [tilespmem:s23+$0x8150];
	v16 =	vadd.f32 v17, v16;
	v17 =	vmul.f32 v63, v62  }
0x394: {  	v29 =	vld [tilespmem:s23+$0xA950]  }
0x395: {  	v30 =	vld [tilespmem:s23+$0x8160];
	v16 =	vadd.f32 v17, v16;
	v17 =	vmul.f32 v25, v24  }
0x396: {  	v31 =	vld [tilespmem:s23+$0xA960]  }
0x397: {  	v32 =	vld [tilespmem:s23+$0x8170];
	v16 =	vadd.f32 v17, v16;
	v17 =	vmul.f32 v27, v26  }
0x398: {  	v33 =	vld [tilespmem:s23+$0xA970]  }
0x399: {  	v16 =	vadd.f32 v17, v16;
	v17 =	vmul.f32 v29, v28;
	_ =	sdelay $0x1  }
0x39a: {  	v16 =	vadd.f32 v17, v16;
	v17 =	vmul.f32 v31, v30;
	_ =	sdelay $0x1  }
0x39b: {  	v16 =	vadd.f32 v17, v16;
	v17 =	vmul.f32 v33, v32;
	_ =	sdelay $0x1  }
0x39c: {  	v16 =	vadd.f32 v17, v16;
	_ =	sdelay $0x1  }
0x39d: {  	[tilespmem:$0x7900] =	vst v16  }
0x39e: {  	v16 =	vld [tilespmem:s23+$0x8180]  }
0x39f: {  	v17 =	vld [tilespmem:s23+$0xA980]  }
0x3a0: {  	v34 =	vld [tilespmem:s23+$0x8190]  }
0x3a1: {  	v35 =	vld [tilespmem:s23+$0xA990]  }
0x3a2: {  	v36 =	vld [tilespmem:s23+$0x81A0]  }
0x3a3: {  	v37 =	vld [tilespmem:s23+$0xA9A0]  }
0x3a4: {  	v38 =	vld [tilespmem:s23+$0x81B0]  }
0x3a5: {  	v39 =	vld [tilespmem:s23+$0xA9B0]  }
0x3a6: {  	v40 =	vld [tilespmem:s23+$0x81C0];
	v16 =	vmul.f32 v17, v16;
	v17 =	vmul.f32 v35, v34  }
0x3a7: {  	v41 =	vld [tilespmem:s23+$0xA9C0]  }
0x3a8: {  	v42 =	vld [tilespmem:s23+$0x81D0];
	v16 =	vadd.f32 v17, v16;
	v17 =	vmul.f32 v37, v36  }
0x3a9: {  	v43 =	vld [tilespmem:s23+$0xA9D0]  }
0x3aa: {  	v44 =	vld [tilespmem:s23+$0x81E0];
	v16 =	vadd.f32 v17, v16;
	v17 =	vmul.f32 v39, v38  }
0x3ab: {  	v45 =	vld [tilespmem:s23+$0xA9E0]  }
0x3ac: {  	v46 =	vld [tilespmem:s23+$0x81F0];
	v16 =	vadd.f32 v17, v16;
	v17 =	vmul.f32 v41, v40  }
0x3ad: {  	v47 =	vld [tilespmem:s23+$0xA9F0]  }
0x3ae: {  	v16 =	vadd.f32 v17, v16;
	v17 =	vmul.f32 v43, v42;
	_ =	sdelay $0x1  }
0x3af: {  	v16 =	vadd.f32 v17, v16;
	v17 =	vmul.f32 v45, v44;
	_ =	sdelay $0x1  }
0x3b0: {  	v16 =	vadd.f32 v17, v16;
	v17 =	vmul.f32 v47, v46;
	_ =	sdelay $0x1  }
0x3b1: {  	v16 =	vadd.f32 v17, v16;
	_ =	sdelay $0x1  }
0x3b2: {  	[tilespmem:$0x7980] =	vst v16  }
0x3b3: {  	v16 =	vld [tilespmem:s23+$0x8200]  }
0x3b4: {  	v17 =	vld [tilespmem:s23+$0xAA00]  }
0x3b5: {  	v48 =	vld [tilespmem:s23+$0x8210]  }
0x3b6: {  	v49 =	vld [tilespmem:s23+$0xAA10]  }
0x3b7: {  	v50 =	vld [tilespmem:s23+$0x8220]  }
0x3b8: {  	v51 =	vld [tilespmem:s23+$0xAA20]  }
0x3b9: {  	v52 =	vld [tilespmem:s23+$0x8230]  }
0x3ba: {  	v53 =	vld [tilespmem:s23+$0xAA30]  }
0x3bb: {  	v54 =	vld [tilespmem:s23+$0x8240];
	v16 =	vmul.f32 v17, v16;
	v17 =	vmul.f32 v49, v48  }
0x3bc: {  	v55 =	vld [tilespmem:s23+$0xAA40]  }
0x3bd: {  	v56 =	vld [tilespmem:s23+$0x8250];
	v16 =	vadd.f32 v17, v16;
	v17 =	vmul.f32 v51, v50  }
0x3be: {  	v57 =	vld [tilespmem:s23+$0xAA50]  }
0x3bf: {  	v58 =	vld [tilespmem:s23+$0x8260];
	v16 =	vadd.f32 v17, v16;
	v17 =	vmul.f32 v53, v52  }
0x3c0: {  	v59 =	vld [tilespmem:s23+$0xAA60]  }
0x3c1: {  	v60 =	vld [tilespmem:s23+$0x8270];
	v16 =	vadd.f32 v17, v16;
	v17 =	vmul.f32 v55, v54  }
0x3c2: {  	v61 =	vld [tilespmem:s23+$0xAA70]  }
0x3c3: {  	v16 =	vadd.f32 v17, v16;
	v17 =	vmul.f32 v57, v56;
	_ =	sdelay $0x1  }
0x3c4: {  	v16 =	vadd.f32 v17, v16;
	v17 =	vmul.f32 v59, v58;
	_ =	sdelay $0x1  }
0x3c5: {  	v16 =	vadd.f32 v17, v16;
	v17 =	vmul.f32 v61, v60;
	_ =	sdelay $0x1  }
0x3c6: {  	v16 =	vadd.f32 v17, v16;
	_ =	sdelay $0x1  }
0x3c7: {  	[tilespmem:$0x7A00] =	vst v16  }
0x3c8: {  	v16 =	vld [tilespmem:s23+$0x8280]  }
0x3c9: {  	v17 =	vld [tilespmem:s23+$0xAA80]  }
0x3ca: {  	v62 =	vld [tilespmem:s23+$0x8290]  }
0x3cb: {  	v63 =	vld [tilespmem:s23+$0xAA90]  }
0x3cc: {  	v24 =	vld [tilespmem:s23+$0x82A0]  }
0x3cd: {  	v25 =	vld [tilespmem:s23+$0xAAA0]  }
0x3ce: {  	v26 =	vld [tilespmem:s23+$0x82B0]  }
0x3cf: {  	v27 =	vld [tilespmem:s23+$0xAAB0]  }
0x3d0: {  	v28 =	vld [tilespmem:s23+$0x82C0];
	v16 =	vmul.f32 v17, v16;
	v17 =	vmul.f32 v63, v62  }
0x3d1: {  	v29 =	vld [tilespmem:s23+$0xAAC0]  }
0x3d2: {  	v30 =	vld [tilespmem:s23+$0x82D0];
	v16 =	vadd.f32 v17, v16;
	v17 =	vmul.f32 v25, v24  }
0x3d3: {  	v31 =	vld [tilespmem:s23+$0xAAD0]  }
0x3d4: {  	v32 =	vld [tilespmem:s23+$0x82E0];
	v16 =	vadd.f32 v17, v16;
	v17 =	vmul.f32 v27, v26  }
0x3d5: {  	v33 =	vld [tilespmem:s23+$0xAAE0]  }
0x3d6: {  	v34 =	vld [tilespmem:s23+$0x82F0];
	v16 =	vadd.f32 v17, v16;
	v17 =	vmul.f32 v29, v28  }
0x3d7: {  	v35 =	vld [tilespmem:s23+$0xAAF0]  }
0x3d8: {  	v16 =	vadd.f32 v17, v16;
	v17 =	vmul.f32 v31, v30;
	_ =	sdelay $0x1  }
0x3d9: {  	v16 =	vadd.f32 v17, v16;
	v17 =	vmul.f32 v33, v32;
	_ =	sdelay $0x1  }
0x3da: {  	v16 =	vadd.f32 v17, v16;
	v17 =	vmul.f32 v35, v34;
	_ =	sdelay $0x1  }
0x3db: {  	v16 =	vadd.f32 v17, v16;
	_ =	sdelay $0x1  }
0x3dc: {  	[tilespmem:$0x7A80] =	vst v16  }
0x3dd: {  	v16 =	vld [tilespmem:s23+$0x8300]  }
0x3de: {  	v17 =	vld [tilespmem:s23+$0xAB00]  }
0x3df: {  	v36 =	vld [tilespmem:s23+$0x8310]  }
0x3e0: {  	v37 =	vld [tilespmem:s23+$0xAB10]  }
0x3e1: {  	v38 =	vld [tilespmem:s23+$0x8320]  }
0x3e2: {  	v39 =	vld [tilespmem:s23+$0xAB20]  }
0x3e3: {  	v40 =	vld [tilespmem:s23+$0x8330]  }
0x3e4: {  	v41 =	vld [tilespmem:s23+$0xAB30]  }
0x3e5: {  	v42 =	vld [tilespmem:s23+$0x8340];
	v16 =	vmul.f32 v17, v16;
	v17 =	vmul.f32 v37, v36  }
0x3e6: {  	v43 =	vld [tilespmem:s23+$0xAB40]  }
0x3e7: {  	v44 =	vld [tilespmem:s23+$0x8350];
	v16 =	vadd.f32 v17, v16;
	v17 =	vmul.f32 v39, v38  }
0x3e8: {  	v45 =	vld [tilespmem:s23+$0xAB50]  }
0x3e9: {  	v46 =	vld [tilespmem:s23+$0x8360];
	v16 =	vadd.f32 v17, v16;
	v17 =	vmul.f32 v41, v40  }
0x3ea: {  	v47 =	vld [tilespmem:s23+$0xAB60]  }
0x3eb: {  	v48 =	vld [tilespmem:s23+$0x8370];
	v16 =	vadd.f32 v17, v16;
	v17 =	vmul.f32 v43, v42  }
0x3ec: {  	v49 =	vld [tilespmem:s23+$0xAB70]  }
0x3ed: {  	v16 =	vadd.f32 v17, v16;
	v17 =	vmul.f32 v45, v44;
	_ =	sdelay $0x1  }
0x3ee: {  	v16 =	vadd.f32 v17, v16;
	v17 =	vmul.f32 v47, v46;
	_ =	sdelay $0x1  }
0x3ef: {  	v16 =	vadd.f32 v17, v16;
	v17 =	vmul.f32 v49, v48;
	_ =	sdelay $0x1  }
0x3f0: {  	v16 =	vadd.f32 v17, v16;
	_ =	sdelay $0x1  }
0x3f1: {  	[tilespmem:$0x7B00] =	vst v16  }
0x3f2: {  	v16 =	vld [tilespmem:s23+$0x8380]  }
0x3f3: {  	v17 =	vld [tilespmem:s23+$0xAB80]  }
0x3f4: {  	v50 =	vld [tilespmem:s23+$0x8390]  }
0x3f5: {  	v51 =	vld [tilespmem:s23+$0xAB90]  }
0x3f6: {  	v52 =	vld [tilespmem:s23+$0x83A0]  }
0x3f7: {  	v53 =	vld [tilespmem:s23+$0xABA0]  }
0x3f8: {  	v54 =	vld [tilespmem:s23+$0x83B0]  }
0x3f9: {  	v55 =	vld [tilespmem:s23+$0xABB0]  }
0x3fa: {  	v56 =	vld [tilespmem:s23+$0x83C0];
	v16 =	vmul.f32 v17, v16;
	v17 =	vmul.f32 v51, v50  }
0x3fb: {  	v57 =	vld [tilespmem:s23+$0xABC0]  }
0x3fc: {  	v58 =	vld [tilespmem:s23+$0x83D0];
	v16 =	vadd.f32 v17, v16;
	v17 =	vmul.f32 v53, v52  }
0x3fd: {  	v59 =	vld [tilespmem:s23+$0xABD0]  }
0x3fe: {  	v60 =	vld [tilespmem:s23+$0x83E0];
	v16 =	vadd.f32 v17, v16;
	v17 =	vmul.f32 v55, v54  }
0x3ff: {  	v61 =	vld [tilespmem:s23+$0xABE0]  }
0x400: {  	v62 =	vld [tilespmem:s23+$0x83F0];
	v16 =	vadd.f32 v17, v16;
	v17 =	vmul.f32 v57, v56  }
0x401: {  	v63 =	vld [tilespmem:s23+$0xABF0]  }
0x402: {  	v16 =	vadd.f32 v17, v16;
	v17 =	vmul.f32 v59, v58;
	_ =	sdelay $0x1  }
0x403: {  	v16 =	vadd.f32 v17, v16;
	v17 =	vmul.f32 v61, v60;
	_ =	sdelay $0x1  }
0x404: {  	v16 =	vadd.f32 v17, v16;
	v17 =	vmul.f32 v63, v62;
	_ =	sdelay $0x1  }
0x405: {  	v16 =	vadd.f32 v17, v16;
	_ =	sdelay $0x1  }
0x406: {  	[tilespmem:$0x7B80] =	vst v16  }
0x407: {  	v16 =	vld [tilespmem:s23+$0x8400]  }
0x408: {  	v17 =	vld [tilespmem:s23+$0xAC00]  }
0x409: {  	v24 =	vld [tilespmem:s23+$0x8410]  }
0x40a: {  	v25 =	vld [tilespmem:s23+$0xAC10]  }
0x40b: {  	v26 =	vld [tilespmem:s23+$0x8420]  }
0x40c: {  	v27 =	vld [tilespmem:s23+$0xAC20]  }
0x40d: {  	v28 =	vld [tilespmem:s23+$0x8430]  }
0x40e: {  	v29 =	vld [tilespmem:s23+$0xAC30]  }
0x40f: {  	v30 =	vld [tilespmem:s23+$0x8440];
	v16 =	vmul.f32 v17, v16;
	v17 =	vmul.f32 v25, v24  }
0x410: {  	v31 =	vld [tilespmem:s23+$0xAC40]  }
0x411: {  	v32 =	vld [tilespmem:s23+$0x8450];
	v16 =	vadd.f32 v17, v16;
	v17 =	vmul.f32 v27, v26  }
0x412: {  	v33 =	vld [tilespmem:s23+$0xAC50]  }
0x413: {  	v34 =	vld [tilespmem:s23+$0x8460];
	v16 =	vadd.f32 v17, v16;
	v17 =	vmul.f32 v29, v28  }
0x414: {  	v35 =	vld [tilespmem:s23+$0xAC60]  }
0x415: {  	v36 =	vld [tilespmem:s23+$0x8470];
	v16 =	vadd.f32 v17, v16;
	v17 =	vmul.f32 v31, v30  }
0x416: {  	v37 =	vld [tilespmem:s23+$0xAC70]  }
0x417: {  	v16 =	vadd.f32 v17, v16;
	v17 =	vmul.f32 v33, v32;
	_ =	sdelay $0x1  }
0x418: {  	v16 =	vadd.f32 v17, v16;
	v17 =	vmul.f32 v35, v34;
	_ =	sdelay $0x1  }
0x419: {  	v16 =	vadd.f32 v17, v16;
	v17 =	vmul.f32 v37, v36;
	_ =	sdelay $0x1  }
0x41a: {  	v16 =	vadd.f32 v17, v16;
	_ =	sdelay $0x1  }
0x41b: {  	[tilespmem:$0x7C00] =	vst v16  }
0x41c: {  	v16 =	vld [tilespmem:s23+$0x8480]  }
0x41d: {  	v17 =	vld [tilespmem:s23+$0xAC80]  }
0x41e: {  	v38 =	vld [tilespmem:s23+$0x8490]  }
0x41f: {  	v39 =	vld [tilespmem:s23+$0xAC90]  }
0x420: {  	v40 =	vld [tilespmem:s23+$0x84A0]  }
0x421: {  	v41 =	vld [tilespmem:s23+$0xACA0]  }
0x422: {  	v42 =	vld [tilespmem:s23+$0x84B0]  }
0x423: {  	v43 =	vld [tilespmem:s23+$0xACB0]  }
0x424: {  	v44 =	vld [tilespmem:s23+$0x84C0];
	v16 =	vmul.f32 v17, v16;
	v17 =	vmul.f32 v39, v38  }
0x425: {  	v45 =	vld [tilespmem:s23+$0xACC0]  }
0x426: {  	v46 =	vld [tilespmem:s23+$0x84D0];
	v16 =	vadd.f32 v17, v16;
	v17 =	vmul.f32 v41, v40  }
0x427: {  	v47 =	vld [tilespmem:s23+$0xACD0]  }
0x428: {  	v48 =	vld [tilespmem:s23+$0x84E0];
	v16 =	vadd.f32 v17, v16;
	v17 =	vmul.f32 v43, v42  }
0x429: {  	v49 =	vld [tilespmem:s23+$0xACE0]  }
0x42a: {  	v50 =	vld [tilespmem:s23+$0x84F0];
	v16 =	vadd.f32 v17, v16;
	v17 =	vmul.f32 v45, v44  }
0x42b: {  	v51 =	vld [tilespmem:s23+$0xACF0]  }
0x42c: {  	v16 =	vadd.f32 v17, v16;
	v17 =	vmul.f32 v47, v46;
	_ =	sdelay $0x1  }
0x42d: {  	v16 =	vadd.f32 v17, v16;
	v17 =	vmul.f32 v49, v48;
	_ =	sdelay $0x1  }
0x42e: {  	v16 =	vadd.f32 v17, v16;
	v17 =	vmul.f32 v51, v50;
	_ =	sdelay $0x1  }
0x42f: {  	v16 =	vadd.f32 v17, v16;
	_ =	sdelay $0x1  }
0x430: {  	[tilespmem:$0x7C80] =	vst v16  }
0x431: {  	v16 =	vld [tilespmem:s23+$0x8500]  }
0x432: {  	v17 =	vld [tilespmem:s23+$0xAD00]  }
0x433: {  	v52 =	vld [tilespmem:s23+$0x8510]  }
0x434: {  	v53 =	vld [tilespmem:s23+$0xAD10]  }
0x435: {  	v54 =	vld [tilespmem:s23+$0x8520]  }
0x436: {  	v55 =	vld [tilespmem:s23+$0xAD20]  }
0x437: {  	v56 =	vld [tilespmem:s23+$0x8530]  }
0x438: {  	v57 =	vld [tilespmem:s23+$0xAD30]  }
0x439: {  	v58 =	vld [tilespmem:s23+$0x8540];
	v16 =	vmul.f32 v17, v16;
	v17 =	vmul.f32 v53, v52  }
0x43a: {  	v59 =	vld [tilespmem:s23+$0xAD40]  }
0x43b: {  	v60 =	vld [tilespmem:s23+$0x8550];
	v16 =	vadd.f32 v17, v16;
	v17 =	vmul.f32 v55, v54  }
0x43c: {  	v61 =	vld [tilespmem:s23+$0xAD50]  }
0x43d: {  	v62 =	vld [tilespmem:s23+$0x8560];
	v16 =	vadd.f32 v17, v16;
	v17 =	vmul.f32 v57, v56  }
0x43e: {  	v63 =	vld [tilespmem:s23+$0xAD60]  }
0x43f: {  	v24 =	vld [tilespmem:s23+$0x8570];
	v16 =	vadd.f32 v17, v16;
	v17 =	vmul.f32 v59, v58  }
0x440: {  	v25 =	vld [tilespmem:s23+$0xAD70]  }
0x441: {  	v16 =	vadd.f32 v17, v16;
	v17 =	vmul.f32 v61, v60;
	_ =	sdelay $0x1  }
0x442: {  	v16 =	vadd.f32 v17, v16;
	v17 =	vmul.f32 v63, v62;
	_ =	sdelay $0x1  }
0x443: {  	v16 =	vadd.f32 v17, v16;
	v17 =	vmul.f32 v25, v24;
	_ =	sdelay $0x1  }
0x444: {  	v16 =	vadd.f32 v17, v16;
	_ =	sdelay $0x1  }
0x445: {  	[tilespmem:$0x7D00] =	vst v16  }
0x446: {  	v16 =	vld [tilespmem:s23+$0x8580]  }
0x447: {  	v17 =	vld [tilespmem:s23+$0xAD80]  }
0x448: {  	v26 =	vld [tilespmem:s23+$0x8590]  }
0x449: {  	v27 =	vld [tilespmem:s23+$0xAD90]  }
0x44a: {  	v28 =	vld [tilespmem:s23+$0x85A0]  }
0x44b: {  	v29 =	vld [tilespmem:s23+$0xADA0]  }
0x44c: {  	v30 =	vld [tilespmem:s23+$0x85B0]  }
0x44d: {  	v31 =	vld [tilespmem:s23+$0xADB0]  }
0x44e: {  	v32 =	vld [tilespmem:s23+$0x85C0];
	v16 =	vmul.f32 v17, v16;
	v17 =	vmul.f32 v27, v26  }
0x44f: {  	v33 =	vld [tilespmem:s23+$0xADC0]  }
0x450: {  	v34 =	vld [tilespmem:s23+$0x85D0];
	v16 =	vadd.f32 v17, v16;
	v17 =	vmul.f32 v29, v28  }
0x451: {  	v35 =	vld [tilespmem:s23+$0xADD0]  }
0x452: {  	v36 =	vld [tilespmem:s23+$0x85E0];
	v16 =	vadd.f32 v17, v16;
	v17 =	vmul.f32 v31, v30  }
0x453: {  	v37 =	vld [tilespmem:s23+$0xADE0]  }
0x454: {  	v38 =	vld [tilespmem:s23+$0x85F0];
	v16 =	vadd.f32 v17, v16;
	v17 =	vmul.f32 v33, v32  }
0x455: {  	v39 =	vld [tilespmem:s23+$0xADF0]  }
0x456: {  	v16 =	vadd.f32 v17, v16;
	v17 =	vmul.f32 v35, v34;
	_ =	sdelay $0x1  }
0x457: {  	v16 =	vadd.f32 v17, v16;
	v17 =	vmul.f32 v37, v36;
	_ =	sdelay $0x1  }
0x458: {  	v16 =	vadd.f32 v17, v16;
	v17 =	vmul.f32 v39, v38;
	_ =	sdelay $0x1  }
0x459: {  	v16 =	vadd.f32 v17, v16;
	_ =	sdelay $0x1  }
0x45a: {  	[tilespmem:$0x7D80] =	vst v16  }
0x45b: {  	v16 =	vld [tilespmem:s23+$0x8600]  }
0x45c: {  	v17 =	vld [tilespmem:s23+$0xAE00]  }
0x45d: {  	v40 =	vld [tilespmem:s23+$0x8610]  }
0x45e: {  	v41 =	vld [tilespmem:s23+$0xAE10]  }
0x45f: {  	v42 =	vld [tilespmem:s23+$0x8620]  }
0x460: {  	v43 =	vld [tilespmem:s23+$0xAE20]  }
0x461: {  	v44 =	vld [tilespmem:s23+$0x8630]  }
0x462: {  	v45 =	vld [tilespmem:s23+$0xAE30]  }
0x463: {  	v46 =	vld [tilespmem:s23+$0x8640];
	v16 =	vmul.f32 v17, v16;
	v17 =	vmul.f32 v41, v40  }
0x464: {  	v47 =	vld [tilespmem:s23+$0xAE40]  }
0x465: {  	v48 =	vld [tilespmem:s23+$0x8650];
	v16 =	vadd.f32 v17, v16;
	v17 =	vmul.f32 v43, v42  }
0x466: {  	v49 =	vld [tilespmem:s23+$0xAE50]  }
0x467: {  	v50 =	vld [tilespmem:s23+$0x8660];
	v16 =	vadd.f32 v17, v16;
	v17 =	vmul.f32 v45, v44  }
0x468: {  	v51 =	vld [tilespmem:s23+$0xAE60]  }
0x469: {  	v52 =	vld [tilespmem:s23+$0x8670];
	v16 =	vadd.f32 v17, v16;
	v17 =	vmul.f32 v47, v46  }
0x46a: {  	v53 =	vld [tilespmem:s23+$0xAE70]  }
0x46b: {  	v16 =	vadd.f32 v17, v16;
	v17 =	vmul.f32 v49, v48;
	_ =	sdelay $0x1  }
0x46c: {  	v16 =	vadd.f32 v17, v16;
	v17 =	vmul.f32 v51, v50;
	_ =	sdelay $0x1  }
0x46d: {  	v16 =	vadd.f32 v17, v16;
	v17 =	vmul.f32 v53, v52;
	_ =	sdelay $0x1  }
0x46e: {  	v16 =	vadd.f32 v17, v16;
	_ =	sdelay $0x1  }
0x46f: {  	[tilespmem:$0x7E00] =	vst v16  }
0x470: {  	v16 =	vld.idx.msk [tilespmem:v0+s17+$0x0], $0xffff  }
0x471: {  	v17 =	vld.idx.msk [tilespmem:v1+s17+$0x0], $0xffff;
	_ =	sdelay $0x1  }
0x472: {  	v54 =	vld.idx.msk [tilespmem:v2+s17+$0x0], $0xffff;
	_ =	sdelay $0x1  }
0x473: {  	v55 =	vld.idx.msk [tilespmem:v3+s17+$0x0], $0xffff  }
0x474: {  	v16 =	vadd.f32 v17, v16  }
0x475: {  	v17 =	vld.idx.msk [tilespmem:v4+s17+$0x0], $0xffff  }
0x476: {  	v16 =	vadd.f32 v54, v16  }
0x477: {  	v56 =	vld.idx.msk [tilespmem:v5+s17+$0x0], $0xffff  }
0x478: {  	v16 =	vadd.f32 v55, v16  }
0x479: {  	v57 =	vld.idx.msk [tilespmem:v6+s17+$0x0], $0xffff  }
0x47a: {  	v16 =	vadd.f32 v17, v16  }
0x47b: {  	v17 =	vld.idx.msk [tilespmem:v7+s17+$0x0], $0xffff  }
0x47c: {  	v16 =	vadd.f32 v56, v16  }
0x47d: {  	v58 =	vld.idx.msk [tilespmem:v8+s17+$0x0], $0xffff  }
0x47e: {  	v16 =	vadd.f32 v57, v16  }
0x47f: {  	v59 =	vld.idx.msk [tilespmem:v9+s17+$0x0], $0xffff  }
0x480: {  	v16 =	vadd.f32 v17, v16  }
0x481: {  	v17 =	vld.idx.msk [tilespmem:v10+s17+$0x0], $0xffff  }
0x482: {  	v16 =	vadd.f32 v58, v16  }
0x483: {  	v60 =	vld.idx.msk [tilespmem:v11+s17+$0x0], $0xffff  }
0x484: {  	v16 =	vadd.f32 v59, v16  }
0x485: {  	v61 =	vld.idx.msk [tilespmem:v12+s17+$0x0], $0xffff  }
0x486: {  	v16 =	vadd.f32 v17, v16  }
0x487: {  	v17 =	vld.idx.msk [tilespmem:v13+s17+$0x0], $0xffff  }
0x488: {  	v16 =	vadd.f32 v60, v16  }
0x489: {  	v62 =	vld.idx.msk [tilespmem:v14+s17+$0x0], $0xffff  }
0x48a: {  	v16 =	vadd.f32 v61, v16  }
0x48b: {  	v63 =	vld.idx.msk [tilespmem:v15+s17+$0x0], $0xffff  }
0x48c: {  	v16 =	vadd.f32 v17, v16  }
0x48d: {  	p0 =	sne.s32 s22, $0x4  }
.Ltmp3:
0x48e: {  	v16 =	vadd.f32 v62, v16;
	(pc) =	sbr.rel @p0 .LBB2_8-.Ltmp3, $4  }
0x48f: {  	_ = 	snop  }
0x490: {  	s31 =	sshll.u32 s22, $0x4;
	v16 =	vadd.f32 v63, v16  }
0x491: {  	s23 =	sand.u32 $0x3FFFFFF0, s31  }
0x492: {  	s22 =	sadd.s32 $0x1, s22;
	[tilespmem:s23+$0x75C0] =	vst v16  }
0x493: {  	s21 =	sadd.s32 $0x1, s21  }
0x494: {  	p0 =	sne.s32 s21, s7  }
.Ltmp4:
0x495: {  	_ = 	snop;
	(pc) =	sbr.rel @p0 .LBB2_1-.Ltmp4, $4  }
0x496: {  	[hbm4b:s6+s3] =	stream.linear.scatter [tilespmem:s20], [sflag:$0x5], $0x2710, $0x38;
	[tilespmem:$0x11E80] =	vst v63  }
0x497: {  	_ =	swait.ge [sflag:s8], $0x2710  }
0x498: {  	[sflag:s8] =	ssyncset.done $0x0  }
0x499: {  	[sflag:s8] =	ssyncadd.s32 $0xFFFFD8F0  }
0x49a: {  	_ =	sfence.sel $0x180000  }
0x49b: {  	[bflag:$0x0] =	sbarrier.arrive $0xFFFF  }
0x49c: {  	p0 =	sne.s32 s0, $0x0;
	_ =	strace $0x90000047  }
0x49d: {  	s0 =	sadd.s32 @!p0 $0x100000, s1;
	[bflag:$0x2] =	sbarrier.arrive $0xFFFF  }
0x49e: {  	[sflag:s0] =	ssyncadd.tile.s32 @!p0 $0x1;
	_ =	shalt  }
.Lfunc_end2:
_tile_overlayer_lowered:
.L_overlay_start_2:
0x49f: {  	(tag) =	ssettag $0x2  }
0x4a0: {  	s0 =	rddreg [dreg:$0x0];
	s2 =	stileid.u32  }
0x4a1: {  	s1 =	rddreg [dreg:$0x1];
	p0 =	sne.s32 s2, $0x0  }
0x4a2: {  	s3 =	rddreg [dreg:$0x2];
	[bflag:$0x3] =	sbarrier.arrive $0xFFFF;
	s2 =	simm.s32 @!p0 $0x1C05  }
0x4a3: {  	[timem:s3], [sflag:s2] =	dma.local @!p0 [hbm:s0], s1  }
0x4a4: {  	s0 =	simm.s32 @!p0 $0x5  }
0x4a5: {  	_ =	swait.ge @!p0 [sflag:s0], s1  }
0x4a6: {  	s1 =	ssub.s32 @!p0 $0x0, s1;
	[sflag:s0] =	ssyncset.done @!p0 $0x0  }
0x4a7: {  	[sflag:s0] =	ssyncadd.s32 @!p0 s1  }
0x4a8: {  	[bflag:$0x3] =	sbarrier.arrive $0xFFFF  }
0x4a9: {  	_ =	shalt  }

</sc_bundles>
